<compile_context>
chip_gen: v7x
topology: tpu7x:2x2x1
jax: 0.10.2.dev20260603
libtpu: 0.0.44.dev20260713+nightly
codegen_flags: <defaults>
</compile_context>

<pallas_src>
import functools

import numpy as np
import jax
import jax.numpy as jnp
from jax import lax
from jax.experimental import pallas as pl
from jax.experimental.pallas import tpu as pltpu
from jax.experimental.pallas import tpu_sc as plsc

H = 128
K = 30
VOCAB = 21
B = 2
N = 1024
BN = B * N
ER = BN * K

_GC = 0.7978845608028654


def _gelu(x):
    return 0.5 * x * (1.0 + jnp.tanh(_GC * (x + 0.044715 * x * x * x)))


def _ln(x, eps=1e-5):
    mu = jnp.mean(x, axis=-1, keepdims=True)
    xc = x - mu
    var = jnp.mean(xc * xc, axis=-1, keepdims=True)
    return xc / jnp.sqrt(var + eps)


def _dot(a, b):
    return jnp.dot(a, b, preferred_element_type=jnp.float32)


_RB = 256


def _topk_body(cac_ref, cat_ref, eidx_ref, dnb_ref):
    b = pl.program_id(0)
    cac = cac_ref[0]
    cat = cat_ref[0]
    d0 = cac[:, 0:1] - cat[0:1, :]
    d1 = cac[:, 1:2] - cat[1:2, :]
    d2 = cac[:, 2:3] - cat[2:3, :]
    work = d0 * d0 + d1 * d1 + d2 * d2
    iota = lax.broadcasted_iota(jnp.int32, (_RB, N), 1)
    off = b * N
    idx_cols = []
    d_cols = []
    for _ in range(K):
        m = jnp.min(work, axis=1, keepdims=True)
        sel = work == m
        idx = jnp.min(jnp.where(sel, iota, N), axis=1, keepdims=True)
        idx_cols.append(idx + off)
        d_cols.append(jnp.sqrt(m + 1e-6))
        work = jnp.where(iota == idx, 1e30, work)
    eidx_ref[0] = jnp.concatenate(idx_cols, axis=1)
    dnb_ref[0] = jnp.concatenate(d_cols, axis=1)


def _topk(ca, cat):
    return pl.pallas_call(
        _topk_body,
        grid=(B, N // _RB),
        in_specs=[
            pl.BlockSpec((1, _RB, 3), lambda b, r: (b, r, 0)),
            pl.BlockSpec((1, 3, N), lambda b, r: (b, 0, 0)),
        ],
        out_specs=[
            pl.BlockSpec((1, _RB, K), lambda b, r: (b, r, 0)),
            pl.BlockSpec((1, _RB, K), lambda b, r: (b, r, 0)),
        ],
        out_shape=[
            jax.ShapeDtypeStruct((B, N, K), jnp.int32),
            jax.ShapeDtypeStruct((B, N, K), jnp.float32),
        ],
    )(ca, cat)


_EB = 1920


def _edge_body(idx_ref, dnb_ref, ew_ref, eb_ref, we_ref, be_ref, out_ref):
    pid = pl.program_id(0)
    idxg = idx_ref[...]
    rows = pid * _EB + lax.broadcasted_iota(jnp.int32, (_EB, 1), 0)
    node = rows // K
    d = (idxg - node).astype(jnp.float32)
    j2 = lax.broadcasted_iota(jnp.int32, (1, 8), 1).astype(jnp.float32) * 2.0
    freq = jnp.exp(j2 * (-np.log(10000.0) / 16.0))
    ang = d * freq
    dn = dnb_ref[...]
    mu = 2.0 + lax.broadcasted_iota(jnp.int32, (1, 16), 1).astype(jnp.float32) * (20.0 / 15.0)
    rb = jnp.exp(-(((dn - mu) / 1.25) ** 2))
    feat = jnp.concatenate([jnp.cos(ang), jnp.sin(ang), rb], axis=1)
    e1 = _ln(_dot(feat, ew_ref[...]) + eb_ref[...])
    out_ref[...] = _dot(e1, we_ref[...]) + be_ref[...]


def _edge_embed(idx2, dnb2, ew, eb, we, be):
    full = lambda shape: pl.BlockSpec(shape, lambda i: (0, 0))
    return pl.pallas_call(
        _edge_body,
        grid=(ER // _EB,),
        in_specs=[
            pl.BlockSpec((_EB, 1), lambda i: (i, 0)),
            pl.BlockSpec((_EB, 1), lambda i: (i, 0)),
            full((32, H)), full((1, H)), full((H, H)), full((1, H)),
        ],
        out_specs=pl.BlockSpec((_EB, H), lambda i: (i, 0)),
        out_shape=jax.ShapeDtypeStruct((ER, H), jnp.float32),
    )(idx2, dnb2, ew, eb, we, be)


_NB = 256


def _node_body(v6_ref, nw_ref, nb_ref, wv_ref, bv_ref, out_ref):
    v = _ln(_dot(v6_ref[...], nw_ref[...]) + nb_ref[...])
    out_ref[...] = _dot(v, wv_ref[...]) + bv_ref[...]


def _node_embed(v6, nw, nb, wv, bv):
    full = lambda shape: pl.BlockSpec(shape, lambda i: (0, 0))
    return pl.pallas_call(
        _node_body,
        grid=(BN // _NB,),
        in_specs=[
            pl.BlockSpec((_NB, 6), lambda i: (i, 0)),
            full((6, H)), full((1, H)), full((H, H)), full((1, H)),
        ],
        out_specs=pl.BlockSpec((_NB, H), lambda i: (i, 0)),
        out_shape=jax.ShapeDtypeStruct((BN, H), jnp.float32),
    )(v6, nw, nb, wv, bv)


def _hs_body(s_ref, ws_ref, out_ref):
    lane = lax.broadcasted_iota(jnp.int32, (_NB, H), 1)
    onehot = (lane == s_ref[...]).astype(jnp.float32)
    out_ref[...] = _dot(onehot, ws_ref[...])


def _hs_embed(s2, ws_pad):
    return pl.pallas_call(
        _hs_body,
        grid=(BN // _NB,),
        in_specs=[
            pl.BlockSpec((_NB, 1), lambda i: (i, 0)),
            pl.BlockSpec((H, H), lambda i: (0, 0)),
        ],
        out_specs=pl.BlockSpec((_NB, H), lambda i: (i, 0)),
        out_shape=jax.ShapeDtypeStruct((BN, H), jnp.float32),
    )(s2, ws_pad)


def _proj1_body(a_ref, w_ref, out_ref):
    out_ref[...] = _dot(a_ref[...], w_ref[...])


def _proj1(a, w):
    return pl.pallas_call(
        _proj1_body,
        grid=(BN // _NB,),
        in_specs=[
            pl.BlockSpec((_NB, H), lambda i: (i, 0)),
            pl.BlockSpec((H, H), lambda i: (0, 0)),
        ],
        out_specs=pl.BlockSpec((_NB, H), lambda i: (i, 0)),
        out_shape=jax.ShapeDtypeStruct((BN, H), jnp.float32),
    )(a, w)


def _proj2_body(hs_ref, hv_ref, w1c_ref, w1d_ref, q_ref):
    q_ref[...] = (_dot(hs_ref[...], w1c_ref[...]) +
                  _dot(hv_ref[...], w1d_ref[...]))


def _proj2(hs, hv, w1c, w1d):
    row = pl.BlockSpec((_NB, H), lambda i: (i, 0))
    wfull = pl.BlockSpec((H, H), lambda i: (0, 0))
    return pl.pallas_call(
        _proj2_body,
        grid=(BN // _NB,),
        in_specs=[row, row, wfull, wfull],
        out_specs=row,
        out_shape=jax.ShapeDtypeStruct((BN, H), jnp.float32),
    )(hs, hv, w1c, w1d)


_NW = 32
_GCHUNK = 480


def _sc_gather(table, idx):
    b_per_w = ER // _NW
    nchunks = b_per_w // _GCHUNK
    mesh = plsc.VectorSubcoreMesh(core_axis_name="c", subcore_axis_name="s")

    @functools.partial(
        pl.kernel, mesh=mesh,
        out_type=jax.ShapeDtypeStruct((ER, H), jnp.float32),
        scratch_types=[
            pltpu.VMEM((_GCHUNK,), jnp.int32),
            pltpu.VMEM((_GCHUNK,), jnp.int32),
            pltpu.VMEM((_GCHUNK, H), jnp.float32),
            pltpu.VMEM((_GCHUNK, H), jnp.float32),
            pltpu.SemaphoreType.DMA,
            pltpu.SemaphoreType.DMA,
            pltpu.SemaphoreType.DMA,
            pltpu.SemaphoreType.DMA,
        ],
    )
    def gk(table_hbm, idx_hbm, out_hbm, idx0, idx1, rows0, rows1,
           sg0, sg1, ss0, ss1):
        wid = lax.axis_index("s") * 2 + lax.axis_index("c")
        base = wid * b_per_w
        idx_b = (idx0, idx1)
        rows_b = (rows0, rows1)
        sg = (sg0, sg1)
        ss = (ss0, ss1)

        def start_gather(c):
            o = base + c * _GCHUNK
            b = c % 2
            pltpu.sync_copy(idx_hbm.at[pl.ds(o, _GCHUNK)], idx_b[b])
            return pltpu.async_copy(table_hbm.at[idx_b[b]], rows_b[b], sg[b])

        gth = [None, None]
        st = [None, None]
        gth[0] = start_gather(0)
        for c in range(nchunks):
            b = c % 2
            nb = (c + 1) % 2
            gth[b].wait()
            if c + 1 < nchunks:
                if st[nb] is not None:
                    st[nb].wait()
                gth[nb] = start_gather(c + 1)
            o = base + c * _GCHUNK
            st[b] = pltpu.async_copy(rows_b[b], out_hbm.at[pl.ds(o, _GCHUNK)],
                                     ss[b])
        for h in st:
            if h is not None:
                h.wait()

    return gk(table, idx)


_MB = 128
_ME = _MB * K


def _mpnn_tail(hv, mean3, wf1, bf1, wf2, bf2, out_ref):
    h = _ln(hv + mean3)
    f = _dot(_gelu(_dot(h, wf1) + bf1), wf2) + bf2
    out_ref[...] = _ln(h + f)


def _mpnn_enc_body(hv_ref, he_ref, g_ref,
                   w1a_ref, w1b_ref, b1_ref, w2_ref, b2_ref, w3_ref, b3_ref,
                   wf1_ref, bf1_ref, wf2_ref, bf2_ref, out_ref):
    hv = hv_ref[...]
    sp = _dot(hv, w1a_ref[...])
    t = _dot(he_ref[...], w1b_ref[...]) + g_ref[...] + b1_ref[...]
    t = _gelu(t.reshape(_MB, K, H) + sp[:, None, :]).reshape(_ME, H)
    u = _gelu(_dot(t, w2_ref[...]) + b2_ref[...])
    m = _dot(u, w3_ref[...]) + b3_ref[...]
    mean = jnp.mean(m.reshape(_MB, K, H), axis=1)
    _mpnn_tail(hv, mean, wf1_ref[...], bf1_ref[...], wf2_ref[...],
               bf2_ref[...], out_ref)


def _mpnn_dec_body(hv_ref, he_ref, qg_ref, eg_ref, eidx_ref,
                   w1a_ref, w1b_ref, b1_ref, w2_ref, b2_ref, w3_ref, b3_ref,
                   wf1_ref, bf1_ref, wf2_ref, bf2_ref, out_ref):
    pid = pl.program_id(0)
    hv = hv_ref[...]
    sp = _dot(hv, w1a_ref[...])
    gid = pid * _MB + lax.broadcasted_iota(jnp.int32, (_MB, 1), 0)
    bw = (eidx_ref[...] < gid).astype(jnp.float32)
    eg3 = eg_ref[...].reshape(_MB, K, H)
    qg3 = qg_ref[...].reshape(_MB, K, H)
    t = (_dot(he_ref[...], w1b_ref[...]) + b1_ref[...]).reshape(_MB, K, H)
    t = t + sp[:, None, :] + eg3 + bw[:, :, None] * (qg3 - eg3)
    t = _gelu(t).reshape(_ME, H)
    u = _gelu(_dot(t, w2_ref[...]) + b2_ref[...])
    m = _dot(u, w3_ref[...]) + b3_ref[...]
    mean = jnp.mean(m.reshape(_MB, K, H), axis=1)
    _mpnn_tail(hv, mean, wf1_ref[...], bf1_ref[...], wf2_ref[...],
               bf2_ref[...], out_ref)


def _w_specs():
    wf = lambda shape: pl.BlockSpec(shape, lambda i: (0, 0))
    return [wf((H, H)), wf((H, H)), wf((1, H)), wf((H, H)), wf((1, H)),
            wf((H, H)), wf((1, H)), wf((H, 4 * H)), wf((1, 4 * H)),
            wf((4 * H, H)), wf((1, H))]


def _mpnn_enc(hv, he, g, weights):
    row = pl.BlockSpec((_MB, H), lambda i: (i, 0))
    edge = pl.BlockSpec((_ME, H), lambda i: (i, 0))
    return pl.pallas_call(
        _mpnn_enc_body,
        grid=(BN // _MB,),
        in_specs=[row, edge, edge] + _w_specs(),
        out_specs=row,
        out_shape=jax.ShapeDtypeStruct((BN, H), jnp.float32),
    )(hv, he, g, *weights)


def _mpnn_dec(hv, he, qg, eg, eidx2d, weights):
    row = pl.BlockSpec((_MB, H), lambda i: (i, 0))
    edge = pl.BlockSpec((_ME, H), lambda i: (i, 0))
    idxs = pl.BlockSpec((_MB, K), lambda i: (i, 0))
    return pl.pallas_call(
        _mpnn_dec_body,
        grid=(BN // _MB,),
        in_specs=[row, edge, edge, edge, idxs] + _w_specs(),
        out_specs=row,
        out_shape=jax.ShapeDtypeStruct((BN, H), jnp.float32),
    )(hv, he, qg, eg, eidx2d, *weights)


def _out_body(hv_ref, wo_ref, bo_ref, out_ref):
    z = _dot(hv_ref[...], wo_ref[...]) + bo_ref[...]
    valid = lax.broadcasted_iota(jnp.int32, (_NB, H), 1) < VOCAB
    zm = jnp.where(valid, z, -1e30)
    mx = jnp.max(zm, axis=1, keepdims=True)
    e = jnp.where(valid, jnp.exp(zm - mx), 0.0)
    lse = jnp.log(jnp.sum(e, axis=1, keepdims=True)) + mx
    out_ref[...] = (z - lse)[:, :VOCAB]


def _out_logits(hv, wo_pad, bo_pad):
    return pl.pallas_call(
        _out_body,
        grid=(BN // _NB,),
        in_specs=[
            pl.BlockSpec((_NB, H), lambda i: (i, 0)),
            pl.BlockSpec((H, H), lambda i: (0, 0)),
            pl.BlockSpec((1, H), lambda i: (0, 0)),
        ],
        out_specs=pl.BlockSpec((_NB, VOCAB), lambda i: (i, 0)),
        out_shape=jax.ShapeDtypeStruct((BN, VOCAB), jnp.float32),
    )(hv, wo_pad, bo_pad)


def _normalize(v, eps=1e-8):
    return v / jnp.sqrt(jnp.sum(v * v, axis=-1, keepdims=True) + eps)


def _dihedral_feats(x):
    b, n = x.shape[0], x.shape[1]
    xb = x[:, :, :3, :].reshape(b, 3 * n, 3)
    dx = xb[:, 1:, :] - xb[:, :-1, :]
    u = _normalize(dx)
    u2, u1, u0 = u[:, :-2, :], u[:, 1:-1, :], u[:, 2:, :]
    n2 = _normalize(jnp.cross(u2, u1))
    n1 = _normalize(jnp.cross(u1, u0))
    cosd = jnp.clip(jnp.sum(n2 * n1, axis=-1), -1.0 + 1e-7, 1.0 - 1e-7)
    sind = jnp.sign(jnp.sum(u2 * n1, axis=-1)) * jnp.sqrt(1.0 - cosd * cosd)
    cosd = jnp.pad(cosd, ((0, 0), (1, 2)), constant_values=1.0)
    sind = jnp.pad(sind, ((0, 0), (1, 2)))
    return jnp.concatenate([cosd.reshape(b, n, 3), sind.reshape(b, n, 3)],
                           axis=-1)


def kernel(X, S, L, mask, chain_encoding_all, chain_M, randn, tied_pos, params):
    p = params
    ca = X[:, :, 1, :]
    cat = jnp.transpose(ca, (0, 2, 1))
    eidx, dnb = _topk(ca, cat)

    idx_flat = eidx.reshape(ER)
    idx2 = eidx.reshape(ER, 1)
    dnb2 = dnb.reshape(ER, 1)
    eidx2d = eidx.reshape(BN, K)

    he = _edge_embed(idx2, dnb2,
                     p["edge_emb"]["W"], p["edge_emb"]["b"][None],
                     p["W_e"]["W"], p["W_e"]["b"][None])

    v6 = _dihedral_feats(X).reshape(BN, 6)
    hv = _node_embed(v6, p["node_emb"]["W"], p["node_emb"]["b"][None],
                     p["W_v"]["W"], p["W_v"]["b"][None])

    def layer_weights(lp):
        w1 = lp["W1"]["W"]
        return (w1, lp["W1"]["b"][None], lp["W2"]["W"], lp["W2"]["b"][None],
                lp["W3"]["W"], lp["W3"]["b"][None],
                lp["Wff1"]["W"], lp["Wff1"]["b"][None],
                lp["Wff2"]["W"], lp["Wff2"]["b"][None])

    for lp in p["enc"]:
        w1, b1, w2, b2, w3, b3, wf1, bf1, wf2, bf2 = layer_weights(lp)
        g = _sc_gather(_proj1(hv, w1[2 * H:]), idx_flat)
        hv = _mpnn_enc(hv, he, g,
                       [w1[:H], w1[H:2 * H], b1, w2, b2, w3, b3,
                        wf1, bf1, wf2, bf2])

    hvenc = hv
    ws_pad = jnp.zeros((H, H), jnp.float32).at[:VOCAB].set(p["W_s"])
    hs = _hs_embed(S.reshape(BN, 1).astype(jnp.int32), ws_pad)

    egs = [_sc_gather(_proj1(hvenc, lp["W1"]["W"][3 * H:]), idx_flat)
           for lp in p["dec"]]

    for lp, eg in zip(p["dec"], egs):
        w1, b1, w2, b2, w3, b3, wf1, bf1, wf2, bf2 = layer_weights(lp)
        q = _proj2(hs, hv, w1[2 * H:3 * H], w1[3 * H:])
        qg = _sc_gather(q, idx_flat)
        hv = _mpnn_dec(hv, he, qg, eg, eidx2d,
                       [w1[:H], w1[H:2 * H], b1, w2, b2, w3, b3,
                        wf1, bf1, wf2, bf2])

    wo_pad = jnp.zeros((H, H), jnp.float32).at[:, :VOCAB].set(p["W_out"]["W"])
    bo_pad = jnp.zeros((1, H), jnp.float32).at[0, :VOCAB].set(p["W_out"]["b"])
    out = _out_logits(hv, wo_pad, bo_pad)
    return out.reshape(B, N, VOCAB)

# --- scband reference (transcript-rebuilt; emitter-appended) ---
"""Pipeline reference for scband-struct2-seq-83820581748818 (READ-ONLY COPY).

The authoritative reference and input builder live on the scoring server;
editing this copy changes nothing except your own understanding.
"""

import jax, jax.numpy as jnp
import numpy as np

H = 128
NODE_F = 128
EDGE_F = 128
K = 30
VOCAB = 21
NUM_LETTERS = 21
N_ENC = 3
N_DEC = 3
B = 2
N = 1024


def _linear_params(key, fan_in, fan_out):
    k1, _ = jax.random.split(key)
    W = jax.random.normal(k1, (fan_in, fan_out), dtype=jnp.float32) / np.sqrt(fan_in)
    b = jnp.zeros((fan_out,), dtype=jnp.float32)
    return {"W": W, "b": b}


def _mpnn_layer_params(key, num_in):
    ks = jax.random.split(key, 5)
    return {"W1": _linear_params(ks[0], H + num_in, H),
            "W2": _linear_params(ks[1], H, H),
            "W3": _linear_params(ks[2], H, H),
            "Wff1": _linear_params(ks[3], H, 4 * H),
            "Wff2": _linear_params(ks[4], 4 * H, H)}


def _make_params(key):
    ks = jax.random.split(key, 14)
    return {"node_emb": _linear_params(ks[0], 6, NODE_F),
            "edge_emb": _linear_params(ks[1], 32, EDGE_F),
            "W_v": _linear_params(ks[2], NODE_F, H),
            "W_e": _linear_params(ks[3], EDGE_F, H),
            "W_s": jax.random.normal(ks[4], (VOCAB, H), dtype=jnp.float32) / np.sqrt(H),
            "enc": [_mpnn_layer_params(ks[5 + i], 2 * H) for i in range(N_ENC)],
            "dec": [_mpnn_layer_params(ks[8 + i], 3 * H) for i in range(N_DEC)],
            "W_out": _linear_params(ks[11], H, NUM_LETTERS)}


def _lin(p, x):
    return x @ p["W"] + p["b"]


def _layer_norm(x, eps=1e-5):
    mu = jnp.mean(x, axis=-1, keepdims=True)
    var = jnp.var(x, axis=-1, keepdims=True)
    return (x - mu) / jnp.sqrt(var + eps)


def _normalize(v, eps=1e-8):
    return v / jnp.sqrt(jnp.sum(v * v, axis=-1, keepdims=True) + eps)


def _gather_nodes(nodes, E_idx):
    b, n, c = nodes.shape
    k = E_idx.shape[-1]
    idx = E_idx.reshape(b, n * k)
    idx = jnp.broadcast_to(idx[..., None], (b, n * k, c))
    return jnp.take_along_axis(nodes, idx, axis=1).reshape(b, n, k, c)


def _cat_neighbors_nodes(h_nodes, h_neighbors, E_idx):
    return jnp.concatenate([h_neighbors, _gather_nodes(h_nodes, E_idx)], axis=-1)


def _dihedrals(X):
    b, n = X.shape[0], X.shape[1]
    Xb = X[:, :, :3, :].reshape(b, 3 * n, 3)
    dX = Xb[:, 1:, :] - Xb[:, :-1, :]
    U = _normalize(dX)
    u2 = U[:, :-2, :]
    u1 = U[:, 1:-1, :]
    u0 = U[:, 2:, :]
    n2 = _normalize(jnp.cross(u2, u1))
    n1 = _normalize(jnp.cross(u1, u0))
    cosD = jnp.clip(jnp.sum(n2 * n1, axis=-1), -1.0 + 1e-7, 1.0 - 1e-7)
    Dang = jnp.sign(jnp.sum(u2 * n1, axis=-1)) * jnp.arccos(cosD)
    Dang = jnp.pad(Dang, ((0, 0), (1, 2)))
    Dang = Dang.reshape(b, n, 3)
    return jnp.concatenate([jnp.cos(Dang), jnp.sin(Dang)], axis=-1)


def _rbf(D):
    D_mu = jnp.linspace(2.0, 22.0, 16)
    D_sigma = (22.0 - 2.0) / 16.0
    return jnp.exp(-((D[..., None] - D_mu) / D_sigma) ** 2)


def _pos_embeddings(E_idx, num_embeddings=16):
    n = E_idx.shape[1]
    ii = jnp.arange(n)[None, :, None]
    d = (E_idx - ii).astype(jnp.float32)[..., None]
    freq = jnp.exp(jnp.arange(0, num_embeddings, 2, dtype=jnp.float32) * (-np.log(10000.0) / num_embeddings))
    ang = d * freq
    return jnp.concatenate([jnp.cos(ang), jnp.sin(ang)], axis=-1)


def _features(X, mask, params):
    Ca = X[:, :, 1, :]
    mask_2D = mask[:, :, None] * mask[:, None, :]
    dX = Ca[:, :, None, :] - Ca[:, None, :, :]
    D = jnp.sqrt(jnp.sum(dX * dX, axis=-1) + 1e-6)
    D_adjust = D + (1.0 - mask_2D) * 1e6
    neg_vals, E_idx = jax.lax.top_k(-D_adjust, K)
    D_neighbors = -neg_vals
    E = jnp.concatenate([_pos_embeddings(E_idx), _rbf(D_neighbors)], axis=-1)
    V = _layer_norm(_lin(params["node_emb"], _dihedrals(X)))
    E = _layer_norm(_lin(params["edge_emb"], E))
    return V, E, E_idx


def _mpnn(p, h_V, h_E, mask_V=None, mask_attend=None):
    h_V_expand = jnp.broadcast_to(h_V[:, :, None, :], h_E.shape[:-1] + (h_V.shape[-1],))
    h_EV = jnp.concatenate([h_V_expand, h_E], axis=-1)
    m = _lin(p["W3"], jax.nn.gelu(_lin(p["W2"], jax.nn.gelu(_lin(p["W1"], h_EV)))))
    if mask_attend is not None:
        m = mask_attend[..., None] * m
    h_V = _layer_norm(h_V + jnp.mean(m, axis=-2))
    dh = _lin(p["Wff2"], jax.nn.gelu(_lin(p["Wff1"], h_V)))
    h_V = _layer_norm(h_V + dh)
    if mask_V is not None:
        h_V = mask_V[..., None] * h_V
    return h_V


def _forward(X, S, mask, params):
    V, E, E_idx = _features(X, mask, params)
    h_V = _lin(params["W_v"], V)
    h_E = _lin(params["W_e"], E)
    mask_attend = _gather_nodes(mask[..., None], E_idx)[..., 0]
    mask_attend = mask[..., None] * mask_attend
    for p in params["enc"]:
        h_EV = _cat_neighbors_nodes(h_V, h_E, E_idx)
        h_V = _mpnn(p, h_V, h_EV, mask_V=mask, mask_attend=mask_attend)
    h_S = params["W_s"][S]
    h_ES = _cat_neighbors_nodes(h_S, h_E, E_idx)
    h_ES_encoder = _cat_neighbors_nodes(jnp.zeros_like(h_S), h_E, E_idx)
    h_ESV_encoder = _cat_neighbors_nodes(h_V, h_ES_encoder, E_idx)
    ii = jnp.arange(E_idx.shape[1]).reshape(1, -1, 1)
    ar_mask = (E_idx - ii < 0).astype(jnp.float32)[..., None]
    mask_1D = mask.reshape(mask.shape[0], mask.shape[1], 1, 1)
    mask_bw = mask_1D * ar_mask
    mask_fw = mask_1D * (1.0 - ar_mask)
    h_ESV_encoder_fw = mask_fw * h_ESV_encoder
    for p in params["dec"]:
        h_ESV = _cat_neighbors_nodes(h_V, h_ES, E_idx)
        h_ESV = mask_bw * h_ESV + h_ESV_encoder_fw
        h_V = _mpnn(p, h_V, h_ESV, mask_V=mask)
    logits = _lin(params["W_out"], h_V)
    return jax.nn.log_softmax(logits, axis=-1)


def setup_inputs(seed: int = 0):
    key = jax.random.key(seed)
    ks = jax.random.split(key, 6)
    X = jax.random.normal(ks[0], (B, N, 4, 3), dtype=jnp.float32) * 3.0
    S = jax.random.randint(ks[1], (B, N), 0, VOCAB)
    L = jnp.full((B,), N, dtype=jnp.int32)
    mask = jnp.ones((B, N), dtype=jnp.float32)
    chain_encoding_all = jnp.ones((B, N), dtype=jnp.int32)
    chain_M = jnp.ones((B, N), dtype=jnp.float32)
    randn = jax.random.normal(ks[2], (B, N), dtype=jnp.float32)
    tied_pos = jnp.zeros((1,), dtype=jnp.int32)
    params = _make_params(ks[3])
    return {"X": X, "S": S, "L": L, "mask": mask, "chain_encoding_all": chain_encoding_all, "chain_M": chain_M, "randn": randn, "tied_pos": tied_pos, "params": params}


def reference(X, S, L, mask, chain_encoding_all, chain_M, randn, tied_pos, params):
    return _forward(X, S, mask, params)

if __name__ == "__main__":
    import jax
    _d = setup_inputs()
    print(jax.jit(kernel)(*tuple(_d.values())))

</pallas_src>

<mosaic_0001>
#map = affine_map<(d0, d1) -> (0, 0)>
#map1 = affine_map<(d0, d1) -> (0)>
module attributes {stable_mosaic.version = 14 : i64} {
  func.func @gk(%arg0: i32, %arg1: i32, %arg2: memref<2048x128xf32, #tpu.memory_space<hbm>>, %arg3: memref<61440xi32, #tpu.memory_space<hbm>>, %arg4: memref<61440x128xf32, #tpu.memory_space<hbm>>, %arg5: memref<480xi32, #tpu.memory_space<vmem>>, %arg6: memref<480xi32, #tpu.memory_space<vmem>>, %arg7: memref<480x128xf32, #tpu.memory_space<vmem>>, %arg8: memref<480x128xf32, #tpu.memory_space<vmem>>, %arg9: memref<!tpu.dma_semaphore, #tpu.memory_space<semaphore_mem>>, %arg10: memref<!tpu.dma_semaphore, #tpu.memory_space<semaphore_mem>>, %arg11: memref<!tpu.dma_semaphore, #tpu.memory_space<semaphore_mem>>, %arg12: memref<!tpu.dma_semaphore, #tpu.memory_space<semaphore_mem>>) attributes {dimension_semantics = [#tpu.dimension_semantics<core_parallel>, #tpu.dimension_semantics<subcore_parallel>], iteration_bounds = array<i64: 2, 16>, scalar_prefetch = 0 : i64, scratch_operands = 8 : i64, tpu.core_type = #tpu.core_type<sc_vector_subcore>, window_params = [{transform_indices = #map}, {transform_indices = #map1}, {transform_indices = #map}]} {
    %mul3A = arith.constant 2 : i32
    %mul3A_0 = arith.muli %arg1, %mul3A : i32
    %add3A = arith.addi %mul3A_0, %arg0 : i32
    %mul3A_1 = arith.constant 1920 : i32
    %mul3A_2 = arith.muli %add3A, %mul3A_1 : i32
    %add3A_3 = arith.constant 0 : i32
    %add3A_4 = arith.addi %mul3A_2, %add3A_3 : i32
    "tpu.region"() ({
      %run_scoped3A = tpu.sem_alloc : memref<!tpu.dma_semaphore, #tpu.memory_space<semaphore_mem>>
      %dma_start3A_73 = tpu.memref_slice %arg3[%add3A_4] : memref<61440xi32, #tpu.memory_space<hbm>> -> memref<480xi32, #tpu.memory_space<hbm>>
      %dma_start3A_74 = tpu.memref_slice %arg3[%add3A_4] : memref<61440xi32, #tpu.memory_space<hbm>> -> memref<480xi32, #tpu.memory_space<hbm>>
      tpu.enqueue_dma source(%dma_start3A_74 : memref<480xi32, #tpu.memory_space<hbm>>) target(%arg5 : memref<480xi32, #tpu.memory_space<vmem>>) target_semaphore(%run_scoped3A : memref<!tpu.dma_semaphore, #tpu.memory_space<semaphore_mem>>)
      %dma_wait3A_75 = tpu.memref_slice %arg3[%add3A_4] : memref<61440xi32, #tpu.memory_space<hbm>> -> memref<480xi32, #tpu.memory_space<hbm>>
      %dma_wait3A_76 = tpu.memref_slice %arg3[%add3A_4] : memref<61440xi32, #tpu.memory_space<hbm>> -> memref<480xi32, #tpu.memory_space<hbm>>
      tpu.wait_dma2 semaphore(%run_scoped3A : memref<!tpu.dma_semaphore, #tpu.memory_space<semaphore_mem>>) src(%dma_wait3A_76 : memref<480xi32, #tpu.memory_space<hbm>>) dst(%arg5 : memref<480xi32, #tpu.memory_space<vmem>>)
      tpu.yield
    }) : () -> ()
    %dma_start3A = arith.constant 0 : i32
    %dma_start3A_5 = arith.constant 0 : i32
    %dma_start3A_6 = tpu.memref_slice %arg2[%dma_start3A, %dma_start3A_5] : memref<2048x128xf32, #tpu.memory_space<hbm>> -> memref<2048x128xf32, #tpu.memory_space<hbm>>
    tpu.enqueue_indirect_dma source(%dma_start3A_6 : memref<2048x128xf32, #tpu.memory_space<hbm>>) target(%arg7 : memref<480x128xf32, #tpu.memory_space<vmem>>) offsets(%arg5 : memref<480xi32, #tpu.memory_space<vmem>>) semaphore(%arg9 : memref<!tpu.dma_semaphore, #tpu.memory_space<semaphore_mem>>)
    %dma_wait3A = arith.constant 0 : i32
    %dma_wait3A_7 = arith.constant 0 : i32
    %dma_wait3A_8 = tpu.memref_slice %arg2[%dma_wait3A, %dma_wait3A_7] : memref<2048x128xf32, #tpu.memory_space<hbm>> -> memref<2048x128xf32, #tpu.memory_space<hbm>>
    tpu.wait_indirect_dma semaphore(%arg9 : memref<!tpu.dma_semaphore, #tpu.memory_space<semaphore_mem>>) src(%dma_wait3A_8 : memref<2048x128xf32, #tpu.memory_space<hbm>>) dst(%arg7 : memref<480x128xf32, #tpu.memory_space<vmem>>)
    %add3A_9 = arith.constant 480 : i32
    %add3A_10 = arith.addi %mul3A_2, %add3A_9 : i32
    "tpu.region"() ({
      %run_scoped3A = tpu.sem_alloc : memref<!tpu.dma_semaphore, #tpu.memory_space<semaphore_mem>>
      %dma_start3A_73 = tpu.memref_slice %arg3[%add3A_10] : memref<61440xi32, #tpu.memory_space<hbm>> -> memref<480xi32, #tpu.memory_space<hbm>>
      %dma_start3A_74 = tpu.memref_slice %arg3[%add3A_10] : memref<61440xi32, #tpu.memory_space<hbm>> -> memref<480xi32, #tpu.memory_space<hbm>>
      tpu.enqueue_dma source(%dma_start3A_74 : memref<480xi32, #tpu.memory_space<hbm>>) target(%arg6 : memref<480xi32, #tpu.memory_space<vmem>>) target_semaphore(%run_scoped3A : memref<!tpu.dma_semaphore, #tpu.memory_space<semaphore_mem>>)
      %dma_wait3A_75 = tpu.memref_slice %arg3[%add3A_10] : memref<61440xi32, #tpu.memory_space<hbm>> -> memref<480xi32, #tpu.memory_space<hbm>>
      %dma_wait3A_76 = tpu.memref_slice %arg3[%add3A_10] : memref<61440xi32, #tpu.memory_space<hbm>> -> memref<480xi32, #tpu.memory_space<hbm>>
      tpu.wait_dma2 semaphore(%run_scoped3A : memref<!tpu.dma_semaphore, #tpu.memory_space<semaphore_mem>>) src(%dma_wait3A_76 : memref<480xi32, #tpu.memory_space<hbm>>) dst(%arg6 : memref<480xi32, #tpu.memory_space<vmem>>)
      tpu.yield
    }) : () -> ()
    %dma_start3A_11 = arith.constant 0 : i32
    %dma_start3A_12 = arith.constant 0 : i32
    %dma_start3A_13 = tpu.memref_slice %arg2[%dma_start3A_11, %dma_start3A_12] : memref<2048x128xf32, #tpu.memory_space<hbm>> -> memref<2048x128xf32, #tpu.memory_space<hbm>>
    tpu.enqueue_indirect_dma source(%dma_start3A_13 : memref<2048x128xf32, #tpu.memory_space<hbm>>) target(%arg8 : memref<480x128xf32, #tpu.memory_space<vmem>>) offsets(%arg6 : memref<480xi32, #tpu.memory_space<vmem>>) semaphore(%arg10 : memref<!tpu.dma_semaphore, #tpu.memory_space<semaphore_mem>>)
    %add3A_14 = arith.constant 0 : i32
    %add3A_15 = arith.addi %mul3A_2, %add3A_14 : i32
    %dma_start3A_16 = arith.constant 0 : i32
    %dma_start3A_17 = tpu.memref_slice %arg4[%add3A_15, %dma_start3A_16] : memref<61440x128xf32, #tpu.memory_space<hbm>> -> memref<480x128xf32, #tpu.memory_space<hbm>>
    %dma_start3A_18 = arith.constant 0 : i32
    %dma_start3A_19 = tpu.memref_slice %arg4[%add3A_15, %dma_start3A_18] : memref<61440x128xf32, #tpu.memory_space<hbm>> -> memref<480x128xf32, #tpu.memory_space<hbm>>
    tpu.enqueue_dma source(%arg7 : memref<480x128xf32, #tpu.memory_space<vmem>>) target(%dma_start3A_19 : memref<480x128xf32, #tpu.memory_space<hbm>>) target_semaphore(%arg11 : memref<!tpu.dma_semaphore, #tpu.memory_space<semaphore_mem>>)
    %dma_wait3A_20 = arith.constant 0 : i32
    %dma_wait3A_21 = arith.constant 0 : i32
    %dma_wait3A_22 = tpu.memref_slice %arg2[%dma_wait3A_20, %dma_wait3A_21] : memref<2048x128xf32, #tpu.memory_space<hbm>> -> memref<2048x128xf32, #tpu.memory_space<hbm>>
    tpu.wait_indirect_dma semaphore(%arg10 : memref<!tpu.dma_semaphore, #tpu.memory_space<semaphore_mem>>) src(%dma_wait3A_22 : memref<2048x128xf32, #tpu.memory_space<hbm>>) dst(%arg8 : memref<480x128xf32, #tpu.memory_space<vmem>>)
    %dma_wait3A_23 = arith.constant 0 : i32
    %dma_wait3A_24 = tpu.memref_slice %arg4[%add3A_15, %dma_wait3A_23] : memref<61440x128xf32, #tpu.memory_space<hbm>> -> memref<480x128xf32, #tpu.memory_space<hbm>>
    %dma_wait3A_25 = arith.constant 0 : i32
    %dma_wait3A_26 = tpu.memref_slice %arg4[%add3A_15, %dma_wait3A_25] : memref<61440x128xf32, #tpu.memory_space<hbm>> -> memref<480x128xf32, #tpu.memory_space<hbm>>
    tpu.wait_dma2 semaphore(%arg11 : memref<!tpu.dma_semaphore, #tpu.memory_space<semaphore_mem>>) src(%arg7 : memref<480x128xf32, #tpu.memory_space<vmem>>) dst(%dma_wait3A_26 : memref<480x128xf32, #tpu.memory_space<hbm>>)
    %add3A_27 = arith.constant 960 : i32
    %add3A_28 = arith.addi %mul3A_2, %add3A_27 : i32
    "tpu.region"() ({
      %run_scoped3A = tpu.sem_alloc : memref<!tpu.dma_semaphore, #tpu.memory_space<semaphore_mem>>
      %dma_start3A_73 = tpu.memref_slice %arg3[%add3A_28] : memref<61440xi32, #tpu.memory_space<hbm>> -> memref<480xi32, #tpu.memory_space<hbm>>
      %dma_start3A_74 = tpu.memref_slice %arg3[%add3A_28] : memref<61440xi32, #tpu.memory_space<hbm>> -> memref<480xi32, #tpu.memory_space<hbm>>
      tpu.enqueue_dma source(%dma_start3A_74 : memref<480xi32, #tpu.memory_space<hbm>>) target(%arg5 : memref<480xi32, #tpu.memory_space<vmem>>) target_semaphore(%run_scoped3A : memref<!tpu.dma_semaphore, #tpu.memory_space<semaphore_mem>>)
      %dma_wait3A_75 = tpu.memref_slice %arg3[%add3A_28] : memref<61440xi32, #tpu.memory_space<hbm>> -> memref<480xi32, #tpu.memory_space<hbm>>
      %dma_wait3A_76 = tpu.memref_slice %arg3[%add3A_28] : memref<61440xi32, #tpu.memory_space<hbm>> -> memref<480xi32, #tpu.memory_space<hbm>>
      tpu.wait_dma2 semaphore(%run_scoped3A : memref<!tpu.dma_semaphore, #tpu.memory_space<semaphore_mem>>) src(%dma_wait3A_76 : memref<480xi32, #tpu.memory_space<hbm>>) dst(%arg5 : memref<480xi32, #tpu.memory_space<vmem>>)
      tpu.yield
    }) : () -> ()
    %dma_start3A_29 = arith.constant 0 : i32
    %dma_start3A_30 = arith.constant 0 : i32
    %dma_start3A_31 = tpu.memref_slice %arg2[%dma_start3A_29, %dma_start3A_30] : memref<2048x128xf32, #tpu.memory_space<hbm>> -> memref<2048x128xf32, #tpu.memory_space<hbm>>
    tpu.enqueue_indirect_dma source(%dma_start3A_31 : memref<2048x128xf32, #tpu.memory_space<hbm>>) target(%arg7 : memref<480x128xf32, #tpu.memory_space<vmem>>) offsets(%arg5 : memref<480xi32, #tpu.memory_space<vmem>>) semaphore(%arg9 : memref<!tpu.dma_semaphore, #tpu.memory_space<semaphore_mem>>)
    %add3A_32 = arith.constant 480 : i32
    %add3A_33 = arith.addi %mul3A_2, %add3A_32 : i32
    %dma_start3A_34 = arith.constant 0 : i32
    %dma_start3A_35 = tpu.memref_slice %arg4[%add3A_33, %dma_start3A_34] : memref<61440x128xf32, #tpu.memory_space<hbm>> -> memref<480x128xf32, #tpu.memory_space<hbm>>
    %dma_start3A_36 = arith.constant 0 : i32
    %dma_start3A_37 = tpu.memref_slice %arg4[%add3A_33, %dma_start3A_36] : memref<61440x128xf32, #tpu.memory_space<hbm>> -> memref<480x128xf32, #tpu.memory_space<hbm>>
    tpu.enqueue_dma source(%arg8 : memref<480x128xf32, #tpu.memory_space<vmem>>) target(%dma_start3A_37 : memref<480x128xf32, #tpu.memory_space<hbm>>) target_semaphore(%arg12 : memref<!tpu.dma_semaphore, #tpu.memory_space<semaphore_mem>>)
    %dma_wait3A_38 = arith.constant 0 : i32
    %dma_wait3A_39 = arith.constant 0 : i32
    %dma_wait3A_40 = tpu.memref_slice %arg2[%dma_wait3A_38, %dma_wait3A_39] : memref<2048x128xf32, #tpu.memory_space<hbm>> -> memref<2048x128xf32, #tpu.memory_space<hbm>>
    tpu.wait_indirect_dma semaphore(%arg9 : memref<!tpu.dma_semaphore, #tpu.memory_space<semaphore_mem>>) src(%dma_wait3A_40 : memref<2048x128xf32, #tpu.memory_space<hbm>>) dst(%arg7 : memref<480x128xf32, #tpu.memory_space<vmem>>)
    %dma_wait3A_41 = arith.constant 0 : i32
    %dma_wait3A_42 = tpu.memref_slice %arg4[%add3A_33, %dma_wait3A_41] : memref<61440x128xf32, #tpu.memory_space<hbm>> -> memref<480x128xf32, #tpu.memory_space<hbm>>
    %dma_wait3A_43 = arith.constant 0 : i32
    %dma_wait3A_44 = tpu.memref_slice %arg4[%add3A_33, %dma_wait3A_43] : memref<61440x128xf32, #tpu.memory_space<hbm>> -> memref<480x128xf32, #tpu.memory_space<hbm>>
    tpu.wait_dma2 semaphore(%arg12 : memref<!tpu.dma_semaphore, #tpu.memory_space<semaphore_mem>>) src(%arg8 : memref<480x128xf32, #tpu.memory_space<vmem>>) dst(%dma_wait3A_44 : memref<480x128xf32, #tpu.memory_space<hbm>>)
    %add3A_45 = arith.constant 1440 : i32
    %add3A_46 = arith.addi %mul3A_2, %add3A_45 : i32
    "tpu.region"() ({
      %run_scoped3A = tpu.sem_alloc : memref<!tpu.dma_semaphore, #tpu.memory_space<semaphore_mem>>
      %dma_start3A_73 = tpu.memref_slice %arg3[%add3A_46] : memref<61440xi32, #tpu.memory_space<hbm>> -> memref<480xi32, #tpu.memory_space<hbm>>
      %dma_start3A_74 = tpu.memref_slice %arg3[%add3A_46] : memref<61440xi32, #tpu.memory_space<hbm>> -> memref<480xi32, #tpu.memory_space<hbm>>
      tpu.enqueue_dma source(%dma_start3A_74 : memref<480xi32, #tpu.memory_space<hbm>>) target(%arg6 : memref<480xi32, #tpu.memory_space<vmem>>) target_semaphore(%run_scoped3A : memref<!tpu.dma_semaphore, #tpu.memory_space<semaphore_mem>>)
      %dma_wait3A_75 = tpu.memref_slice %arg3[%add3A_46] : memref<61440xi32, #tpu.memory_space<hbm>> -> memref<480xi32, #tpu.memory_space<hbm>>
      %dma_wait3A_76 = tpu.memref_slice %arg3[%add3A_46] : memref<61440xi32, #tpu.memory_space<hbm>> -> memref<480xi32, #tpu.memory_space<hbm>>
      tpu.wait_dma2 semaphore(%run_scoped3A : memref<!tpu.dma_semaphore, #tpu.memory_space<semaphore_mem>>) src(%dma_wait3A_76 : memref<480xi32, #tpu.memory_space<hbm>>) dst(%arg6 : memref<480xi32, #tpu.memory_space<vmem>>)
      tpu.yield
    }) : () -> ()
    %dma_start3A_47 = arith.constant 0 : i32
    %dma_start3A_48 = arith.constant 0 : i32
    %dma_start3A_49 = tpu.memref_slice %arg2[%dma_start3A_47, %dma_start3A_48] : memref<2048x128xf32, #tpu.memory_space<hbm>> -> memref<2048x128xf32, #tpu.memory_space<hbm>>
    tpu.enqueue_indirect_dma source(%dma_start3A_49 : memref<2048x128xf32, #tpu.memory_space<hbm>>) target(%arg8 : memref<480x128xf32, #tpu.memory_space<vmem>>) offsets(%arg6 : memref<480xi32, #tpu.memory_space<vmem>>) semaphore(%arg10 : memref<!tpu.dma_semaphore, #tpu.memory_space<semaphore_mem>>)
    %add3A_50 = arith.constant 960 : i32
    %add3A_51 = arith.addi %mul3A_2, %add3A_50 : i32
    %dma_start3A_52 = arith.constant 0 : i32
    %dma_start3A_53 = tpu.memref_slice %arg4[%add3A_51, %dma_start3A_52] : memref<61440x128xf32, #tpu.memory_space<hbm>> -> memref<480x128xf32, #tpu.memory_space<hbm>>
    %dma_start3A_54 = arith.constant 0 : i32
    %dma_start3A_55 = tpu.memref_slice %arg4[%add3A_51, %dma_start3A_54] : memref<61440x128xf32, #tpu.memory_space<hbm>> -> memref<480x128xf32, #tpu.memory_space<hbm>>
    tpu.enqueue_dma source(%arg7 : memref<480x128xf32, #tpu.memory_space<vmem>>) target(%dma_start3A_55 : memref<480x128xf32, #tpu.memory_space<hbm>>) target_semaphore(%arg11 : memref<!tpu.dma_semaphore, #tpu.memory_space<semaphore_mem>>)
    %dma_wait3A_56 = arith.constant 0 : i32
    %dma_wait3A_57 = arith.constant 0 : i32
    %dma_wait3A_58 = tpu.memref_slice %arg2[%dma_wait3A_56, %dma_wait3A_57] : memref<2048x128xf32, #tpu.memory_space<hbm>> -> memref<2048x128xf32, #tpu.memory_space<hbm>>
    tpu.wait_indirect_dma semaphore(%arg10 : memref<!tpu.dma_semaphore, #tpu.memory_space<semaphore_mem>>) src(%dma_wait3A_58 : memref<2048x128xf32, #tpu.memory_space<hbm>>) dst(%arg8 : memref<480x128xf32, #tpu.memory_space<vmem>>)
    %add3A_59 = arith.constant 1440 : i32
    %add3A_60 = arith.addi %mul3A_2, %add3A_59 : i32
    %dma_start3A_61 = arith.constant 0 : i32
    %dma_start3A_62 = tpu.memref_slice %arg4[%add3A_60, %dma_start3A_61] : memref<61440x128xf32, #tpu.memory_space<hbm>> -> memref<480x128xf32, #tpu.memory_space<hbm>>
    %dma_start3A_63 = arith.constant 0 : i32
    %dma_start3A_64 = tpu.memref_slice %arg4[%add3A_60, %dma_start3A_63] : memref<61440x128xf32, #tpu.memory_space<hbm>> -> memref<480x128xf32, #tpu.memory_space<hbm>>
    tpu.enqueue_dma source(%arg8 : memref<480x128xf32, #tpu.memory_space<vmem>>) target(%dma_start3A_64 : memref<480x128xf32, #tpu.memory_space<hbm>>) target_semaphore(%arg12 : memref<!tpu.dma_semaphore, #tpu.memory_space<semaphore_mem>>)
    %dma_wait3A_65 = arith.constant 0 : i32
    %dma_wait3A_66 = tpu.memref_slice %arg4[%add3A_51, %dma_wait3A_65] : memref<61440x128xf32, #tpu.memory_space<hbm>> -> memref<480x128xf32, #tpu.memory_space<hbm>>
    %dma_wait3A_67 = arith.constant 0 : i32
    %dma_wait3A_68 = tpu.memref_slice %arg4[%add3A_51, %dma_wait3A_67] : memref<61440x128xf32, #tpu.memory_space<hbm>> -> memref<480x128xf32, #tpu.memory_space<hbm>>
    tpu.wait_dma2 semaphore(%arg11 : memref<!tpu.dma_semaphore, #tpu.memory_space<semaphore_mem>>) src(%arg7 : memref<480x128xf32, #tpu.memory_space<vmem>>) dst(%dma_wait3A_68 : memref<480x128xf32, #tpu.memory_space<hbm>>)
    %dma_wait3A_69 = arith.constant 0 : i32
    %dma_wait3A_70 = tpu.memref_slice %arg4[%add3A_60, %dma_wait3A_69] : memref<61440x128xf32, #tpu.memory_space<hbm>> -> memref<480x128xf32, #tpu.memory_space<hbm>>
    %dma_wait3A_71 = arith.constant 0 : i32
    %dma_wait3A_72 = tpu.memref_slice %arg4[%add3A_60, %dma_wait3A_71] : memref<61440x128xf32, #tpu.memory_space<hbm>> -> memref<480x128xf32, #tpu.memory_space<hbm>>
    tpu.wait_dma2 semaphore(%arg12 : memref<!tpu.dma_semaphore, #tpu.memory_space<semaphore_mem>>) src(%arg8 : memref<480x128xf32, #tpu.memory_space<vmem>>) dst(%dma_wait3A_72 : memref<480x128xf32, #tpu.memory_space<hbm>>)
    return
  }
}

#map = affine_map<(d0, d1) -> (0, 0)>
#map1 = affine_map<(d0, d1) -> (0)>
module attributes {stable_mosaic.version = 14 : i64} {
  func.func @gk(%arg0: i32, %arg1: i32, %arg2: memref<2048x128xf32, #tpu.memory_space<hbm>>, %arg3: memref<61440xi32, #tpu.memory_space<hbm>>, %arg4: memref<61440x128xf32, #tpu.memory_space<hbm>>, %arg5: memref<480xi32, #tpu.memory_space<vmem>>, %arg6: memref<480xi32, #tpu.memory_space<vmem>>, %arg7: memref<480x128xf32, #tpu.memory_space<vmem>>, %arg8: memref<480x128xf32, #tpu.memory_space<vmem>>, %arg9: memref<!tpu.dma_semaphore, #tpu.memory_space<semaphore_mem>>, %arg10: memref<!tpu.dma_semaphore, #tpu.memory_space<semaphore_mem>>, %arg11: memref<!tpu.dma_semaphore, #tpu.memory_space<semaphore_mem>>, %arg12: memref<!tpu.dma_semaphore, #tpu.memory_space<semaphore_mem>>) attributes {dimension_semantics = [#tpu.dimension_semantics<core_parallel>, #tpu.dimension_semantics<subcore_parallel>], iteration_bounds = array<i64: 2, 16>, scalar_prefetch = 0 : i64, scratch_operands = 8 : i64, tpu.core_type = #tpu.core_type<sc_vector_subcore>, window_params = [{transform_indices = #map}, {transform_indices = #map1}, {transform_indices = #map}]} {
    %mul3A = arith.constant 2 : i32
    %mul3A_0 = arith.muli %arg1, %mul3A : i32
    %add3A = arith.addi %mul3A_0, %arg0 : i32
    %mul3A_1 = arith.constant 1920 : i32
    %mul3A_2 = arith.muli %add3A, %mul3A_1 : i32
    %add3A_3 = arith.constant 0 : i32
    %add3A_4 = arith.addi %mul3A_2, %add3A_3 : i32
    "tpu.region"() ({
      %run_scoped3A = tpu.sem_alloc : memref<!tpu.dma_semaphore, #tpu.memory_space<semaphore_mem>>
      %dma_start3A_73 = tpu.memref_slice %arg3[%add3A_4] : memref<61440xi32, #tpu.memory_space<hbm>> -> memref<480xi32, #tpu.memory_space<hbm>>
      %dma_start3A_74 = tpu.memref_slice %arg3[%add3A_4] : memref<61440xi32, #tpu.memory_space<hbm>> -> memref<480xi32, #tpu.memory_space<hbm>>
      tpu.enqueue_dma source(%dma_start3A_74 : memref<480xi32, #tpu.memory_space<hbm>>) target(%arg5 : memref<480xi32, #tpu.memory_space<vmem>>) target_semaphore(%run_scoped3A : memref<!tpu.dma_semaphore, #tpu.memory_space<semaphore_mem>>)
      %dma_wait3A_75 = tpu.memref_slice %arg3[%add3A_4] : memref<61440xi32, #tpu.memory_space<hbm>> -> memref<480xi32, #tpu.memory_space<hbm>>
      %dma_wait3A_76 = tpu.memref_slice %arg3[%add3A_4] : memref<61440xi32, #tpu.memory_space<hbm>> -> memref<480xi32, #tpu.memory_space<hbm>>
      tpu.wait_dma2 semaphore(%run_scoped3A : memref<!tpu.dma_semaphore, #tpu.memory_space<semaphore_mem>>) src(%dma_wait3A_76 : memref<480xi32, #tpu.memory_space<hbm>>) dst(%arg5 : memref<480xi32, #tpu.memory_space<vmem>>)
      tpu.yield
    }) : () -> ()
    %dma_start3A = arith.constant 0 : i32
    %dma_start3A_5 = arith.constant 0 : i32
    %dma_start3A_6 = tpu.memref_slice %arg2[%dma_start3A, %dma_start3A_5] : memref<2048x128xf32, #tpu.memory_space<hbm>> -> memref<2048x128xf32, #tpu.memory_space<hbm>>
    tpu.enqueue_indirect_dma source(%dma_start3A_6 : memref<2048x128xf32, #tpu.memory_space<hbm>>) target(%arg7 : memref<480x128xf32, #tpu.memory_space<vmem>>) offsets(%arg5 : memref<480xi32, #tpu.memory_space<vmem>>) semaphore(%arg9 : memref<!tpu.dma_semaphore, #tpu.memory_space<semaphore_mem>>)
    %dma_wait3A = arith.constant 0 : i32
    %dma_wait3A_7 = arith.constant 0 : i32
    %dma_wait3A_8 = tpu.memref_slice %arg2[%dma_wait3A, %dma_wait3A_7] : memref<2048x128xf32, #tpu.memory_space<hbm>> -> memref<2048x128xf32, #tpu.memory_space<hbm>>
    tpu.wait_indirect_dma semaphore(%arg9 : memref<!tpu.dma_semaphore, #tpu.memory_space<semaphore_mem>>) src(%dma_wait3A_8 : memref<2048x128xf32, #tpu.memory_space<hbm>>) dst(%arg7 : memref<480x128xf32, #tpu.memory_space<vmem>>)
    %add3A_9 = arith.constant 480 : i32
    %add3A_10 = arith.addi %mul3A_2, %add3A_9 : i32
    "tpu.region"() ({
      %run_scoped3A = tpu.sem_alloc : memref<!tpu.dma_semaphore, #tpu.memory_space<semaphore_mem>>
      %dma_start3A_73 = tpu.memref_slice %arg3[%add3A_10] : memref<61440xi32, #tpu.memory_space<hbm>> -> memref<480xi32, #tpu.memory_space<hbm>>
      %dma_start3A_74 = tpu.memref_slice %arg3[%add3A_10] : memref<61440xi32, #tpu.memory_space<hbm>> -> memref<480xi32, #tpu.memory_space<hbm>>
      tpu.enqueue_dma source(%dma_start3A_74 : memref<480xi32, #tpu.memory_space<hbm>>) target(%arg6 : memref<480xi32, #tpu.memory_space<vmem>>) target_semaphore(%run_scoped3A : memref<!tpu.dma_semaphore, #tpu.memory_space<semaphore_mem>>)
      %dma_wait3A_75 = tpu.memref_slice %arg3[%add3A_10] : memref<61440xi32, #tpu.memory_space<hbm>> -> memref<480xi32, #tpu.memory_space<hbm>>
      %dma_wait3A_76 = tpu.memref_slice %arg3[%add3A_10] : memref<61440xi32, #tpu.memory_space<hbm>> -> memref<480xi32, #tpu.memory_space<hbm>>
      tpu.wait_dma2 semaphore(%run_scoped3A : memref<!tpu.dma_semaphore, #tpu.memory_space<semaphore_mem>>) src(%dma_wait3A_76 : memref<480xi32, #tpu.memory_space<hbm>>) dst(%arg6 : memref<480xi32, #tpu.memory_space<vmem>>)
      tpu.yield
    }) : () -> ()
    %dma_start3A_11 = arith.constant 0 : i32
    %dma_start3A_12 = arith.constant 0 : i32
    %dma_start3A_13 = tpu.memref_slice %arg2[%dma_start3A_11, %dma_start3A_12] : memref<2048x128xf32, #tpu.memory_space<hbm>> -> memref<2048x128xf32, #tpu.memory_space<hbm>>
    tpu.enqueue_indirect_dma source(%dma_start3A_13 : memref<2048x128xf32, #tpu.memory_space<hbm>>) target(%arg8 : memref<480x128xf32, #tpu.memory_space<vmem>>) offsets(%arg6 : memref<480xi32, #tpu.memory_space<vmem>>) semaphore(%arg10 : memref<!tpu.dma_semaphore, #tpu.memory_space<semaphore_mem>>)
    %add3A_14 = arith.constant 0 : i32
    %add3A_15 = arith.addi %mul3A_2, %add3A_14 : i32
    %dma_start3A_16 = arith.constant 0 : i32
    %dma_start3A_17 = tpu.memref_slice %arg4[%add3A_15, %dma_start3A_16] : memref<61440x128xf32, #tpu.memory_space<hbm>> -> memref<480x128xf32, #tpu.memory_space<hbm>>
    %dma_start3A_18 = arith.constant 0 : i32
    %dma_start3A_19 = tpu.memref_slice %arg4[%add3A_15, %dma_start3A_18] : memref<61440x128xf32, #tpu.memory_space<hbm>> -> memref<480x128xf32, #tpu.memory_space<hbm>>
    tpu.enqueue_dma source(%arg7 : memref<480x128xf32, #tpu.memory_space<vmem>>) target(%dma_start3A_19 : memref<480x128xf32, #tpu.memory_space<hbm>>) target_semaphore(%arg11 : memref<!tpu.dma_semaphore, #tpu.memory_space<semaphore_mem>>)
    %dma_wait3A_20 = arith.constant 0 : i32
    %dma_wait3A_21 = arith.constant 0 : i32
    %dma_wait3A_22 = tpu.memref_slice %arg2[%dma_wait3A_20, %dma_wait3A_21] : memref<2048x128xf32, #tpu.memory_space<hbm>> -> memref<2048x128xf32, #tpu.memory_space<hbm>>
    tpu.wait_indirect_dma semaphore(%arg10 : memref<!tpu.dma_semaphore, #tpu.memory_space<semaphore_mem>>) src(%dma_wait3A_22 : memref<2048x128xf32, #tpu.memory_space<hbm>>) dst(%arg8 : memref<480x128xf32, #tpu.memory_space<vmem>>)
    %dma_wait3A_23 = arith.constant 0 : i32
    %dma_wait3A_24 = tpu.memref_slice %arg4[%add3A_15, %dma_wait3A_23] : memref<61440x128xf32, #tpu.memory_space<hbm>> -> memref<480x128xf32, #tpu.memory_space<hbm>>
    %dma_wait3A_25 = arith.constant 0 : i32
    %dma_wait3A_26 = tpu.memref_slice %arg4[%add3A_15, %dma_wait3A_25] : memref<61440x128xf32, #tpu.memory_space<hbm>> -> memref<480x128xf32, #tpu.memory_space<hbm>>
    tpu.wait_dma2 semaphore(%arg11 : memref<!tpu.dma_semaphore, #tpu.memory_space<semaphore_mem>>) src(%arg7 : memref<480x128xf32, #tpu.memory_space<vmem>>) dst(%dma_wait3A_26 : memref<480x128xf32, #tpu.memory_space<hbm>>)
    %add3A_27 = arith.constant 960 : i32
    %add3A_28 = arith.addi %mul3A_2, %add3A_27 : i32
    "tpu.region"() ({
      %run_scoped3A = tpu.sem_alloc : memref<!tpu.dma_semaphore, #tpu.memory_space<semaphore_mem>>
      %dma_start3A_73 = tpu.memref_slice %arg3[%add3A_28] : memref<61440xi32, #tpu.memory_space<hbm>> -> memref<480xi32, #tpu.memory_space<hbm>>
      %dma_start3A_74 = tpu.memref_slice %arg3[%add3A_28] : memref<61440xi32, #tpu.memory_space<hbm>> -> memref<480xi32, #tpu.memory_space<hbm>>
      tpu.enqueue_dma source(%dma_start3A_74 : memref<480xi32, #tpu.memory_space<hbm>>) target(%arg5 : memref<480xi32, #tpu.memory_space<vmem>>) target_semaphore(%run_scoped3A : memref<!tpu.dma_semaphore, #tpu.memory_space<semaphore_mem>>)
      %dma_wait3A_75 = tpu.memref_slice %arg3[%add3A_28] : memref<61440xi32, #tpu.memory_space<hbm>> -> memref<480xi32, #tpu.memory_space<hbm>>
      %dma_wait3A_76 = tpu.memref_slice %arg3[%add3A_28] : memref<61440xi32, #tpu.memory_space<hbm>> -> memref<480xi32, #tpu.memory_space<hbm>>
      tpu.wait_dma2 semaphore(%run_scoped3A : memref<!tpu.dma_semaphore, #tpu.memory_space<semaphore_mem>>) src(%dma_wait3A_76 : memref<480xi32, #tpu.memory_space<hbm>>) dst(%arg5 : memref<480xi32, #tpu.memory_space<vmem>>)
      tpu.yield
    }) : () -> ()
    %dma_start3A_29 = arith.constant 0 : i32
    %dma_start3A_30 = arith.constant 0 : i32
    %dma_start3A_31 = tpu.memref_slice %arg2[%dma_start3A_29, %dma_start3A_30] : memref<2048x128xf32, #tpu.memory_space<hbm>> -> memref<2048x128xf32, #tpu.memory_space<hbm>>
    tpu.enqueue_indirect_dma source(%dma_start3A_31 : memref<2048x128xf32, #tpu.memory_space<hbm>>) target(%arg7 : memref<480x128xf32, #tpu.memory_space<vmem>>) offsets(%arg5 : memref<480xi32, #tpu.memory_space<vmem>>) semaphore(%arg9 : memref<!tpu.dma_semaphore, #tpu.memory_space<semaphore_mem>>)
    %add3A_32 = arith.constant 480 : i32
    %add3A_33 = arith.addi %mul3A_2, %add3A_32 : i32
    %dma_start3A_34 = arith.constant 0 : i32
    %dma_start3A_35 = tpu.memref_slice %arg4[%add3A_33, %dma_start3A_34] : memref<61440x128xf32, #tpu.memory_space<hbm>> -> memref<480x128xf32, #tpu.memory_space<hbm>>
    %dma_start3A_36 = arith.constant 0 : i32
    %dma_start3A_37 = tpu.memref_slice %arg4[%add3A_33, %dma_start3A_36] : memref<61440x128xf32, #tpu.memory_space<hbm>> -> memref<480x128xf32, #tpu.memory_space<hbm>>
    tpu.enqueue_dma source(%arg8 : memref<480x128xf32, #tpu.memory_space<vmem>>) target(%dma_start3A_37 : memref<480x128xf32, #tpu.memory_space<hbm>>) target_semaphore(%arg12 : memref<!tpu.dma_semaphore, #tpu.memory_space<semaphore_mem>>)
    %dma_wait3A_38 = arith.constant 0 : i32
    %dma_wait3A_39 = arith.constant 0 : i32
    %dma_wait3A_40 = tpu.memref_slice %arg2[%dma_wait3A_38, %dma_wait3A_39] : memref<2048x128xf32, #tpu.memory_space<hbm>> -> memref<2048x128xf32, #tpu.memory_space<hbm>>
    tpu.wait_indirect_dma semaphore(%arg9 : memref<!tpu.dma_semaphore, #tpu.memory_space<semaphore_mem>>) src(%dma_wait3A_40 : memref<2048x128xf32, #tpu.memory_space<hbm>>) dst(%arg7 : memref<480x128xf32, #tpu.memory_space<vmem>>)
    %dma_wait3A_41 = arith.constant 0 : i32
    %dma_wait3A_42 = tpu.memref_slice %arg4[%add3A_33, %dma_wait3A_41] : memref<61440x128xf32, #tpu.memory_space<hbm>> -> memref<480x128xf32, #tpu.memory_space<hbm>>
    %dma_wait3A_43 = arith.constant 0 : i32
    %dma_wait3A_44 = tpu.memref_slice %arg4[%add3A_33, %dma_wait3A_43] : memref<61440x128xf32, #tpu.memory_space<hbm>> -> memref<480x128xf32, #tpu.memory_space<hbm>>
    tpu.wait_dma2 semaphore(%arg12 : memref<!tpu.dma_semaphore, #tpu.memory_space<semaphore_mem>>) src(%arg8 : memref<480x128xf32, #tpu.memory_space<vmem>>) dst(%dma_wait3A_44 : memref<480x128xf32, #tpu.memory_space<hbm>>)
    %add3A_45 = arith.constant 1440 : i32
    %add3A_46 = arith.addi %mul3A_2, %add3A_45 : i32
    "tpu.region"() ({
      %run_scoped3A = tpu.sem_alloc : memref<!tpu.dma_semaphore, #tpu.memory_space<semaphore_mem>>
      %dma_start3A_73 = tpu.memref_slice %arg3[%add3A_46] : memref<61440xi32, #tpu.memory_space<hbm>> -> memref<480xi32, #tpu.memory_space<hbm>>
      %dma_start3A_74 = tpu.memref_slice %arg3[%add3A_46] : memref<61440xi32, #tpu.memory_space<hbm>> -> memref<480xi32, #tpu.memory_space<hbm>>
      tpu.enqueue_dma source(%dma_start3A_74 : memref<480xi32, #tpu.memory_space<hbm>>) target(%arg6 : memref<480xi32, #tpu.memory_space<vmem>>) target_semaphore(%run_scoped3A : memref<!tpu.dma_semaphore, #tpu.memory_space<semaphore_mem>>)
      %dma_wait3A_75 = tpu.memref_slice %arg3[%add3A_46] : memref<61440xi32, #tpu.memory_space<hbm>> -> memref<480xi32, #tpu.memory_space<hbm>>
      %dma_wait3A_76 = tpu.memref_slice %arg3[%add3A_46] : memref<61440xi32, #tpu.memory_space<hbm>> -> memref<480xi32, #tpu.memory_space<hbm>>
      tpu.wait_dma2 semaphore(%run_scoped3A : memref<!tpu.dma_semaphore, #tpu.memory_space<semaphore_mem>>) src(%dma_wait3A_76 : memref<480xi32, #tpu.memory_space<hbm>>) dst(%arg6 : memref<480xi32, #tpu.memory_space<vmem>>)
      tpu.yield
    }) : () -> ()
    %dma_start3A_47 = arith.constant 0 : i32
    %dma_start3A_48 = arith.constant 0 : i32
    %dma_start3A_49 = tpu.memref_slice %arg2[%dma_start3A_47, %dma_start3A_48] : memref<2048x128xf32, #tpu.memory_space<hbm>> -> memref<2048x128xf32, #tpu.memory_space<hbm>>
    tpu.enqueue_indirect_dma source(%dma_start3A_49 : memref<2048x128xf32, #tpu.memory_space<hbm>>) target(%arg8 : memref<480x128xf32, #tpu.memory_space<vmem>>) offsets(%arg6 : memref<480xi32, #tpu.memory_space<vmem>>) semaphore(%arg10 : memref<!tpu.dma_semaphore, #tpu.memory_space<semaphore_mem>>)
    %add3A_50 = arith.constant 960 : i32
    %add3A_51 = arith.addi %mul3A_2, %add3A_50 : i32
    %dma_start3A_52 = arith.constant 0 : i32
    %dma_start3A_53 = tpu.memref_slice %arg4[%add3A_51, %dma_start3A_52] : memref<61440x128xf32, #tpu.memory_space<hbm>> -> memref<480x128xf32, #tpu.memory_space<hbm>>
    %dma_start3A_54 = arith.constant 0 : i32
    %dma_start3A_55 = tpu.memref_slice %arg4[%add3A_51, %dma_start3A_54] : memref<61440x128xf32, #tpu.memory_space<hbm>> -> memref<480x128xf32, #tpu.memory_space<hbm>>
    tpu.enqueue_dma source(%arg7 : memref<480x128xf32, #tpu.memory_space<vmem>>) target(%dma_start3A_55 : memref<480x128xf32, #tpu.memory_space<hbm>>) target_semaphore(%arg11 : memref<!tpu.dma_semaphore, #tpu.memory_space<semaphore_mem>>)
    %dma_wait3A_56 = arith.constant 0 : i32
    %dma_wait3A_57 = arith.constant 0 : i32
    %dma_wait3A_58 = tpu.memref_slice %arg2[%dma_wait3A_56, %dma_wait3A_57] : memref<2048x128xf32, #tpu.memory_space<hbm>> -> memref<2048x128xf32, #tpu.memory_space<hbm>>
    tpu.wait_indirect_dma semaphore(%arg10 : memref<!tpu.dma_semaphore, #tpu.memory_space<semaphore_mem>>) src(%dma_wait3A_58 : memref<2048x128xf32, #tpu.memory_space<hbm>>) dst(%arg8 : memref<480x128xf32, #tpu.memory_space<vmem>>)
    %add3A_59 = arith.constant 1440 : i32
    %add3A_60 = arith.addi %mul3A_2, %add3A_59 : i32
    %dma_start3A_61 = arith.constant 0 : i32
    %dma_start3A_62 = tpu.memref_slice %arg4[%add3A_60, %dma_start3A_61] : memref<61440x128xf32, #tpu.memory_space<hbm>> -> memref<480x128xf32, #tpu.memory_space<hbm>>
    %dma_start3A_63 = arith.constant 0 : i32
    %dma_start3A_64 = tpu.memref_slice %arg4[%add3A_60, %dma_start3A_63] : memref<61440x128xf32, #tpu.memory_space<hbm>> -> memref<480x128xf32, #tpu.memory_space<hbm>>
    tpu.enqueue_dma source(%arg8 : memref<480x128xf32, #tpu.memory_space<vmem>>) target(%dma_start3A_64 : memref<480x128xf32, #tpu.memory_space<hbm>>) target_semaphore(%arg12 : memref<!tpu.dma_semaphore, #tpu.memory_space<semaphore_mem>>)
    %dma_wait3A_65 = arith.constant 0 : i32
    %dma_wait3A_66 = tpu.memref_slice %arg4[%add3A_51, %dma_wait3A_65] : memref<61440x128xf32, #tpu.memory_space<hbm>> -> memref<480x128xf32, #tpu.memory_space<hbm>>
    %dma_wait3A_67 = arith.constant 0 : i32
    %dma_wait3A_68 = tpu.memref_slice %arg4[%add3A_51, %dma_wait3A_67] : memref<61440x128xf32, #tpu.memory_space<hbm>> -> memref<480x128xf32, #tpu.memory_space<hbm>>
    tpu.wait_dma2 semaphore(%arg11 : memref<!tpu.dma_semaphore, #tpu.memory_space<semaphore_mem>>) src(%arg7 : memref<480x128xf32, #tpu.memory_space<vmem>>) dst(%dma_wait3A_68 : memref<480x128xf32, #tpu.memory_space<hbm>>)
    %dma_wait3A_69 = arith.constant 0 : i32
    %dma_wait3A_70 = tpu.memref_slice %arg4[%add3A_60, %dma_wait3A_69] : memref<61440x128xf32, #tpu.memory_space<hbm>> -> memref<480x128xf32, #tpu.memory_space<hbm>>
    %dma_wait3A_71 = arith.constant 0 : i32
    %dma_wait3A_72 = tpu.memref_slice %arg4[%add3A_60, %dma_wait3A_71] : memref<61440x128xf32, #tpu.memory_space<hbm>> -> memref<480x128xf32, #tpu.memory_space<hbm>>
    tpu.wait_dma2 semaphore(%arg12 : memref<!tpu.dma_semaphore, #tpu.memory_space<semaphore_mem>>) src(%arg8 : memref<480x128xf32, #tpu.memory_space<vmem>>) dst(%dma_wait3A_72 : memref<480x128xf32, #tpu.memory_space<hbm>>)
    return
  }
}

#map = affine_map<(d0, d1) -> (0, 0)>
#map1 = affine_map<(d0, d1) -> (0)>
module attributes {stable_mosaic.version = 14 : i64} {
  func.func @gk(%arg0: i32, %arg1: i32, %arg2: memref<2048x128xf32, #tpu.memory_space<hbm>>, %arg3: memref<61440xi32, #tpu.memory_space<hbm>>, %arg4: memref<61440x128xf32, #tpu.memory_space<hbm>>, %arg5: memref<480xi32, #tpu.memory_space<vmem>>, %arg6: memref<480xi32, #tpu.memory_space<vmem>>, %arg7: memref<480x128xf32, #tpu.memory_space<vmem>>, %arg8: memref<480x128xf32, #tpu.memory_space<vmem>>, %arg9: memref<!tpu.dma_semaphore, #tpu.memory_space<semaphore_mem>>, %arg10: memref<!tpu.dma_semaphore, #tpu.memory_space<semaphore_mem>>, %arg11: memref<!tpu.dma_semaphore, #tpu.memory_space<semaphore_mem>>, %arg12: memref<!tpu.dma_semaphore, #tpu.memory_space<semaphore_mem>>) attributes {dimension_semantics = [#tpu.dimension_semantics<core_parallel>, #tpu.dimension_semantics<subcore_parallel>], iteration_bounds = array<i64: 2, 16>, scalar_prefetch = 0 : i64, scratch_operands = 8 : i64, tpu.core_type = #tpu.core_type<sc_vector_subcore>, window_params = [{transform_indices = #map}, {transform_indices = #map1}, {transform_indices = #map}]} {
    %mul3A = arith.constant 2 : i32
    %mul3A_0 = arith.muli %arg1, %mul3A : i32
    %add3A = arith.addi %mul3A_0, %arg0 : i32
    %mul3A_1 = arith.constant 1920 : i32
    %mul3A_2 = arith.muli %add3A, %mul3A_1 : i32
    %add3A_3 = arith.constant 0 : i32
    %add3A_4 = arith.addi %mul3A_2, %add3A_3 : i32
    "tpu.region"() ({
      %run_scoped3A = tpu.sem_alloc : memref<!tpu.dma_semaphore, #tpu.memory_space<semaphore_mem>>
      %dma_start3A_73 = tpu.memref_slice %arg3[%add3A_4] : memref<61440xi32, #tpu.memory_space<hbm>> -> memref<480xi32, #tpu.memory_space<hbm>>
      %dma_start3A_74 = tpu.memref_slice %arg3[%add3A_4] : memref<61440xi32, #tpu.memory_space<hbm>> -> memref<480xi32, #tpu.memory_space<hbm>>
      tpu.enqueue_dma source(%dma_start3A_74 : memref<480xi32, #tpu.memory_space<hbm>>) target(%arg5 : memref<480xi32, #tpu.memory_space<vmem>>) target_semaphore(%run_scoped3A : memref<!tpu.dma_semaphore, #tpu.memory_space<semaphore_mem>>)
      %dma_wait3A_75 = tpu.memref_slice %arg3[%add3A_4] : memref<61440xi32, #tpu.memory_space<hbm>> -> memref<480xi32, #tpu.memory_space<hbm>>
      %dma_wait3A_76 = tpu.memref_slice %arg3[%add3A_4] : memref<61440xi32, #tpu.memory_space<hbm>> -> memref<480xi32, #tpu.memory_space<hbm>>
      tpu.wait_dma2 semaphore(%run_scoped3A : memref<!tpu.dma_semaphore, #tpu.memory_space<semaphore_mem>>) src(%dma_wait3A_76 : memref<480xi32, #tpu.memory_space<hbm>>) dst(%arg5 : memref<480xi32, #tpu.memory_space<vmem>>)
      tpu.yield
    }) : () -> ()
    %dma_start3A = arith.constant 0 : i32
    %dma_start3A_5 = arith.constant 0 : i32
    %dma_start3A_6 = tpu.memref_slice %arg2[%dma_start3A, %dma_start3A_5] : memref<2048x128xf32, #tpu.memory_space<hbm>> -> memref<2048x128xf32, #tpu.memory_space<hbm>>
    tpu.enqueue_indirect_dma source(%dma_start3A_6 : memref<2048x128xf32, #tpu.memory_space<hbm>>) target(%arg7 : memref<480x128xf32, #tpu.memory_space<vmem>>) offsets(%arg5 : memref<480xi32, #tpu.memory_space<vmem>>) semaphore(%arg9 : memref<!tpu.dma_semaphore, #tpu.memory_space<semaphore_mem>>)
    %dma_wait3A = arith.constant 0 : i32
    %dma_wait3A_7 = arith.constant 0 : i32
    %dma_wait3A_8 = tpu.memref_slice %arg2[%dma_wait3A, %dma_wait3A_7] : memref<2048x128xf32, #tpu.memory_space<hbm>> -> memref<2048x128xf32, #tpu.memory_space<hbm>>
    tpu.wait_indirect_dma semaphore(%arg9 : memref<!tpu.dma_semaphore, #tpu.memory_space<semaphore_mem>>) src(%dma_wait3A_8 : memref<2048x128xf32, #tpu.memory_space<hbm>>) dst(%arg7 : memref<480x128xf32, #tpu.memory_space<vmem>>)
    %add3A_9 = arith.constant 480 : i32
    %add3A_10 = arith.addi %mul3A_2, %add3A_9 : i32
    "tpu.region"() ({
      %run_scoped3A = tpu.sem_alloc : memref<!tpu.dma_semaphore, #tpu.memory_space<semaphore_mem>>
      %dma_start3A_73 = tpu.memref_slice %arg3[%add3A_10] : memref<61440xi32, #tpu.memory_space<hbm>> -> memref<480xi32, #tpu.memory_space<hbm>>
      %dma_start3A_74 = tpu.memref_slice %arg3[%add3A_10] : memref<61440xi32, #tpu.memory_space<hbm>> -> memref<480xi32, #tpu.memory_space<hbm>>
      tpu.enqueue_dma source(%dma_start3A_74 : memref<480xi32, #tpu.memory_space<hbm>>) target(%arg6 : memref<480xi32, #tpu.memory_space<vmem>>) target_semaphore(%run_scoped3A : memref<!tpu.dma_semaphore, #tpu.memory_space<semaphore_mem>>)
      %dma_wait3A_75 = tpu.memref_slice %arg3[%add3A_10] : memref<61440xi32, #tpu.memory_space<hbm>> -> memref<480xi32, #tpu.memory_space<hbm>>
      %dma_wait3A_76 = tpu.memref_slice %arg3[%add3A_10] : memref<61440xi32, #tpu.memory_space<hbm>> -> memref<480xi32, #tpu.memory_space<hbm>>
      tpu.wait_dma2 semaphore(%run_scoped3A : memref<!tpu.dma_semaphore, #tpu.memory_space<semaphore_mem>>) src(%dma_wait3A_76 : memref<480xi32, #tpu.memory_space<hbm>>) dst(%arg6 : memref<480xi32, #tpu.memory_space<vmem>>)
      tpu.yield
    }) : () -> ()
    %dma_start3A_11 = arith.constant 0 : i32
    %dma_start3A_12 = arith.constant 0 : i32
    %dma_start3A_13 = tpu.memref_slice %arg2[%dma_start3A_11, %dma_start3A_12] : memref<2048x128xf32, #tpu.memory_space<hbm>> -> memref<2048x128xf32, #tpu.memory_space<hbm>>
    tpu.enqueue_indirect_dma source(%dma_start3A_13 : memref<2048x128xf32, #tpu.memory_space<hbm>>) target(%arg8 : memref<480x128xf32, #tpu.memory_space<vmem>>) offsets(%arg6 : memref<480xi32, #tpu.memory_space<vmem>>) semaphore(%arg10 : memref<!tpu.dma_semaphore, #tpu.memory_space<semaphore_mem>>)
    %add3A_14 = arith.constant 0 : i32
    %add3A_15 = arith.addi %mul3A_2, %add3A_14 : i32
    %dma_start3A_16 = arith.constant 0 : i32
    %dma_start3A_17 = tpu.memref_slice %arg4[%add3A_15, %dma_start3A_16] : memref<61440x128xf32, #tpu.memory_space<hbm>> -> memref<480x128xf32, #tpu.memory_space<hbm>>
    %dma_start3A_18 = arith.constant 0 : i32
    %dma_start3A_19 = tpu.memref_slice %arg4[%add3A_15, %dma_start3A_18] : memref<61440x128xf32, #tpu.memory_space<hbm>> -> memref<480x128xf32, #tpu.memory_space<hbm>>
    tpu.enqueue_dma source(%arg7 : memref<480x128xf32, #tpu.memory_space<vmem>>) target(%dma_start3A_19 : memref<480x128xf32, #tpu.memory_space<hbm>>) target_semaphore(%arg11 : memref<!tpu.dma_semaphore, #tpu.memory_space<semaphore_mem>>)
    %dma_wait3A_20 = arith.constant 0 : i32
    %dma_wait3A_21 = arith.constant 0 : i32
    %dma_wait3A_22 = tpu.memref_slice %arg2[%dma_wait3A_20, %dma_wait3A_21] : memref<2048x128xf32, #tpu.memory_space<hbm>> -> memref<2048x128xf32, #tpu.memory_space<hbm>>
    tpu.wait_indirect_dma semaphore(%arg10 : memref<!tpu.dma_semaphore, #tpu.memory_space<semaphore_mem>>) src(%dma_wait3A_22 : memref<2048x128xf32, #tpu.memory_space<hbm>>) dst(%arg8 : memref<480x128xf32, #tpu.memory_space<vmem>>)
    %dma_wait3A_23 = arith.constant 0 : i32
    %dma_wait3A_24 = tpu.memref_slice %arg4[%add3A_15, %dma_wait3A_23] : memref<61440x128xf32, #tpu.memory_space<hbm>> -> memref<480x128xf32, #tpu.memory_space<hbm>>
    %dma_wait3A_25 = arith.constant 0 : i32
    %dma_wait3A_26 = tpu.memref_slice %arg4[%add3A_15, %dma_wait3A_25] : memref<61440x128xf32, #tpu.memory_space<hbm>> -> memref<480x128xf32, #tpu.memory_space<hbm>>
    tpu.wait_dma2 semaphore(%arg11 : memref<!tpu.dma_semaphore, #tpu.memory_space<semaphore_mem>>) src(%arg7 : memref<480x128xf32, #tpu.memory_space<vmem>>) dst(%dma_wait3A_26 : memref<480x128xf32, #tpu.memory_space<hbm>>)
    %add3A_27 = arith.constant 960 : i32
    %add3A_28 = arith.addi %mul3A_2, %add3A_27 : i32
    "tpu.region"() ({
      %run_scoped3A = tpu.sem_alloc : memref<!tpu.dma_semaphore, #tpu.memory_space<semaphore_mem>>
      %dma_start3A_73 = tpu.memref_slice %arg3[%add3A_28] : memref<61440xi32, #tpu.memory_space<hbm>> -> memref<480xi32, #tpu.memory_space<hbm>>
      %dma_start3A_74 = tpu.memref_slice %arg3[%add3A_28] : memref<61440xi32, #tpu.memory_space<hbm>> -> memref<480xi32, #tpu.memory_space<hbm>>
      tpu.enqueue_dma source(%dma_start3A_74 : memref<480xi32, #tpu.memory_space<hbm>>) target(%arg5 : memref<480xi32, #tpu.memory_space<vmem>>) target_semaphore(%run_scoped3A : memref<!tpu.dma_semaphore, #tpu.memory_space<semaphore_mem>>)
      %dma_wait3A_75 = tpu.memref_slice %arg3[%add3A_28] : memref<61440xi32, #tpu.memory_space<hbm>> -> memref<480xi32, #tpu.memory_space<hbm>>
      %dma_wait3A_76 = tpu.memref_slice %arg3[%add3A_28] : memref<61440xi32, #tpu.memory_space<hbm>> -> memref<480xi32, #tpu.memory_space<hbm>>
      tpu.wait_dma2 semaphore(%run_scoped3A : memref<!tpu.dma_semaphore, #tpu.memory_space<semaphore_mem>>) src(%dma_wait3A_76 : memref<480xi32, #tpu.memory_space<hbm>>) dst(%arg5 : memref<480xi32, #tpu.memory_space<vmem>>)
      tpu.yield
    }) : () -> ()
    %dma_start3A_29 = arith.constant 0 : i32
    %dma_start3A_30 = arith.constant 0 : i32
    %dma_start3A_31 = tpu.memref_slice %arg2[%dma_start3A_29, %dma_start3A_30] : memref<2048x128xf32, #tpu.memory_space<hbm>> -> memref<2048x128xf32, #tpu.memory_space<hbm>>
    tpu.enqueue_indirect_dma source(%dma_start3A_31 : memref<2048x128xf32, #tpu.memory_space<hbm>>) target(%arg7 : memref<480x128xf32, #tpu.memory_space<vmem>>) offsets(%arg5 : memref<480xi32, #tpu.memory_space<vmem>>) semaphore(%arg9 : memref<!tpu.dma_semaphore, #tpu.memory_space<semaphore_mem>>)
    %add3A_32 = arith.constant 480 : i32
    %add3A_33 = arith.addi %mul3A_2, %add3A_32 : i32
    %dma_start3A_34 = arith.constant 0 : i32
    %dma_start3A_35 = tpu.memref_slice %arg4[%add3A_33, %dma_start3A_34] : memref<61440x128xf32, #tpu.memory_space<hbm>> -> memref<480x128xf32, #tpu.memory_space<hbm>>
    %dma_start3A_36 = arith.constant 0 : i32
    %dma_start3A_37 = tpu.memref_slice %arg4[%add3A_33, %dma_start3A_36] : memref<61440x128xf32, #tpu.memory_space<hbm>> -> memref<480x128xf32, #tpu.memory_space<hbm>>
    tpu.enqueue_dma source(%arg8 : memref<480x128xf32, #tpu.memory_space<vmem>>) target(%dma_start3A_37 : memref<480x128xf32, #tpu.memory_space<hbm>>) target_semaphore(%arg12 : memref<!tpu.dma_semaphore, #tpu.memory_space<semaphore_mem>>)
    %dma_wait3A_38 = arith.constant 0 : i32
    %dma_wait3A_39 = arith.constant 0 : i32
    %dma_wait3A_40 = tpu.memref_slice %arg2[%dma_wait3A_38, %dma_wait3A_39] : memref<2048x128xf32, #tpu.memory_space<hbm>> -> memref<2048x128xf32, #tpu.memory_space<hbm>>
    tpu.wait_indirect_dma semaphore(%arg9 : memref<!tpu.dma_semaphore, #tpu.memory_space<semaphore_mem>>) src(%dma_wait3A_40 : memref<2048x128xf32, #tpu.memory_space<hbm>>) dst(%arg7 : memref<480x128xf32, #tpu.memory_space<vmem>>)
    %dma_wait3A_41 = arith.constant 0 : i32
    %dma_wait3A_42 = tpu.memref_slice %arg4[%add3A_33, %dma_wait3A_41] : memref<61440x128xf32, #tpu.memory_space<hbm>> -> memref<480x128xf32, #tpu.memory_space<hbm>>
    %dma_wait3A_43 = arith.constant 0 : i32
    %dma_wait3A_44 = tpu.memref_slice %arg4[%add3A_33, %dma_wait3A_43] : memref<61440x128xf32, #tpu.memory_space<hbm>> -> memref<480x128xf32, #tpu.memory_space<hbm>>
    tpu.wait_dma2 semaphore(%arg12 : memref<!tpu.dma_semaphore, #tpu.memory_space<semaphore_mem>>) src(%arg8 : memref<480x128xf32, #tpu.memory_space<vmem>>) dst(%dma_wait3A_44 : memref<480x128xf32, #tpu.memory_space<hbm>>)
    %add3A_45 = arith.constant 1440 : i32
    %add3A_46 = arith.addi %mul3A_2, %add3A_45 : i32
    "tpu.region"() ({
      %run_scoped3A = tpu.sem_alloc : memref<!tpu.dma_semaphore, #tpu.memory_space<semaphore_mem>>
      %dma_start3A_73 = tpu.memref_slice %arg3[%add3A_46] : memref<61440xi32, #tpu.memory_space<hbm>> -> memref<480xi32, #tpu.memory_space<hbm>>
      %dma_start3A_74 = tpu.memref_slice %arg3[%add3A_46] : memref<61440xi32, #tpu.memory_space<hbm>> -> memref<480xi32, #tpu.memory_space<hbm>>
      tpu.enqueue_dma source(%dma_start3A_74 : memref<480xi32, #tpu.memory_space<hbm>>) target(%arg6 : memref<480xi32, #tpu.memory_space<vmem>>) target_semaphore(%run_scoped3A : memref<!tpu.dma_semaphore, #tpu.memory_space<semaphore_mem>>)
      %dma_wait3A_75 = tpu.memref_slice %arg3[%add3A_46] : memref<61440xi32, #tpu.memory_space<hbm>> -> memref<480xi32, #tpu.memory_space<hbm>>
      %dma_wait3A_76 = tpu.memref_slice %arg3[%add3A_46] : memref<61440xi32, #tpu.memory_space<hbm>> -> memref<480xi32, #tpu.memory_space<hbm>>
      tpu.wait_dma2 semaphore(%run_scoped3A : memref<!tpu.dma_semaphore, #tpu.memory_space<semaphore_mem>>) src(%dma_wait3A_76 : memref<480xi32, #tpu.memory_space<hbm>>) dst(%arg6 : memref<480xi32, #tpu.memory_space<vmem>>)
      tpu.yield
    }) : () -> ()
    %dma_start3A_47 = arith.constant 0 : i32
    %dma_start3A_48 = arith.constant 0 : i32
    %dma_start3A_49 = tpu.memref_slice %arg2[%dma_start3A_47, %dma_start3A_48] : memref<2048x128xf32, #tpu.memory_space<hbm>> -> memref<2048x128xf32, #tpu.memory_space<hbm>>
    tpu.enqueue_indirect_dma source(%dma_start3A_49 : memref<2048x128xf32, #tpu.memory_space<hbm>>) target(%arg8 : memref<480x128xf32, #tpu.memory_space<vmem>>) offsets(%arg6 : memref<480xi32, #tpu.memory_space<vmem>>) semaphore(%arg10 : memref<!tpu.dma_semaphore, #tpu.memory_space<semaphore_mem>>)
    %add3A_50 = arith.constant 960 : i32
    %add3A_51 = arith.addi %mul3A_2, %add3A_50 : i32
    %dma_start3A_52 = arith.constant 0 : i32
    %dma_start3A_53 = tpu.memref_slice %arg4[%add3A_51, %dma_start3A_52] : memref<61440x128xf32, #tpu.memory_space<hbm>> -> memref<480x128xf32, #tpu.memory_space<hbm>>
    %dma_start3A_54 = arith.constant 0 : i32
    %dma_start3A_55 = tpu.memref_slice %arg4[%add3A_51, %dma_start3A_54] : memref<61440x128xf32, #tpu.memory_space<hbm>> -> memref<480x128xf32, #tpu.memory_space<hbm>>
    tpu.enqueue_dma source(%arg7 : memref<480x128xf32, #tpu.memory_space<vmem>>) target(%dma_start3A_55 : memref<480x128xf32, #tpu.memory_space<hbm>>) target_semaphore(%arg11 : memref<!tpu.dma_semaphore, #tpu.memory_space<semaphore_mem>>)
    %dma_wait3A_56 = arith.constant 0 : i32
    %dma_wait3A_57 = arith.constant 0 : i32
    %dma_wait3A_58 = tpu.memref_slice %arg2[%dma_wait3A_56, %dma_wait3A_57] : memref<2048x128xf32, #tpu.memory_space<hbm>> -> memref<2048x128xf32, #tpu.memory_space<hbm>>
    tpu.wait_indirect_dma semaphore(%arg10 : memref<!tpu.dma_semaphore, #tpu.memory_space<semaphore_mem>>) src(%dma_wait3A_58 : memref<2048x128xf32, #tpu.memory_space<hbm>>) dst(%arg8 : memref<480x128xf32, #tpu.memory_space<vmem>>)
    %add3A_59 = arith.constant 1440 : i32
    %add3A_60 = arith.addi %mul3A_2, %add3A_59 : i32
    %dma_start3A_61 = arith.constant 0 : i32
    %dma_start3A_62 = tpu.memref_slice %arg4[%add3A_60, %dma_start3A_61] : memref<61440x128xf32, #tpu.memory_space<hbm>> -> memref<480x128xf32, #tpu.memory_space<hbm>>
    %dma_start3A_63 = arith.constant 0 : i32
    %dma_start3A_64 = tpu.memref_slice %arg4[%add3A_60, %dma_start3A_63] : memref<61440x128xf32, #tpu.memory_space<hbm>> -> memref<480x128xf32, #tpu.memory_space<hbm>>
    tpu.enqueue_dma source(%arg8 : memref<480x128xf32, #tpu.memory_space<vmem>>) target(%dma_start3A_64 : memref<480x128xf32, #tpu.memory_space<hbm>>) target_semaphore(%arg12 : memref<!tpu.dma_semaphore, #tpu.memory_space<semaphore_mem>>)
    %dma_wait3A_65 = arith.constant 0 : i32
    %dma_wait3A_66 = tpu.memref_slice %arg4[%add3A_51, %dma_wait3A_65] : memref<61440x128xf32, #tpu.memory_space<hbm>> -> memref<480x128xf32, #tpu.memory_space<hbm>>
    %dma_wait3A_67 = arith.constant 0 : i32
    %dma_wait3A_68 = tpu.memref_slice %arg4[%add3A_51, %dma_wait3A_67] : memref<61440x128xf32, #tpu.memory_space<hbm>> -> memref<480x128xf32, #tpu.memory_space<hbm>>
    tpu.wait_dma2 semaphore(%arg11 : memref<!tpu.dma_semaphore, #tpu.memory_space<semaphore_mem>>) src(%arg7 : memref<480x128xf32, #tpu.memory_space<vmem>>) dst(%dma_wait3A_68 : memref<480x128xf32, #tpu.memory_space<hbm>>)
    %dma_wait3A_69 = arith.constant 0 : i32
    %dma_wait3A_70 = tpu.memref_slice %arg4[%add3A_60, %dma_wait3A_69] : memref<61440x128xf32, #tpu.memory_space<hbm>> -> memref<480x128xf32, #tpu.memory_space<hbm>>
    %dma_wait3A_71 = arith.constant 0 : i32
    %dma_wait3A_72 = tpu.memref_slice %arg4[%add3A_60, %dma_wait3A_71] : memref<61440x128xf32, #tpu.memory_space<hbm>> -> memref<480x128xf32, #tpu.memory_space<hbm>>
    tpu.wait_dma2 semaphore(%arg12 : memref<!tpu.dma_semaphore, #tpu.memory_space<semaphore_mem>>) src(%arg8 : memref<480x128xf32, #tpu.memory_space<vmem>>) dst(%dma_wait3A_72 : memref<480x128xf32, #tpu.memory_space<hbm>>)
    return
  }
}

#map = affine_map<(d0, d1) -> (0, 0)>
#map1 = affine_map<(d0, d1) -> (0)>
module attributes {stable_mosaic.version = 14 : i64} {
  func.func @gk(%arg0: i32, %arg1: i32, %arg2: memref<2048x128xf32, #tpu.memory_space<hbm>>, %arg3: memref<61440xi32, #tpu.memory_space<hbm>>, %arg4: memref<61440x128xf32, #tpu.memory_space<hbm>>, %arg5: memref<480xi32, #tpu.memory_space<vmem>>, %arg6: memref<480xi32, #tpu.memory_space<vmem>>, %arg7: memref<480x128xf32, #tpu.memory_space<vmem>>, %arg8: memref<480x128xf32, #tpu.memory_space<vmem>>, %arg9: memref<!tpu.dma_semaphore, #tpu.memory_space<semaphore_mem>>, %arg10: memref<!tpu.dma_semaphore, #tpu.memory_space<semaphore_mem>>, %arg11: memref<!tpu.dma_semaphore, #tpu.memory_space<semaphore_mem>>, %arg12: memref<!tpu.dma_semaphore, #tpu.memory_space<semaphore_mem>>) attributes {dimension_semantics = [#tpu.dimension_semantics<core_parallel>, #tpu.dimension_semantics<subcore_parallel>], iteration_bounds = array<i64: 2, 16>, scalar_prefetch = 0 : i64, scratch_operands = 8 : i64, tpu.core_type = #tpu.core_type<sc_vector_subcore>, window_params = [{transform_indices = #map}, {transform_indices = #map1}, {transform_indices = #map}]} {
    %mul3A = arith.constant 2 : i32
    %mul3A_0 = arith.muli %arg1, %mul3A : i32
    %add3A = arith.addi %mul3A_0, %arg0 : i32
    %mul3A_1 = arith.constant 1920 : i32
    %mul3A_2 = arith.muli %add3A, %mul3A_1 : i32
    %add3A_3 = arith.constant 0 : i32
    %add3A_4 = arith.addi %mul3A_2, %add3A_3 : i32
    "tpu.region"() ({
      %run_scoped3A = tpu.sem_alloc : memref<!tpu.dma_semaphore, #tpu.memory_space<semaphore_mem>>
      %dma_start3A_73 = tpu.memref_slice %arg3[%add3A_4] : memref<61440xi32, #tpu.memory_space<hbm>> -> memref<480xi32, #tpu.memory_space<hbm>>
      %dma_start3A_74 = tpu.memref_slice %arg3[%add3A_4] : memref<61440xi32, #tpu.memory_space<hbm>> -> memref<480xi32, #tpu.memory_space<hbm>>
      tpu.enqueue_dma source(%dma_start3A_74 : memref<480xi32, #tpu.memory_space<hbm>>) target(%arg5 : memref<480xi32, #tpu.memory_space<vmem>>) target_semaphore(%run_scoped3A : memref<!tpu.dma_semaphore, #tpu.memory_space<semaphore_mem>>)
      %dma_wait3A_75 = tpu.memref_slice %arg3[%add3A_4] : memref<61440xi32, #tpu.memory_space<hbm>> -> memref<480xi32, #tpu.memory_space<hbm>>
      %dma_wait3A_76 = tpu.memref_slice %arg3[%add3A_4] : memref<61440xi32, #tpu.memory_space<hbm>> -> memref<480xi32, #tpu.memory_space<hbm>>
      tpu.wait_dma2 semaphore(%run_scoped3A : memref<!tpu.dma_semaphore, #tpu.memory_space<semaphore_mem>>) src(%dma_wait3A_76 : memref<480xi32, #tpu.memory_space<hbm>>) dst(%arg5 : memref<480xi32, #tpu.memory_space<vmem>>)
      tpu.yield
    }) : () -> ()
    %dma_start3A = arith.constant 0 : i32
    %dma_start3A_5 = arith.constant 0 : i32
    %dma_start3A_6 = tpu.memref_slice %arg2[%dma_start3A, %dma_start3A_5] : memref<2048x128xf32, #tpu.memory_space<hbm>> -> memref<2048x128xf32, #tpu.memory_space<hbm>>
    tpu.enqueue_indirect_dma source(%dma_start3A_6 : memref<2048x128xf32, #tpu.memory_space<hbm>>) target(%arg7 : memref<480x128xf32, #tpu.memory_space<vmem>>) offsets(%arg5 : memref<480xi32, #tpu.memory_space<vmem>>) semaphore(%arg9 : memref<!tpu.dma_semaphore, #tpu.memory_space<semaphore_mem>>)
    %dma_wait3A = arith.constant 0 : i32
    %dma_wait3A_7 = arith.constant 0 : i32
    %dma_wait3A_8 = tpu.memref_slice %arg2[%dma_wait3A, %dma_wait3A_7] : memref<2048x128xf32, #tpu.memory_space<hbm>> -> memref<2048x128xf32, #tpu.memory_space<hbm>>
    tpu.wait_indirect_dma semaphore(%arg9 : memref<!tpu.dma_semaphore, #tpu.memory_space<semaphore_mem>>) src(%dma_wait3A_8 : memref<2048x128xf32, #tpu.memory_space<hbm>>) dst(%arg7 : memref<480x128xf32, #tpu.memory_space<vmem>>)
    %add3A_9 = arith.constant 480 : i32
    %add3A_10 = arith.addi %mul3A_2, %add3A_9 : i32
    "tpu.region"() ({
      %run_scoped3A = tpu.sem_alloc : memref<!tpu.dma_semaphore, #tpu.memory_space<semaphore_mem>>
      %dma_start3A_73 = tpu.memref_slice %arg3[%add3A_10] : memref<61440xi32, #tpu.memory_space<hbm>> -> memref<480xi32, #tpu.memory_space<hbm>>
      %dma_start3A_74 = tpu.memref_slice %arg3[%add3A_10] : memref<61440xi32, #tpu.memory_space<hbm>> -> memref<480xi32, #tpu.memory_space<hbm>>
      tpu.enqueue_dma source(%dma_start3A_74 : memref<480xi32, #tpu.memory_space<hbm>>) target(%arg6 : memref<480xi32, #tpu.memory_space<vmem>>) target_semaphore(%run_scoped3A : memref<!tpu.dma_semaphore, #tpu.memory_space<semaphore_mem>>)
      %dma_wait3A_75 = tpu.memref_slice %arg3[%add3A_10] : memref<61440xi32, #tpu.memory_space<hbm>> -> memref<480xi32, #tpu.memory_space<hbm>>
      %dma_wait3A_76 = tpu.memref_slice %arg3[%add3A_10] : memref<61440xi32, #tpu.memory_space<hbm>> -> memref<480xi32, #tpu.memory_space<hbm>>
      tpu.wait_dma2 semaphore(%run_scoped3A : memref<!tpu.dma_semaphore, #tpu.memory_space<semaphore_mem>>) src(%dma_wait3A_76 : memref<480xi32, #tpu.memory_space<hbm>>) dst(%arg6 : memref<480xi32, #tpu.memory_space<vmem>>)
      tpu.yield
    }) : () -> ()
    %dma_start3A_11 = arith.constant 0 : i32
    %dma_start3A_12 = arith.constant 0 : i32
    %dma_start3A_13 = tpu.memref_slice %arg2[%dma_start3A_11, %dma_start3A_12] : memref<2048x128xf32, #tpu.memory_space<hbm>> -> memref<2048x128xf32, #tpu.memory_space<hbm>>
    tpu.enqueue_indirect_dma source(%dma_start3A_13 : memref<2048x128xf32, #tpu.memory_space<hbm>>) target(%arg8 : memref<480x128xf32, #tpu.memory_space<vmem>>) offsets(%arg6 : memref<480xi32, #tpu.memory_space<vmem>>) semaphore(%arg10 : memref<!tpu.dma_semaphore, #tpu.memory_space<semaphore_mem>>)
    %add3A_14 = arith.constant 0 : i32
    %add3A_15 = arith.addi %mul3A_2, %add3A_14 : i32
    %dma_start3A_16 = arith.constant 0 : i32
    %dma_start3A_17 = tpu.memref_slice %arg4[%add3A_15, %dma_start3A_16] : memref<61440x128xf32, #tpu.memory_space<hbm>> -> memref<480x128xf32, #tpu.memory_space<hbm>>
    %dma_start3A_18 = arith.constant 0 : i32
    %dma_start3A_19 = tpu.memref_slice %arg4[%add3A_15, %dma_start3A_18] : memref<61440x128xf32, #tpu.memory_space<hbm>> -> memref<480x128xf32, #tpu.memory_space<hbm>>
    tpu.enqueue_dma source(%arg7 : memref<480x128xf32, #tpu.memory_space<vmem>>) target(%dma_start3A_19 : memref<480x128xf32, #tpu.memory_space<hbm>>) target_semaphore(%arg11 : memref<!tpu.dma_semaphore, #tpu.memory_space<semaphore_mem>>)
    %dma_wait3A_20 = arith.constant 0 : i32
    %dma_wait3A_21 = arith.constant 0 : i32
    %dma_wait3A_22 = tpu.memref_slice %arg2[%dma_wait3A_20, %dma_wait3A_21] : memref<2048x128xf32, #tpu.memory_space<hbm>> -> memref<2048x128xf32, #tpu.memory_space<hbm>>
    tpu.wait_indirect_dma semaphore(%arg10 : memref<!tpu.dma_semaphore, #tpu.memory_space<semaphore_mem>>) src(%dma_wait3A_22 : memref<2048x128xf32, #tpu.memory_space<hbm>>) dst(%arg8 : memref<480x128xf32, #tpu.memory_space<vmem>>)
    %dma_wait3A_23 = arith.constant 0 : i32
    %dma_wait3A_24 = tpu.memref_slice %arg4[%add3A_15, %dma_wait3A_23] : memref<61440x128xf32, #tpu.memory_space<hbm>> -> memref<480x128xf32, #tpu.memory_space<hbm>>
    %dma_wait3A_25 = arith.constant 0 : i32
    %dma_wait3A_26 = tpu.memref_slice %arg4[%add3A_15, %dma_wait3A_25] : memref<61440x128xf32, #tpu.memory_space<hbm>> -> memref<480x128xf32, #tpu.memory_space<hbm>>
    tpu.wait_dma2 semaphore(%arg11 : memref<!tpu.dma_semaphore, #tpu.memory_space<semaphore_mem>>) src(%arg7 : memref<480x128xf32, #tpu.memory_space<vmem>>) dst(%dma_wait3A_26 : memref<480x128xf32, #tpu.memory_space<hbm>>)
    %add3A_27 = arith.constant 960 : i32
    %add3A_28 = arith.addi %mul3A_2, %add3A_27 : i32
    "tpu.region"() ({
      %run_scoped3A = tpu.sem_alloc : memref<!tpu.dma_semaphore, #tpu.memory_space<semaphore_mem>>
      %dma_start3A_73 = tpu.memref_slice %arg3[%add3A_28] : memref<61440xi32, #tpu.memory_space<hbm>> -> memref<480xi32, #tpu.memory_space<hbm>>
      %dma_start3A_74 = tpu.memref_slice %arg3[%add3A_28] : memref<61440xi32, #tpu.memory_space<hbm>> -> memref<480xi32, #tpu.memory_space<hbm>>
      tpu.enqueue_dma source(%dma_start3A_74 : memref<480xi32, #tpu.memory_space<hbm>>) target(%arg5 : memref<480xi32, #tpu.memory_space<vmem>>) target_semaphore(%run_scoped3A : memref<!tpu.dma_semaphore, #tpu.memory_space<semaphore_mem>>)
      %dma_wait3A_75 = tpu.memref_slice %arg3[%add3A_28] : memref<61440xi32, #tpu.memory_space<hbm>> -> memref<480xi32, #tpu.memory_space<hbm>>
      %dma_wait3A_76 = tpu.memref_slice %arg3[%add3A_28] : memref<61440xi32, #tpu.memory_space<hbm>> -> memref<480xi32, #tpu.memory_space<hbm>>
      tpu.wait_dma2 semaphore(%run_scoped3A : memref<!tpu.dma_semaphore, #tpu.memory_space<semaphore_mem>>) src(%dma_wait3A_76 : memref<480xi32, #tpu.memory_space<hbm>>) dst(%arg5 : memref<480xi32, #tpu.memory_space<vmem>>)
      tpu.yield
    }) : () -> ()
    %dma_start3A_29 = arith.constant 0 : i32
    %dma_start3A_30 = arith.constant 0 : i32
    %dma_start3A_31 = tpu.memref_slice %arg2[%dma_start3A_29, %dma_start3A_30] : memref<2048x128xf32, #tpu.memory_space<hbm>> -> memref<2048x128xf32, #tpu.memory_space<hbm>>
    tpu.enqueue_indirect_dma source(%dma_start3A_31 : memref<2048x128xf32, #tpu.memory_space<hbm>>) target(%arg7 : memref<480x128xf32, #tpu.memory_space<vmem>>) offsets(%arg5 : memref<480xi32, #tpu.memory_space<vmem>>) semaphore(%arg9 : memref<!tpu.dma_semaphore, #tpu.memory_space<semaphore_mem>>)
    %add3A_32 = arith.constant 480 : i32
    %add3A_33 = arith.addi %mul3A_2, %add3A_32 : i32
    %dma_start3A_34 = arith.constant 0 : i32
    %dma_start3A_35 = tpu.memref_slice %arg4[%add3A_33, %dma_start3A_34] : memref<61440x128xf32, #tpu.memory_space<hbm>> -> memref<480x128xf32, #tpu.memory_space<hbm>>
    %dma_start3A_36 = arith.constant 0 : i32
    %dma_start3A_37 = tpu.memref_slice %arg4[%add3A_33, %dma_start3A_36] : memref<61440x128xf32, #tpu.memory_space<hbm>> -> memref<480x128xf32, #tpu.memory_space<hbm>>
    tpu.enqueue_dma source(%arg8 : memref<480x128xf32, #tpu.memory_space<vmem>>) target(%dma_start3A_37 : memref<480x128xf32, #tpu.memory_space<hbm>>) target_semaphore(%arg12 : memref<!tpu.dma_semaphore, #tpu.memory_space<semaphore_mem>>)
    %dma_wait3A_38 = arith.constant 0 : i32
    %dma_wait3A_39 = arith.constant 0 : i32
    %dma_wait3A_40 = tpu.memref_slice %arg2[%dma_wait3A_38, %dma_wait3A_39] : memref<2048x128xf32, #tpu.memory_space<hbm>> -> memref<2048x128xf32, #tpu.memory_space<hbm>>
    tpu.wait_indirect_dma semaphore(%arg9 : memref<!tpu.dma_semaphore, #tpu.memory_space<semaphore_mem>>) src(%dma_wait3A_40 : memref<2048x128xf32, #tpu.memory_space<hbm>>) dst(%arg7 : memref<480x128xf32, #tpu.memory_space<vmem>>)
    %dma_wait3A_41 = arith.constant 0 : i32
    %dma_wait3A_42 = tpu.memref_slice %arg4[%add3A_33, %dma_wait3A_41] : memref<61440x128xf32, #tpu.memory_space<hbm>> -> memref<480x128xf32, #tpu.memory_space<hbm>>
    %dma_wait3A_43 = arith.constant 0 : i32
    %dma_wait3A_44 = tpu.memref_slice %arg4[%add3A_33, %dma_wait3A_43] : memref<61440x128xf32, #tpu.memory_space<hbm>> -> memref<480x128xf32, #tpu.memory_space<hbm>>
    tpu.wait_dma2 semaphore(%arg12 : memref<!tpu.dma_semaphore, #tpu.memory_space<semaphore_mem>>) src(%arg8 : memref<480x128xf32, #tpu.memory_space<vmem>>) dst(%dma_wait3A_44 : memref<480x128xf32, #tpu.memory_space<hbm>>)
    %add3A_45 = arith.constant 1440 : i32
    %add3A_46 = arith.addi %mul3A_2, %add3A_45 : i32
    "tpu.region"() ({
      %run_scoped3A = tpu.sem_alloc : memref<!tpu.dma_semaphore, #tpu.memory_space<semaphore_mem>>
      %dma_start3A_73 = tpu.memref_slice %arg3[%add3A_46] : memref<61440xi32, #tpu.memory_space<hbm>> -> memref<480xi32, #tpu.memory_space<hbm>>
      %dma_start3A_74 = tpu.memref_slice %arg3[%add3A_46] : memref<61440xi32, #tpu.memory_space<hbm>> -> memref<480xi32, #tpu.memory_space<hbm>>
      tpu.enqueue_dma source(%dma_start3A_74 : memref<480xi32, #tpu.memory_space<hbm>>) target(%arg6 : memref<480xi32, #tpu.memory_space<vmem>>) target_semaphore(%run_scoped3A : memref<!tpu.dma_semaphore, #tpu.memory_space<semaphore_mem>>)
      %dma_wait3A_75 = tpu.memref_slice %arg3[%add3A_46] : memref<61440xi32, #tpu.memory_space<hbm>> -> memref<480xi32, #tpu.memory_space<hbm>>
      %dma_wait3A_76 = tpu.memref_slice %arg3[%add3A_46] : memref<61440xi32, #tpu.memory_space<hbm>> -> memref<480xi32, #tpu.memory_space<hbm>>
      tpu.wait_dma2 semaphore(%run_scoped3A : memref<!tpu.dma_semaphore, #tpu.memory_space<semaphore_mem>>) src(%dma_wait3A_76 : memref<480xi32, #tpu.memory_space<hbm>>) dst(%arg6 : memref<480xi32, #tpu.memory_space<vmem>>)
      tpu.yield
    }) : () -> ()
    %dma_start3A_47 = arith.constant 0 : i32
    %dma_start3A_48 = arith.constant 0 : i32
    %dma_start3A_49 = tpu.memref_slice %arg2[%dma_start3A_47, %dma_start3A_48] : memref<2048x128xf32, #tpu.memory_space<hbm>> -> memref<2048x128xf32, #tpu.memory_space<hbm>>
    tpu.enqueue_indirect_dma source(%dma_start3A_49 : memref<2048x128xf32, #tpu.memory_space<hbm>>) target(%arg8 : memref<480x128xf32, #tpu.memory_space<vmem>>) offsets(%arg6 : memref<480xi32, #tpu.memory_space<vmem>>) semaphore(%arg10 : memref<!tpu.dma_semaphore, #tpu.memory_space<semaphore_mem>>)
    %add3A_50 = arith.constant 960 : i32
    %add3A_51 = arith.addi %mul3A_2, %add3A_50 : i32
    %dma_start3A_52 = arith.constant 0 : i32
    %dma_start3A_53 = tpu.memref_slice %arg4[%add3A_51, %dma_start3A_52] : memref<61440x128xf32, #tpu.memory_space<hbm>> -> memref<480x128xf32, #tpu.memory_space<hbm>>
    %dma_start3A_54 = arith.constant 0 : i32
    %dma_start3A_55 = tpu.memref_slice %arg4[%add3A_51, %dma_start3A_54] : memref<61440x128xf32, #tpu.memory_space<hbm>> -> memref<480x128xf32, #tpu.memory_space<hbm>>
    tpu.enqueue_dma source(%arg7 : memref<480x128xf32, #tpu.memory_space<vmem>>) target(%dma_start3A_55 : memref<480x128xf32, #tpu.memory_space<hbm>>) target_semaphore(%arg11 : memref<!tpu.dma_semaphore, #tpu.memory_space<semaphore_mem>>)
    %dma_wait3A_56 = arith.constant 0 : i32
    %dma_wait3A_57 = arith.constant 0 : i32
    %dma_wait3A_58 = tpu.memref_slice %arg2[%dma_wait3A_56, %dma_wait3A_57] : memref<2048x128xf32, #tpu.memory_space<hbm>> -> memref<2048x128xf32, #tpu.memory_space<hbm>>
    tpu.wait_indirect_dma semaphore(%arg10 : memref<!tpu.dma_semaphore, #tpu.memory_space<semaphore_mem>>) src(%dma_wait3A_58 : memref<2048x128xf32, #tpu.memory_space<hbm>>) dst(%arg8 : memref<480x128xf32, #tpu.memory_space<vmem>>)
    %add3A_59 = arith.constant 1440 : i32
    %add3A_60 = arith.addi %mul3A_2, %add3A_59 : i32
    %dma_start3A_61 = arith.constant 0 : i32
    %dma_start3A_62 = tpu.memref_slice %arg4[%add3A_60, %dma_start3A_61] : memref<61440x128xf32, #tpu.memory_space<hbm>> -> memref<480x128xf32, #tpu.memory_space<hbm>>
    %dma_start3A_63 = arith.constant 0 : i32
    %dma_start3A_64 = tpu.memref_slice %arg4[%add3A_60, %dma_start3A_63] : memref<61440x128xf32, #tpu.memory_space<hbm>> -> memref<480x128xf32, #tpu.memory_space<hbm>>
    tpu.enqueue_dma source(%arg8 : memref<480x128xf32, #tpu.memory_space<vmem>>) target(%dma_start3A_64 : memref<480x128xf32, #tpu.memory_space<hbm>>) target_semaphore(%arg12 : memref<!tpu.dma_semaphore, #tpu.memory_space<semaphore_mem>>)
    %dma_wait3A_65 = arith.constant 0 : i32
    %dma_wait3A_66 = tpu.memref_slice %arg4[%add3A_51, %dma_wait3A_65] : memref<61440x128xf32, #tpu.memory_space<hbm>> -> memref<480x128xf32, #tpu.memory_space<hbm>>
    %dma_wait3A_67 = arith.constant 0 : i32
    %dma_wait3A_68 = tpu.memref_slice %arg4[%add3A_51, %dma_wait3A_67] : memref<61440x128xf32, #tpu.memory_space<hbm>> -> memref<480x128xf32, #tpu.memory_space<hbm>>
    tpu.wait_dma2 semaphore(%arg11 : memref<!tpu.dma_semaphore, #tpu.memory_space<semaphore_mem>>) src(%arg7 : memref<480x128xf32, #tpu.memory_space<vmem>>) dst(%dma_wait3A_68 : memref<480x128xf32, #tpu.memory_space<hbm>>)
    %dma_wait3A_69 = arith.constant 0 : i32
    %dma_wait3A_70 = tpu.memref_slice %arg4[%add3A_60, %dma_wait3A_69] : memref<61440x128xf32, #tpu.memory_space<hbm>> -> memref<480x128xf32, #tpu.memory_space<hbm>>
    %dma_wait3A_71 = arith.constant 0 : i32
    %dma_wait3A_72 = tpu.memref_slice %arg4[%add3A_60, %dma_wait3A_71] : memref<61440x128xf32, #tpu.memory_space<hbm>> -> memref<480x128xf32, #tpu.memory_space<hbm>>
    tpu.wait_dma2 semaphore(%arg12 : memref<!tpu.dma_semaphore, #tpu.memory_space<semaphore_mem>>) src(%arg8 : memref<480x128xf32, #tpu.memory_space<vmem>>) dst(%dma_wait3A_72 : memref<480x128xf32, #tpu.memory_space<hbm>>)
    return
  }
}

#map = affine_map<(d0, d1) -> (0, 0)>
#map1 = affine_map<(d0, d1) -> (0)>
module attributes {stable_mosaic.version = 14 : i64} {
  func.func @gk(%arg0: i32, %arg1: i32, %arg2: memref<2048x128xf32, #tpu.memory_space<hbm>>, %arg3: memref<61440xi32, #tpu.memory_space<hbm>>, %arg4: memref<61440x128xf32, #tpu.memory_space<hbm>>, %arg5: memref<480xi32, #tpu.memory_space<vmem>>, %arg6: memref<480xi32, #tpu.memory_space<vmem>>, %arg7: memref<480x128xf32, #tpu.memory_space<vmem>>, %arg8: memref<480x128xf32, #tpu.memory_space<vmem>>, %arg9: memref<!tpu.dma_semaphore, #tpu.memory_space<semaphore_mem>>, %arg10: memref<!tpu.dma_semaphore, #tpu.memory_space<semaphore_mem>>, %arg11: memref<!tpu.dma_semaphore, #tpu.memory_space<semaphore_mem>>, %arg12: memref<!tpu.dma_semaphore, #tpu.memory_space<semaphore_mem>>) attributes {dimension_semantics = [#tpu.dimension_semantics<core_parallel>, #tpu.dimension_semantics<subcore_parallel>], iteration_bounds = array<i64: 2, 16>, scalar_prefetch = 0 : i64, scratch_operands = 8 : i64, tpu.core_type = #tpu.core_type<sc_vector_subcore>, window_params = [{transform_indices = #map}, {transform_indices = #map1}, {transform_indices = #map}]} {
    %mul3A = arith.constant 2 : i32
    %mul3A_0 = arith.muli %arg1, %mul3A : i32
    %add3A = arith.addi %mul3A_0, %arg0 : i32
    %mul3A_1 = arith.constant 1920 : i32
    %mul3A_2 = arith.muli %add3A, %mul3A_1 : i32
    %add3A_3 = arith.constant 0 : i32
    %add3A_4 = arith.addi %mul3A_2, %add3A_3 : i32
    "tpu.region"() ({
      %run_scoped3A = tpu.sem_alloc : memref<!tpu.dma_semaphore, #tpu.memory_space<semaphore_mem>>
      %dma_start3A_73 = tpu.memref_slice %arg3[%add3A_4] : memref<61440xi32, #tpu.memory_space<hbm>> -> memref<480xi32, #tpu.memory_space<hbm>>
      %dma_start3A_74 = tpu.memref_slice %arg3[%add3A_4] : memref<61440xi32, #tpu.memory_space<hbm>> -> memref<480xi32, #tpu.memory_space<hbm>>
      tpu.enqueue_dma source(%dma_start3A_74 : memref<480xi32, #tpu.memory_space<hbm>>) target(%arg5 : memref<480xi32, #tpu.memory_space<vmem>>) target_semaphore(%run_scoped3A : memref<!tpu.dma_semaphore, #tpu.memory_space<semaphore_mem>>)
      %dma_wait3A_75 = tpu.memref_slice %arg3[%add3A_4] : memref<61440xi32, #tpu.memory_space<hbm>> -> memref<480xi32, #tpu.memory_space<hbm>>
      %dma_wait3A_76 = tpu.memref_slice %arg3[%add3A_4] : memref<61440xi32, #tpu.memory_space<hbm>> -> memref<480xi32, #tpu.memory_space<hbm>>
      tpu.wait_dma2 semaphore(%run_scoped3A : memref<!tpu.dma_semaphore, #tpu.memory_space<semaphore_mem>>) src(%dma_wait3A_76 : memref<480xi32, #tpu.memory_space<hbm>>) dst(%arg5 : memref<480xi32, #tpu.memory_space<vmem>>)
      tpu.yield
    }) : () -> ()
    %dma_start3A = arith.constant 0 : i32
    %dma_start3A_5 = arith.constant 0 : i32
    %dma_start3A_6 = tpu.memref_slice %arg2[%dma_start3A, %dma_start3A_5] : memref<2048x128xf32, #tpu.memory_space<hbm>> -> memref<2048x128xf32, #tpu.memory_space<hbm>>
    tpu.enqueue_indirect_dma source(%dma_start3A_6 : memref<2048x128xf32, #tpu.memory_space<hbm>>) target(%arg7 : memref<480x128xf32, #tpu.memory_space<vmem>>) offsets(%arg5 : memref<480xi32, #tpu.memory_space<vmem>>) semaphore(%arg9 : memref<!tpu.dma_semaphore, #tpu.memory_space<semaphore_mem>>)
    %dma_wait3A = arith.constant 0 : i32
    %dma_wait3A_7 = arith.constant 0 : i32
    %dma_wait3A_8 = tpu.memref_slice %arg2[%dma_wait3A, %dma_wait3A_7] : memref<2048x128xf32, #tpu.memory_space<hbm>> -> memref<2048x128xf32, #tpu.memory_space<hbm>>
    tpu.wait_indirect_dma semaphore(%arg9 : memref<!tpu.dma_semaphore, #tpu.memory_space<semaphore_mem>>) src(%dma_wait3A_8 : memref<2048x128xf32, #tpu.memory_space<hbm>>) dst(%arg7 : memref<480x128xf32, #tpu.memory_space<vmem>>)
    %add3A_9 = arith.constant 480 : i32
    %add3A_10 = arith.addi %mul3A_2, %add3A_9 : i32
    "tpu.region"() ({
      %run_scoped3A = tpu.sem_alloc : memref<!tpu.dma_semaphore, #tpu.memory_space<semaphore_mem>>
      %dma_start3A_73 = tpu.memref_slice %arg3[%add3A_10] : memref<61440xi32, #tpu.memory_space<hbm>> -> memref<480xi32, #tpu.memory_space<hbm>>
      %dma_start3A_74 = tpu.memref_slice %arg3[%add3A_10] : memref<61440xi32, #tpu.memory_space<hbm>> -> memref<480xi32, #tpu.memory_space<hbm>>
      tpu.enqueue_dma source(%dma_start3A_74 : memref<480xi32, #tpu.memory_space<hbm>>) target(%arg6 : memref<480xi32, #tpu.memory_space<vmem>>) target_semaphore(%run_scoped3A : memref<!tpu.dma_semaphore, #tpu.memory_space<semaphore_mem>>)
      %dma_wait3A_75 = tpu.memref_slice %arg3[%add3A_10] : memref<61440xi32, #tpu.memory_space<hbm>> -> memref<480xi32, #tpu.memory_space<hbm>>
      %dma_wait3A_76 = tpu.memref_slice %arg3[%add3A_10] : memref<61440xi32, #tpu.memory_space<hbm>> -> memref<480xi32, #tpu.memory_space<hbm>>
      tpu.wait_dma2 semaphore(%run_scoped3A : memref<!tpu.dma_semaphore, #tpu.memory_space<semaphore_mem>>) src(%dma_wait3A_76 : memref<480xi32, #tpu.memory_space<hbm>>) dst(%arg6 : memref<480xi32, #tpu.memory_space<vmem>>)
      tpu.yield
    }) : () -> ()
    %dma_start3A_11 = arith.constant 0 : i32
    %dma_start3A_12 = arith.constant 0 : i32
    %dma_start3A_13 = tpu.memref_slice %arg2[%dma_start3A_11, %dma_start3A_12] : memref<2048x128xf32, #tpu.memory_space<hbm>> -> memref<2048x128xf32, #tpu.memory_space<hbm>>
    tpu.enqueue_indirect_dma source(%dma_start3A_13 : memref<2048x128xf32, #tpu.memory_space<hbm>>) target(%arg8 : memref<480x128xf32, #tpu.memory_space<vmem>>) offsets(%arg6 : memref<480xi32, #tpu.memory_space<vmem>>) semaphore(%arg10 : memref<!tpu.dma_semaphore, #tpu.memory_space<semaphore_mem>>)
    %add3A_14 = arith.constant 0 : i32
    %add3A_15 = arith.addi %mul3A_2, %add3A_14 : i32
    %dma_start3A_16 = arith.constant 0 : i32
    %dma_start3A_17 = tpu.memref_slice %arg4[%add3A_15, %dma_start3A_16] : memref<61440x128xf32, #tpu.memory_space<hbm>> -> memref<480x128xf32, #tpu.memory_space<hbm>>
    %dma_start3A_18 = arith.constant 0 : i32
    %dma_start3A_19 = tpu.memref_slice %arg4[%add3A_15, %dma_start3A_18] : memref<61440x128xf32, #tpu.memory_space<hbm>> -> memref<480x128xf32, #tpu.memory_space<hbm>>
    tpu.enqueue_dma source(%arg7 : memref<480x128xf32, #tpu.memory_space<vmem>>) target(%dma_start3A_19 : memref<480x128xf32, #tpu.memory_space<hbm>>) target_semaphore(%arg11 : memref<!tpu.dma_semaphore, #tpu.memory_space<semaphore_mem>>)
    %dma_wait3A_20 = arith.constant 0 : i32
    %dma_wait3A_21 = arith.constant 0 : i32
    %dma_wait3A_22 = tpu.memref_slice %arg2[%dma_wait3A_20, %dma_wait3A_21] : memref<2048x128xf32, #tpu.memory_space<hbm>> -> memref<2048x128xf32, #tpu.memory_space<hbm>>
    tpu.wait_indirect_dma semaphore(%arg10 : memref<!tpu.dma_semaphore, #tpu.memory_space<semaphore_mem>>) src(%dma_wait3A_22 : memref<2048x128xf32, #tpu.memory_space<hbm>>) dst(%arg8 : memref<480x128xf32, #tpu.memory_space<vmem>>)
    %dma_wait3A_23 = arith.constant 0 : i32
    %dma_wait3A_24 = tpu.memref_slice %arg4[%add3A_15, %dma_wait3A_23] : memref<61440x128xf32, #tpu.memory_space<hbm>> -> memref<480x128xf32, #tpu.memory_space<hbm>>
    %dma_wait3A_25 = arith.constant 0 : i32
    %dma_wait3A_26 = tpu.memref_slice %arg4[%add3A_15, %dma_wait3A_25] : memref<61440x128xf32, #tpu.memory_space<hbm>> -> memref<480x128xf32, #tpu.memory_space<hbm>>
    tpu.wait_dma2 semaphore(%arg11 : memref<!tpu.dma_semaphore, #tpu.memory_space<semaphore_mem>>) src(%arg7 : memref<480x128xf32, #tpu.memory_space<vmem>>) dst(%dma_wait3A_26 : memref<480x128xf32, #tpu.memory_space<hbm>>)
    %add3A_27 = arith.constant 960 : i32
    %add3A_28 = arith.addi %mul3A_2, %add3A_27 : i32
    "tpu.region"() ({
      %run_scoped3A = tpu.sem_alloc : memref<!tpu.dma_semaphore, #tpu.memory_space<semaphore_mem>>
      %dma_start3A_73 = tpu.memref_slice %arg3[%add3A_28] : memref<61440xi32, #tpu.memory_space<hbm>> -> memref<480xi32, #tpu.memory_space<hbm>>
      %dma_start3A_74 = tpu.memref_slice %arg3[%add3A_28] : memref<61440xi32, #tpu.memory_space<hbm>> -> memref<480xi32, #tpu.memory_space<hbm>>
      tpu.enqueue_dma source(%dma_start3A_74 : memref<480xi32, #tpu.memory_space<hbm>>) target(%arg5 : memref<480xi32, #tpu.memory_space<vmem>>) target_semaphore(%run_scoped3A : memref<!tpu.dma_semaphore, #tpu.memory_space<semaphore_mem>>)
      %dma_wait3A_75 = tpu.memref_slice %arg3[%add3A_28] : memref<61440xi32, #tpu.memory_space<hbm>> -> memref<480xi32, #tpu.memory_space<hbm>>
      %dma_wait3A_76 = tpu.memref_slice %arg3[%add3A_28] : memref<61440xi32, #tpu.memory_space<hbm>> -> memref<480xi32, #tpu.memory_space<hbm>>
      tpu.wait_dma2 semaphore(%run_scoped3A : memref<!tpu.dma_semaphore, #tpu.memory_space<semaphore_mem>>) src(%dma_wait3A_76 : memref<480xi32, #tpu.memory_space<hbm>>) dst(%arg5 : memref<480xi32, #tpu.memory_space<vmem>>)
      tpu.yield
    }) : () -> ()
    %dma_start3A_29 = arith.constant 0 : i32
    %dma_start3A_30 = arith.constant 0 : i32
    %dma_start3A_31 = tpu.memref_slice %arg2[%dma_start3A_29, %dma_start3A_30] : memref<2048x128xf32, #tpu.memory_space<hbm>> -> memref<2048x128xf32, #tpu.memory_space<hbm>>
    tpu.enqueue_indirect_dma source(%dma_start3A_31 : memref<2048x128xf32, #tpu.memory_space<hbm>>) target(%arg7 : memref<480x128xf32, #tpu.memory_space<vmem>>) offsets(%arg5 : memref<480xi32, #tpu.memory_space<vmem>>) semaphore(%arg9 : memref<!tpu.dma_semaphore, #tpu.memory_space<semaphore_mem>>)
    %add3A_32 = arith.constant 480 : i32
    %add3A_33 = arith.addi %mul3A_2, %add3A_32 : i32
    %dma_start3A_34 = arith.constant 0 : i32
    %dma_start3A_35 = tpu.memref_slice %arg4[%add3A_33, %dma_start3A_34] : memref<61440x128xf32, #tpu.memory_space<hbm>> -> memref<480x128xf32, #tpu.memory_space<hbm>>
    %dma_start3A_36 = arith.constant 0 : i32
    %dma_start3A_37 = tpu.memref_slice %arg4[%add3A_33, %dma_start3A_36] : memref<61440x128xf32, #tpu.memory_space<hbm>> -> memref<480x128xf32, #tpu.memory_space<hbm>>
    tpu.enqueue_dma source(%arg8 : memref<480x128xf32, #tpu.memory_space<vmem>>) target(%dma_start3A_37 : memref<480x128xf32, #tpu.memory_space<hbm>>) target_semaphore(%arg12 : memref<!tpu.dma_semaphore, #tpu.memory_space<semaphore_mem>>)
    %dma_wait3A_38 = arith.constant 0 : i32
    %dma_wait3A_39 = arith.constant 0 : i32
    %dma_wait3A_40 = tpu.memref_slice %arg2[%dma_wait3A_38, %dma_wait3A_39] : memref<2048x128xf32, #tpu.memory_space<hbm>> -> memref<2048x128xf32, #tpu.memory_space<hbm>>
    tpu.wait_indirect_dma semaphore(%arg9 : memref<!tpu.dma_semaphore, #tpu.memory_space<semaphore_mem>>) src(%dma_wait3A_40 : memref<2048x128xf32, #tpu.memory_space<hbm>>) dst(%arg7 : memref<480x128xf32, #tpu.memory_space<vmem>>)
    %dma_wait3A_41 = arith.constant 0 : i32
    %dma_wait3A_42 = tpu.memref_slice %arg4[%add3A_33, %dma_wait3A_41] : memref<61440x128xf32, #tpu.memory_space<hbm>> -> memref<480x128xf32, #tpu.memory_space<hbm>>
    %dma_wait3A_43 = arith.constant 0 : i32
    %dma_wait3A_44 = tpu.memref_slice %arg4[%add3A_33, %dma_wait3A_43] : memref<61440x128xf32, #tpu.memory_space<hbm>> -> memref<480x128xf32, #tpu.memory_space<hbm>>
    tpu.wait_dma2 semaphore(%arg12 : memref<!tpu.dma_semaphore, #tpu.memory_space<semaphore_mem>>) src(%arg8 : memref<480x128xf32, #tpu.memory_space<vmem>>) dst(%dma_wait3A_44 : memref<480x128xf32, #tpu.memory_space<hbm>>)
    %add3A_45 = arith.constant 1440 : i32
    %add3A_46 = arith.addi %mul3A_2, %add3A_45 : i32
    "tpu.region"() ({
      %run_scoped3A = tpu.sem_alloc : memref<!tpu.dma_semaphore, #tpu.memory_space<semaphore_mem>>
      %dma_start3A_73 = tpu.memref_slice %arg3[%add3A_46] : memref<61440xi32, #tpu.memory_space<hbm>> -> memref<480xi32, #tpu.memory_space<hbm>>
      %dma_start3A_74 = tpu.memref_slice %arg3[%add3A_46] : memref<61440xi32, #tpu.memory_space<hbm>> -> memref<480xi32, #tpu.memory_space<hbm>>
      tpu.enqueue_dma source(%dma_start3A_74 : memref<480xi32, #tpu.memory_space<hbm>>) target(%arg6 : memref<480xi32, #tpu.memory_space<vmem>>) target_semaphore(%run_scoped3A : memref<!tpu.dma_semaphore, #tpu.memory_space<semaphore_mem>>)
      %dma_wait3A_75 = tpu.memref_slice %arg3[%add3A_46] : memref<61440xi32, #tpu.memory_space<hbm>> -> memref<480xi32, #tpu.memory_space<hbm>>
      %dma_wait3A_76 = tpu.memref_slice %arg3[%add3A_46] : memref<61440xi32, #tpu.memory_space<hbm>> -> memref<480xi32, #tpu.memory_space<hbm>>
      tpu.wait_dma2 semaphore(%run_scoped3A : memref<!tpu.dma_semaphore, #tpu.memory_space<semaphore_mem>>) src(%dma_wait3A_76 : memref<480xi32, #tpu.memory_space<hbm>>) dst(%arg6 : memref<480xi32, #tpu.memory_space<vmem>>)
      tpu.yield
    }) : () -> ()
    %dma_start3A_47 = arith.constant 0 : i32
    %dma_start3A_48 = arith.constant 0 : i32
    %dma_start3A_49 = tpu.memref_slice %arg2[%dma_start3A_47, %dma_start3A_48] : memref<2048x128xf32, #tpu.memory_space<hbm>> -> memref<2048x128xf32, #tpu.memory_space<hbm>>
    tpu.enqueue_indirect_dma source(%dma_start3A_49 : memref<2048x128xf32, #tpu.memory_space<hbm>>) target(%arg8 : memref<480x128xf32, #tpu.memory_space<vmem>>) offsets(%arg6 : memref<480xi32, #tpu.memory_space<vmem>>) semaphore(%arg10 : memref<!tpu.dma_semaphore, #tpu.memory_space<semaphore_mem>>)
    %add3A_50 = arith.constant 960 : i32
    %add3A_51 = arith.addi %mul3A_2, %add3A_50 : i32
    %dma_start3A_52 = arith.constant 0 : i32
    %dma_start3A_53 = tpu.memref_slice %arg4[%add3A_51, %dma_start3A_52] : memref<61440x128xf32, #tpu.memory_space<hbm>> -> memref<480x128xf32, #tpu.memory_space<hbm>>
    %dma_start3A_54 = arith.constant 0 : i32
    %dma_start3A_55 = tpu.memref_slice %arg4[%add3A_51, %dma_start3A_54] : memref<61440x128xf32, #tpu.memory_space<hbm>> -> memref<480x128xf32, #tpu.memory_space<hbm>>
    tpu.enqueue_dma source(%arg7 : memref<480x128xf32, #tpu.memory_space<vmem>>) target(%dma_start3A_55 : memref<480x128xf32, #tpu.memory_space<hbm>>) target_semaphore(%arg11 : memref<!tpu.dma_semaphore, #tpu.memory_space<semaphore_mem>>)
    %dma_wait3A_56 = arith.constant 0 : i32
    %dma_wait3A_57 = arith.constant 0 : i32
    %dma_wait3A_58 = tpu.memref_slice %arg2[%dma_wait3A_56, %dma_wait3A_57] : memref<2048x128xf32, #tpu.memory_space<hbm>> -> memref<2048x128xf32, #tpu.memory_space<hbm>>
    tpu.wait_indirect_dma semaphore(%arg10 : memref<!tpu.dma_semaphore, #tpu.memory_space<semaphore_mem>>) src(%dma_wait3A_58 : memref<2048x128xf32, #tpu.memory_space<hbm>>) dst(%arg8 : memref<480x128xf32, #tpu.memory_space<vmem>>)
    %add3A_59 = arith.constant 1440 : i32
    %add3A_60 = arith.addi %mul3A_2, %add3A_59 : i32
    %dma_start3A_61 = arith.constant 0 : i32
    %dma_start3A_62 = tpu.memref_slice %arg4[%add3A_60, %dma_start3A_61] : memref<61440x128xf32, #tpu.memory_space<hbm>> -> memref<480x128xf32, #tpu.memory_space<hbm>>
    %dma_start3A_63 = arith.constant 0 : i32
    %dma_start3A_64 = tpu.memref_slice %arg4[%add3A_60, %dma_start3A_63] : memref<61440x128xf32, #tpu.memory_space<hbm>> -> memref<480x128xf32, #tpu.memory_space<hbm>>
    tpu.enqueue_dma source(%arg8 : memref<480x128xf32, #tpu.memory_space<vmem>>) target(%dma_start3A_64 : memref<480x128xf32, #tpu.memory_space<hbm>>) target_semaphore(%arg12 : memref<!tpu.dma_semaphore, #tpu.memory_space<semaphore_mem>>)
    %dma_wait3A_65 = arith.constant 0 : i32
    %dma_wait3A_66 = tpu.memref_slice %arg4[%add3A_51, %dma_wait3A_65] : memref<61440x128xf32, #tpu.memory_space<hbm>> -> memref<480x128xf32, #tpu.memory_space<hbm>>
    %dma_wait3A_67 = arith.constant 0 : i32
    %dma_wait3A_68 = tpu.memref_slice %arg4[%add3A_51, %dma_wait3A_67] : memref<61440x128xf32, #tpu.memory_space<hbm>> -> memref<480x128xf32, #tpu.memory_space<hbm>>
    tpu.wait_dma2 semaphore(%arg11 : memref<!tpu.dma_semaphore, #tpu.memory_space<semaphore_mem>>) src(%arg7 : memref<480x128xf32, #tpu.memory_space<vmem>>) dst(%dma_wait3A_68 : memref<480x128xf32, #tpu.memory_space<hbm>>)
    %dma_wait3A_69 = arith.constant 0 : i32
    %dma_wait3A_70 = tpu.memref_slice %arg4[%add3A_60, %dma_wait3A_69] : memref<61440x128xf32, #tpu.memory_space<hbm>> -> memref<480x128xf32, #tpu.memory_space<hbm>>
    %dma_wait3A_71 = arith.constant 0 : i32
    %dma_wait3A_72 = tpu.memref_slice %arg4[%add3A_60, %dma_wait3A_71] : memref<61440x128xf32, #tpu.memory_space<hbm>> -> memref<480x128xf32, #tpu.memory_space<hbm>>
    tpu.wait_dma2 semaphore(%arg12 : memref<!tpu.dma_semaphore, #tpu.memory_space<semaphore_mem>>) src(%arg8 : memref<480x128xf32, #tpu.memory_space<vmem>>) dst(%dma_wait3A_72 : memref<480x128xf32, #tpu.memory_space<hbm>>)
    return
  }
}

#map = affine_map<(d0, d1) -> (0, 0)>
#map1 = affine_map<(d0, d1) -> (0)>
module attributes {stable_mosaic.version = 14 : i64} {
  func.func @gk(%arg0: i32, %arg1: i32, %arg2: memref<2048x128xf32, #tpu.memory_space<hbm>>, %arg3: memref<61440xi32, #tpu.memory_space<hbm>>, %arg4: memref<61440x128xf32, #tpu.memory_space<hbm>>, %arg5: memref<480xi32, #tpu.memory_space<vmem>>, %arg6: memref<480xi32, #tpu.memory_space<vmem>>, %arg7: memref<480x128xf32, #tpu.memory_space<vmem>>, %arg8: memref<480x128xf32, #tpu.memory_space<vmem>>, %arg9: memref<!tpu.dma_semaphore, #tpu.memory_space<semaphore_mem>>, %arg10: memref<!tpu.dma_semaphore, #tpu.memory_space<semaphore_mem>>, %arg11: memref<!tpu.dma_semaphore, #tpu.memory_space<semaphore_mem>>, %arg12: memref<!tpu.dma_semaphore, #tpu.memory_space<semaphore_mem>>) attributes {dimension_semantics = [#tpu.dimension_semantics<core_parallel>, #tpu.dimension_semantics<subcore_parallel>], iteration_bounds = array<i64: 2, 16>, scalar_prefetch = 0 : i64, scratch_operands = 8 : i64, tpu.core_type = #tpu.core_type<sc_vector_subcore>, window_params = [{transform_indices = #map}, {transform_indices = #map1}, {transform_indices = #map}]} {
    %mul3A = arith.constant 2 : i32
    %mul3A_0 = arith.muli %arg1, %mul3A : i32
    %add3A = arith.addi %mul3A_0, %arg0 : i32
    %mul3A_1 = arith.constant 1920 : i32
    %mul3A_2 = arith.muli %add3A, %mul3A_1 : i32
    %add3A_3 = arith.constant 0 : i32
    %add3A_4 = arith.addi %mul3A_2, %add3A_3 : i32
    "tpu.region"() ({
      %run_scoped3A = tpu.sem_alloc : memref<!tpu.dma_semaphore, #tpu.memory_space<semaphore_mem>>
      %dma_start3A_73 = tpu.memref_slice %arg3[%add3A_4] : memref<61440xi32, #tpu.memory_space<hbm>> -> memref<480xi32, #tpu.memory_space<hbm>>
      %dma_start3A_74 = tpu.memref_slice %arg3[%add3A_4] : memref<61440xi32, #tpu.memory_space<hbm>> -> memref<480xi32, #tpu.memory_space<hbm>>
      tpu.enqueue_dma source(%dma_start3A_74 : memref<480xi32, #tpu.memory_space<hbm>>) target(%arg5 : memref<480xi32, #tpu.memory_space<vmem>>) target_semaphore(%run_scoped3A : memref<!tpu.dma_semaphore, #tpu.memory_space<semaphore_mem>>)
      %dma_wait3A_75 = tpu.memref_slice %arg3[%add3A_4] : memref<61440xi32, #tpu.memory_space<hbm>> -> memref<480xi32, #tpu.memory_space<hbm>>
      %dma_wait3A_76 = tpu.memref_slice %arg3[%add3A_4] : memref<61440xi32, #tpu.memory_space<hbm>> -> memref<480xi32, #tpu.memory_space<hbm>>
      tpu.wait_dma2 semaphore(%run_scoped3A : memref<!tpu.dma_semaphore, #tpu.memory_space<semaphore_mem>>) src(%dma_wait3A_76 : memref<480xi32, #tpu.memory_space<hbm>>) dst(%arg5 : memref<480xi32, #tpu.memory_space<vmem>>)
      tpu.yield
    }) : () -> ()
    %dma_start3A = arith.constant 0 : i32
    %dma_start3A_5 = arith.constant 0 : i32
    %dma_start3A_6 = tpu.memref_slice %arg2[%dma_start3A, %dma_start3A_5] : memref<2048x128xf32, #tpu.memory_space<hbm>> -> memref<2048x128xf32, #tpu.memory_space<hbm>>
    tpu.enqueue_indirect_dma source(%dma_start3A_6 : memref<2048x128xf32, #tpu.memory_space<hbm>>) target(%arg7 : memref<480x128xf32, #tpu.memory_space<vmem>>) offsets(%arg5 : memref<480xi32, #tpu.memory_space<vmem>>) semaphore(%arg9 : memref<!tpu.dma_semaphore, #tpu.memory_space<semaphore_mem>>)
    %dma_wait3A = arith.constant 0 : i32
    %dma_wait3A_7 = arith.constant 0 : i32
    %dma_wait3A_8 = tpu.memref_slice %arg2[%dma_wait3A, %dma_wait3A_7] : memref<2048x128xf32, #tpu.memory_space<hbm>> -> memref<2048x128xf32, #tpu.memory_space<hbm>>
    tpu.wait_indirect_dma semaphore(%arg9 : memref<!tpu.dma_semaphore, #tpu.memory_space<semaphore_mem>>) src(%dma_wait3A_8 : memref<2048x128xf32, #tpu.memory_space<hbm>>) dst(%arg7 : memref<480x128xf32, #tpu.memory_space<vmem>>)
    %add3A_9 = arith.constant 480 : i32
    %add3A_10 = arith.addi %mul3A_2, %add3A_9 : i32
    "tpu.region"() ({
      %run_scoped3A = tpu.sem_alloc : memref<!tpu.dma_semaphore, #tpu.memory_space<semaphore_mem>>
      %dma_start3A_73 = tpu.memref_slice %arg3[%add3A_10] : memref<61440xi32, #tpu.memory_space<hbm>> -> memref<480xi32, #tpu.memory_space<hbm>>
      %dma_start3A_74 = tpu.memref_slice %arg3[%add3A_10] : memref<61440xi32, #tpu.memory_space<hbm>> -> memref<480xi32, #tpu.memory_space<hbm>>
      tpu.enqueue_dma source(%dma_start3A_74 : memref<480xi32, #tpu.memory_space<hbm>>) target(%arg6 : memref<480xi32, #tpu.memory_space<vmem>>) target_semaphore(%run_scoped3A : memref<!tpu.dma_semaphore, #tpu.memory_space<semaphore_mem>>)
      %dma_wait3A_75 = tpu.memref_slice %arg3[%add3A_10] : memref<61440xi32, #tpu.memory_space<hbm>> -> memref<480xi32, #tpu.memory_space<hbm>>
      %dma_wait3A_76 = tpu.memref_slice %arg3[%add3A_10] : memref<61440xi32, #tpu.memory_space<hbm>> -> memref<480xi32, #tpu.memory_space<hbm>>
      tpu.wait_dma2 semaphore(%run_scoped3A : memref<!tpu.dma_semaphore, #tpu.memory_space<semaphore_mem>>) src(%dma_wait3A_76 : memref<480xi32, #tpu.memory_space<hbm>>) dst(%arg6 : memref<480xi32, #tpu.memory_space<vmem>>)
      tpu.yield
    }) : () -> ()
    %dma_start3A_11 = arith.constant 0 : i32
    %dma_start3A_12 = arith.constant 0 : i32
    %dma_start3A_13 = tpu.memref_slice %arg2[%dma_start3A_11, %dma_start3A_12] : memref<2048x128xf32, #tpu.memory_space<hbm>> -> memref<2048x128xf32, #tpu.memory_space<hbm>>
    tpu.enqueue_indirect_dma source(%dma_start3A_13 : memref<2048x128xf32, #tpu.memory_space<hbm>>) target(%arg8 : memref<480x128xf32, #tpu.memory_space<vmem>>) offsets(%arg6 : memref<480xi32, #tpu.memory_space<vmem>>) semaphore(%arg10 : memref<!tpu.dma_semaphore, #tpu.memory_space<semaphore_mem>>)
    %add3A_14 = arith.constant 0 : i32
    %add3A_15 = arith.addi %mul3A_2, %add3A_14 : i32
    %dma_start3A_16 = arith.constant 0 : i32
    %dma_start3A_17 = tpu.memref_slice %arg4[%add3A_15, %dma_start3A_16] : memref<61440x128xf32, #tpu.memory_space<hbm>> -> memref<480x128xf32, #tpu.memory_space<hbm>>
    %dma_start3A_18 = arith.constant 0 : i32
    %dma_start3A_19 = tpu.memref_slice %arg4[%add3A_15, %dma_start3A_18] : memref<61440x128xf32, #tpu.memory_space<hbm>> -> memref<480x128xf32, #tpu.memory_space<hbm>>
    tpu.enqueue_dma source(%arg7 : memref<480x128xf32, #tpu.memory_space<vmem>>) target(%dma_start3A_19 : memref<480x128xf32, #tpu.memory_space<hbm>>) target_semaphore(%arg11 : memref<!tpu.dma_semaphore, #tpu.memory_space<semaphore_mem>>)
    %dma_wait3A_20 = arith.constant 0 : i32
    %dma_wait3A_21 = arith.constant 0 : i32
    %dma_wait3A_22 = tpu.memref_slice %arg2[%dma_wait3A_20, %dma_wait3A_21] : memref<2048x128xf32, #tpu.memory_space<hbm>> -> memref<2048x128xf32, #tpu.memory_space<hbm>>
    tpu.wait_indirect_dma semaphore(%arg10 : memref<!tpu.dma_semaphore, #tpu.memory_space<semaphore_mem>>) src(%dma_wait3A_22 : memref<2048x128xf32, #tpu.memory_space<hbm>>) dst(%arg8 : memref<480x128xf32, #tpu.memory_space<vmem>>)
    %dma_wait3A_23 = arith.constant 0 : i32
    %dma_wait3A_24 = tpu.memref_slice %arg4[%add3A_15, %dma_wait3A_23] : memref<61440x128xf32, #tpu.memory_space<hbm>> -> memref<480x128xf32, #tpu.memory_space<hbm>>
    %dma_wait3A_25 = arith.constant 0 : i32
    %dma_wait3A_26 = tpu.memref_slice %arg4[%add3A_15, %dma_wait3A_25] : memref<61440x128xf32, #tpu.memory_space<hbm>> -> memref<480x128xf32, #tpu.memory_space<hbm>>
    tpu.wait_dma2 semaphore(%arg11 : memref<!tpu.dma_semaphore, #tpu.memory_space<semaphore_mem>>) src(%arg7 : memref<480x128xf32, #tpu.memory_space<vmem>>) dst(%dma_wait3A_26 : memref<480x128xf32, #tpu.memory_space<hbm>>)
    %add3A_27 = arith.constant 960 : i32
    %add3A_28 = arith.addi %mul3A_2, %add3A_27 : i32
    "tpu.region"() ({
      %run_scoped3A = tpu.sem_alloc : memref<!tpu.dma_semaphore, #tpu.memory_space<semaphore_mem>>
      %dma_start3A_73 = tpu.memref_slice %arg3[%add3A_28] : memref<61440xi32, #tpu.memory_space<hbm>> -> memref<480xi32, #tpu.memory_space<hbm>>
      %dma_start3A_74 = tpu.memref_slice %arg3[%add3A_28] : memref<61440xi32, #tpu.memory_space<hbm>> -> memref<480xi32, #tpu.memory_space<hbm>>
      tpu.enqueue_dma source(%dma_start3A_74 : memref<480xi32, #tpu.memory_space<hbm>>) target(%arg5 : memref<480xi32, #tpu.memory_space<vmem>>) target_semaphore(%run_scoped3A : memref<!tpu.dma_semaphore, #tpu.memory_space<semaphore_mem>>)
      %dma_wait3A_75 = tpu.memref_slice %arg3[%add3A_28] : memref<61440xi32, #tpu.memory_space<hbm>> -> memref<480xi32, #tpu.memory_space<hbm>>
      %dma_wait3A_76 = tpu.memref_slice %arg3[%add3A_28] : memref<61440xi32, #tpu.memory_space<hbm>> -> memref<480xi32, #tpu.memory_space<hbm>>
      tpu.wait_dma2 semaphore(%run_scoped3A : memref<!tpu.dma_semaphore, #tpu.memory_space<semaphore_mem>>) src(%dma_wait3A_76 : memref<480xi32, #tpu.memory_space<hbm>>) dst(%arg5 : memref<480xi32, #tpu.memory_space<vmem>>)
      tpu.yield
    }) : () -> ()
    %dma_start3A_29 = arith.constant 0 : i32
    %dma_start3A_30 = arith.constant 0 : i32
    %dma_start3A_31 = tpu.memref_slice %arg2[%dma_start3A_29, %dma_start3A_30] : memref<2048x128xf32, #tpu.memory_space<hbm>> -> memref<2048x128xf32, #tpu.memory_space<hbm>>
    tpu.enqueue_indirect_dma source(%dma_start3A_31 : memref<2048x128xf32, #tpu.memory_space<hbm>>) target(%arg7 : memref<480x128xf32, #tpu.memory_space<vmem>>) offsets(%arg5 : memref<480xi32, #tpu.memory_space<vmem>>) semaphore(%arg9 : memref<!tpu.dma_semaphore, #tpu.memory_space<semaphore_mem>>)
    %add3A_32 = arith.constant 480 : i32
    %add3A_33 = arith.addi %mul3A_2, %add3A_32 : i32
    %dma_start3A_34 = arith.constant 0 : i32
    %dma_start3A_35 = tpu.memref_slice %arg4[%add3A_33, %dma_start3A_34] : memref<61440x128xf32, #tpu.memory_space<hbm>> -> memref<480x128xf32, #tpu.memory_space<hbm>>
    %dma_start3A_36 = arith.constant 0 : i32
    %dma_start3A_37 = tpu.memref_slice %arg4[%add3A_33, %dma_start3A_36] : memref<61440x128xf32, #tpu.memory_space<hbm>> -> memref<480x128xf32, #tpu.memory_space<hbm>>
    tpu.enqueue_dma source(%arg8 : memref<480x128xf32, #tpu.memory_space<vmem>>) target(%dma_start3A_37 : memref<480x128xf32, #tpu.memory_space<hbm>>) target_semaphore(%arg12 : memref<!tpu.dma_semaphore, #tpu.memory_space<semaphore_mem>>)
    %dma_wait3A_38 = arith.constant 0 : i32
    %dma_wait3A_39 = arith.constant 0 : i32
    %dma_wait3A_40 = tpu.memref_slice %arg2[%dma_wait3A_38, %dma_wait3A_39] : memref<2048x128xf32, #tpu.memory_space<hbm>> -> memref<2048x128xf32, #tpu.memory_space<hbm>>
    tpu.wait_indirect_dma semaphore(%arg9 : memref<!tpu.dma_semaphore, #tpu.memory_space<semaphore_mem>>) src(%dma_wait3A_40 : memref<2048x128xf32, #tpu.memory_space<hbm>>) dst(%arg7 : memref<480x128xf32, #tpu.memory_space<vmem>>)
    %dma_wait3A_41 = arith.constant 0 : i32
    %dma_wait3A_42 = tpu.memref_slice %arg4[%add3A_33, %dma_wait3A_41] : memref<61440x128xf32, #tpu.memory_space<hbm>> -> memref<480x128xf32, #tpu.memory_space<hbm>>
    %dma_wait3A_43 = arith.constant 0 : i32
    %dma_wait3A_44 = tpu.memref_slice %arg4[%add3A_33, %dma_wait3A_43] : memref<61440x128xf32, #tpu.memory_space<hbm>> -> memref<480x128xf32, #tpu.memory_space<hbm>>
    tpu.wait_dma2 semaphore(%arg12 : memref<!tpu.dma_semaphore, #tpu.memory_space<semaphore_mem>>) src(%arg8 : memref<480x128xf32, #tpu.memory_space<vmem>>) dst(%dma_wait3A_44 : memref<480x128xf32, #tpu.memory_space<hbm>>)
    %add3A_45 = arith.constant 1440 : i32
    %add3A_46 = arith.addi %mul3A_2, %add3A_45 : i32
    "tpu.region"() ({
      %run_scoped3A = tpu.sem_alloc : memref<!tpu.dma_semaphore, #tpu.memory_space<semaphore_mem>>
      %dma_start3A_73 = tpu.memref_slice %arg3[%add3A_46] : memref<61440xi32, #tpu.memory_space<hbm>> -> memref<480xi32, #tpu.memory_space<hbm>>
      %dma_start3A_74 = tpu.memref_slice %arg3[%add3A_46] : memref<61440xi32, #tpu.memory_space<hbm>> -> memref<480xi32, #tpu.memory_space<hbm>>
      tpu.enqueue_dma source(%dma_start3A_74 : memref<480xi32, #tpu.memory_space<hbm>>) target(%arg6 : memref<480xi32, #tpu.memory_space<vmem>>) target_semaphore(%run_scoped3A : memref<!tpu.dma_semaphore, #tpu.memory_space<semaphore_mem>>)
      %dma_wait3A_75 = tpu.memref_slice %arg3[%add3A_46] : memref<61440xi32, #tpu.memory_space<hbm>> -> memref<480xi32, #tpu.memory_space<hbm>>
      %dma_wait3A_76 = tpu.memref_slice %arg3[%add3A_46] : memref<61440xi32, #tpu.memory_space<hbm>> -> memref<480xi32, #tpu.memory_space<hbm>>
      tpu.wait_dma2 semaphore(%run_scoped3A : memref<!tpu.dma_semaphore, #tpu.memory_space<semaphore_mem>>) src(%dma_wait3A_76 : memref<480xi32, #tpu.memory_space<hbm>>) dst(%arg6 : memref<480xi32, #tpu.memory_space<vmem>>)
      tpu.yield
    }) : () -> ()
    %dma_start3A_47 = arith.constant 0 : i32
    %dma_start3A_48 = arith.constant 0 : i32
    %dma_start3A_49 = tpu.memref_slice %arg2[%dma_start3A_47, %dma_start3A_48] : memref<2048x128xf32, #tpu.memory_space<hbm>> -> memref<2048x128xf32, #tpu.memory_space<hbm>>
    tpu.enqueue_indirect_dma source(%dma_start3A_49 : memref<2048x128xf32, #tpu.memory_space<hbm>>) target(%arg8 : memref<480x128xf32, #tpu.memory_space<vmem>>) offsets(%arg6 : memref<480xi32, #tpu.memory_space<vmem>>) semaphore(%arg10 : memref<!tpu.dma_semaphore, #tpu.memory_space<semaphore_mem>>)
    %add3A_50 = arith.constant 960 : i32
    %add3A_51 = arith.addi %mul3A_2, %add3A_50 : i32
    %dma_start3A_52 = arith.constant 0 : i32
    %dma_start3A_53 = tpu.memref_slice %arg4[%add3A_51, %dma_start3A_52] : memref<61440x128xf32, #tpu.memory_space<hbm>> -> memref<480x128xf32, #tpu.memory_space<hbm>>
    %dma_start3A_54 = arith.constant 0 : i32
    %dma_start3A_55 = tpu.memref_slice %arg4[%add3A_51, %dma_start3A_54] : memref<61440x128xf32, #tpu.memory_space<hbm>> -> memref<480x128xf32, #tpu.memory_space<hbm>>
    tpu.enqueue_dma source(%arg7 : memref<480x128xf32, #tpu.memory_space<vmem>>) target(%dma_start3A_55 : memref<480x128xf32, #tpu.memory_space<hbm>>) target_semaphore(%arg11 : memref<!tpu.dma_semaphore, #tpu.memory_space<semaphore_mem>>)
    %dma_wait3A_56 = arith.constant 0 : i32
    %dma_wait3A_57 = arith.constant 0 : i32
    %dma_wait3A_58 = tpu.memref_slice %arg2[%dma_wait3A_56, %dma_wait3A_57] : memref<2048x128xf32, #tpu.memory_space<hbm>> -> memref<2048x128xf32, #tpu.memory_space<hbm>>
    tpu.wait_indirect_dma semaphore(%arg10 : memref<!tpu.dma_semaphore, #tpu.memory_space<semaphore_mem>>) src(%dma_wait3A_58 : memref<2048x128xf32, #tpu.memory_space<hbm>>) dst(%arg8 : memref<480x128xf32, #tpu.memory_space<vmem>>)
    %add3A_59 = arith.constant 1440 : i32
    %add3A_60 = arith.addi %mul3A_2, %add3A_59 : i32
    %dma_start3A_61 = arith.constant 0 : i32
    %dma_start3A_62 = tpu.memref_slice %arg4[%add3A_60, %dma_start3A_61] : memref<61440x128xf32, #tpu.memory_space<hbm>> -> memref<480x128xf32, #tpu.memory_space<hbm>>
    %dma_start3A_63 = arith.constant 0 : i32
    %dma_start3A_64 = tpu.memref_slice %arg4[%add3A_60, %dma_start3A_63] : memref<61440x128xf32, #tpu.memory_space<hbm>> -> memref<480x128xf32, #tpu.memory_space<hbm>>
    tpu.enqueue_dma source(%arg8 : memref<480x128xf32, #tpu.memory_space<vmem>>) target(%dma_start3A_64 : memref<480x128xf32, #tpu.memory_space<hbm>>) target_semaphore(%arg12 : memref<!tpu.dma_semaphore, #tpu.memory_space<semaphore_mem>>)
    %dma_wait3A_65 = arith.constant 0 : i32
    %dma_wait3A_66 = tpu.memref_slice %arg4[%add3A_51, %dma_wait3A_65] : memref<61440x128xf32, #tpu.memory_space<hbm>> -> memref<480x128xf32, #tpu.memory_space<hbm>>
    %dma_wait3A_67 = arith.constant 0 : i32
    %dma_wait3A_68 = tpu.memref_slice %arg4[%add3A_51, %dma_wait3A_67] : memref<61440x128xf32, #tpu.memory_space<hbm>> -> memref<480x128xf32, #tpu.memory_space<hbm>>
    tpu.wait_dma2 semaphore(%arg11 : memref<!tpu.dma_semaphore, #tpu.memory_space<semaphore_mem>>) src(%arg7 : memref<480x128xf32, #tpu.memory_space<vmem>>) dst(%dma_wait3A_68 : memref<480x128xf32, #tpu.memory_space<hbm>>)
    %dma_wait3A_69 = arith.constant 0 : i32
    %dma_wait3A_70 = tpu.memref_slice %arg4[%add3A_60, %dma_wait3A_69] : memref<61440x128xf32, #tpu.memory_space<hbm>> -> memref<480x128xf32, #tpu.memory_space<hbm>>
    %dma_wait3A_71 = arith.constant 0 : i32
    %dma_wait3A_72 = tpu.memref_slice %arg4[%add3A_60, %dma_wait3A_71] : memref<61440x128xf32, #tpu.memory_space<hbm>> -> memref<480x128xf32, #tpu.memory_space<hbm>>
    tpu.wait_dma2 semaphore(%arg12 : memref<!tpu.dma_semaphore, #tpu.memory_space<semaphore_mem>>) src(%arg8 : memref<480x128xf32, #tpu.memory_space<vmem>>) dst(%dma_wait3A_72 : memref<480x128xf32, #tpu.memory_space<hbm>>)
    return
  }
}

#map = affine_map<(d0, d1) -> (0, 0)>
#map1 = affine_map<(d0, d1) -> (0)>
module attributes {stable_mosaic.version = 14 : i64} {
  func.func @gk(%arg0: i32, %arg1: i32, %arg2: memref<2048x128xf32, #tpu.memory_space<hbm>>, %arg3: memref<61440xi32, #tpu.memory_space<hbm>>, %arg4: memref<61440x128xf32, #tpu.memory_space<hbm>>, %arg5: memref<480xi32, #tpu.memory_space<vmem>>, %arg6: memref<480xi32, #tpu.memory_space<vmem>>, %arg7: memref<480x128xf32, #tpu.memory_space<vmem>>, %arg8: memref<480x128xf32, #tpu.memory_space<vmem>>, %arg9: memref<!tpu.dma_semaphore, #tpu.memory_space<semaphore_mem>>, %arg10: memref<!tpu.dma_semaphore, #tpu.memory_space<semaphore_mem>>, %arg11: memref<!tpu.dma_semaphore, #tpu.memory_space<semaphore_mem>>, %arg12: memref<!tpu.dma_semaphore, #tpu.memory_space<semaphore_mem>>) attributes {dimension_semantics = [#tpu.dimension_semantics<core_parallel>, #tpu.dimension_semantics<subcore_parallel>], iteration_bounds = array<i64: 2, 16>, scalar_prefetch = 0 : i64, scratch_operands = 8 : i64, tpu.core_type = #tpu.core_type<sc_vector_subcore>, window_params = [{transform_indices = #map}, {transform_indices = #map1}, {transform_indices = #map}]} {
    %mul3A = arith.constant 2 : i32
    %mul3A_0 = arith.muli %arg1, %mul3A : i32
    %add3A = arith.addi %mul3A_0, %arg0 : i32
    %mul3A_1 = arith.constant 1920 : i32
    %mul3A_2 = arith.muli %add3A, %mul3A_1 : i32
    %add3A_3 = arith.constant 0 : i32
    %add3A_4 = arith.addi %mul3A_2, %add3A_3 : i32
    "tpu.region"() ({
      %run_scoped3A = tpu.sem_alloc : memref<!tpu.dma_semaphore, #tpu.memory_space<semaphore_mem>>
      %dma_start3A_73 = tpu.memref_slice %arg3[%add3A_4] : memref<61440xi32, #tpu.memory_space<hbm>> -> memref<480xi32, #tpu.memory_space<hbm>>
      %dma_start3A_74 = tpu.memref_slice %arg3[%add3A_4] : memref<61440xi32, #tpu.memory_space<hbm>> -> memref<480xi32, #tpu.memory_space<hbm>>
      tpu.enqueue_dma source(%dma_start3A_74 : memref<480xi32, #tpu.memory_space<hbm>>) target(%arg5 : memref<480xi32, #tpu.memory_space<vmem>>) target_semaphore(%run_scoped3A : memref<!tpu.dma_semaphore, #tpu.memory_space<semaphore_mem>>)
      %dma_wait3A_75 = tpu.memref_slice %arg3[%add3A_4] : memref<61440xi32, #tpu.memory_space<hbm>> -> memref<480xi32, #tpu.memory_space<hbm>>
      %dma_wait3A_76 = tpu.memref_slice %arg3[%add3A_4] : memref<61440xi32, #tpu.memory_space<hbm>> -> memref<480xi32, #tpu.memory_space<hbm>>
      tpu.wait_dma2 semaphore(%run_scoped3A : memref<!tpu.dma_semaphore, #tpu.memory_space<semaphore_mem>>) src(%dma_wait3A_76 : memref<480xi32, #tpu.memory_space<hbm>>) dst(%arg5 : memref<480xi32, #tpu.memory_space<vmem>>)
      tpu.yield
    }) : () -> ()
    %dma_start3A = arith.constant 0 : i32
    %dma_start3A_5 = arith.constant 0 : i32
    %dma_start3A_6 = tpu.memref_slice %arg2[%dma_start3A, %dma_start3A_5] : memref<2048x128xf32, #tpu.memory_space<hbm>> -> memref<2048x128xf32, #tpu.memory_space<hbm>>
    tpu.enqueue_indirect_dma source(%dma_start3A_6 : memref<2048x128xf32, #tpu.memory_space<hbm>>) target(%arg7 : memref<480x128xf32, #tpu.memory_space<vmem>>) offsets(%arg5 : memref<480xi32, #tpu.memory_space<vmem>>) semaphore(%arg9 : memref<!tpu.dma_semaphore, #tpu.memory_space<semaphore_mem>>)
    %dma_wait3A = arith.constant 0 : i32
    %dma_wait3A_7 = arith.constant 0 : i32
    %dma_wait3A_8 = tpu.memref_slice %arg2[%dma_wait3A, %dma_wait3A_7] : memref<2048x128xf32, #tpu.memory_space<hbm>> -> memref<2048x128xf32, #tpu.memory_space<hbm>>
    tpu.wait_indirect_dma semaphore(%arg9 : memref<!tpu.dma_semaphore, #tpu.memory_space<semaphore_mem>>) src(%dma_wait3A_8 : memref<2048x128xf32, #tpu.memory_space<hbm>>) dst(%arg7 : memref<480x128xf32, #tpu.memory_space<vmem>>)
    %add3A_9 = arith.constant 480 : i32
    %add3A_10 = arith.addi %mul3A_2, %add3A_9 : i32
    "tpu.region"() ({
      %run_scoped3A = tpu.sem_alloc : memref<!tpu.dma_semaphore, #tpu.memory_space<semaphore_mem>>
      %dma_start3A_73 = tpu.memref_slice %arg3[%add3A_10] : memref<61440xi32, #tpu.memory_space<hbm>> -> memref<480xi32, #tpu.memory_space<hbm>>
      %dma_start3A_74 = tpu.memref_slice %arg3[%add3A_10] : memref<61440xi32, #tpu.memory_space<hbm>> -> memref<480xi32, #tpu.memory_space<hbm>>
      tpu.enqueue_dma source(%dma_start3A_74 : memref<480xi32, #tpu.memory_space<hbm>>) target(%arg6 : memref<480xi32, #tpu.memory_space<vmem>>) target_semaphore(%run_scoped3A : memref<!tpu.dma_semaphore, #tpu.memory_space<semaphore_mem>>)
      %dma_wait3A_75 = tpu.memref_slice %arg3[%add3A_10] : memref<61440xi32, #tpu.memory_space<hbm>> -> memref<480xi32, #tpu.memory_space<hbm>>
      %dma_wait3A_76 = tpu.memref_slice %arg3[%add3A_10] : memref<61440xi32, #tpu.memory_space<hbm>> -> memref<480xi32, #tpu.memory_space<hbm>>
      tpu.wait_dma2 semaphore(%run_scoped3A : memref<!tpu.dma_semaphore, #tpu.memory_space<semaphore_mem>>) src(%dma_wait3A_76 : memref<480xi32, #tpu.memory_space<hbm>>) dst(%arg6 : memref<480xi32, #tpu.memory_space<vmem>>)
      tpu.yield
    }) : () -> ()
    %dma_start3A_11 = arith.constant 0 : i32
    %dma_start3A_12 = arith.constant 0 : i32
    %dma_start3A_13 = tpu.memref_slice %arg2[%dma_start3A_11, %dma_start3A_12] : memref<2048x128xf32, #tpu.memory_space<hbm>> -> memref<2048x128xf32, #tpu.memory_space<hbm>>
    tpu.enqueue_indirect_dma source(%dma_start3A_13 : memref<2048x128xf32, #tpu.memory_space<hbm>>) target(%arg8 : memref<480x128xf32, #tpu.memory_space<vmem>>) offsets(%arg6 : memref<480xi32, #tpu.memory_space<vmem>>) semaphore(%arg10 : memref<!tpu.dma_semaphore, #tpu.memory_space<semaphore_mem>>)
    %add3A_14 = arith.constant 0 : i32
    %add3A_15 = arith.addi %mul3A_2, %add3A_14 : i32
    %dma_start3A_16 = arith.constant 0 : i32
    %dma_start3A_17 = tpu.memref_slice %arg4[%add3A_15, %dma_start3A_16] : memref<61440x128xf32, #tpu.memory_space<hbm>> -> memref<480x128xf32, #tpu.memory_space<hbm>>
    %dma_start3A_18 = arith.constant 0 : i32
    %dma_start3A_19 = tpu.memref_slice %arg4[%add3A_15, %dma_start3A_18] : memref<61440x128xf32, #tpu.memory_space<hbm>> -> memref<480x128xf32, #tpu.memory_space<hbm>>
    tpu.enqueue_dma source(%arg7 : memref<480x128xf32, #tpu.memory_space<vmem>>) target(%dma_start3A_19 : memref<480x128xf32, #tpu.memory_space<hbm>>) target_semaphore(%arg11 : memref<!tpu.dma_semaphore, #tpu.memory_space<semaphore_mem>>)
    %dma_wait3A_20 = arith.constant 0 : i32
    %dma_wait3A_21 = arith.constant 0 : i32
    %dma_wait3A_22 = tpu.memref_slice %arg2[%dma_wait3A_20, %dma_wait3A_21] : memref<2048x128xf32, #tpu.memory_space<hbm>> -> memref<2048x128xf32, #tpu.memory_space<hbm>>
    tpu.wait_indirect_dma semaphore(%arg10 : memref<!tpu.dma_semaphore, #tpu.memory_space<semaphore_mem>>) src(%dma_wait3A_22 : memref<2048x128xf32, #tpu.memory_space<hbm>>) dst(%arg8 : memref<480x128xf32, #tpu.memory_space<vmem>>)
    %dma_wait3A_23 = arith.constant 0 : i32
    %dma_wait3A_24 = tpu.memref_slice %arg4[%add3A_15, %dma_wait3A_23] : memref<61440x128xf32, #tpu.memory_space<hbm>> -> memref<480x128xf32, #tpu.memory_space<hbm>>
    %dma_wait3A_25 = arith.constant 0 : i32
    %dma_wait3A_26 = tpu.memref_slice %arg4[%add3A_15, %dma_wait3A_25] : memref<61440x128xf32, #tpu.memory_space<hbm>> -> memref<480x128xf32, #tpu.memory_space<hbm>>
    tpu.wait_dma2 semaphore(%arg11 : memref<!tpu.dma_semaphore, #tpu.memory_space<semaphore_mem>>) src(%arg7 : memref<480x128xf32, #tpu.memory_space<vmem>>) dst(%dma_wait3A_26 : memref<480x128xf32, #tpu.memory_space<hbm>>)
    %add3A_27 = arith.constant 960 : i32
    %add3A_28 = arith.addi %mul3A_2, %add3A_27 : i32
    "tpu.region"() ({
      %run_scoped3A = tpu.sem_alloc : memref<!tpu.dma_semaphore, #tpu.memory_space<semaphore_mem>>
      %dma_start3A_73 = tpu.memref_slice %arg3[%add3A_28] : memref<61440xi32, #tpu.memory_space<hbm>> -> memref<480xi32, #tpu.memory_space<hbm>>
      %dma_start3A_74 = tpu.memref_slice %arg3[%add3A_28] : memref<61440xi32, #tpu.memory_space<hbm>> -> memref<480xi32, #tpu.memory_space<hbm>>
      tpu.enqueue_dma source(%dma_start3A_74 : memref<480xi32, #tpu.memory_space<hbm>>) target(%arg5 : memref<480xi32, #tpu.memory_space<vmem>>) target_semaphore(%run_scoped3A : memref<!tpu.dma_semaphore, #tpu.memory_space<semaphore_mem>>)
      %dma_wait3A_75 = tpu.memref_slice %arg3[%add3A_28] : memref<61440xi32, #tpu.memory_space<hbm>> -> memref<480xi32, #tpu.memory_space<hbm>>
      %dma_wait3A_76 = tpu.memref_slice %arg3[%add3A_28] : memref<61440xi32, #tpu.memory_space<hbm>> -> memref<480xi32, #tpu.memory_space<hbm>>
      tpu.wait_dma2 semaphore(%run_scoped3A : memref<!tpu.dma_semaphore, #tpu.memory_space<semaphore_mem>>) src(%dma_wait3A_76 : memref<480xi32, #tpu.memory_space<hbm>>) dst(%arg5 : memref<480xi32, #tpu.memory_space<vmem>>)
      tpu.yield
    }) : () -> ()
    %dma_start3A_29 = arith.constant 0 : i32
    %dma_start3A_30 = arith.constant 0 : i32
    %dma_start3A_31 = tpu.memref_slice %arg2[%dma_start3A_29, %dma_start3A_30] : memref<2048x128xf32, #tpu.memory_space<hbm>> -> memref<2048x128xf32, #tpu.memory_space<hbm>>
    tpu.enqueue_indirect_dma source(%dma_start3A_31 : memref<2048x128xf32, #tpu.memory_space<hbm>>) target(%arg7 : memref<480x128xf32, #tpu.memory_space<vmem>>) offsets(%arg5 : memref<480xi32, #tpu.memory_space<vmem>>) semaphore(%arg9 : memref<!tpu.dma_semaphore, #tpu.memory_space<semaphore_mem>>)
    %add3A_32 = arith.constant 480 : i32
    %add3A_33 = arith.addi %mul3A_2, %add3A_32 : i32
    %dma_start3A_34 = arith.constant 0 : i32
    %dma_start3A_35 = tpu.memref_slice %arg4[%add3A_33, %dma_start3A_34] : memref<61440x128xf32, #tpu.memory_space<hbm>> -> memref<480x128xf32, #tpu.memory_space<hbm>>
    %dma_start3A_36 = arith.constant 0 : i32
    %dma_start3A_37 = tpu.memref_slice %arg4[%add3A_33, %dma_start3A_36] : memref<61440x128xf32, #tpu.memory_space<hbm>> -> memref<480x128xf32, #tpu.memory_space<hbm>>
    tpu.enqueue_dma source(%arg8 : memref<480x128xf32, #tpu.memory_space<vmem>>) target(%dma_start3A_37 : memref<480x128xf32, #tpu.memory_space<hbm>>) target_semaphore(%arg12 : memref<!tpu.dma_semaphore, #tpu.memory_space<semaphore_mem>>)
    %dma_wait3A_38 = arith.constant 0 : i32
    %dma_wait3A_39 = arith.constant 0 : i32
    %dma_wait3A_40 = tpu.memref_slice %arg2[%dma_wait3A_38, %dma_wait3A_39] : memref<2048x128xf32, #tpu.memory_space<hbm>> -> memref<2048x128xf32, #tpu.memory_space<hbm>>
    tpu.wait_indirect_dma semaphore(%arg9 : memref<!tpu.dma_semaphore, #tpu.memory_space<semaphore_mem>>) src(%dma_wait3A_40 : memref<2048x128xf32, #tpu.memory_space<hbm>>) dst(%arg7 : memref<480x128xf32, #tpu.memory_space<vmem>>)
    %dma_wait3A_41 = arith.constant 0 : i32
    %dma_wait3A_42 = tpu.memref_slice %arg4[%add3A_33, %dma_wait3A_41] : memref<61440x128xf32, #tpu.memory_space<hbm>> -> memref<480x128xf32, #tpu.memory_space<hbm>>
    %dma_wait3A_43 = arith.constant 0 : i32
    %dma_wait3A_44 = tpu.memref_slice %arg4[%add3A_33, %dma_wait3A_43] : memref<61440x128xf32, #tpu.memory_space<hbm>> -> memref<480x128xf32, #tpu.memory_space<hbm>>
    tpu.wait_dma2 semaphore(%arg12 : memref<!tpu.dma_semaphore, #tpu.memory_space<semaphore_mem>>) src(%arg8 : memref<480x128xf32, #tpu.memory_space<vmem>>) dst(%dma_wait3A_44 : memref<480x128xf32, #tpu.memory_space<hbm>>)
    %add3A_45 = arith.constant 1440 : i32
    %add3A_46 = arith.addi %mul3A_2, %add3A_45 : i32
    "tpu.region"() ({
      %run_scoped3A = tpu.sem_alloc : memref<!tpu.dma_semaphore, #tpu.memory_space<semaphore_mem>>
      %dma_start3A_73 = tpu.memref_slice %arg3[%add3A_46] : memref<61440xi32, #tpu.memory_space<hbm>> -> memref<480xi32, #tpu.memory_space<hbm>>
      %dma_start3A_74 = tpu.memref_slice %arg3[%add3A_46] : memref<61440xi32, #tpu.memory_space<hbm>> -> memref<480xi32, #tpu.memory_space<hbm>>
      tpu.enqueue_dma source(%dma_start3A_74 : memref<480xi32, #tpu.memory_space<hbm>>) target(%arg6 : memref<480xi32, #tpu.memory_space<vmem>>) target_semaphore(%run_scoped3A : memref<!tpu.dma_semaphore, #tpu.memory_space<semaphore_mem>>)
      %dma_wait3A_75 = tpu.memref_slice %arg3[%add3A_46] : memref<61440xi32, #tpu.memory_space<hbm>> -> memref<480xi32, #tpu.memory_space<hbm>>
      %dma_wait3A_76 = tpu.memref_slice %arg3[%add3A_46] : memref<61440xi32, #tpu.memory_space<hbm>> -> memref<480xi32, #tpu.memory_space<hbm>>
      tpu.wait_dma2 semaphore(%run_scoped3A : memref<!tpu.dma_semaphore, #tpu.memory_space<semaphore_mem>>) src(%dma_wait3A_76 : memref<480xi32, #tpu.memory_space<hbm>>) dst(%arg6 : memref<480xi32, #tpu.memory_space<vmem>>)
      tpu.yield
    }) : () -> ()
    %dma_start3A_47 = arith.constant 0 : i32
    %dma_start3A_48 = arith.constant 0 : i32
    %dma_start3A_49 = tpu.memref_slice %arg2[%dma_start3A_47, %dma_start3A_48] : memref<2048x128xf32, #tpu.memory_space<hbm>> -> memref<2048x128xf32, #tpu.memory_space<hbm>>
    tpu.enqueue_indirect_dma source(%dma_start3A_49 : memref<2048x128xf32, #tpu.memory_space<hbm>>) target(%arg8 : memref<480x128xf32, #tpu.memory_space<vmem>>) offsets(%arg6 : memref<480xi32, #tpu.memory_space<vmem>>) semaphore(%arg10 : memref<!tpu.dma_semaphore, #tpu.memory_space<semaphore_mem>>)
    %add3A_50 = arith.constant 960 : i32
    %add3A_51 = arith.addi %mul3A_2, %add3A_50 : i32
    %dma_start3A_52 = arith.constant 0 : i32
    %dma_start3A_53 = tpu.memref_slice %arg4[%add3A_51, %dma_start3A_52] : memref<61440x128xf32, #tpu.memory_space<hbm>> -> memref<480x128xf32, #tpu.memory_space<hbm>>
    %dma_start3A_54 = arith.constant 0 : i32
    %dma_start3A_55 = tpu.memref_slice %arg4[%add3A_51, %dma_start3A_54] : memref<61440x128xf32, #tpu.memory_space<hbm>> -> memref<480x128xf32, #tpu.memory_space<hbm>>
    tpu.enqueue_dma source(%arg7 : memref<480x128xf32, #tpu.memory_space<vmem>>) target(%dma_start3A_55 : memref<480x128xf32, #tpu.memory_space<hbm>>) target_semaphore(%arg11 : memref<!tpu.dma_semaphore, #tpu.memory_space<semaphore_mem>>)
    %dma_wait3A_56 = arith.constant 0 : i32
    %dma_wait3A_57 = arith.constant 0 : i32
    %dma_wait3A_58 = tpu.memref_slice %arg2[%dma_wait3A_56, %dma_wait3A_57] : memref<2048x128xf32, #tpu.memory_space<hbm>> -> memref<2048x128xf32, #tpu.memory_space<hbm>>
    tpu.wait_indirect_dma semaphore(%arg10 : memref<!tpu.dma_semaphore, #tpu.memory_space<semaphore_mem>>) src(%dma_wait3A_58 : memref<2048x128xf32, #tpu.memory_space<hbm>>) dst(%arg8 : memref<480x128xf32, #tpu.memory_space<vmem>>)
    %add3A_59 = arith.constant 1440 : i32
    %add3A_60 = arith.addi %mul3A_2, %add3A_59 : i32
    %dma_start3A_61 = arith.constant 0 : i32
    %dma_start3A_62 = tpu.memref_slice %arg4[%add3A_60, %dma_start3A_61] : memref<61440x128xf32, #tpu.memory_space<hbm>> -> memref<480x128xf32, #tpu.memory_space<hbm>>
    %dma_start3A_63 = arith.constant 0 : i32
    %dma_start3A_64 = tpu.memref_slice %arg4[%add3A_60, %dma_start3A_63] : memref<61440x128xf32, #tpu.memory_space<hbm>> -> memref<480x128xf32, #tpu.memory_space<hbm>>
    tpu.enqueue_dma source(%arg8 : memref<480x128xf32, #tpu.memory_space<vmem>>) target(%dma_start3A_64 : memref<480x128xf32, #tpu.memory_space<hbm>>) target_semaphore(%arg12 : memref<!tpu.dma_semaphore, #tpu.memory_space<semaphore_mem>>)
    %dma_wait3A_65 = arith.constant 0 : i32
    %dma_wait3A_66 = tpu.memref_slice %arg4[%add3A_51, %dma_wait3A_65] : memref<61440x128xf32, #tpu.memory_space<hbm>> -> memref<480x128xf32, #tpu.memory_space<hbm>>
    %dma_wait3A_67 = arith.constant 0 : i32
    %dma_wait3A_68 = tpu.memref_slice %arg4[%add3A_51, %dma_wait3A_67] : memref<61440x128xf32, #tpu.memory_space<hbm>> -> memref<480x128xf32, #tpu.memory_space<hbm>>
    tpu.wait_dma2 semaphore(%arg11 : memref<!tpu.dma_semaphore, #tpu.memory_space<semaphore_mem>>) src(%arg7 : memref<480x128xf32, #tpu.memory_space<vmem>>) dst(%dma_wait3A_68 : memref<480x128xf32, #tpu.memory_space<hbm>>)
    %dma_wait3A_69 = arith.constant 0 : i32
    %dma_wait3A_70 = tpu.memref_slice %arg4[%add3A_60, %dma_wait3A_69] : memref<61440x128xf32, #tpu.memory_space<hbm>> -> memref<480x128xf32, #tpu.memory_space<hbm>>
    %dma_wait3A_71 = arith.constant 0 : i32
    %dma_wait3A_72 = tpu.memref_slice %arg4[%add3A_60, %dma_wait3A_71] : memref<61440x128xf32, #tpu.memory_space<hbm>> -> memref<480x128xf32, #tpu.memory_space<hbm>>
    tpu.wait_dma2 semaphore(%arg12 : memref<!tpu.dma_semaphore, #tpu.memory_space<semaphore_mem>>) src(%arg8 : memref<480x128xf32, #tpu.memory_space<vmem>>) dst(%dma_wait3A_72 : memref<480x128xf32, #tpu.memory_space<hbm>>)
    return
  }
}

#map = affine_map<(d0, d1) -> (0, 0)>
#map1 = affine_map<(d0, d1) -> (0)>
module attributes {stable_mosaic.version = 14 : i64} {
  func.func @gk(%arg0: i32, %arg1: i32, %arg2: memref<2048x128xf32, #tpu.memory_space<hbm>>, %arg3: memref<61440xi32, #tpu.memory_space<hbm>>, %arg4: memref<61440x128xf32, #tpu.memory_space<hbm>>, %arg5: memref<480xi32, #tpu.memory_space<vmem>>, %arg6: memref<480xi32, #tpu.memory_space<vmem>>, %arg7: memref<480x128xf32, #tpu.memory_space<vmem>>, %arg8: memref<480x128xf32, #tpu.memory_space<vmem>>, %arg9: memref<!tpu.dma_semaphore, #tpu.memory_space<semaphore_mem>>, %arg10: memref<!tpu.dma_semaphore, #tpu.memory_space<semaphore_mem>>, %arg11: memref<!tpu.dma_semaphore, #tpu.memory_space<semaphore_mem>>, %arg12: memref<!tpu.dma_semaphore, #tpu.memory_space<semaphore_mem>>) attributes {dimension_semantics = [#tpu.dimension_semantics<core_parallel>, #tpu.dimension_semantics<subcore_parallel>], iteration_bounds = array<i64: 2, 16>, scalar_prefetch = 0 : i64, scratch_operands = 8 : i64, tpu.core_type = #tpu.core_type<sc_vector_subcore>, window_params = [{transform_indices = #map}, {transform_indices = #map1}, {transform_indices = #map}]} {
    %mul3A = arith.constant 2 : i32
    %mul3A_0 = arith.muli %arg1, %mul3A : i32
    %add3A = arith.addi %mul3A_0, %arg0 : i32
    %mul3A_1 = arith.constant 1920 : i32
    %mul3A_2 = arith.muli %add3A, %mul3A_1 : i32
    %add3A_3 = arith.constant 0 : i32
    %add3A_4 = arith.addi %mul3A_2, %add3A_3 : i32
    "tpu.region"() ({
      %run_scoped3A = tpu.sem_alloc : memref<!tpu.dma_semaphore, #tpu.memory_space<semaphore_mem>>
      %dma_start3A_73 = tpu.memref_slice %arg3[%add3A_4] : memref<61440xi32, #tpu.memory_space<hbm>> -> memref<480xi32, #tpu.memory_space<hbm>>
      %dma_start3A_74 = tpu.memref_slice %arg3[%add3A_4] : memref<61440xi32, #tpu.memory_space<hbm>> -> memref<480xi32, #tpu.memory_space<hbm>>
      tpu.enqueue_dma source(%dma_start3A_74 : memref<480xi32, #tpu.memory_space<hbm>>) target(%arg5 : memref<480xi32, #tpu.memory_space<vmem>>) target_semaphore(%run_scoped3A : memref<!tpu.dma_semaphore, #tpu.memory_space<semaphore_mem>>)
      %dma_wait3A_75 = tpu.memref_slice %arg3[%add3A_4] : memref<61440xi32, #tpu.memory_space<hbm>> -> memref<480xi32, #tpu.memory_space<hbm>>
      %dma_wait3A_76 = tpu.memref_slice %arg3[%add3A_4] : memref<61440xi32, #tpu.memory_space<hbm>> -> memref<480xi32, #tpu.memory_space<hbm>>
      tpu.wait_dma2 semaphore(%run_scoped3A : memref<!tpu.dma_semaphore, #tpu.memory_space<semaphore_mem>>) src(%dma_wait3A_76 : memref<480xi32, #tpu.memory_space<hbm>>) dst(%arg5 : memref<480xi32, #tpu.memory_space<vmem>>)
      tpu.yield
    }) : () -> ()
    %dma_start3A = arith.constant 0 : i32
    %dma_start3A_5 = arith.constant 0 : i32
    %dma_start3A_6 = tpu.memref_slice %arg2[%dma_start3A, %dma_start3A_5] : memref<2048x128xf32, #tpu.memory_space<hbm>> -> memref<2048x128xf32, #tpu.memory_space<hbm>>
    tpu.enqueue_indirect_dma source(%dma_start3A_6 : memref<2048x128xf32, #tpu.memory_space<hbm>>) target(%arg7 : memref<480x128xf32, #tpu.memory_space<vmem>>) offsets(%arg5 : memref<480xi32, #tpu.memory_space<vmem>>) semaphore(%arg9 : memref<!tpu.dma_semaphore, #tpu.memory_space<semaphore_mem>>)
    %dma_wait3A = arith.constant 0 : i32
    %dma_wait3A_7 = arith.constant 0 : i32
    %dma_wait3A_8 = tpu.memref_slice %arg2[%dma_wait3A, %dma_wait3A_7] : memref<2048x128xf32, #tpu.memory_space<hbm>> -> memref<2048x128xf32, #tpu.memory_space<hbm>>
    tpu.wait_indirect_dma semaphore(%arg9 : memref<!tpu.dma_semaphore, #tpu.memory_space<semaphore_mem>>) src(%dma_wait3A_8 : memref<2048x128xf32, #tpu.memory_space<hbm>>) dst(%arg7 : memref<480x128xf32, #tpu.memory_space<vmem>>)
    %add3A_9 = arith.constant 480 : i32
    %add3A_10 = arith.addi %mul3A_2, %add3A_9 : i32
    "tpu.region"() ({
      %run_scoped3A = tpu.sem_alloc : memref<!tpu.dma_semaphore, #tpu.memory_space<semaphore_mem>>
      %dma_start3A_73 = tpu.memref_slice %arg3[%add3A_10] : memref<61440xi32, #tpu.memory_space<hbm>> -> memref<480xi32, #tpu.memory_space<hbm>>
      %dma_start3A_74 = tpu.memref_slice %arg3[%add3A_10] : memref<61440xi32, #tpu.memory_space<hbm>> -> memref<480xi32, #tpu.memory_space<hbm>>
      tpu.enqueue_dma source(%dma_start3A_74 : memref<480xi32, #tpu.memory_space<hbm>>) target(%arg6 : memref<480xi32, #tpu.memory_space<vmem>>) target_semaphore(%run_scoped3A : memref<!tpu.dma_semaphore, #tpu.memory_space<semaphore_mem>>)
      %dma_wait3A_75 = tpu.memref_slice %arg3[%add3A_10] : memref<61440xi32, #tpu.memory_space<hbm>> -> memref<480xi32, #tpu.memory_space<hbm>>
      %dma_wait3A_76 = tpu.memref_slice %arg3[%add3A_10] : memref<61440xi32, #tpu.memory_space<hbm>> -> memref<480xi32, #tpu.memory_space<hbm>>
      tpu.wait_dma2 semaphore(%run_scoped3A : memref<!tpu.dma_semaphore, #tpu.memory_space<semaphore_mem>>) src(%dma_wait3A_76 : memref<480xi32, #tpu.memory_space<hbm>>) dst(%arg6 : memref<480xi32, #tpu.memory_space<vmem>>)
      tpu.yield
    }) : () -> ()
    %dma_start3A_11 = arith.constant 0 : i32
    %dma_start3A_12 = arith.constant 0 : i32
    %dma_start3A_13 = tpu.memref_slice %arg2[%dma_start3A_11, %dma_start3A_12] : memref<2048x128xf32, #tpu.memory_space<hbm>> -> memref<2048x128xf32, #tpu.memory_space<hbm>>
    tpu.enqueue_indirect_dma source(%dma_start3A_13 : memref<2048x128xf32, #tpu.memory_space<hbm>>) target(%arg8 : memref<480x128xf32, #tpu.memory_space<vmem>>) offsets(%arg6 : memref<480xi32, #tpu.memory_space<vmem>>) semaphore(%arg10 : memref<!tpu.dma_semaphore, #tpu.memory_space<semaphore_mem>>)
    %add3A_14 = arith.constant 0 : i32
    %add3A_15 = arith.addi %mul3A_2, %add3A_14 : i32
    %dma_start3A_16 = arith.constant 0 : i32
    %dma_start3A_17 = tpu.memref_slice %arg4[%add3A_15, %dma_start3A_16] : memref<61440x128xf32, #tpu.memory_space<hbm>> -> memref<480x128xf32, #tpu.memory_space<hbm>>
    %dma_start3A_18 = arith.constant 0 : i32
    %dma_start3A_19 = tpu.memref_slice %arg4[%add3A_15, %dma_start3A_18] : memref<61440x128xf32, #tpu.memory_space<hbm>> -> memref<480x128xf32, #tpu.memory_space<hbm>>
    tpu.enqueue_dma source(%arg7 : memref<480x128xf32, #tpu.memory_space<vmem>>) target(%dma_start3A_19 : memref<480x128xf32, #tpu.memory_space<hbm>>) target_semaphore(%arg11 : memref<!tpu.dma_semaphore, #tpu.memory_space<semaphore_mem>>)
    %dma_wait3A_20 = arith.constant 0 : i32
    %dma_wait3A_21 = arith.constant 0 : i32
    %dma_wait3A_22 = tpu.memref_slice %arg2[%dma_wait3A_20, %dma_wait3A_21] : memref<2048x128xf32, #tpu.memory_space<hbm>> -> memref<2048x128xf32, #tpu.memory_space<hbm>>
    tpu.wait_indirect_dma semaphore(%arg10 : memref<!tpu.dma_semaphore, #tpu.memory_space<semaphore_mem>>) src(%dma_wait3A_22 : memref<2048x128xf32, #tpu.memory_space<hbm>>) dst(%arg8 : memref<480x128xf32, #tpu.memory_space<vmem>>)
    %dma_wait3A_23 = arith.constant 0 : i32
    %dma_wait3A_24 = tpu.memref_slice %arg4[%add3A_15, %dma_wait3A_23] : memref<61440x128xf32, #tpu.memory_space<hbm>> -> memref<480x128xf32, #tpu.memory_space<hbm>>
    %dma_wait3A_25 = arith.constant 0 : i32
    %dma_wait3A_26 = tpu.memref_slice %arg4[%add3A_15, %dma_wait3A_25] : memref<61440x128xf32, #tpu.memory_space<hbm>> -> memref<480x128xf32, #tpu.memory_space<hbm>>
    tpu.wait_dma2 semaphore(%arg11 : memref<!tpu.dma_semaphore, #tpu.memory_space<semaphore_mem>>) src(%arg7 : memref<480x128xf32, #tpu.memory_space<vmem>>) dst(%dma_wait3A_26 : memref<480x128xf32, #tpu.memory_space<hbm>>)
    %add3A_27 = arith.constant 960 : i32
    %add3A_28 = arith.addi %mul3A_2, %add3A_27 : i32
    "tpu.region"() ({
      %run_scoped3A = tpu.sem_alloc : memref<!tpu.dma_semaphore, #tpu.memory_space<semaphore_mem>>
      %dma_start3A_73 = tpu.memref_slice %arg3[%add3A_28] : memref<61440xi32, #tpu.memory_space<hbm>> -> memref<480xi32, #tpu.memory_space<hbm>>
      %dma_start3A_74 = tpu.memref_slice %arg3[%add3A_28] : memref<61440xi32, #tpu.memory_space<hbm>> -> memref<480xi32, #tpu.memory_space<hbm>>
      tpu.enqueue_dma source(%dma_start3A_74 : memref<480xi32, #tpu.memory_space<hbm>>) target(%arg5 : memref<480xi32, #tpu.memory_space<vmem>>) target_semaphore(%run_scoped3A : memref<!tpu.dma_semaphore, #tpu.memory_space<semaphore_mem>>)
      %dma_wait3A_75 = tpu.memref_slice %arg3[%add3A_28] : memref<61440xi32, #tpu.memory_space<hbm>> -> memref<480xi32, #tpu.memory_space<hbm>>
      %dma_wait3A_76 = tpu.memref_slice %arg3[%add3A_28] : memref<61440xi32, #tpu.memory_space<hbm>> -> memref<480xi32, #tpu.memory_space<hbm>>
      tpu.wait_dma2 semaphore(%run_scoped3A : memref<!tpu.dma_semaphore, #tpu.memory_space<semaphore_mem>>) src(%dma_wait3A_76 : memref<480xi32, #tpu.memory_space<hbm>>) dst(%arg5 : memref<480xi32, #tpu.memory_space<vmem>>)
      tpu.yield
    }) : () -> ()
    %dma_start3A_29 = arith.constant 0 : i32
    %dma_start3A_30 = arith.constant 0 : i32
    %dma_start3A_31 = tpu.memref_slice %arg2[%dma_start3A_29, %dma_start3A_30] : memref<2048x128xf32, #tpu.memory_space<hbm>> -> memref<2048x128xf32, #tpu.memory_space<hbm>>
    tpu.enqueue_indirect_dma source(%dma_start3A_31 : memref<2048x128xf32, #tpu.memory_space<hbm>>) target(%arg7 : memref<480x128xf32, #tpu.memory_space<vmem>>) offsets(%arg5 : memref<480xi32, #tpu.memory_space<vmem>>) semaphore(%arg9 : memref<!tpu.dma_semaphore, #tpu.memory_space<semaphore_mem>>)
    %add3A_32 = arith.constant 480 : i32
    %add3A_33 = arith.addi %mul3A_2, %add3A_32 : i32
    %dma_start3A_34 = arith.constant 0 : i32
    %dma_start3A_35 = tpu.memref_slice %arg4[%add3A_33, %dma_start3A_34] : memref<61440x128xf32, #tpu.memory_space<hbm>> -> memref<480x128xf32, #tpu.memory_space<hbm>>
    %dma_start3A_36 = arith.constant 0 : i32
    %dma_start3A_37 = tpu.memref_slice %arg4[%add3A_33, %dma_start3A_36] : memref<61440x128xf32, #tpu.memory_space<hbm>> -> memref<480x128xf32, #tpu.memory_space<hbm>>
    tpu.enqueue_dma source(%arg8 : memref<480x128xf32, #tpu.memory_space<vmem>>) target(%dma_start3A_37 : memref<480x128xf32, #tpu.memory_space<hbm>>) target_semaphore(%arg12 : memref<!tpu.dma_semaphore, #tpu.memory_space<semaphore_mem>>)
    %dma_wait3A_38 = arith.constant 0 : i32
    %dma_wait3A_39 = arith.constant 0 : i32
    %dma_wait3A_40 = tpu.memref_slice %arg2[%dma_wait3A_38, %dma_wait3A_39] : memref<2048x128xf32, #tpu.memory_space<hbm>> -> memref<2048x128xf32, #tpu.memory_space<hbm>>
    tpu.wait_indirect_dma semaphore(%arg9 : memref<!tpu.dma_semaphore, #tpu.memory_space<semaphore_mem>>) src(%dma_wait3A_40 : memref<2048x128xf32, #tpu.memory_space<hbm>>) dst(%arg7 : memref<480x128xf32, #tpu.memory_space<vmem>>)
    %dma_wait3A_41 = arith.constant 0 : i32
    %dma_wait3A_42 = tpu.memref_slice %arg4[%add3A_33, %dma_wait3A_41] : memref<61440x128xf32, #tpu.memory_space<hbm>> -> memref<480x128xf32, #tpu.memory_space<hbm>>
    %dma_wait3A_43 = arith.constant 0 : i32
    %dma_wait3A_44 = tpu.memref_slice %arg4[%add3A_33, %dma_wait3A_43] : memref<61440x128xf32, #tpu.memory_space<hbm>> -> memref<480x128xf32, #tpu.memory_space<hbm>>
    tpu.wait_dma2 semaphore(%arg12 : memref<!tpu.dma_semaphore, #tpu.memory_space<semaphore_mem>>) src(%arg8 : memref<480x128xf32, #tpu.memory_space<vmem>>) dst(%dma_wait3A_44 : memref<480x128xf32, #tpu.memory_space<hbm>>)
    %add3A_45 = arith.constant 1440 : i32
    %add3A_46 = arith.addi %mul3A_2, %add3A_45 : i32
    "tpu.region"() ({
      %run_scoped3A = tpu.sem_alloc : memref<!tpu.dma_semaphore, #tpu.memory_space<semaphore_mem>>
      %dma_start3A_73 = tpu.memref_slice %arg3[%add3A_46] : memref<61440xi32, #tpu.memory_space<hbm>> -> memref<480xi32, #tpu.memory_space<hbm>>
      %dma_start3A_74 = tpu.memref_slice %arg3[%add3A_46] : memref<61440xi32, #tpu.memory_space<hbm>> -> memref<480xi32, #tpu.memory_space<hbm>>
      tpu.enqueue_dma source(%dma_start3A_74 : memref<480xi32, #tpu.memory_space<hbm>>) target(%arg6 : memref<480xi32, #tpu.memory_space<vmem>>) target_semaphore(%run_scoped3A : memref<!tpu.dma_semaphore, #tpu.memory_space<semaphore_mem>>)
      %dma_wait3A_75 = tpu.memref_slice %arg3[%add3A_46] : memref<61440xi32, #tpu.memory_space<hbm>> -> memref<480xi32, #tpu.memory_space<hbm>>
      %dma_wait3A_76 = tpu.memref_slice %arg3[%add3A_46] : memref<61440xi32, #tpu.memory_space<hbm>> -> memref<480xi32, #tpu.memory_space<hbm>>
      tpu.wait_dma2 semaphore(%run_scoped3A : memref<!tpu.dma_semaphore, #tpu.memory_space<semaphore_mem>>) src(%dma_wait3A_76 : memref<480xi32, #tpu.memory_space<hbm>>) dst(%arg6 : memref<480xi32, #tpu.memory_space<vmem>>)
      tpu.yield
    }) : () -> ()
    %dma_start3A_47 = arith.constant 0 : i32
    %dma_start3A_48 = arith.constant 0 : i32
    %dma_start3A_49 = tpu.memref_slice %arg2[%dma_start3A_47, %dma_start3A_48] : memref<2048x128xf32, #tpu.memory_space<hbm>> -> memref<2048x128xf32, #tpu.memory_space<hbm>>
    tpu.enqueue_indirect_dma source(%dma_start3A_49 : memref<2048x128xf32, #tpu.memory_space<hbm>>) target(%arg8 : memref<480x128xf32, #tpu.memory_space<vmem>>) offsets(%arg6 : memref<480xi32, #tpu.memory_space<vmem>>) semaphore(%arg10 : memref<!tpu.dma_semaphore, #tpu.memory_space<semaphore_mem>>)
    %add3A_50 = arith.constant 960 : i32
    %add3A_51 = arith.addi %mul3A_2, %add3A_50 : i32
    %dma_start3A_52 = arith.constant 0 : i32
    %dma_start3A_53 = tpu.memref_slice %arg4[%add3A_51, %dma_start3A_52] : memref<61440x128xf32, #tpu.memory_space<hbm>> -> memref<480x128xf32, #tpu.memory_space<hbm>>
    %dma_start3A_54 = arith.constant 0 : i32
    %dma_start3A_55 = tpu.memref_slice %arg4[%add3A_51, %dma_start3A_54] : memref<61440x128xf32, #tpu.memory_space<hbm>> -> memref<480x128xf32, #tpu.memory_space<hbm>>
    tpu.enqueue_dma source(%arg7 : memref<480x128xf32, #tpu.memory_space<vmem>>) target(%dma_start3A_55 : memref<480x128xf32, #tpu.memory_space<hbm>>) target_semaphore(%arg11 : memref<!tpu.dma_semaphore, #tpu.memory_space<semaphore_mem>>)
    %dma_wait3A_56 = arith.constant 0 : i32
    %dma_wait3A_57 = arith.constant 0 : i32
    %dma_wait3A_58 = tpu.memref_slice %arg2[%dma_wait3A_56, %dma_wait3A_57] : memref<2048x128xf32, #tpu.memory_space<hbm>> -> memref<2048x128xf32, #tpu.memory_space<hbm>>
    tpu.wait_indirect_dma semaphore(%arg10 : memref<!tpu.dma_semaphore, #tpu.memory_space<semaphore_mem>>) src(%dma_wait3A_58 : memref<2048x128xf32, #tpu.memory_space<hbm>>) dst(%arg8 : memref<480x128xf32, #tpu.memory_space<vmem>>)
    %add3A_59 = arith.constant 1440 : i32
    %add3A_60 = arith.addi %mul3A_2, %add3A_59 : i32
    %dma_start3A_61 = arith.constant 0 : i32
    %dma_start3A_62 = tpu.memref_slice %arg4[%add3A_60, %dma_start3A_61] : memref<61440x128xf32, #tpu.memory_space<hbm>> -> memref<480x128xf32, #tpu.memory_space<hbm>>
    %dma_start3A_63 = arith.constant 0 : i32
    %dma_start3A_64 = tpu.memref_slice %arg4[%add3A_60, %dma_start3A_63] : memref<61440x128xf32, #tpu.memory_space<hbm>> -> memref<480x128xf32, #tpu.memory_space<hbm>>
    tpu.enqueue_dma source(%arg8 : memref<480x128xf32, #tpu.memory_space<vmem>>) target(%dma_start3A_64 : memref<480x128xf32, #tpu.memory_space<hbm>>) target_semaphore(%arg12 : memref<!tpu.dma_semaphore, #tpu.memory_space<semaphore_mem>>)
    %dma_wait3A_65 = arith.constant 0 : i32
    %dma_wait3A_66 = tpu.memref_slice %arg4[%add3A_51, %dma_wait3A_65] : memref<61440x128xf32, #tpu.memory_space<hbm>> -> memref<480x128xf32, #tpu.memory_space<hbm>>
    %dma_wait3A_67 = arith.constant 0 : i32
    %dma_wait3A_68 = tpu.memref_slice %arg4[%add3A_51, %dma_wait3A_67] : memref<61440x128xf32, #tpu.memory_space<hbm>> -> memref<480x128xf32, #tpu.memory_space<hbm>>
    tpu.wait_dma2 semaphore(%arg11 : memref<!tpu.dma_semaphore, #tpu.memory_space<semaphore_mem>>) src(%arg7 : memref<480x128xf32, #tpu.memory_space<vmem>>) dst(%dma_wait3A_68 : memref<480x128xf32, #tpu.memory_space<hbm>>)
    %dma_wait3A_69 = arith.constant 0 : i32
    %dma_wait3A_70 = tpu.memref_slice %arg4[%add3A_60, %dma_wait3A_69] : memref<61440x128xf32, #tpu.memory_space<hbm>> -> memref<480x128xf32, #tpu.memory_space<hbm>>
    %dma_wait3A_71 = arith.constant 0 : i32
    %dma_wait3A_72 = tpu.memref_slice %arg4[%add3A_60, %dma_wait3A_71] : memref<61440x128xf32, #tpu.memory_space<hbm>> -> memref<480x128xf32, #tpu.memory_space<hbm>>
    tpu.wait_dma2 semaphore(%arg12 : memref<!tpu.dma_semaphore, #tpu.memory_space<semaphore_mem>>) src(%arg8 : memref<480x128xf32, #tpu.memory_space<vmem>>) dst(%dma_wait3A_72 : memref<480x128xf32, #tpu.memory_space<hbm>>)
    return
  }
}

#map = affine_map<(d0, d1) -> (0, 0)>
#map1 = affine_map<(d0, d1) -> (0)>
module attributes {stable_mosaic.version = 14 : i64} {
  func.func @gk(%arg0: i32, %arg1: i32, %arg2: memref<2048x128xf32, #tpu.memory_space<hbm>>, %arg3: memref<61440xi32, #tpu.memory_space<hbm>>, %arg4: memref<61440x128xf32, #tpu.memory_space<hbm>>, %arg5: memref<480xi32, #tpu.memory_space<vmem>>, %arg6: memref<480xi32, #tpu.memory_space<vmem>>, %arg7: memref<480x128xf32, #tpu.memory_space<vmem>>, %arg8: memref<480x128xf32, #tpu.memory_space<vmem>>, %arg9: memref<!tpu.dma_semaphore, #tpu.memory_space<semaphore_mem>>, %arg10: memref<!tpu.dma_semaphore, #tpu.memory_space<semaphore_mem>>, %arg11: memref<!tpu.dma_semaphore, #tpu.memory_space<semaphore_mem>>, %arg12: memref<!tpu.dma_semaphore, #tpu.memory_space<semaphore_mem>>) attributes {dimension_semantics = [#tpu.dimension_semantics<core_parallel>, #tpu.dimension_semantics<subcore_parallel>], iteration_bounds = array<i64: 2, 16>, scalar_prefetch = 0 : i64, scratch_operands = 8 : i64, tpu.core_type = #tpu.core_type<sc_vector_subcore>, window_params = [{transform_indices = #map}, {transform_indices = #map1}, {transform_indices = #map}]} {
    %mul3A = arith.constant 2 : i32
    %mul3A_0 = arith.muli %arg1, %mul3A : i32
    %add3A = arith.addi %mul3A_0, %arg0 : i32
    %mul3A_1 = arith.constant 1920 : i32
    %mul3A_2 = arith.muli %add3A, %mul3A_1 : i32
    %add3A_3 = arith.constant 0 : i32
    %add3A_4 = arith.addi %mul3A_2, %add3A_3 : i32
    "tpu.region"() ({
      %run_scoped3A = tpu.sem_alloc : memref<!tpu.dma_semaphore, #tpu.memory_space<semaphore_mem>>
      %dma_start3A_73 = tpu.memref_slice %arg3[%add3A_4] : memref<61440xi32, #tpu.memory_space<hbm>> -> memref<480xi32, #tpu.memory_space<hbm>>
      %dma_start3A_74 = tpu.memref_slice %arg3[%add3A_4] : memref<61440xi32, #tpu.memory_space<hbm>> -> memref<480xi32, #tpu.memory_space<hbm>>
      tpu.enqueue_dma source(%dma_start3A_74 : memref<480xi32, #tpu.memory_space<hbm>>) target(%arg5 : memref<480xi32, #tpu.memory_space<vmem>>) target_semaphore(%run_scoped3A : memref<!tpu.dma_semaphore, #tpu.memory_space<semaphore_mem>>)
      %dma_wait3A_75 = tpu.memref_slice %arg3[%add3A_4] : memref<61440xi32, #tpu.memory_space<hbm>> -> memref<480xi32, #tpu.memory_space<hbm>>
      %dma_wait3A_76 = tpu.memref_slice %arg3[%add3A_4] : memref<61440xi32, #tpu.memory_space<hbm>> -> memref<480xi32, #tpu.memory_space<hbm>>
      tpu.wait_dma2 semaphore(%run_scoped3A : memref<!tpu.dma_semaphore, #tpu.memory_space<semaphore_mem>>) src(%dma_wait3A_76 : memref<480xi32, #tpu.memory_space<hbm>>) dst(%arg5 : memref<480xi32, #tpu.memory_space<vmem>>)
      tpu.yield
    }) : () -> ()
    %dma_start3A = arith.constant 0 : i32
    %dma_start3A_5 = arith.constant 0 : i32
    %dma_start3A_6 = tpu.memref_slice %arg2[%dma_start3A, %dma_start3A_5] : memref<2048x128xf32, #tpu.memory_space<hbm>> -> memref<2048x128xf32, #tpu.memory_space<hbm>>
    tpu.enqueue_indirect_dma source(%dma_start3A_6 : memref<2048x128xf32, #tpu.memory_space<hbm>>) target(%arg7 : memref<480x128xf32, #tpu.memory_space<vmem>>) offsets(%arg5 : memref<480xi32, #tpu.memory_space<vmem>>) semaphore(%arg9 : memref<!tpu.dma_semaphore, #tpu.memory_space<semaphore_mem>>)
    %dma_wait3A = arith.constant 0 : i32
    %dma_wait3A_7 = arith.constant 0 : i32
    %dma_wait3A_8 = tpu.memref_slice %arg2[%dma_wait3A, %dma_wait3A_7] : memref<2048x128xf32, #tpu.memory_space<hbm>> -> memref<2048x128xf32, #tpu.memory_space<hbm>>
    tpu.wait_indirect_dma semaphore(%arg9 : memref<!tpu.dma_semaphore, #tpu.memory_space<semaphore_mem>>) src(%dma_wait3A_8 : memref<2048x128xf32, #tpu.memory_space<hbm>>) dst(%arg7 : memref<480x128xf32, #tpu.memory_space<vmem>>)
    %add3A_9 = arith.constant 480 : i32
    %add3A_10 = arith.addi %mul3A_2, %add3A_9 : i32
    "tpu.region"() ({
      %run_scoped3A = tpu.sem_alloc : memref<!tpu.dma_semaphore, #tpu.memory_space<semaphore_mem>>
      %dma_start3A_73 = tpu.memref_slice %arg3[%add3A_10] : memref<61440xi32, #tpu.memory_space<hbm>> -> memref<480xi32, #tpu.memory_space<hbm>>
      %dma_start3A_74 = tpu.memref_slice %arg3[%add3A_10] : memref<61440xi32, #tpu.memory_space<hbm>> -> memref<480xi32, #tpu.memory_space<hbm>>
      tpu.enqueue_dma source(%dma_start3A_74 : memref<480xi32, #tpu.memory_space<hbm>>) target(%arg6 : memref<480xi32, #tpu.memory_space<vmem>>) target_semaphore(%run_scoped3A : memref<!tpu.dma_semaphore, #tpu.memory_space<semaphore_mem>>)
      %dma_wait3A_75 = tpu.memref_slice %arg3[%add3A_10] : memref<61440xi32, #tpu.memory_space<hbm>> -> memref<480xi32, #tpu.memory_space<hbm>>
      %dma_wait3A_76 = tpu.memref_slice %arg3[%add3A_10] : memref<61440xi32, #tpu.memory_space<hbm>> -> memref<480xi32, #tpu.memory_space<hbm>>
      tpu.wait_dma2 semaphore(%run_scoped3A : memref<!tpu.dma_semaphore, #tpu.memory_space<semaphore_mem>>) src(%dma_wait3A_76 : memref<480xi32, #tpu.memory_space<hbm>>) dst(%arg6 : memref<480xi32, #tpu.memory_space<vmem>>)
      tpu.yield
    }) : () -> ()
    %dma_start3A_11 = arith.constant 0 : i32
    %dma_start3A_12 = arith.constant 0 : i32
    %dma_start3A_13 = tpu.memref_slice %arg2[%dma_start3A_11, %dma_start3A_12] : memref<2048x128xf32, #tpu.memory_space<hbm>> -> memref<2048x128xf32, #tpu.memory_space<hbm>>
    tpu.enqueue_indirect_dma source(%dma_start3A_13 : memref<2048x128xf32, #tpu.memory_space<hbm>>) target(%arg8 : memref<480x128xf32, #tpu.memory_space<vmem>>) offsets(%arg6 : memref<480xi32, #tpu.memory_space<vmem>>) semaphore(%arg10 : memref<!tpu.dma_semaphore, #tpu.memory_space<semaphore_mem>>)
    %add3A_14 = arith.constant 0 : i32
    %add3A_15 = arith.addi %mul3A_2, %add3A_14 : i32
    %dma_start3A_16 = arith.constant 0 : i32
    %dma_start3A_17 = tpu.memref_slice %arg4[%add3A_15, %dma_start3A_16] : memref<61440x128xf32, #tpu.memory_space<hbm>> -> memref<480x128xf32, #tpu.memory_space<hbm>>
    %dma_start3A_18 = arith.constant 0 : i32
    %dma_start3A_19 = tpu.memref_slice %arg4[%add3A_15, %dma_start3A_18] : memref<61440x128xf32, #tpu.memory_space<hbm>> -> memref<480x128xf32, #tpu.memory_space<hbm>>
    tpu.enqueue_dma source(%arg7 : memref<480x128xf32, #tpu.memory_space<vmem>>) target(%dma_start3A_19 : memref<480x128xf32, #tpu.memory_space<hbm>>) target_semaphore(%arg11 : memref<!tpu.dma_semaphore, #tpu.memory_space<semaphore_mem>>)
    %dma_wait3A_20 = arith.constant 0 : i32
    %dma_wait3A_21 = arith.constant 0 : i32
    %dma_wait3A_22 = tpu.memref_slice %arg2[%dma_wait3A_20, %dma_wait3A_21] : memref<2048x128xf32, #tpu.memory_space<hbm>> -> memref<2048x128xf32, #tpu.memory_space<hbm>>
    tpu.wait_indirect_dma semaphore(%arg10 : memref<!tpu.dma_semaphore, #tpu.memory_space<semaphore_mem>>) src(%dma_wait3A_22 : memref<2048x128xf32, #tpu.memory_space<hbm>>) dst(%arg8 : memref<480x128xf32, #tpu.memory_space<vmem>>)
    %dma_wait3A_23 = arith.constant 0 : i32
    %dma_wait3A_24 = tpu.memref_slice %arg4[%add3A_15, %dma_wait3A_23] : memref<61440x128xf32, #tpu.memory_space<hbm>> -> memref<480x128xf32, #tpu.memory_space<hbm>>
    %dma_wait3A_25 = arith.constant 0 : i32
    %dma_wait3A_26 = tpu.memref_slice %arg4[%add3A_15, %dma_wait3A_25] : memref<61440x128xf32, #tpu.memory_space<hbm>> -> memref<480x128xf32, #tpu.memory_space<hbm>>
    tpu.wait_dma2 semaphore(%arg11 : memref<!tpu.dma_semaphore, #tpu.memory_space<semaphore_mem>>) src(%arg7 : memref<480x128xf32, #tpu.memory_space<vmem>>) dst(%dma_wait3A_26 : memref<480x128xf32, #tpu.memory_space<hbm>>)
    %add3A_27 = arith.constant 960 : i32
    %add3A_28 = arith.addi %mul3A_2, %add3A_27 : i32
    "tpu.region"() ({
      %run_scoped3A = tpu.sem_alloc : memref<!tpu.dma_semaphore, #tpu.memory_space<semaphore_mem>>
      %dma_start3A_73 = tpu.memref_slice %arg3[%add3A_28] : memref<61440xi32, #tpu.memory_space<hbm>> -> memref<480xi32, #tpu.memory_space<hbm>>
      %dma_start3A_74 = tpu.memref_slice %arg3[%add3A_28] : memref<61440xi32, #tpu.memory_space<hbm>> -> memref<480xi32, #tpu.memory_space<hbm>>
      tpu.enqueue_dma source(%dma_start3A_74 : memref<480xi32, #tpu.memory_space<hbm>>) target(%arg5 : memref<480xi32, #tpu.memory_space<vmem>>) target_semaphore(%run_scoped3A : memref<!tpu.dma_semaphore, #tpu.memory_space<semaphore_mem>>)
      %dma_wait3A_75 = tpu.memref_slice %arg3[%add3A_28] : memref<61440xi32, #tpu.memory_space<hbm>> -> memref<480xi32, #tpu.memory_space<hbm>>
      %dma_wait3A_76 = tpu.memref_slice %arg3[%add3A_28] : memref<61440xi32, #tpu.memory_space<hbm>> -> memref<480xi32, #tpu.memory_space<hbm>>
      tpu.wait_dma2 semaphore(%run_scoped3A : memref<!tpu.dma_semaphore, #tpu.memory_space<semaphore_mem>>) src(%dma_wait3A_76 : memref<480xi32, #tpu.memory_space<hbm>>) dst(%arg5 : memref<480xi32, #tpu.memory_space<vmem>>)
      tpu.yield
    }) : () -> ()
    %dma_start3A_29 = arith.constant 0 : i32
    %dma_start3A_30 = arith.constant 0 : i32
    %dma_start3A_31 = tpu.memref_slice %arg2[%dma_start3A_29, %dma_start3A_30] : memref<2048x128xf32, #tpu.memory_space<hbm>> -> memref<2048x128xf32, #tpu.memory_space<hbm>>
    tpu.enqueue_indirect_dma source(%dma_start3A_31 : memref<2048x128xf32, #tpu.memory_space<hbm>>) target(%arg7 : memref<480x128xf32, #tpu.memory_space<vmem>>) offsets(%arg5 : memref<480xi32, #tpu.memory_space<vmem>>) semaphore(%arg9 : memref<!tpu.dma_semaphore, #tpu.memory_space<semaphore_mem>>)
    %add3A_32 = arith.constant 480 : i32
    %add3A_33 = arith.addi %mul3A_2, %add3A_32 : i32
    %dma_start3A_34 = arith.constant 0 : i32
    %dma_start3A_35 = tpu.memref_slice %arg4[%add3A_33, %dma_start3A_34] : memref<61440x128xf32, #tpu.memory_space<hbm>> -> memref<480x128xf32, #tpu.memory_space<hbm>>
    %dma_start3A_36 = arith.constant 0 : i32
    %dma_start3A_37 = tpu.memref_slice %arg4[%add3A_33, %dma_start3A_36] : memref<61440x128xf32, #tpu.memory_space<hbm>> -> memref<480x128xf32, #tpu.memory_space<hbm>>
    tpu.enqueue_dma source(%arg8 : memref<480x128xf32, #tpu.memory_space<vmem>>) target(%dma_start3A_37 : memref<480x128xf32, #tpu.memory_space<hbm>>) target_semaphore(%arg12 : memref<!tpu.dma_semaphore, #tpu.memory_space<semaphore_mem>>)
    %dma_wait3A_38 = arith.constant 0 : i32
    %dma_wait3A_39 = arith.constant 0 : i32
    %dma_wait3A_40 = tpu.memref_slice %arg2[%dma_wait3A_38, %dma_wait3A_39] : memref<2048x128xf32, #tpu.memory_space<hbm>> -> memref<2048x128xf32, #tpu.memory_space<hbm>>
    tpu.wait_indirect_dma semaphore(%arg9 : memref<!tpu.dma_semaphore, #tpu.memory_space<semaphore_mem>>) src(%dma_wait3A_40 : memref<2048x128xf32, #tpu.memory_space<hbm>>) dst(%arg7 : memref<480x128xf32, #tpu.memory_space<vmem>>)
    %dma_wait3A_41 = arith.constant 0 : i32
    %dma_wait3A_42 = tpu.memref_slice %arg4[%add3A_33, %dma_wait3A_41] : memref<61440x128xf32, #tpu.memory_space<hbm>> -> memref<480x128xf32, #tpu.memory_space<hbm>>
    %dma_wait3A_43 = arith.constant 0 : i32
    %dma_wait3A_44 = tpu.memref_slice %arg4[%add3A_33, %dma_wait3A_43] : memref<61440x128xf32, #tpu.memory_space<hbm>> -> memref<480x128xf32, #tpu.memory_space<hbm>>
    tpu.wait_dma2 semaphore(%arg12 : memref<!tpu.dma_semaphore, #tpu.memory_space<semaphore_mem>>) src(%arg8 : memref<480x128xf32, #tpu.memory_space<vmem>>) dst(%dma_wait3A_44 : memref<480x128xf32, #tpu.memory_space<hbm>>)
    %add3A_45 = arith.constant 1440 : i32
    %add3A_46 = arith.addi %mul3A_2, %add3A_45 : i32
    "tpu.region"() ({
      %run_scoped3A = tpu.sem_alloc : memref<!tpu.dma_semaphore, #tpu.memory_space<semaphore_mem>>
      %dma_start3A_73 = tpu.memref_slice %arg3[%add3A_46] : memref<61440xi32, #tpu.memory_space<hbm>> -> memref<480xi32, #tpu.memory_space<hbm>>
      %dma_start3A_74 = tpu.memref_slice %arg3[%add3A_46] : memref<61440xi32, #tpu.memory_space<hbm>> -> memref<480xi32, #tpu.memory_space<hbm>>
      tpu.enqueue_dma source(%dma_start3A_74 : memref<480xi32, #tpu.memory_space<hbm>>) target(%arg6 : memref<480xi32, #tpu.memory_space<vmem>>) target_semaphore(%run_scoped3A : memref<!tpu.dma_semaphore, #tpu.memory_space<semaphore_mem>>)
      %dma_wait3A_75 = tpu.memref_slice %arg3[%add3A_46] : memref<61440xi32, #tpu.memory_space<hbm>> -> memref<480xi32, #tpu.memory_space<hbm>>
      %dma_wait3A_76 = tpu.memref_slice %arg3[%add3A_46] : memref<61440xi32, #tpu.memory_space<hbm>> -> memref<480xi32, #tpu.memory_space<hbm>>
      tpu.wait_dma2 semaphore(%run_scoped3A : memref<!tpu.dma_semaphore, #tpu.memory_space<semaphore_mem>>) src(%dma_wait3A_76 : memref<480xi32, #tpu.memory_space<hbm>>) dst(%arg6 : memref<480xi32, #tpu.memory_space<vmem>>)
      tpu.yield
    }) : () -> ()
    %dma_start3A_47 = arith.constant 0 : i32
    %dma_start3A_48 = arith.constant 0 : i32
    %dma_start3A_49 = tpu.memref_slice %arg2[%dma_start3A_47, %dma_start3A_48] : memref<2048x128xf32, #tpu.memory_space<hbm>> -> memref<2048x128xf32, #tpu.memory_space<hbm>>
    tpu.enqueue_indirect_dma source(%dma_start3A_49 : memref<2048x128xf32, #tpu.memory_space<hbm>>) target(%arg8 : memref<480x128xf32, #tpu.memory_space<vmem>>) offsets(%arg6 : memref<480xi32, #tpu.memory_space<vmem>>) semaphore(%arg10 : memref<!tpu.dma_semaphore, #tpu.memory_space<semaphore_mem>>)
    %add3A_50 = arith.constant 960 : i32
    %add3A_51 = arith.addi %mul3A_2, %add3A_50 : i32
    %dma_start3A_52 = arith.constant 0 : i32
    %dma_start3A_53 = tpu.memref_slice %arg4[%add3A_51, %dma_start3A_52] : memref<61440x128xf32, #tpu.memory_space<hbm>> -> memref<480x128xf32, #tpu.memory_space<hbm>>
    %dma_start3A_54 = arith.constant 0 : i32
    %dma_start3A_55 = tpu.memref_slice %arg4[%add3A_51, %dma_start3A_54] : memref<61440x128xf32, #tpu.memory_space<hbm>> -> memref<480x128xf32, #tpu.memory_space<hbm>>
    tpu.enqueue_dma source(%arg7 : memref<480x128xf32, #tpu.memory_space<vmem>>) target(%dma_start3A_55 : memref<480x128xf32, #tpu.memory_space<hbm>>) target_semaphore(%arg11 : memref<!tpu.dma_semaphore, #tpu.memory_space<semaphore_mem>>)
    %dma_wait3A_56 = arith.constant 0 : i32
    %dma_wait3A_57 = arith.constant 0 : i32
    %dma_wait3A_58 = tpu.memref_slice %arg2[%dma_wait3A_56, %dma_wait3A_57] : memref<2048x128xf32, #tpu.memory_space<hbm>> -> memref<2048x128xf32, #tpu.memory_space<hbm>>
    tpu.wait_indirect_dma semaphore(%arg10 : memref<!tpu.dma_semaphore, #tpu.memory_space<semaphore_mem>>) src(%dma_wait3A_58 : memref<2048x128xf32, #tpu.memory_space<hbm>>) dst(%arg8 : memref<480x128xf32, #tpu.memory_space<vmem>>)
    %add3A_59 = arith.constant 1440 : i32
    %add3A_60 = arith.addi %mul3A_2, %add3A_59 : i32
    %dma_start3A_61 = arith.constant 0 : i32
    %dma_start3A_62 = tpu.memref_slice %arg4[%add3A_60, %dma_start3A_61] : memref<61440x128xf32, #tpu.memory_space<hbm>> -> memref<480x128xf32, #tpu.memory_space<hbm>>
    %dma_start3A_63 = arith.constant 0 : i32
    %dma_start3A_64 = tpu.memref_slice %arg4[%add3A_60, %dma_start3A_63] : memref<61440x128xf32, #tpu.memory_space<hbm>> -> memref<480x128xf32, #tpu.memory_space<hbm>>
    tpu.enqueue_dma source(%arg8 : memref<480x128xf32, #tpu.memory_space<vmem>>) target(%dma_start3A_64 : memref<480x128xf32, #tpu.memory_space<hbm>>) target_semaphore(%arg12 : memref<!tpu.dma_semaphore, #tpu.memory_space<semaphore_mem>>)
    %dma_wait3A_65 = arith.constant 0 : i32
    %dma_wait3A_66 = tpu.memref_slice %arg4[%add3A_51, %dma_wait3A_65] : memref<61440x128xf32, #tpu.memory_space<hbm>> -> memref<480x128xf32, #tpu.memory_space<hbm>>
    %dma_wait3A_67 = arith.constant 0 : i32
    %dma_wait3A_68 = tpu.memref_slice %arg4[%add3A_51, %dma_wait3A_67] : memref<61440x128xf32, #tpu.memory_space<hbm>> -> memref<480x128xf32, #tpu.memory_space<hbm>>
    tpu.wait_dma2 semaphore(%arg11 : memref<!tpu.dma_semaphore, #tpu.memory_space<semaphore_mem>>) src(%arg7 : memref<480x128xf32, #tpu.memory_space<vmem>>) dst(%dma_wait3A_68 : memref<480x128xf32, #tpu.memory_space<hbm>>)
    %dma_wait3A_69 = arith.constant 0 : i32
    %dma_wait3A_70 = tpu.memref_slice %arg4[%add3A_60, %dma_wait3A_69] : memref<61440x128xf32, #tpu.memory_space<hbm>> -> memref<480x128xf32, #tpu.memory_space<hbm>>
    %dma_wait3A_71 = arith.constant 0 : i32
    %dma_wait3A_72 = tpu.memref_slice %arg4[%add3A_60, %dma_wait3A_71] : memref<61440x128xf32, #tpu.memory_space<hbm>> -> memref<480x128xf32, #tpu.memory_space<hbm>>
    tpu.wait_dma2 semaphore(%arg12 : memref<!tpu.dma_semaphore, #tpu.memory_space<semaphore_mem>>) src(%arg8 : memref<480x128xf32, #tpu.memory_space<vmem>>) dst(%dma_wait3A_72 : memref<480x128xf32, #tpu.memory_space<hbm>>)
    return
  }
}

module attributes {stable_mosaic.version = 14 : i64} {
  func.func @_topk_body(%arg0: i32, %arg1: i32, %arg2: memref<1x256x3xf32, #tpu.memory_space<vmem>>, %arg3: memref<1x3x1024xf32, #tpu.memory_space<vmem>>, %arg4: memref<1x256x30xi32, #tpu.memory_space<vmem>>, %arg5: memref<1x256x30xf32, #tpu.memory_space<vmem>>) attributes {dimension_semantics = [#tpu.dimension_semantics<arbitrary>, #tpu.dimension_semantics<arbitrary>], iteration_bounds = array<i64: 2, 4>, scalar_prefetch = 0 : i64, scratch_operands = 0 : i64, tpu.core_type = #tpu.core_type<tc>, window_params = [{transform_indices = @transform_0, window_bounds = array<i64: 1, 256, 3>}, {transform_indices = @transform_1, window_bounds = array<i64: 1, 3, 1024>}, {transform_indices = @transform_2, window_bounds = array<i64: 1, 256, 30>}, {transform_indices = @transform_3, window_bounds = array<i64: 1, 256, 30>}]} {
    %get3A = arith.constant 0 : index
    %get3A_0 = arith.constant 0 : index
    %get3A_1 = arith.constant 0 : index
    %get3A_2 = vector.load %arg2[%get3A, %get3A_0, %get3A_1] : memref<1x256x3xf32, #tpu.memory_space<vmem>>, vector<1x256x3xf32>
    %get3A_3 = vector.shape_cast %get3A_2 : vector<1x256x3xf32> to vector<256x3xf32>
    %get3A_4 = arith.constant 0 : index
    %get3A_5 = arith.constant 0 : index
    %get3A_6 = arith.constant 0 : index
    %get3A_7 = vector.load %arg3[%get3A_4, %get3A_5, %get3A_6] : memref<1x3x1024xf32, #tpu.memory_space<vmem>>, vector<1x3x1024xf32>
    %get3A_8 = vector.shape_cast %get3A_7 : vector<1x3x1024xf32> to vector<3x1024xf32>
    %slice3A = vector.extract_strided_slice %get3A_3 {offsets = [0, 0], sizes = [256, 1], strides = [1, 1]} : vector<256x3xf32> to vector<256x1xf32>
    %slice3A_9 = vector.extract_strided_slice %get3A_8 {offsets = [0, 0], sizes = [1, 1024], strides = [1, 1]} : vector<3x1024xf32> to vector<1x1024xf32>
    %sub3A = vector.broadcast %slice3A : vector<256x1xf32> to vector<256x1024xf32>
    %sub3A_10 = vector.broadcast %slice3A_9 : vector<1x1024xf32> to vector<256x1024xf32>
    %sub3A_11 = arith.subf %sub3A, %sub3A_10 : vector<256x1024xf32>
    %slice3A_12 = vector.extract_strided_slice %get3A_3 {offsets = [0, 1], sizes = [256, 1], strides = [1, 1]} : vector<256x3xf32> to vector<256x1xf32>
    %slice3A_13 = vector.extract_strided_slice %get3A_8 {offsets = [1, 0], sizes = [1, 1024], strides = [1, 1]} : vector<3x1024xf32> to vector<1x1024xf32>
    %sub3A_14 = vector.broadcast %slice3A_12 : vector<256x1xf32> to vector<256x1024xf32>
    %sub3A_15 = vector.broadcast %slice3A_13 : vector<1x1024xf32> to vector<256x1024xf32>
    %sub3A_16 = arith.subf %sub3A_14, %sub3A_15 : vector<256x1024xf32>
    %slice3A_17 = vector.extract_strided_slice %get3A_3 {offsets = [0, 2], sizes = [256, 1], strides = [1, 1]} : vector<256x3xf32> to vector<256x1xf32>
    %slice3A_18 = vector.extract_strided_slice %get3A_8 {offsets = [2, 0], sizes = [1, 1024], strides = [1, 1]} : vector<3x1024xf32> to vector<1x1024xf32>
    %sub3A_19 = vector.broadcast %slice3A_17 : vector<256x1xf32> to vector<256x1024xf32>
    %sub3A_20 = vector.broadcast %slice3A_18 : vector<1x1024xf32> to vector<256x1024xf32>
    %sub3A_21 = arith.subf %sub3A_19, %sub3A_20 : vector<256x1024xf32>
    %mul3A = arith.mulf %sub3A_11, %sub3A_11 : vector<256x1024xf32>
    %mul3A_22 = arith.mulf %sub3A_16, %sub3A_16 : vector<256x1024xf32>
    %add3A = arith.addf %mul3A, %mul3A_22 : vector<256x1024xf32>
    %mul3A_23 = arith.mulf %sub3A_21, %sub3A_21 : vector<256x1024xf32>
    %add3A_24 = arith.addf %add3A, %mul3A_23 : vector<256x1024xf32>
    %iota3A = tpu.iota {dimensions = array<i32: 1>} : vector<256x1024xi32>
    %mul3A_25 = arith.constant 1024 : i32
    %mul3A_26 = arith.muli %arg0, %mul3A_25 : i32
    %reduce_min3A = arith.constant dense<0x7F800000> : vector<256xf32>
    %reduce_min3A_27 = vector.multi_reduction <minimumf>, %add3A_24, %reduce_min3A [1] : vector<256x1024xf32> to vector<256xf32>
    %broadcast_in_dim3A = vector.shape_cast %reduce_min3A_27 : vector<256xf32> to vector<256x1xf32>
    %eq3A = vector.broadcast %broadcast_in_dim3A : vector<256x1xf32> to vector<256x1024xf32>
    %eq3A_28 = arith.cmpf oeq, %add3A_24, %eq3A : vector<256x1024xf32>
    %jit3A = arith.constant 1024 : i32
    %broadcast_in_dim3A_29 = vector.broadcast %jit3A : i32 to vector<256x1024xi32>
    %select_n3A = arith.select %eq3A_28, %iota3A, %broadcast_in_dim3A_29 : vector<256x1024xi1>, vector<256x1024xi32>
    %reduce_min3A_30 = arith.constant dense<2147483647> : vector<256xi32>
    %reduce_min3A_31 = vector.multi_reduction <minsi>, %select_n3A, %reduce_min3A_30 [1] : vector<256x1024xi32> to vector<256xi32>
    %broadcast_in_dim3A_32 = vector.shape_cast %reduce_min3A_31 : vector<256xi32> to vector<256x1xi32>
    %add3A_33 = vector.broadcast %mul3A_26 : i32 to vector<256x1xi32>
    %add3A_34 = arith.addi %broadcast_in_dim3A_32, %add3A_33 : vector<256x1xi32>
    %add3A_35 = arith.constant 9.99999997E-7 : f32
    %add3A_36 = vector.broadcast %add3A_35 : f32 to vector<256x1xf32>
    %add3A_37 = arith.addf %broadcast_in_dim3A, %add3A_36 : vector<256x1xf32>
    %sqrt3A = math.sqrt %add3A_37 : vector<256x1xf32>
    %eq3A_38 = vector.broadcast %broadcast_in_dim3A_32 : vector<256x1xi32> to vector<256x1024xi32>
    %eq3A_39 = arith.cmpi eq, %iota3A, %eq3A_38 : vector<256x1024xi32>
    %jit3A_40 = arith.constant 1.000000e+30 : f32
    %broadcast_in_dim3A_41 = vector.broadcast %jit3A_40 : f32 to vector<256x1024xf32>
    %select_n3A_42 = arith.select %eq3A_39, %broadcast_in_dim3A_41, %add3A_24 : vector<256x1024xi1>, vector<256x1024xf32>
    %reduce_min3A_43 = arith.constant dense<0x7F800000> : vector<256xf32>
    %reduce_min3A_44 = vector.multi_reduction <minimumf>, %select_n3A_42, %reduce_min3A_43 [1] : vector<256x1024xf32> to vector<256xf32>
    %broadcast_in_dim3A_45 = vector.shape_cast %reduce_min3A_44 : vector<256xf32> to vector<256x1xf32>
    %eq3A_46 = vector.broadcast %broadcast_in_dim3A_45 : vector<256x1xf32> to vector<256x1024xf32>
    %eq3A_47 = arith.cmpf oeq, %select_n3A_42, %eq3A_46 : vector<256x1024xf32>
    %jit3A_48 = arith.constant 1024 : i32
    %broadcast_in_dim3A_49 = vector.broadcast %jit3A_48 : i32 to vector<256x1024xi32>
    %select_n3A_50 = arith.select %eq3A_47, %iota3A, %broadcast_in_dim3A_49 : vector<256x1024xi1>, vector<256x1024xi32>
    %reduce_min3A_51 = arith.constant dense<2147483647> : vector<256xi32>
    %reduce_min3A_52 = vector.multi_reduction <minsi>, %select_n3A_50, %reduce_min3A_51 [1] : vector<256x1024xi32> to vector<256xi32>
    %broadcast_in_dim3A_53 = vector.shape_cast %reduce_min3A_52 : vector<256xi32> to vector<256x1xi32>
    %add3A_54 = vector.broadcast %mul3A_26 : i32 to vector<256x1xi32>
    %add3A_55 = arith.addi %broadcast_in_dim3A_53, %add3A_54 : vector<256x1xi32>
    %add3A_56 = arith.constant 9.99999997E-7 : f32
    %add3A_57 = vector.broadcast %add3A_56 : f32 to vector<256x1xf32>
    %add3A_58 = arith.addf %broadcast_in_dim3A_45, %add3A_57 : vector<256x1xf32>
    %sqrt3A_59 = math.sqrt %add3A_58 : vector<256x1xf32>
    %eq3A_60 = vector.broadcast %broadcast_in_dim3A_53 : vector<256x1xi32> to vector<256x1024xi32>
    %eq3A_61 = arith.cmpi eq, %iota3A, %eq3A_60 : vector<256x1024xi32>
    %jit3A_62 = arith.constant 1.000000e+30 : f32
    %broadcast_in_dim3A_63 = vector.broadcast %jit3A_62 : f32 to vector<256x1024xf32>
    %select_n3A_64 = arith.select %eq3A_61, %broadcast_in_dim3A_63, %select_n3A_42 : vector<256x1024xi1>, vector<256x1024xf32>
    %reduce_min3A_65 = arith.constant dense<0x7F800000> : vector<256xf32>
    %reduce_min3A_66 = vector.multi_reduction <minimumf>, %select_n3A_64, %reduce_min3A_65 [1] : vector<256x1024xf32> to vector<256xf32>
    %broadcast_in_dim3A_67 = vector.shape_cast %reduce_min3A_66 : vector<256xf32> to vector<256x1xf32>
    %eq3A_68 = vector.broadcast %broadcast_in_dim3A_67 : vector<256x1xf32> to vector<256x1024xf32>
    %eq3A_69 = arith.cmpf oeq, %select_n3A_64, %eq3A_68 : vector<256x1024xf32>
    %jit3A_70 = arith.constant 1024 : i32
    %broadcast_in_dim3A_71 = vector.broadcast %jit3A_70 : i32 to vector<256x1024xi32>
    %select_n3A_72 = arith.select %eq3A_69, %iota3A, %broadcast_in_dim3A_71 : vector<256x1024xi1>, vector<256x1024xi32>
    %reduce_min3A_73 = arith.constant dense<2147483647> : vector<256xi32>
    %reduce_min3A_74 = vector.multi_reduction <minsi>, %select_n3A_72, %reduce_min3A_73 [1] : vector<256x1024xi32> to vector<256xi32>
    %broadcast_in_dim3A_75 = vector.shape_cast %reduce_min3A_74 : vector<256xi32> to vector<256x1xi32>
    %add3A_76 = vector.broadcast %mul3A_26 : i32 to vector<256x1xi32>
    %add3A_77 = arith.addi %broadcast_in_dim3A_75, %add3A_76 : vector<256x1xi32>
    %add3A_78 = arith.constant 9.99999997E-7 : f32
    %add3A_79 = vector.broadcast %add3A_78 : f32 to vector<256x1xf32>
    %add3A_80 = arith.addf %broadcast_in_dim3A_67, %add3A_79 : vector<256x1xf32>
    %sqrt3A_81 = math.sqrt %add3A_80 : vector<256x1xf32>
    %eq3A_82 = vector.broadcast %broadcast_in_dim3A_75 : vector<256x1xi32> to vector<256x1024xi32>
    %eq3A_83 = arith.cmpi eq, %iota3A, %eq3A_82 : vector<256x1024xi32>
    %jit3A_84 = arith.constant 1.000000e+30 : f32
    %broadcast_in_dim3A_85 = vector.broadcast %jit3A_84 : f32 to vector<256x1024xf32>
    %select_n3A_86 = arith.select %eq3A_83, %broadcast_in_dim3A_85, %select_n3A_64 : vector<256x1024xi1>, vector<256x1024xf32>
    %reduce_min3A_87 = arith.constant dense<0x7F800000> : vector<256xf32>
    %reduce_min3A_88 = vector.multi_reduction <minimumf>, %select_n3A_86, %reduce_min3A_87 [1] : vector<256x1024xf32> to vector<256xf32>
    %broadcast_in_dim3A_89 = vector.shape_cast %reduce_min3A_88 : vector<256xf32> to vector<256x1xf32>
    %eq3A_90 = vector.broadcast %broadcast_in_dim3A_89 : vector<256x1xf32> to vector<256x1024xf32>
    %eq3A_91 = arith.cmpf oeq, %select_n3A_86, %eq3A_90 : vector<256x1024xf32>
    %jit3A_92 = arith.constant 1024 : i32
    %broadcast_in_dim3A_93 = vector.broadcast %jit3A_92 : i32 to vector<256x1024xi32>
    %select_n3A_94 = arith.select %eq3A_91, %iota3A, %broadcast_in_dim3A_93 : vector<256x1024xi1>, vector<256x1024xi32>
    %reduce_min3A_95 = arith.constant dense<2147483647> : vector<256xi32>
    %reduce_min3A_96 = vector.multi_reduction <minsi>, %select_n3A_94, %reduce_min3A_95 [1] : vector<256x1024xi32> to vector<256xi32>
    %broadcast_in_dim3A_97 = vector.shape_cast %reduce_min3A_96 : vector<256xi32> to vector<256x1xi32>
    %add3A_98 = vector.broadcast %mul3A_26 : i32 to vector<256x1xi32>
    %add3A_99 = arith.addi %broadcast_in_dim3A_97, %add3A_98 : vector<256x1xi32>
    %add3A_100 = arith.constant 9.99999997E-7 : f32
    %add3A_101 = vector.broadcast %add3A_100 : f32 to vector<256x1xf32>
    %add3A_102 = arith.addf %broadcast_in_dim3A_89, %add3A_101 : vector<256x1xf32>
    %sqrt3A_103 = math.sqrt %add3A_102 : vector<256x1xf32>
    %eq3A_104 = vector.broadcast %broadcast_in_dim3A_97 : vector<256x1xi32> to vector<256x1024xi32>
    %eq3A_105 = arith.cmpi eq, %iota3A, %eq3A_104 : vector<256x1024xi32>
    %jit3A_106 = arith.constant 1.000000e+30 : f32
    %broadcast_in_dim3A_107 = vector.broadcast %jit3A_106 : f32 to vector<256x1024xf32>
    %select_n3A_108 = arith.select %eq3A_105, %broadcast_in_dim3A_107, %select_n3A_86 : vector<256x1024xi1>, vector<256x1024xf32>
    %reduce_min3A_109 = arith.constant dense<0x7F800000> : vector<256xf32>
    %reduce_min3A_110 = vector.multi_reduction <minimumf>, %select_n3A_108, %reduce_min3A_109 [1] : vector<256x1024xf32> to vector<256xf32>
    %broadcast_in_dim3A_111 = vector.shape_cast %reduce_min3A_110 : vector<256xf32> to vector<256x1xf32>
    %eq3A_112 = vector.broadcast %broadcast_in_dim3A_111 : vector<256x1xf32> to vector<256x1024xf32>
    %eq3A_113 = arith.cmpf oeq, %select_n3A_108, %eq3A_112 : vector<256x1024xf32>
    %jit3A_114 = arith.constant 1024 : i32
    %broadcast_in_dim3A_115 = vector.broadcast %jit3A_114 : i32 to vector<256x1024xi32>
    %select_n3A_116 = arith.select %eq3A_113, %iota3A, %broadcast_in_dim3A_115 : vector<256x1024xi1>, vector<256x1024xi32>
    %reduce_min3A_117 = arith.constant dense<2147483647> : vector<256xi32>
    %reduce_min3A_118 = vector.multi_reduction <minsi>, %select_n3A_116, %reduce_min3A_117 [1] : vector<256x1024xi32> to vector<256xi32>
    %broadcast_in_dim3A_119 = vector.shape_cast %reduce_min3A_118 : vector<256xi32> to vector<256x1xi32>
    %add3A_120 = vector.broadcast %mul3A_26 : i32 to vector<256x1xi32>
    %add3A_121 = arith.addi %broadcast_in_dim3A_119, %add3A_120 : vector<256x1xi32>
    %add3A_122 = arith.constant 9.99999997E-7 : f32
    %add3A_123 = vector.broadcast %add3A_122 : f32 to vector<256x1xf32>
    %add3A_124 = arith.addf %broadcast_in_dim3A_111, %add3A_123 : vector<256x1xf32>
    %sqrt3A_125 = math.sqrt %add3A_124 : vector<256x1xf32>
    %eq3A_126 = vector.broadcast %broadcast_in_dim3A_119 : vector<256x1xi32> to vector<256x1024xi32>
    %eq3A_127 = arith.cmpi eq, %iota3A, %eq3A_126 : vector<256x1024xi32>
    %jit3A_128 = arith.constant 1.000000e+30 : f32
    %broadcast_in_dim3A_129 = vector.broadcast %jit3A_128 : f32 to vector<256x1024xf32>
    %select_n3A_130 = arith.select %eq3A_127, %broadcast_in_dim3A_129, %select_n3A_108 : vector<256x1024xi1>, vector<256x1024xf32>
    %reduce_min3A_131 = arith.constant dense<0x7F800000> : vector<256xf32>
    %reduce_min3A_132 = vector.multi_reduction <minimumf>, %select_n3A_130, %reduce_min3A_131 [1] : vector<256x1024xf32> to vector<256xf32>
    %broadcast_in_dim3A_133 = vector.shape_cast %reduce_min3A_132 : vector<256xf32> to vector<256x1xf32>
    %eq3A_134 = vector.broadcast %broadcast_in_dim3A_133 : vector<256x1xf32> to vector<256x1024xf32>
    %eq3A_135 = arith.cmpf oeq, %select_n3A_130, %eq3A_134 : vector<256x1024xf32>
    %jit3A_136 = arith.constant 1024 : i32
    %broadcast_in_dim3A_137 = vector.broadcast %jit3A_136 : i32 to vector<256x1024xi32>
    %select_n3A_138 = arith.select %eq3A_135, %iota3A, %broadcast_in_dim3A_137 : vector<256x1024xi1>, vector<256x1024xi32>
    %reduce_min3A_139 = arith.constant dense<2147483647> : vector<256xi32>
    %reduce_min3A_140 = vector.multi_reduction <minsi>, %select_n3A_138, %reduce_min3A_139 [1] : vector<256x1024xi32> to vector<256xi32>
    %broadcast_in_dim3A_141 = vector.shape_cast %reduce_min3A_140 : vector<256xi32> to vector<256x1xi32>
    %add3A_142 = vector.broadcast %mul3A_26 : i32 to vector<256x1xi32>
    %add3A_143 = arith.addi %broadcast_in_dim3A_141, %add3A_142 : vector<256x1xi32>
    %add3A_144 = arith.constant 9.99999997E-7 : f32
    %add3A_145 = vector.broadcast %add3A_144 : f32 to vector<256x1xf32>
    %add3A_146 = arith.addf %broadcast_in_dim3A_133, %add3A_145 : vector<256x1xf32>
    %sqrt3A_147 = math.sqrt %add3A_146 : vector<256x1xf32>
    %eq3A_148 = vector.broadcast %broadcast_in_dim3A_141 : vector<256x1xi32> to vector<256x1024xi32>
    %eq3A_149 = arith.cmpi eq, %iota3A, %eq3A_148 : vector<256x1024xi32>
    %jit3A_150 = arith.constant 1.000000e+30 : f32
    %broadcast_in_dim3A_151 = vector.broadcast %jit3A_150 : f32 to vector<256x1024xf32>
    %select_n3A_152 = arith.select %eq3A_149, %broadcast_in_dim3A_151, %select_n3A_130 : vector<256x1024xi1>, vector<256x1024xf32>
    %reduce_min3A_153 = arith.constant dense<0x7F800000> : vector<256xf32>
    %reduce_min3A_154 = vector.multi_reduction <minimumf>, %select_n3A_152, %reduce_min3A_153 [1] : vector<256x1024xf32> to vector<256xf32>
    %broadcast_in_dim3A_155 = vector.shape_cast %reduce_min3A_154 : vector<256xf32> to vector<256x1xf32>
    %eq3A_156 = vector.broadcast %broadcast_in_dim3A_155 : vector<256x1xf32> to vector<256x1024xf32>
    %eq3A_157 = arith.cmpf oeq, %select_n3A_152, %eq3A_156 : vector<256x1024xf32>
    %jit3A_158 = arith.constant 1024 : i32
    %broadcast_in_dim3A_159 = vector.broadcast %jit3A_158 : i32 to vector<256x1024xi32>
    %select_n3A_160 = arith.select %eq3A_157, %iota3A, %broadcast_in_dim3A_159 : vector<256x1024xi1>, vector<256x1024xi32>
    %reduce_min3A_161 = arith.constant dense<2147483647> : vector<256xi32>
    %reduce_min3A_162 = vector.multi_reduction <minsi>, %select_n3A_160, %reduce_min3A_161 [1] : vector<256x1024xi32> to vector<256xi32>
    %broadcast_in_dim3A_163 = vector.shape_cast %reduce_min3A_162 : vector<256xi32> to vector<256x1xi32>
    %add3A_164 = vector.broadcast %mul3A_26 : i32 to vector<256x1xi32>
    %add3A_165 = arith.addi %broadcast_in_dim3A_163, %add3A_164 : vector<256x1xi32>
    %add3A_166 = arith.constant 9.99999997E-7 : f32
    %add3A_167 = vector.broadcast %add3A_166 : f32 to vector<256x1xf32>
    %add3A_168 = arith.addf %broadcast_in_dim3A_155, %add3A_167 : vector<256x1xf32>
    %sqrt3A_169 = math.sqrt %add3A_168 : vector<256x1xf32>
    %eq3A_170 = vector.broadcast %broadcast_in_dim3A_163 : vector<256x1xi32> to vector<256x1024xi32>
    %eq3A_171 = arith.cmpi eq, %iota3A, %eq3A_170 : vector<256x1024xi32>
    %jit3A_172 = arith.constant 1.000000e+30 : f32
    %broadcast_in_dim3A_173 = vector.broadcast %jit3A_172 : f32 to vector<256x1024xf32>
    %select_n3A_174 = arith.select %eq3A_171, %broadcast_in_dim3A_173, %select_n3A_152 : vector<256x1024xi1>, vector<256x1024xf32>
    %reduce_min3A_175 = arith.constant dense<0x7F800000> : vector<256xf32>
    %reduce_min3A_176 = vector.multi_reduction <minimumf>, %select_n3A_174, %reduce_min3A_175 [1] : vector<256x1024xf32> to vector<256xf32>
    %broadcast_in_dim3A_177 = vector.shape_cast %reduce_min3A_176 : vector<256xf32> to vector<256x1xf32>
    %eq3A_178 = vector.broadcast %broadcast_in_dim3A_177 : vector<256x1xf32> to vector<256x1024xf32>
    %eq3A_179 = arith.cmpf oeq, %select_n3A_174, %eq3A_178 : vector<256x1024xf32>
    %jit3A_180 = arith.constant 1024 : i32
    %broadcast_in_dim3A_181 = vector.broadcast %jit3A_180 : i32 to vector<256x1024xi32>
    %select_n3A_182 = arith.select %eq3A_179, %iota3A, %broadcast_in_dim3A_181 : vector<256x1024xi1>, vector<256x1024xi32>
    %reduce_min3A_183 = arith.constant dense<2147483647> : vector<256xi32>
    %reduce_min3A_184 = vector.multi_reduction <minsi>, %select_n3A_182, %reduce_min3A_183 [1] : vector<256x1024xi32> to vector<256xi32>
    %broadcast_in_dim3A_185 = vector.shape_cast %reduce_min3A_184 : vector<256xi32> to vector<256x1xi32>
    %add3A_186 = vector.broadcast %mul3A_26 : i32 to vector<256x1xi32>
    %add3A_187 = arith.addi %broadcast_in_dim3A_185, %add3A_186 : vector<256x1xi32>
    %add3A_188 = arith.constant 9.99999997E-7 : f32
    %add3A_189 = vector.broadcast %add3A_188 : f32 to vector<256x1xf32>
    %add3A_190 = arith.addf %broadcast_in_dim3A_177, %add3A_189 : vector<256x1xf32>
    %sqrt3A_191 = math.sqrt %add3A_190 : vector<256x1xf32>
    %eq3A_192 = vector.broadcast %broadcast_in_dim3A_185 : vector<256x1xi32> to vector<256x1024xi32>
    %eq3A_193 = arith.cmpi eq, %iota3A, %eq3A_192 : vector<256x1024xi32>
    %jit3A_194 = arith.constant 1.000000e+30 : f32
    %broadcast_in_dim3A_195 = vector.broadcast %jit3A_194 : f32 to vector<256x1024xf32>
    %select_n3A_196 = arith.select %eq3A_193, %broadcast_in_dim3A_195, %select_n3A_174 : vector<256x1024xi1>, vector<256x1024xf32>
    %reduce_min3A_197 = arith.constant dense<0x7F800000> : vector<256xf32>
    %reduce_min3A_198 = vector.multi_reduction <minimumf>, %select_n3A_196, %reduce_min3A_197 [1] : vector<256x1024xf32> to vector<256xf32>
    %broadcast_in_dim3A_199 = vector.shape_cast %reduce_min3A_198 : vector<256xf32> to vector<256x1xf32>
    %eq3A_200 = vector.broadcast %broadcast_in_dim3A_199 : vector<256x1xf32> to vector<256x1024xf32>
    %eq3A_201 = arith.cmpf oeq, %select_n3A_196, %eq3A_200 : vector<256x1024xf32>
    %jit3A_202 = arith.constant 1024 : i32
    %broadcast_in_dim3A_203 = vector.broadcast %jit3A_202 : i32 to vector<256x1024xi32>
    %select_n3A_204 = arith.select %eq3A_201, %iota3A, %broadcast_in_dim3A_203 : vector<256x1024xi1>, vector<256x1024xi32>
    %reduce_min3A_205 = arith.constant dense<2147483647> : vector<256xi32>
    %reduce_min3A_206 = vector.multi_reduction <minsi>, %select_n3A_204, %reduce_min3A_205 [1] : vector<256x1024xi32> to vector<256xi32>
    %broadcast_in_dim3A_207 = vector.shape_cast %reduce_min3A_206 : vector<256xi32> to vector<256x1xi32>
    %add3A_208 = vector.broadcast %mul3A_26 : i32 to vector<256x1xi32>
    %add3A_209 = arith.addi %broadcast_in_dim3A_207, %add3A_208 : vector<256x1xi32>
    %add3A_210 = arith.constant 9.99999997E-7 : f32
    %add3A_211 = vector.broadcast %add3A_210 : f32 to vector<256x1xf32>
    %add3A_212 = arith.addf %broadcast_in_dim3A_199, %add3A_211 : vector<256x1xf32>
    %sqrt3A_213 = math.sqrt %add3A_212 : vector<256x1xf32>
    %eq3A_214 = vector.broadcast %broadcast_in_dim3A_207 : vector<256x1xi32> to vector<256x1024xi32>
    %eq3A_215 = arith.cmpi eq, %iota3A, %eq3A_214 : vector<256x1024xi32>
    %jit3A_216 = arith.constant 1.000000e+30 : f32
    %broadcast_in_dim3A_217 = vector.broadcast %jit3A_216 : f32 to vector<256x1024xf32>
    %select_n3A_218 = arith.select %eq3A_215, %broadcast_in_dim3A_217, %select_n3A_196 : vector<256x1024xi1>, vector<256x1024xf32>
    %reduce_min3A_219 = arith.constant dense<0x7F800000> : vector<256xf32>
    %reduce_min3A_220 = vector.multi_reduction <minimumf>, %select_n3A_218, %reduce_min3A_219 [1] : vector<256x1024xf32> to vector<256xf32>
    %broadcast_in_dim3A_221 = vector.shape_cast %reduce_min3A_220 : vector<256xf32> to vector<256x1xf32>
    %eq3A_222 = vector.broadcast %broadcast_in_dim3A_221 : vector<256x1xf32> to vector<256x1024xf32>
    %eq3A_223 = arith.cmpf oeq, %select_n3A_218, %eq3A_222 : vector<256x1024xf32>
    %jit3A_224 = arith.constant 1024 : i32
    %broadcast_in_dim3A_225 = vector.broadcast %jit3A_224 : i32 to vector<256x1024xi32>
    %select_n3A_226 = arith.select %eq3A_223, %iota3A, %broadcast_in_dim3A_225 : vector<256x1024xi1>, vector<256x1024xi32>
    %reduce_min3A_227 = arith.constant dense<2147483647> : vector<256xi32>
    %reduce_min3A_228 = vector.multi_reduction <minsi>, %select_n3A_226, %reduce_min3A_227 [1] : vector<256x1024xi32> to vector<256xi32>
    %broadcast_in_dim3A_229 = vector.shape_cast %reduce_min3A_228 : vector<256xi32> to vector<256x1xi32>
    %add3A_230 = vector.broadcast %mul3A_26 : i32 to vector<256x1xi32>
    %add3A_231 = arith.addi %broadcast_in_dim3A_229, %add3A_230 : vector<256x1xi32>
    %add3A_232 = arith.constant 9.99999997E-7 : f32
    %add3A_233 = vector.broadcast %add3A_232 : f32 to vector<256x1xf32>
    %add3A_234 = arith.addf %broadcast_in_dim3A_221, %add3A_233 : vector<256x1xf32>
    %sqrt3A_235 = math.sqrt %add3A_234 : vector<256x1xf32>
    %eq3A_236 = vector.broadcast %broadcast_in_dim3A_229 : vector<256x1xi32> to vector<256x1024xi32>
    %eq3A_237 = arith.cmpi eq, %iota3A, %eq3A_236 : vector<256x1024xi32>
    %jit3A_238 = arith.constant 1.000000e+30 : f32
    %broadcast_in_dim3A_239 = vector.broadcast %jit3A_238 : f32 to vector<256x1024xf32>
    %select_n3A_240 = arith.select %eq3A_237, %broadcast_in_dim3A_239, %select_n3A_218 : vector<256x1024xi1>, vector<256x1024xf32>
    %reduce_min3A_241 = arith.constant dense<0x7F800000> : vector<256xf32>
    %reduce_min3A_242 = vector.multi_reduction <minimumf>, %select_n3A_240, %reduce_min3A_241 [1] : vector<256x1024xf32> to vector<256xf32>
    %broadcast_in_dim3A_243 = vector.shape_cast %reduce_min3A_242 : vector<256xf32> to vector<256x1xf32>
    %eq3A_244 = vector.broadcast %broadcast_in_dim3A_243 : vector<256x1xf32> to vector<256x1024xf32>
    %eq3A_245 = arith.cmpf oeq, %select_n3A_240, %eq3A_244 : vector<256x1024xf32>
    %jit3A_246 = arith.constant 1024 : i32
    %broadcast_in_dim3A_247 = vector.broadcast %jit3A_246 : i32 to vector<256x1024xi32>
    %select_n3A_248 = arith.select %eq3A_245, %iota3A, %broadcast_in_dim3A_247 : vector<256x1024xi1>, vector<256x1024xi32>
    %reduce_min3A_249 = arith.constant dense<2147483647> : vector<256xi32>
    %reduce_min3A_250 = vector.multi_reduction <minsi>, %select_n3A_248, %reduce_min3A_249 [1] : vector<256x1024xi32> to vector<256xi32>
    %broadcast_in_dim3A_251 = vector.shape_cast %reduce_min3A_250 : vector<256xi32> to vector<256x1xi32>
    %add3A_252 = vector.broadcast %mul3A_26 : i32 to vector<256x1xi32>
    %add3A_253 = arith.addi %broadcast_in_dim3A_251, %add3A_252 : vector<256x1xi32>
    %add3A_254 = arith.constant 9.99999997E-7 : f32
    %add3A_255 = vector.broadcast %add3A_254 : f32 to vector<256x1xf32>
    %add3A_256 = arith.addf %broadcast_in_dim3A_243, %add3A_255 : vector<256x1xf32>
    %sqrt3A_257 = math.sqrt %add3A_256 : vector<256x1xf32>
    %eq3A_258 = vector.broadcast %broadcast_in_dim3A_251 : vector<256x1xi32> to vector<256x1024xi32>
    %eq3A_259 = arith.cmpi eq, %iota3A, %eq3A_258 : vector<256x1024xi32>
    %jit3A_260 = arith.constant 1.000000e+30 : f32
    %broadcast_in_dim3A_261 = vector.broadcast %jit3A_260 : f32 to vector<256x1024xf32>
    %select_n3A_262 = arith.select %eq3A_259, %broadcast_in_dim3A_261, %select_n3A_240 : vector<256x1024xi1>, vector<256x1024xf32>
    %reduce_min3A_263 = arith.constant dense<0x7F800000> : vector<256xf32>
    %reduce_min3A_264 = vector.multi_reduction <minimumf>, %select_n3A_262, %reduce_min3A_263 [1] : vector<256x1024xf32> to vector<256xf32>
    %broadcast_in_dim3A_265 = vector.shape_cast %reduce_min3A_264 : vector<256xf32> to vector<256x1xf32>
    %eq3A_266 = vector.broadcast %broadcast_in_dim3A_265 : vector<256x1xf32> to vector<256x1024xf32>
    %eq3A_267 = arith.cmpf oeq, %select_n3A_262, %eq3A_266 : vector<256x1024xf32>
    %jit3A_268 = arith.constant 1024 : i32
    %broadcast_in_dim3A_269 = vector.broadcast %jit3A_268 : i32 to vector<256x1024xi32>
    %select_n3A_270 = arith.select %eq3A_267, %iota3A, %broadcast_in_dim3A_269 : vector<256x1024xi1>, vector<256x1024xi32>
    %reduce_min3A_271 = arith.constant dense<2147483647> : vector<256xi32>
    %reduce_min3A_272 = vector.multi_reduction <minsi>, %select_n3A_270, %reduce_min3A_271 [1] : vector<256x1024xi32> to vector<256xi32>
    %broadcast_in_dim3A_273 = vector.shape_cast %reduce_min3A_272 : vector<256xi32> to vector<256x1xi32>
    %add3A_274 = vector.broadcast %mul3A_26 : i32 to vector<256x1xi32>
    %add3A_275 = arith.addi %broadcast_in_dim3A_273, %add3A_274 : vector<256x1xi32>
    %add3A_276 = arith.constant 9.99999997E-7 : f32
    %add3A_277 = vector.broadcast %add3A_276 : f32 to vector<256x1xf32>
    %add3A_278 = arith.addf %broadcast_in_dim3A_265, %add3A_277 : vector<256x1xf32>
    %sqrt3A_279 = math.sqrt %add3A_278 : vector<256x1xf32>
    %eq3A_280 = vector.broadcast %broadcast_in_dim3A_273 : vector<256x1xi32> to vector<256x1024xi32>
    %eq3A_281 = arith.cmpi eq, %iota3A, %eq3A_280 : vector<256x1024xi32>
    %jit3A_282 = arith.constant 1.000000e+30 : f32
    %broadcast_in_dim3A_283 = vector.broadcast %jit3A_282 : f32 to vector<256x1024xf32>
    %select_n3A_284 = arith.select %eq3A_281, %broadcast_in_dim3A_283, %select_n3A_262 : vector<256x1024xi1>, vector<256x1024xf32>
    %reduce_min3A_285 = arith.constant dense<0x7F800000> : vector<256xf32>
    %reduce_min3A_286 = vector.multi_reduction <minimumf>, %select_n3A_284, %reduce_min3A_285 [1] : vector<256x1024xf32> to vector<256xf32>
    %broadcast_in_dim3A_287 = vector.shape_cast %reduce_min3A_286 : vector<256xf32> to vector<256x1xf32>
    %eq3A_288 = vector.broadcast %broadcast_in_dim3A_287 : vector<256x1xf32> to vector<256x1024xf32>
    %eq3A_289 = arith.cmpf oeq, %select_n3A_284, %eq3A_288 : vector<256x1024xf32>
    %jit3A_290 = arith.constant 1024 : i32
    %broadcast_in_dim3A_291 = vector.broadcast %jit3A_290 : i32 to vector<256x1024xi32>
    %select_n3A_292 = arith.select %eq3A_289, %iota3A, %broadcast_in_dim3A_291 : vector<256x1024xi1>, vector<256x1024xi32>
    %reduce_min3A_293 = arith.constant dense<2147483647> : vector<256xi32>
    %reduce_min3A_294 = vector.multi_reduction <minsi>, %select_n3A_292, %reduce_min3A_293 [1] : vector<256x1024xi32> to vector<256xi32>
    %broadcast_in_dim3A_295 = vector.shape_cast %reduce_min3A_294 : vector<256xi32> to vector<256x1xi32>
    %add3A_296 = vector.broadcast %mul3A_26 : i32 to vector<256x1xi32>
    %add3A_297 = arith.addi %broadcast_in_dim3A_295, %add3A_296 : vector<256x1xi32>
    %add3A_298 = arith.constant 9.99999997E-7 : f32
    %add3A_299 = vector.broadcast %add3A_298 : f32 to vector<256x1xf32>
    %add3A_300 = arith.addf %broadcast_in_dim3A_287, %add3A_299 : vector<256x1xf32>
    %sqrt3A_301 = math.sqrt %add3A_300 : vector<256x1xf32>
    %eq3A_302 = vector.broadcast %broadcast_in_dim3A_295 : vector<256x1xi32> to vector<256x1024xi32>
    %eq3A_303 = arith.cmpi eq, %iota3A, %eq3A_302 : vector<256x1024xi32>
    %jit3A_304 = arith.constant 1.000000e+30 : f32
    %broadcast_in_dim3A_305 = vector.broadcast %jit3A_304 : f32 to vector<256x1024xf32>
    %select_n3A_306 = arith.select %eq3A_303, %broadcast_in_dim3A_305, %select_n3A_284 : vector<256x1024xi1>, vector<256x1024xf32>
    %reduce_min3A_307 = arith.constant dense<0x7F800000> : vector<256xf32>
    %reduce_min3A_308 = vector.multi_reduction <minimumf>, %select_n3A_306, %reduce_min3A_307 [1] : vector<256x1024xf32> to vector<256xf32>
    %broadcast_in_dim3A_309 = vector.shape_cast %reduce_min3A_308 : vector<256xf32> to vector<256x1xf32>
    %eq3A_310 = vector.broadcast %broadcast_in_dim3A_309 : vector<256x1xf32> to vector<256x1024xf32>
    %eq3A_311 = arith.cmpf oeq, %select_n3A_306, %eq3A_310 : vector<256x1024xf32>
    %jit3A_312 = arith.constant 1024 : i32
    %broadcast_in_dim3A_313 = vector.broadcast %jit3A_312 : i32 to vector<256x1024xi32>
    %select_n3A_314 = arith.select %eq3A_311, %iota3A, %broadcast_in_dim3A_313 : vector<256x1024xi1>, vector<256x1024xi32>
    %reduce_min3A_315 = arith.constant dense<2147483647> : vector<256xi32>
    %reduce_min3A_316 = vector.multi_reduction <minsi>, %select_n3A_314, %reduce_min3A_315 [1] : vector<256x1024xi32> to vector<256xi32>
    %broadcast_in_dim3A_317 = vector.shape_cast %reduce_min3A_316 : vector<256xi32> to vector<256x1xi32>
    %add3A_318 = vector.broadcast %mul3A_26 : i32 to vector<256x1xi32>
    %add3A_319 = arith.addi %broadcast_in_dim3A_317, %add3A_318 : vector<256x1xi32>
    %add3A_320 = arith.constant 9.99999997E-7 : f32
    %add3A_321 = vector.broadcast %add3A_320 : f32 to vector<256x1xf32>
    %add3A_322 = arith.addf %broadcast_in_dim3A_309, %add3A_321 : vector<256x1xf32>
    %sqrt3A_323 = math.sqrt %add3A_322 : vector<256x1xf32>
    %eq3A_324 = vector.broadcast %broadcast_in_dim3A_317 : vector<256x1xi32> to vector<256x1024xi32>
    %eq3A_325 = arith.cmpi eq, %iota3A, %eq3A_324 : vector<256x1024xi32>
    %jit3A_326 = arith.constant 1.000000e+30 : f32
    %broadcast_in_dim3A_327 = vector.broadcast %jit3A_326 : f32 to vector<256x1024xf32>
    %select_n3A_328 = arith.select %eq3A_325, %broadcast_in_dim3A_327, %select_n3A_306 : vector<256x1024xi1>, vector<256x1024xf32>
    %reduce_min3A_329 = arith.constant dense<0x7F800000> : vector<256xf32>
    %reduce_min3A_330 = vector.multi_reduction <minimumf>, %select_n3A_328, %reduce_min3A_329 [1] : vector<256x1024xf32> to vector<256xf32>
    %broadcast_in_dim3A_331 = vector.shape_cast %reduce_min3A_330 : vector<256xf32> to vector<256x1xf32>
    %eq3A_332 = vector.broadcast %broadcast_in_dim3A_331 : vector<256x1xf32> to vector<256x1024xf32>
    %eq3A_333 = arith.cmpf oeq, %select_n3A_328, %eq3A_332 : vector<256x1024xf32>
    %jit3A_334 = arith.constant 1024 : i32
    %broadcast_in_dim3A_335 = vector.broadcast %jit3A_334 : i32 to vector<256x1024xi32>
    %select_n3A_336 = arith.select %eq3A_333, %iota3A, %broadcast_in_dim3A_335 : vector<256x1024xi1>, vector<256x1024xi32>
    %reduce_min3A_337 = arith.constant dense<2147483647> : vector<256xi32>
    %reduce_min3A_338 = vector.multi_reduction <minsi>, %select_n3A_336, %reduce_min3A_337 [1] : vector<256x1024xi32> to vector<256xi32>
    %broadcast_in_dim3A_339 = vector.shape_cast %reduce_min3A_338 : vector<256xi32> to vector<256x1xi32>
    %add3A_340 = vector.broadcast %mul3A_26 : i32 to vector<256x1xi32>
    %add3A_341 = arith.addi %broadcast_in_dim3A_339, %add3A_340 : vector<256x1xi32>
    %add3A_342 = arith.constant 9.99999997E-7 : f32
    %add3A_343 = vector.broadcast %add3A_342 : f32 to vector<256x1xf32>
    %add3A_344 = arith.addf %broadcast_in_dim3A_331, %add3A_343 : vector<256x1xf32>
    %sqrt3A_345 = math.sqrt %add3A_344 : vector<256x1xf32>
    %eq3A_346 = vector.broadcast %broadcast_in_dim3A_339 : vector<256x1xi32> to vector<256x1024xi32>
    %eq3A_347 = arith.cmpi eq, %iota3A, %eq3A_346 : vector<256x1024xi32>
    %jit3A_348 = arith.constant 1.000000e+30 : f32
    %broadcast_in_dim3A_349 = vector.broadcast %jit3A_348 : f32 to vector<256x1024xf32>
    %select_n3A_350 = arith.select %eq3A_347, %broadcast_in_dim3A_349, %select_n3A_328 : vector<256x1024xi1>, vector<256x1024xf32>
    %reduce_min3A_351 = arith.constant dense<0x7F800000> : vector<256xf32>
    %reduce_min3A_352 = vector.multi_reduction <minimumf>, %select_n3A_350, %reduce_min3A_351 [1] : vector<256x1024xf32> to vector<256xf32>
    %broadcast_in_dim3A_353 = vector.shape_cast %reduce_min3A_352 : vector<256xf32> to vector<256x1xf32>
    %eq3A_354 = vector.broadcast %broadcast_in_dim3A_353 : vector<256x1xf32> to vector<256x1024xf32>
    %eq3A_355 = arith.cmpf oeq, %select_n3A_350, %eq3A_354 : vector<256x1024xf32>
    %jit3A_356 = arith.constant 1024 : i32
    %broadcast_in_dim3A_357 = vector.broadcast %jit3A_356 : i32 to vector<256x1024xi32>
    %select_n3A_358 = arith.select %eq3A_355, %iota3A, %broadcast_in_dim3A_357 : vector<256x1024xi1>, vector<256x1024xi32>
    %reduce_min3A_359 = arith.constant dense<2147483647> : vector<256xi32>
    %reduce_min3A_360 = vector.multi_reduction <minsi>, %select_n3A_358, %reduce_min3A_359 [1] : vector<256x1024xi32> to vector<256xi32>
    %broadcast_in_dim3A_361 = vector.shape_cast %reduce_min3A_360 : vector<256xi32> to vector<256x1xi32>
    %add3A_362 = vector.broadcast %mul3A_26 : i32 to vector<256x1xi32>
    %add3A_363 = arith.addi %broadcast_in_dim3A_361, %add3A_362 : vector<256x1xi32>
    %add3A_364 = arith.constant 9.99999997E-7 : f32
    %add3A_365 = vector.broadcast %add3A_364 : f32 to vector<256x1xf32>
    %add3A_366 = arith.addf %broadcast_in_dim3A_353, %add3A_365 : vector<256x1xf32>
    %sqrt3A_367 = math.sqrt %add3A_366 : vector<256x1xf32>
    %eq3A_368 = vector.broadcast %broadcast_in_dim3A_361 : vector<256x1xi32> to vector<256x1024xi32>
    %eq3A_369 = arith.cmpi eq, %iota3A, %eq3A_368 : vector<256x1024xi32>
    %jit3A_370 = arith.constant 1.000000e+30 : f32
    %broadcast_in_dim3A_371 = vector.broadcast %jit3A_370 : f32 to vector<256x1024xf32>
    %select_n3A_372 = arith.select %eq3A_369, %broadcast_in_dim3A_371, %select_n3A_350 : vector<256x1024xi1>, vector<256x1024xf32>
    %reduce_min3A_373 = arith.constant dense<0x7F800000> : vector<256xf32>
    %reduce_min3A_374 = vector.multi_reduction <minimumf>, %select_n3A_372, %reduce_min3A_373 [1] : vector<256x1024xf32> to vector<256xf32>
    %broadcast_in_dim3A_375 = vector.shape_cast %reduce_min3A_374 : vector<256xf32> to vector<256x1xf32>
    %eq3A_376 = vector.broadcast %broadcast_in_dim3A_375 : vector<256x1xf32> to vector<256x1024xf32>
    %eq3A_377 = arith.cmpf oeq, %select_n3A_372, %eq3A_376 : vector<256x1024xf32>
    %jit3A_378 = arith.constant 1024 : i32
    %broadcast_in_dim3A_379 = vector.broadcast %jit3A_378 : i32 to vector<256x1024xi32>
    %select_n3A_380 = arith.select %eq3A_377, %iota3A, %broadcast_in_dim3A_379 : vector<256x1024xi1>, vector<256x1024xi32>
    %reduce_min3A_381 = arith.constant dense<2147483647> : vector<256xi32>
    %reduce_min3A_382 = vector.multi_reduction <minsi>, %select_n3A_380, %reduce_min3A_381 [1] : vector<256x1024xi32> to vector<256xi32>
    %broadcast_in_dim3A_383 = vector.shape_cast %reduce_min3A_382 : vector<256xi32> to vector<256x1xi32>
    %add3A_384 = vector.broadcast %mul3A_26 : i32 to vector<256x1xi32>
    %add3A_385 = arith.addi %broadcast_in_dim3A_383, %add3A_384 : vector<256x1xi32>
    %add3A_386 = arith.constant 9.99999997E-7 : f32
    %add3A_387 = vector.broadcast %add3A_386 : f32 to vector<256x1xf32>
    %add3A_388 = arith.addf %broadcast_in_dim3A_375, %add3A_387 : vector<256x1xf32>
    %sqrt3A_389 = math.sqrt %add3A_388 : vector<256x1xf32>
    %eq3A_390 = vector.broadcast %broadcast_in_dim3A_383 : vector<256x1xi32> to vector<256x1024xi32>
    %eq3A_391 = arith.cmpi eq, %iota3A, %eq3A_390 : vector<256x1024xi32>
    %jit3A_392 = arith.constant 1.000000e+30 : f32
    %broadcast_in_dim3A_393 = vector.broadcast %jit3A_392 : f32 to vector<256x1024xf32>
    %select_n3A_394 = arith.select %eq3A_391, %broadcast_in_dim3A_393, %select_n3A_372 : vector<256x1024xi1>, vector<256x1024xf32>
    %reduce_min3A_395 = arith.constant dense<0x7F800000> : vector<256xf32>
    %reduce_min3A_396 = vector.multi_reduction <minimumf>, %select_n3A_394, %reduce_min3A_395 [1] : vector<256x1024xf32> to vector<256xf32>
    %broadcast_in_dim3A_397 = vector.shape_cast %reduce_min3A_396 : vector<256xf32> to vector<256x1xf32>
    %eq3A_398 = vector.broadcast %broadcast_in_dim3A_397 : vector<256x1xf32> to vector<256x1024xf32>
    %eq3A_399 = arith.cmpf oeq, %select_n3A_394, %eq3A_398 : vector<256x1024xf32>
    %jit3A_400 = arith.constant 1024 : i32
    %broadcast_in_dim3A_401 = vector.broadcast %jit3A_400 : i32 to vector<256x1024xi32>
    %select_n3A_402 = arith.select %eq3A_399, %iota3A, %broadcast_in_dim3A_401 : vector<256x1024xi1>, vector<256x1024xi32>
    %reduce_min3A_403 = arith.constant dense<2147483647> : vector<256xi32>
    %reduce_min3A_404 = vector.multi_reduction <minsi>, %select_n3A_402, %reduce_min3A_403 [1] : vector<256x1024xi32> to vector<256xi32>
    %broadcast_in_dim3A_405 = vector.shape_cast %reduce_min3A_404 : vector<256xi32> to vector<256x1xi32>
    %add3A_406 = vector.broadcast %mul3A_26 : i32 to vector<256x1xi32>
    %add3A_407 = arith.addi %broadcast_in_dim3A_405, %add3A_406 : vector<256x1xi32>
    %add3A_408 = arith.constant 9.99999997E-7 : f32
    %add3A_409 = vector.broadcast %add3A_408 : f32 to vector<256x1xf32>
    %add3A_410 = arith.addf %broadcast_in_dim3A_397, %add3A_409 : vector<256x1xf32>
    %sqrt3A_411 = math.sqrt %add3A_410 : vector<256x1xf32>
    %eq3A_412 = vector.broadcast %broadcast_in_dim3A_405 : vector<256x1xi32> to vector<256x1024xi32>
    %eq3A_413 = arith.cmpi eq, %iota3A, %eq3A_412 : vector<256x1024xi32>
    %jit3A_414 = arith.constant 1.000000e+30 : f32
    %broadcast_in_dim3A_415 = vector.broadcast %jit3A_414 : f32 to vector<256x1024xf32>
    %select_n3A_416 = arith.select %eq3A_413, %broadcast_in_dim3A_415, %select_n3A_394 : vector<256x1024xi1>, vector<256x1024xf32>
    %reduce_min3A_417 = arith.constant dense<0x7F800000> : vector<256xf32>
    %reduce_min3A_418 = vector.multi_reduction <minimumf>, %select_n3A_416, %reduce_min3A_417 [1] : vector<256x1024xf32> to vector<256xf32>
    %broadcast_in_dim3A_419 = vector.shape_cast %reduce_min3A_418 : vector<256xf32> to vector<256x1xf32>
    %eq3A_420 = vector.broadcast %broadcast_in_dim3A_419 : vector<256x1xf32> to vector<256x1024xf32>
    %eq3A_421 = arith.cmpf oeq, %select_n3A_416, %eq3A_420 : vector<256x1024xf32>
    %jit3A_422 = arith.constant 1024 : i32
    %broadcast_in_dim3A_423 = vector.broadcast %jit3A_422 : i32 to vector<256x1024xi32>
    %select_n3A_424 = arith.select %eq3A_421, %iota3A, %broadcast_in_dim3A_423 : vector<256x1024xi1>, vector<256x1024xi32>
    %reduce_min3A_425 = arith.constant dense<2147483647> : vector<256xi32>
    %reduce_min3A_426 = vector.multi_reduction <minsi>, %select_n3A_424, %reduce_min3A_425 [1] : vector<256x1024xi32> to vector<256xi32>
    %broadcast_in_dim3A_427 = vector.shape_cast %reduce_min3A_426 : vector<256xi32> to vector<256x1xi32>
    %add3A_428 = vector.broadcast %mul3A_26 : i32 to vector<256x1xi32>
    %add3A_429 = arith.addi %broadcast_in_dim3A_427, %add3A_428 : vector<256x1xi32>
    %add3A_430 = arith.constant 9.99999997E-7 : f32
    %add3A_431 = vector.broadcast %add3A_430 : f32 to vector<256x1xf32>
    %add3A_432 = arith.addf %broadcast_in_dim3A_419, %add3A_431 : vector<256x1xf32>
    %sqrt3A_433 = math.sqrt %add3A_432 : vector<256x1xf32>
    %eq3A_434 = vector.broadcast %broadcast_in_dim3A_427 : vector<256x1xi32> to vector<256x1024xi32>
    %eq3A_435 = arith.cmpi eq, %iota3A, %eq3A_434 : vector<256x1024xi32>
    %jit3A_436 = arith.constant 1.000000e+30 : f32
    %broadcast_in_dim3A_437 = vector.broadcast %jit3A_436 : f32 to vector<256x1024xf32>
    %select_n3A_438 = arith.select %eq3A_435, %broadcast_in_dim3A_437, %select_n3A_416 : vector<256x1024xi1>, vector<256x1024xf32>
    %reduce_min3A_439 = arith.constant dense<0x7F800000> : vector<256xf32>
    %reduce_min3A_440 = vector.multi_reduction <minimumf>, %select_n3A_438, %reduce_min3A_439 [1] : vector<256x1024xf32> to vector<256xf32>
    %broadcast_in_dim3A_441 = vector.shape_cast %reduce_min3A_440 : vector<256xf32> to vector<256x1xf32>
    %eq3A_442 = vector.broadcast %broadcast_in_dim3A_441 : vector<256x1xf32> to vector<256x1024xf32>
    %eq3A_443 = arith.cmpf oeq, %select_n3A_438, %eq3A_442 : vector<256x1024xf32>
    %jit3A_444 = arith.constant 1024 : i32
    %broadcast_in_dim3A_445 = vector.broadcast %jit3A_444 : i32 to vector<256x1024xi32>
    %select_n3A_446 = arith.select %eq3A_443, %iota3A, %broadcast_in_dim3A_445 : vector<256x1024xi1>, vector<256x1024xi32>
    %reduce_min3A_447 = arith.constant dense<2147483647> : vector<256xi32>
    %reduce_min3A_448 = vector.multi_reduction <minsi>, %select_n3A_446, %reduce_min3A_447 [1] : vector<256x1024xi32> to vector<256xi32>
    %broadcast_in_dim3A_449 = vector.shape_cast %reduce_min3A_448 : vector<256xi32> to vector<256x1xi32>
    %add3A_450 = vector.broadcast %mul3A_26 : i32 to vector<256x1xi32>
    %add3A_451 = arith.addi %broadcast_in_dim3A_449, %add3A_450 : vector<256x1xi32>
    %add3A_452 = arith.constant 9.99999997E-7 : f32
    %add3A_453 = vector.broadcast %add3A_452 : f32 to vector<256x1xf32>
    %add3A_454 = arith.addf %broadcast_in_dim3A_441, %add3A_453 : vector<256x1xf32>
    %sqrt3A_455 = math.sqrt %add3A_454 : vector<256x1xf32>
    %eq3A_456 = vector.broadcast %broadcast_in_dim3A_449 : vector<256x1xi32> to vector<256x1024xi32>
    %eq3A_457 = arith.cmpi eq, %iota3A, %eq3A_456 : vector<256x1024xi32>
    %jit3A_458 = arith.constant 1.000000e+30 : f32
    %broadcast_in_dim3A_459 = vector.broadcast %jit3A_458 : f32 to vector<256x1024xf32>
    %select_n3A_460 = arith.select %eq3A_457, %broadcast_in_dim3A_459, %select_n3A_438 : vector<256x1024xi1>, vector<256x1024xf32>
    %reduce_min3A_461 = arith.constant dense<0x7F800000> : vector<256xf32>
    %reduce_min3A_462 = vector.multi_reduction <minimumf>, %select_n3A_460, %reduce_min3A_461 [1] : vector<256x1024xf32> to vector<256xf32>
    %broadcast_in_dim3A_463 = vector.shape_cast %reduce_min3A_462 : vector<256xf32> to vector<256x1xf32>
    %eq3A_464 = vector.broadcast %broadcast_in_dim3A_463 : vector<256x1xf32> to vector<256x1024xf32>
    %eq3A_465 = arith.cmpf oeq, %select_n3A_460, %eq3A_464 : vector<256x1024xf32>
    %jit3A_466 = arith.constant 1024 : i32
    %broadcast_in_dim3A_467 = vector.broadcast %jit3A_466 : i32 to vector<256x1024xi32>
    %select_n3A_468 = arith.select %eq3A_465, %iota3A, %broadcast_in_dim3A_467 : vector<256x1024xi1>, vector<256x1024xi32>
    %reduce_min3A_469 = arith.constant dense<2147483647> : vector<256xi32>
    %reduce_min3A_470 = vector.multi_reduction <minsi>, %select_n3A_468, %reduce_min3A_469 [1] : vector<256x1024xi32> to vector<256xi32>
    %broadcast_in_dim3A_471 = vector.shape_cast %reduce_min3A_470 : vector<256xi32> to vector<256x1xi32>
    %add3A_472 = vector.broadcast %mul3A_26 : i32 to vector<256x1xi32>
    %add3A_473 = arith.addi %broadcast_in_dim3A_471, %add3A_472 : vector<256x1xi32>
    %add3A_474 = arith.constant 9.99999997E-7 : f32
    %add3A_475 = vector.broadcast %add3A_474 : f32 to vector<256x1xf32>
    %add3A_476 = arith.addf %broadcast_in_dim3A_463, %add3A_475 : vector<256x1xf32>
    %sqrt3A_477 = math.sqrt %add3A_476 : vector<256x1xf32>
    %eq3A_478 = vector.broadcast %broadcast_in_dim3A_471 : vector<256x1xi32> to vector<256x1024xi32>
    %eq3A_479 = arith.cmpi eq, %iota3A, %eq3A_478 : vector<256x1024xi32>
    %jit3A_480 = arith.constant 1.000000e+30 : f32
    %broadcast_in_dim3A_481 = vector.broadcast %jit3A_480 : f32 to vector<256x1024xf32>
    %select_n3A_482 = arith.select %eq3A_479, %broadcast_in_dim3A_481, %select_n3A_460 : vector<256x1024xi1>, vector<256x1024xf32>
    %reduce_min3A_483 = arith.constant dense<0x7F800000> : vector<256xf32>
    %reduce_min3A_484 = vector.multi_reduction <minimumf>, %select_n3A_482, %reduce_min3A_483 [1] : vector<256x1024xf32> to vector<256xf32>
    %broadcast_in_dim3A_485 = vector.shape_cast %reduce_min3A_484 : vector<256xf32> to vector<256x1xf32>
    %eq3A_486 = vector.broadcast %broadcast_in_dim3A_485 : vector<256x1xf32> to vector<256x1024xf32>
    %eq3A_487 = arith.cmpf oeq, %select_n3A_482, %eq3A_486 : vector<256x1024xf32>
    %jit3A_488 = arith.constant 1024 : i32
    %broadcast_in_dim3A_489 = vector.broadcast %jit3A_488 : i32 to vector<256x1024xi32>
    %select_n3A_490 = arith.select %eq3A_487, %iota3A, %broadcast_in_dim3A_489 : vector<256x1024xi1>, vector<256x1024xi32>
    %reduce_min3A_491 = arith.constant dense<2147483647> : vector<256xi32>
    %reduce_min3A_492 = vector.multi_reduction <minsi>, %select_n3A_490, %reduce_min3A_491 [1] : vector<256x1024xi32> to vector<256xi32>
    %broadcast_in_dim3A_493 = vector.shape_cast %reduce_min3A_492 : vector<256xi32> to vector<256x1xi32>
    %add3A_494 = vector.broadcast %mul3A_26 : i32 to vector<256x1xi32>
    %add3A_495 = arith.addi %broadcast_in_dim3A_493, %add3A_494 : vector<256x1xi32>
    %add3A_496 = arith.constant 9.99999997E-7 : f32
    %add3A_497 = vector.broadcast %add3A_496 : f32 to vector<256x1xf32>
    %add3A_498 = arith.addf %broadcast_in_dim3A_485, %add3A_497 : vector<256x1xf32>
    %sqrt3A_499 = math.sqrt %add3A_498 : vector<256x1xf32>
    %eq3A_500 = vector.broadcast %broadcast_in_dim3A_493 : vector<256x1xi32> to vector<256x1024xi32>
    %eq3A_501 = arith.cmpi eq, %iota3A, %eq3A_500 : vector<256x1024xi32>
    %jit3A_502 = arith.constant 1.000000e+30 : f32
    %broadcast_in_dim3A_503 = vector.broadcast %jit3A_502 : f32 to vector<256x1024xf32>
    %select_n3A_504 = arith.select %eq3A_501, %broadcast_in_dim3A_503, %select_n3A_482 : vector<256x1024xi1>, vector<256x1024xf32>
    %reduce_min3A_505 = arith.constant dense<0x7F800000> : vector<256xf32>
    %reduce_min3A_506 = vector.multi_reduction <minimumf>, %select_n3A_504, %reduce_min3A_505 [1] : vector<256x1024xf32> to vector<256xf32>
    %broadcast_in_dim3A_507 = vector.shape_cast %reduce_min3A_506 : vector<256xf32> to vector<256x1xf32>
    %eq3A_508 = vector.broadcast %broadcast_in_dim3A_507 : vector<256x1xf32> to vector<256x1024xf32>
    %eq3A_509 = arith.cmpf oeq, %select_n3A_504, %eq3A_508 : vector<256x1024xf32>
    %jit3A_510 = arith.constant 1024 : i32
    %broadcast_in_dim3A_511 = vector.broadcast %jit3A_510 : i32 to vector<256x1024xi32>
    %select_n3A_512 = arith.select %eq3A_509, %iota3A, %broadcast_in_dim3A_511 : vector<256x1024xi1>, vector<256x1024xi32>
    %reduce_min3A_513 = arith.constant dense<2147483647> : vector<256xi32>
    %reduce_min3A_514 = vector.multi_reduction <minsi>, %select_n3A_512, %reduce_min3A_513 [1] : vector<256x1024xi32> to vector<256xi32>
    %broadcast_in_dim3A_515 = vector.shape_cast %reduce_min3A_514 : vector<256xi32> to vector<256x1xi32>
    %add3A_516 = vector.broadcast %mul3A_26 : i32 to vector<256x1xi32>
    %add3A_517 = arith.addi %broadcast_in_dim3A_515, %add3A_516 : vector<256x1xi32>
    %add3A_518 = arith.constant 9.99999997E-7 : f32
    %add3A_519 = vector.broadcast %add3A_518 : f32 to vector<256x1xf32>
    %add3A_520 = arith.addf %broadcast_in_dim3A_507, %add3A_519 : vector<256x1xf32>
    %sqrt3A_521 = math.sqrt %add3A_520 : vector<256x1xf32>
    %eq3A_522 = vector.broadcast %broadcast_in_dim3A_515 : vector<256x1xi32> to vector<256x1024xi32>
    %eq3A_523 = arith.cmpi eq, %iota3A, %eq3A_522 : vector<256x1024xi32>
    %jit3A_524 = arith.constant 1.000000e+30 : f32
    %broadcast_in_dim3A_525 = vector.broadcast %jit3A_524 : f32 to vector<256x1024xf32>
    %select_n3A_526 = arith.select %eq3A_523, %broadcast_in_dim3A_525, %select_n3A_504 : vector<256x1024xi1>, vector<256x1024xf32>
    %reduce_min3A_527 = arith.constant dense<0x7F800000> : vector<256xf32>
    %reduce_min3A_528 = vector.multi_reduction <minimumf>, %select_n3A_526, %reduce_min3A_527 [1] : vector<256x1024xf32> to vector<256xf32>
    %broadcast_in_dim3A_529 = vector.shape_cast %reduce_min3A_528 : vector<256xf32> to vector<256x1xf32>
    %eq3A_530 = vector.broadcast %broadcast_in_dim3A_529 : vector<256x1xf32> to vector<256x1024xf32>
    %eq3A_531 = arith.cmpf oeq, %select_n3A_526, %eq3A_530 : vector<256x1024xf32>
    %jit3A_532 = arith.constant 1024 : i32
    %broadcast_in_dim3A_533 = vector.broadcast %jit3A_532 : i32 to vector<256x1024xi32>
    %select_n3A_534 = arith.select %eq3A_531, %iota3A, %broadcast_in_dim3A_533 : vector<256x1024xi1>, vector<256x1024xi32>
    %reduce_min3A_535 = arith.constant dense<2147483647> : vector<256xi32>
    %reduce_min3A_536 = vector.multi_reduction <minsi>, %select_n3A_534, %reduce_min3A_535 [1] : vector<256x1024xi32> to vector<256xi32>
    %broadcast_in_dim3A_537 = vector.shape_cast %reduce_min3A_536 : vector<256xi32> to vector<256x1xi32>
    %add3A_538 = vector.broadcast %mul3A_26 : i32 to vector<256x1xi32>
    %add3A_539 = arith.addi %broadcast_in_dim3A_537, %add3A_538 : vector<256x1xi32>
    %add3A_540 = arith.constant 9.99999997E-7 : f32
    %add3A_541 = vector.broadcast %add3A_540 : f32 to vector<256x1xf32>
    %add3A_542 = arith.addf %broadcast_in_dim3A_529, %add3A_541 : vector<256x1xf32>
    %sqrt3A_543 = math.sqrt %add3A_542 : vector<256x1xf32>
    %eq3A_544 = vector.broadcast %broadcast_in_dim3A_537 : vector<256x1xi32> to vector<256x1024xi32>
    %eq3A_545 = arith.cmpi eq, %iota3A, %eq3A_544 : vector<256x1024xi32>
    %jit3A_546 = arith.constant 1.000000e+30 : f32
    %broadcast_in_dim3A_547 = vector.broadcast %jit3A_546 : f32 to vector<256x1024xf32>
    %select_n3A_548 = arith.select %eq3A_545, %broadcast_in_dim3A_547, %select_n3A_526 : vector<256x1024xi1>, vector<256x1024xf32>
    %reduce_min3A_549 = arith.constant dense<0x7F800000> : vector<256xf32>
    %reduce_min3A_550 = vector.multi_reduction <minimumf>, %select_n3A_548, %reduce_min3A_549 [1] : vector<256x1024xf32> to vector<256xf32>
    %broadcast_in_dim3A_551 = vector.shape_cast %reduce_min3A_550 : vector<256xf32> to vector<256x1xf32>
    %eq3A_552 = vector.broadcast %broadcast_in_dim3A_551 : vector<256x1xf32> to vector<256x1024xf32>
    %eq3A_553 = arith.cmpf oeq, %select_n3A_548, %eq3A_552 : vector<256x1024xf32>
    %jit3A_554 = arith.constant 1024 : i32
    %broadcast_in_dim3A_555 = vector.broadcast %jit3A_554 : i32 to vector<256x1024xi32>
    %select_n3A_556 = arith.select %eq3A_553, %iota3A, %broadcast_in_dim3A_555 : vector<256x1024xi1>, vector<256x1024xi32>
    %reduce_min3A_557 = arith.constant dense<2147483647> : vector<256xi32>
    %reduce_min3A_558 = vector.multi_reduction <minsi>, %select_n3A_556, %reduce_min3A_557 [1] : vector<256x1024xi32> to vector<256xi32>
    %broadcast_in_dim3A_559 = vector.shape_cast %reduce_min3A_558 : vector<256xi32> to vector<256x1xi32>
    %add3A_560 = vector.broadcast %mul3A_26 : i32 to vector<256x1xi32>
    %add3A_561 = arith.addi %broadcast_in_dim3A_559, %add3A_560 : vector<256x1xi32>
    %add3A_562 = arith.constant 9.99999997E-7 : f32
    %add3A_563 = vector.broadcast %add3A_562 : f32 to vector<256x1xf32>
    %add3A_564 = arith.addf %broadcast_in_dim3A_551, %add3A_563 : vector<256x1xf32>
    %sqrt3A_565 = math.sqrt %add3A_564 : vector<256x1xf32>
    %eq3A_566 = vector.broadcast %broadcast_in_dim3A_559 : vector<256x1xi32> to vector<256x1024xi32>
    %eq3A_567 = arith.cmpi eq, %iota3A, %eq3A_566 : vector<256x1024xi32>
    %jit3A_568 = arith.constant 1.000000e+30 : f32
    %broadcast_in_dim3A_569 = vector.broadcast %jit3A_568 : f32 to vector<256x1024xf32>
    %select_n3A_570 = arith.select %eq3A_567, %broadcast_in_dim3A_569, %select_n3A_548 : vector<256x1024xi1>, vector<256x1024xf32>
    %reduce_min3A_571 = arith.constant dense<0x7F800000> : vector<256xf32>
    %reduce_min3A_572 = vector.multi_reduction <minimumf>, %select_n3A_570, %reduce_min3A_571 [1] : vector<256x1024xf32> to vector<256xf32>
    %broadcast_in_dim3A_573 = vector.shape_cast %reduce_min3A_572 : vector<256xf32> to vector<256x1xf32>
    %eq3A_574 = vector.broadcast %broadcast_in_dim3A_573 : vector<256x1xf32> to vector<256x1024xf32>
    %eq3A_575 = arith.cmpf oeq, %select_n3A_570, %eq3A_574 : vector<256x1024xf32>
    %jit3A_576 = arith.constant 1024 : i32
    %broadcast_in_dim3A_577 = vector.broadcast %jit3A_576 : i32 to vector<256x1024xi32>
    %select_n3A_578 = arith.select %eq3A_575, %iota3A, %broadcast_in_dim3A_577 : vector<256x1024xi1>, vector<256x1024xi32>
    %reduce_min3A_579 = arith.constant dense<2147483647> : vector<256xi32>
    %reduce_min3A_580 = vector.multi_reduction <minsi>, %select_n3A_578, %reduce_min3A_579 [1] : vector<256x1024xi32> to vector<256xi32>
    %broadcast_in_dim3A_581 = vector.shape_cast %reduce_min3A_580 : vector<256xi32> to vector<256x1xi32>
    %add3A_582 = vector.broadcast %mul3A_26 : i32 to vector<256x1xi32>
    %add3A_583 = arith.addi %broadcast_in_dim3A_581, %add3A_582 : vector<256x1xi32>
    %add3A_584 = arith.constant 9.99999997E-7 : f32
    %add3A_585 = vector.broadcast %add3A_584 : f32 to vector<256x1xf32>
    %add3A_586 = arith.addf %broadcast_in_dim3A_573, %add3A_585 : vector<256x1xf32>
    %sqrt3A_587 = math.sqrt %add3A_586 : vector<256x1xf32>
    %eq3A_588 = vector.broadcast %broadcast_in_dim3A_581 : vector<256x1xi32> to vector<256x1024xi32>
    %eq3A_589 = arith.cmpi eq, %iota3A, %eq3A_588 : vector<256x1024xi32>
    %jit3A_590 = arith.constant 1.000000e+30 : f32
    %broadcast_in_dim3A_591 = vector.broadcast %jit3A_590 : f32 to vector<256x1024xf32>
    %select_n3A_592 = arith.select %eq3A_589, %broadcast_in_dim3A_591, %select_n3A_570 : vector<256x1024xi1>, vector<256x1024xf32>
    %reduce_min3A_593 = arith.constant dense<0x7F800000> : vector<256xf32>
    %reduce_min3A_594 = vector.multi_reduction <minimumf>, %select_n3A_592, %reduce_min3A_593 [1] : vector<256x1024xf32> to vector<256xf32>
    %broadcast_in_dim3A_595 = vector.shape_cast %reduce_min3A_594 : vector<256xf32> to vector<256x1xf32>
    %eq3A_596 = vector.broadcast %broadcast_in_dim3A_595 : vector<256x1xf32> to vector<256x1024xf32>
    %eq3A_597 = arith.cmpf oeq, %select_n3A_592, %eq3A_596 : vector<256x1024xf32>
    %jit3A_598 = arith.constant 1024 : i32
    %broadcast_in_dim3A_599 = vector.broadcast %jit3A_598 : i32 to vector<256x1024xi32>
    %select_n3A_600 = arith.select %eq3A_597, %iota3A, %broadcast_in_dim3A_599 : vector<256x1024xi1>, vector<256x1024xi32>
    %reduce_min3A_601 = arith.constant dense<2147483647> : vector<256xi32>
    %reduce_min3A_602 = vector.multi_reduction <minsi>, %select_n3A_600, %reduce_min3A_601 [1] : vector<256x1024xi32> to vector<256xi32>
    %broadcast_in_dim3A_603 = vector.shape_cast %reduce_min3A_602 : vector<256xi32> to vector<256x1xi32>
    %add3A_604 = vector.broadcast %mul3A_26 : i32 to vector<256x1xi32>
    %add3A_605 = arith.addi %broadcast_in_dim3A_603, %add3A_604 : vector<256x1xi32>
    %add3A_606 = arith.constant 9.99999997E-7 : f32
    %add3A_607 = vector.broadcast %add3A_606 : f32 to vector<256x1xf32>
    %add3A_608 = arith.addf %broadcast_in_dim3A_595, %add3A_607 : vector<256x1xf32>
    %sqrt3A_609 = math.sqrt %add3A_608 : vector<256x1xf32>
    %eq3A_610 = vector.broadcast %broadcast_in_dim3A_603 : vector<256x1xi32> to vector<256x1024xi32>
    %eq3A_611 = arith.cmpi eq, %iota3A, %eq3A_610 : vector<256x1024xi32>
    %jit3A_612 = arith.constant 1.000000e+30 : f32
    %broadcast_in_dim3A_613 = vector.broadcast %jit3A_612 : f32 to vector<256x1024xf32>
    %select_n3A_614 = arith.select %eq3A_611, %broadcast_in_dim3A_613, %select_n3A_592 : vector<256x1024xi1>, vector<256x1024xf32>
    %reduce_min3A_615 = arith.constant dense<0x7F800000> : vector<256xf32>
    %reduce_min3A_616 = vector.multi_reduction <minimumf>, %select_n3A_614, %reduce_min3A_615 [1] : vector<256x1024xf32> to vector<256xf32>
    %broadcast_in_dim3A_617 = vector.shape_cast %reduce_min3A_616 : vector<256xf32> to vector<256x1xf32>
    %eq3A_618 = vector.broadcast %broadcast_in_dim3A_617 : vector<256x1xf32> to vector<256x1024xf32>
    %eq3A_619 = arith.cmpf oeq, %select_n3A_614, %eq3A_618 : vector<256x1024xf32>
    %jit3A_620 = arith.constant 1024 : i32
    %broadcast_in_dim3A_621 = vector.broadcast %jit3A_620 : i32 to vector<256x1024xi32>
    %select_n3A_622 = arith.select %eq3A_619, %iota3A, %broadcast_in_dim3A_621 : vector<256x1024xi1>, vector<256x1024xi32>
    %reduce_min3A_623 = arith.constant dense<2147483647> : vector<256xi32>
    %reduce_min3A_624 = vector.multi_reduction <minsi>, %select_n3A_622, %reduce_min3A_623 [1] : vector<256x1024xi32> to vector<256xi32>
    %broadcast_in_dim3A_625 = vector.shape_cast %reduce_min3A_624 : vector<256xi32> to vector<256x1xi32>
    %add3A_626 = vector.broadcast %mul3A_26 : i32 to vector<256x1xi32>
    %add3A_627 = arith.addi %broadcast_in_dim3A_625, %add3A_626 : vector<256x1xi32>
    %add3A_628 = arith.constant 9.99999997E-7 : f32
    %add3A_629 = vector.broadcast %add3A_628 : f32 to vector<256x1xf32>
    %add3A_630 = arith.addf %broadcast_in_dim3A_617, %add3A_629 : vector<256x1xf32>
    %sqrt3A_631 = math.sqrt %add3A_630 : vector<256x1xf32>
    %eq3A_632 = vector.broadcast %broadcast_in_dim3A_625 : vector<256x1xi32> to vector<256x1024xi32>
    %eq3A_633 = arith.cmpi eq, %iota3A, %eq3A_632 : vector<256x1024xi32>
    %jit3A_634 = arith.constant 1.000000e+30 : f32
    %broadcast_in_dim3A_635 = vector.broadcast %jit3A_634 : f32 to vector<256x1024xf32>
    %select_n3A_636 = arith.select %eq3A_633, %broadcast_in_dim3A_635, %select_n3A_614 : vector<256x1024xi1>, vector<256x1024xf32>
    %reduce_min3A_637 = arith.constant dense<0x7F800000> : vector<256xf32>
    %reduce_min3A_638 = vector.multi_reduction <minimumf>, %select_n3A_636, %reduce_min3A_637 [1] : vector<256x1024xf32> to vector<256xf32>
    %broadcast_in_dim3A_639 = vector.shape_cast %reduce_min3A_638 : vector<256xf32> to vector<256x1xf32>
    %eq3A_640 = vector.broadcast %broadcast_in_dim3A_639 : vector<256x1xf32> to vector<256x1024xf32>
    %eq3A_641 = arith.cmpf oeq, %select_n3A_636, %eq3A_640 : vector<256x1024xf32>
    %jit3A_642 = arith.constant 1024 : i32
    %broadcast_in_dim3A_643 = vector.broadcast %jit3A_642 : i32 to vector<256x1024xi32>
    %select_n3A_644 = arith.select %eq3A_641, %iota3A, %broadcast_in_dim3A_643 : vector<256x1024xi1>, vector<256x1024xi32>
    %reduce_min3A_645 = arith.constant dense<2147483647> : vector<256xi32>
    %reduce_min3A_646 = vector.multi_reduction <minsi>, %select_n3A_644, %reduce_min3A_645 [1] : vector<256x1024xi32> to vector<256xi32>
    %broadcast_in_dim3A_647 = vector.shape_cast %reduce_min3A_646 : vector<256xi32> to vector<256x1xi32>
    %add3A_648 = vector.broadcast %mul3A_26 : i32 to vector<256x1xi32>
    %add3A_649 = arith.addi %broadcast_in_dim3A_647, %add3A_648 : vector<256x1xi32>
    %add3A_650 = arith.constant 9.99999997E-7 : f32
    %add3A_651 = vector.broadcast %add3A_650 : f32 to vector<256x1xf32>
    %add3A_652 = arith.addf %broadcast_in_dim3A_639, %add3A_651 : vector<256x1xf32>
    %sqrt3A_653 = math.sqrt %add3A_652 : vector<256x1xf32>
    %eq3A_654 = vector.broadcast %broadcast_in_dim3A_647 : vector<256x1xi32> to vector<256x1024xi32>
    %eq3A_655 = arith.cmpi eq, %iota3A, %eq3A_654 : vector<256x1024xi32>
    %jit3A_656 = arith.constant 1.000000e+30 : f32
    %broadcast_in_dim3A_657 = vector.broadcast %jit3A_656 : f32 to vector<256x1024xf32>
    %select_n3A_658 = arith.select %eq3A_655, %broadcast_in_dim3A_657, %select_n3A_636 : vector<256x1024xi1>, vector<256x1024xf32>
    %reduce_min3A_659 = arith.constant dense<0x7F800000> : vector<256xf32>
    %reduce_min3A_660 = vector.multi_reduction <minimumf>, %select_n3A_658, %reduce_min3A_659 [1] : vector<256x1024xf32> to vector<256xf32>
    %broadcast_in_dim3A_661 = vector.shape_cast %reduce_min3A_660 : vector<256xf32> to vector<256x1xf32>
    %eq3A_662 = vector.broadcast %broadcast_in_dim3A_661 : vector<256x1xf32> to vector<256x1024xf32>
    %eq3A_663 = arith.cmpf oeq, %select_n3A_658, %eq3A_662 : vector<256x1024xf32>
    %jit3A_664 = arith.constant 1024 : i32
    %broadcast_in_dim3A_665 = vector.broadcast %jit3A_664 : i32 to vector<256x1024xi32>
    %select_n3A_666 = arith.select %eq3A_663, %iota3A, %broadcast_in_dim3A_665 : vector<256x1024xi1>, vector<256x1024xi32>
    %reduce_min3A_667 = arith.constant dense<2147483647> : vector<256xi32>
    %reduce_min3A_668 = vector.multi_reduction <minsi>, %select_n3A_666, %reduce_min3A_667 [1] : vector<256x1024xi32> to vector<256xi32>
    %broadcast_in_dim3A_669 = vector.shape_cast %reduce_min3A_668 : vector<256xi32> to vector<256x1xi32>
    %add3A_670 = vector.broadcast %mul3A_26 : i32 to vector<256x1xi32>
    %add3A_671 = arith.addi %broadcast_in_dim3A_669, %add3A_670 : vector<256x1xi32>
    %add3A_672 = arith.constant 9.99999997E-7 : f32
    %add3A_673 = vector.broadcast %add3A_672 : f32 to vector<256x1xf32>
    %add3A_674 = arith.addf %broadcast_in_dim3A_661, %add3A_673 : vector<256x1xf32>
    %sqrt3A_675 = math.sqrt %add3A_674 : vector<256x1xf32>
    %concatenate3A = tpu.concatenate %add3A_34, %add3A_55, %add3A_77, %add3A_99, %add3A_121, %add3A_143, %add3A_165, %add3A_187, %add3A_209, %add3A_231, %add3A_253, %add3A_275, %add3A_297, %add3A_319, %add3A_341, %add3A_363, %add3A_385, %add3A_407, %add3A_429, %add3A_451, %add3A_473, %add3A_495, %add3A_517, %add3A_539, %add3A_561, %add3A_583, %add3A_605, %add3A_627, %add3A_649, %add3A_671 in 1 : vector<256x1xi32>, vector<256x1xi32>, vector<256x1xi32>, vector<256x1xi32>, vector<256x1xi32>, vector<256x1xi32>, vector<256x1xi32>, vector<256x1xi32>, vector<256x1xi32>, vector<256x1xi32>, vector<256x1xi32>, vector<256x1xi32>, vector<256x1xi32>, vector<256x1xi32>, vector<256x1xi32>, vector<256x1xi32>, vector<256x1xi32>, vector<256x1xi32>, vector<256x1xi32>, vector<256x1xi32>, vector<256x1xi32>, vector<256x1xi32>, vector<256x1xi32>, vector<256x1xi32>, vector<256x1xi32>, vector<256x1xi32>, vector<256x1xi32>, vector<256x1xi32>, vector<256x1xi32>, vector<256x1xi32> -> vector<256x30xi32>
    %swap3A = arith.constant 0 : index
    %swap3A_676 = arith.constant 0 : index
    %swap3A_677 = arith.constant 0 : index
    %swap3A_678 = vector.load %arg4[%swap3A, %swap3A_676, %swap3A_677] : memref<1x256x30xi32, #tpu.memory_space<vmem>>, vector<1x256x30xi32>
    %swap3A_679 = vector.shape_cast %swap3A_678 : vector<1x256x30xi32> to vector<256x30xi32>
    %swap3A_680 = vector.shape_cast %concatenate3A : vector<256x30xi32> to vector<1x256x30xi32>
    tpu.vector_store %arg4[%swap3A, %swap3A_676, %swap3A_677], %swap3A_680 {strides = array<i32>} : memref<1x256x30xi32, #tpu.memory_space<vmem>>, vector<1x256x30xi32>,
    %concatenate3A_681 = tpu.concatenate %sqrt3A, %sqrt3A_59, %sqrt3A_81, %sqrt3A_103, %sqrt3A_125, %sqrt3A_147, %sqrt3A_169, %sqrt3A_191, %sqrt3A_213, %sqrt3A_235, %sqrt3A_257, %sqrt3A_279, %sqrt3A_301, %sqrt3A_323, %sqrt3A_345, %sqrt3A_367, %sqrt3A_389, %sqrt3A_411, %sqrt3A_433, %sqrt3A_455, %sqrt3A_477, %sqrt3A_499, %sqrt3A_521, %sqrt3A_543, %sqrt3A_565, %sqrt3A_587, %sqrt3A_609, %sqrt3A_631, %sqrt3A_653, %sqrt3A_675 in 1 : vector<256x1xf32>, vector<256x1xf32>, vector<256x1xf32>, vector<256x1xf32>, vector<256x1xf32>, vector<256x1xf32>, vector<256x1xf32>, vector<256x1xf32>, vector<256x1xf32>, vector<256x1xf32>, vector<256x1xf32>, vector<256x1xf32>, vector<256x1xf32>, vector<256x1xf32>, vector<256x1xf32>, vector<256x1xf32>, vector<256x1xf32>, vector<256x1xf32>, vector<256x1xf32>, vector<256x1xf32>, vector<256x1xf32>, vector<256x1xf32>, vector<256x1xf32>, vector<256x1xf32>, vector<256x1xf32>, vector<256x1xf32>, vector<256x1xf32>, vector<256x1xf32>, vector<256x1xf32>, vector<256x1xf32> -> vector<256x30xf32>
    %swap3A_682 = arith.constant 0 : index
    %swap3A_683 = arith.constant 0 : index
    %swap3A_684 = arith.constant 0 : index
    %swap3A_685 = vector.load %arg5[%swap3A_682, %swap3A_683, %swap3A_684] : memref<1x256x30xf32, #tpu.memory_space<vmem>>, vector<1x256x30xf32>
    %swap3A_686 = vector.shape_cast %swap3A_685 : vector<1x256x30xf32> to vector<256x30xf32>
    %swap3A_687 = vector.shape_cast %concatenate3A_681 : vector<256x30xf32> to vector<1x256x30xf32>
    tpu.vector_store %arg5[%swap3A_682, %swap3A_683, %swap3A_684], %swap3A_687 {strides = array<i32>} : memref<1x256x30xf32, #tpu.memory_space<vmem>>, vector<1x256x30xf32>,
    return
  }
  func.func @transform_0(%arg0: i32, %arg1: i32) -> (i32, i32, i32) {
    %c0_i32 = arith.constant 0 : i32
    %c0_i32_0 = arith.constant 0 : i32
    return %arg0, %arg1, %c0_i32 : i32, i32, i32
  }
  func.func @transform_1(%arg0: i32, %arg1: i32) -> (i32, i32, i32) {
    %c0_i32 = arith.constant 0 : i32
    %c0_i32_0 = arith.constant 0 : i32
    %c0_i32_1 = arith.constant 0 : i32
    return %arg0, %c0_i32, %c0_i32_0 : i32, i32, i32
  }
  func.func @transform_2(%arg0: i32, %arg1: i32) -> (i32, i32, i32) {
    %c0_i32 = arith.constant 0 : i32
    %c0_i32_0 = arith.constant 0 : i32
    return %arg0, %arg1, %c0_i32 : i32, i32, i32
  }
  func.func @transform_3(%arg0: i32, %arg1: i32) -> (i32, i32, i32) {
    %c0_i32 = arith.constant 0 : i32
    %c0_i32_0 = arith.constant 0 : i32
    return %arg0, %arg1, %c0_i32 : i32, i32, i32
  }
}

module attributes {stable_mosaic.version = 14 : i64} {
  func.func @_node_body(%arg0: i32, %arg1: memref<256x6xf32, #tpu.memory_space<vmem>>, %arg2: memref<6x128xf32, #tpu.memory_space<vmem>>, %arg3: memref<1x128xf32, #tpu.memory_space<vmem>>, %arg4: memref<128x128xf32, #tpu.memory_space<vmem>>, %arg5: memref<1x128xf32, #tpu.memory_space<vmem>>, %arg6: memref<256x128xf32, #tpu.memory_space<vmem>>) attributes {dimension_semantics = [#tpu.dimension_semantics<arbitrary>], iteration_bounds = array<i64: 8>, scalar_prefetch = 0 : i64, scratch_operands = 0 : i64, tpu.core_type = #tpu.core_type<tc>, window_params = [{transform_indices = @transform_0, window_bounds = array<i64: 256, 6>}, {pipeline_mode = #tpu.pipeline_mode<synchronous>, transform_indices = @transform_1, window_bounds = array<i64: 6, 128>}, {pipeline_mode = #tpu.pipeline_mode<synchronous>, transform_indices = @transform_2, window_bounds = array<i64: 1, 128>}, {pipeline_mode = #tpu.pipeline_mode<synchronous>, transform_indices = @transform_3, window_bounds = array<i64: 128, 128>}, {pipeline_mode = #tpu.pipeline_mode<synchronous>, transform_indices = @transform_4, window_bounds = array<i64: 1, 128>}, {transform_indices = @transform_5, window_bounds = array<i64: 256, 128>}]} {
    %get3A = arith.constant 0 : index
    %get3A_0 = arith.constant 0 : index
    %get3A_1 = vector.load %arg1[%get3A, %get3A_0] : memref<256x6xf32, #tpu.memory_space<vmem>>, vector<256x6xf32>
    %get3A_2 = arith.constant 0 : index
    %get3A_3 = arith.constant 0 : index
    %get3A_4 = vector.load %arg2[%get3A_2, %get3A_3] : memref<6x128xf32, #tpu.memory_space<vmem>>, vector<6x128xf32>
    %dot_general3A = arith.constant dense<0.000000e+00> : vector<256x128xf32>
    %dot_general3A_5 = tpu.matmul %get3A_1, %get3A_4, %dot_general3A {dimension_numbers = #tpu.dot_dimension_numbers<[1], [0], [0], [1], [0, 0, 1, 1], [], []>, transpose_lhs_hint = false} : vector<256x6xf32>, vector<6x128xf32>, vector<256x128xf32> -> vector<256x128xf32>
    %get3A_6 = arith.constant 0 : index
    %get3A_7 = arith.constant 0 : index
    %get3A_8 = vector.load %arg3[%get3A_6, %get3A_7] : memref<1x128xf32, #tpu.memory_space<vmem>>, vector<1x128xf32>
    %add3A = vector.broadcast %get3A_8 : vector<1x128xf32> to vector<256x128xf32>
    %add3A_9 = arith.addf %dot_general3A_5, %add3A : vector<256x128xf32>
    %reduce_sum3A = arith.constant dense<0.000000e+00> : vector<256xf32>
    %reduce_sum3A_10 = vector.multi_reduction <add>, %add3A_9, %reduce_sum3A [1] : vector<256x128xf32> to vector<256xf32>
    %broadcast_in_dim3A = vector.shape_cast %reduce_sum3A_10 : vector<256xf32> to vector<256x1xf32>
    %div3A = arith.constant 1.280000e+02 : f32
    %div3A_11 = vector.broadcast %div3A : f32 to vector<256x1xf32>
    %div3A_12 = arith.divf %broadcast_in_dim3A, %div3A_11 : vector<256x1xf32>
    %sub3A = vector.broadcast %div3A_12 : vector<256x1xf32> to vector<256x128xf32>
    %sub3A_13 = arith.subf %add3A_9, %sub3A : vector<256x128xf32>
    %mul3A = arith.mulf %sub3A_13, %sub3A_13 : vector<256x128xf32>
    %reduce_sum3A_14 = arith.constant dense<0.000000e+00> : vector<256xf32>
    %reduce_sum3A_15 = vector.multi_reduction <add>, %mul3A, %reduce_sum3A_14 [1] : vector<256x128xf32> to vector<256xf32>
    %broadcast_in_dim3A_16 = vector.shape_cast %reduce_sum3A_15 : vector<256xf32> to vector<256x1xf32>
    %div3A_17 = arith.constant 1.280000e+02 : f32
    %div3A_18 = vector.broadcast %div3A_17 : f32 to vector<256x1xf32>
    %div3A_19 = arith.divf %broadcast_in_dim3A_16, %div3A_18 : vector<256x1xf32>
    %add3A_20 = arith.constant 9.99999974E-6 : f32
    %add3A_21 = vector.broadcast %add3A_20 : f32 to vector<256x1xf32>
    %add3A_22 = arith.addf %div3A_19, %add3A_21 : vector<256x1xf32>
    %sqrt3A = math.sqrt %add3A_22 : vector<256x1xf32>
    %div3A_23 = vector.broadcast %sqrt3A : vector<256x1xf32> to vector<256x128xf32>
    %div3A_24 = arith.divf %sub3A_13, %div3A_23 : vector<256x128xf32>
    %get3A_25 = arith.constant 0 : index
    %get3A_26 = arith.constant 0 : index
    %get3A_27 = vector.load %arg4[%get3A_25, %get3A_26] : memref<128x128xf32, #tpu.memory_space<vmem>>, vector<128x128xf32>
    %dot_general3A_28 = arith.constant dense<0.000000e+00> : vector<256x128xf32>
    %dot_general3A_29 = tpu.matmul %div3A_24, %get3A_27, %dot_general3A_28 {dimension_numbers = #tpu.dot_dimension_numbers<[1], [0], [0], [1], [0, 0, 1, 1], [], []>, transpose_lhs_hint = false} : vector<256x128xf32>, vector<128x128xf32>, vector<256x128xf32> -> vector<256x128xf32>
    %get3A_30 = arith.constant 0 : index
    %get3A_31 = arith.constant 0 : index
    %get3A_32 = vector.load %arg5[%get3A_30, %get3A_31] : memref<1x128xf32, #tpu.memory_space<vmem>>, vector<1x128xf32>
    %add3A_33 = vector.broadcast %get3A_32 : vector<1x128xf32> to vector<256x128xf32>
    %add3A_34 = arith.addf %dot_general3A_29, %add3A_33 : vector<256x128xf32>
    %swap3A = arith.constant 0 : index
    %swap3A_35 = arith.constant 0 : index
    %swap3A_36 = vector.load %arg6[%swap3A, %swap3A_35] : memref<256x128xf32, #tpu.memory_space<vmem>>, vector<256x128xf32>
    tpu.vector_store %arg6[%swap3A, %swap3A_35], %add3A_34 {strides = array<i32>} : memref<256x128xf32, #tpu.memory_space<vmem>>, vector<256x128xf32>,
    return
  }
  func.func @transform_0(%arg0: i32) -> (i32, i32) {
    %c0_i32 = arith.constant 0 : i32
    %c0_i32_0 = arith.constant 0 : i32
    return %arg0, %c0_i32 : i32, i32
  }
  func.func @transform_1(%arg0: i32) -> (i32, i32) {
    %c0_i32 = arith.constant 0 : i32
    %c0_i32_0 = arith.constant 0 : i32
    %c0_i32_1 = arith.constant 0 : i32
    return %c0_i32, %c0_i32_0 : i32, i32
  }
  func.func @transform_2(%arg0: i32) -> (i32, i32) {
    %c0_i32 = arith.constant 0 : i32
    %c0_i32_0 = arith.constant 0 : i32
    %c0_i32_1 = arith.constant 0 : i32
    return %c0_i32, %c0_i32_0 : i32, i32
  }
  func.func @transform_3(%arg0: i32) -> (i32, i32) {
    %c0_i32 = arith.constant 0 : i32
    %c0_i32_0 = arith.constant 0 : i32
    %c0_i32_1 = arith.constant 0 : i32
    return %c0_i32, %c0_i32_0 : i32, i32
  }
  func.func @transform_4(%arg0: i32) -> (i32, i32) {
    %c0_i32 = arith.constant 0 : i32
    %c0_i32_0 = arith.constant 0 : i32
    %c0_i32_1 = arith.constant 0 : i32
    return %c0_i32, %c0_i32_0 : i32, i32
  }
  func.func @transform_5(%arg0: i32) -> (i32, i32) {
    %c0_i32 = arith.constant 0 : i32
    %c0_i32_0 = arith.constant 0 : i32
    return %arg0, %c0_i32 : i32, i32
  }
}

module attributes {stable_mosaic.version = 14 : i64} {
  func.func @_proj1_body(%arg0: i32, %arg1: memref<256x128xf32, #tpu.memory_space<vmem>>, %arg2: memref<128x128xf32, #tpu.memory_space<vmem>>, %arg3: memref<256x128xf32, #tpu.memory_space<vmem>>) attributes {dimension_semantics = [#tpu.dimension_semantics<arbitrary>], iteration_bounds = array<i64: 8>, scalar_prefetch = 0 : i64, scratch_operands = 0 : i64, tpu.core_type = #tpu.core_type<tc>, window_params = [{transform_indices = @transform_0, window_bounds = array<i64: 256, 128>}, {pipeline_mode = #tpu.pipeline_mode<synchronous>, transform_indices = @transform_1, window_bounds = array<i64: 128, 128>}, {transform_indices = @transform_2, window_bounds = array<i64: 256, 128>}]} {
    %get3A = arith.constant 0 : index
    %get3A_0 = arith.constant 0 : index
    %get3A_1 = vector.load %arg1[%get3A, %get3A_0] : memref<256x128xf32, #tpu.memory_space<vmem>>, vector<256x128xf32>
    %get3A_2 = arith.constant 0 : index
    %get3A_3 = arith.constant 0 : index
    %get3A_4 = vector.load %arg2[%get3A_2, %get3A_3] : memref<128x128xf32, #tpu.memory_space<vmem>>, vector<128x128xf32>
    %dot_general3A = arith.constant dense<0.000000e+00> : vector<256x128xf32>
    %dot_general3A_5 = tpu.matmul %get3A_1, %get3A_4, %dot_general3A {dimension_numbers = #tpu.dot_dimension_numbers<[1], [0], [0], [1], [0, 0, 1, 1], [], []>, transpose_lhs_hint = false} : vector<256x128xf32>, vector<128x128xf32>, vector<256x128xf32> -> vector<256x128xf32>
    %swap3A = arith.constant 0 : index
    %swap3A_6 = arith.constant 0 : index
    %swap3A_7 = vector.load %arg3[%swap3A, %swap3A_6] : memref<256x128xf32, #tpu.memory_space<vmem>>, vector<256x128xf32>
    tpu.vector_store %arg3[%swap3A, %swap3A_6], %dot_general3A_5 {strides = array<i32>} : memref<256x128xf32, #tpu.memory_space<vmem>>, vector<256x128xf32>,
    return
  }
  func.func @transform_0(%arg0: i32) -> (i32, i32) {
    %c0_i32 = arith.constant 0 : i32
    %c0_i32_0 = arith.constant 0 : i32
    return %arg0, %c0_i32 : i32, i32
  }
  func.func @transform_1(%arg0: i32) -> (i32, i32) {
    %c0_i32 = arith.constant 0 : i32
    %c0_i32_0 = arith.constant 0 : i32
    %c0_i32_1 = arith.constant 0 : i32
    return %c0_i32, %c0_i32_0 : i32, i32
  }
  func.func @transform_2(%arg0: i32) -> (i32, i32) {
    %c0_i32 = arith.constant 0 : i32
    %c0_i32_0 = arith.constant 0 : i32
    return %arg0, %c0_i32 : i32, i32
  }
}

module attributes {stable_mosaic.version = 14 : i64} {
  func.func @_edge_body(%arg0: i32, %arg1: memref<1920x1xi32, #tpu.memory_space<vmem>>, %arg2: memref<1920x1xf32, #tpu.memory_space<vmem>>, %arg3: memref<32x128xf32, #tpu.memory_space<vmem>>, %arg4: memref<1x128xf32, #tpu.memory_space<vmem>>, %arg5: memref<128x128xf32, #tpu.memory_space<vmem>>, %arg6: memref<1x128xf32, #tpu.memory_space<vmem>>, %arg7: memref<1920x128xf32, #tpu.memory_space<vmem>>) attributes {dimension_semantics = [#tpu.dimension_semantics<arbitrary>], iteration_bounds = array<i64: 32>, scalar_prefetch = 0 : i64, scratch_operands = 0 : i64, tpu.core_type = #tpu.core_type<tc>, window_params = [{transform_indices = @transform_0, window_bounds = array<i64: 1920, 1>}, {transform_indices = @transform_1, window_bounds = array<i64: 1920, 1>}, {pipeline_mode = #tpu.pipeline_mode<synchronous>, transform_indices = @transform_2, window_bounds = array<i64: 32, 128>}, {pipeline_mode = #tpu.pipeline_mode<synchronous>, transform_indices = @transform_3, window_bounds = array<i64: 1, 128>}, {pipeline_mode = #tpu.pipeline_mode<synchronous>, transform_indices = @transform_4, window_bounds = array<i64: 128, 128>}, {pipeline_mode = #tpu.pipeline_mode<synchronous>, transform_indices = @transform_5, window_bounds = array<i64: 1, 128>}, {transform_indices = @transform_6, window_bounds = array<i64: 1920, 128>}]} {
    %get3A = arith.constant 0 : index
    %get3A_0 = arith.constant 0 : index
    %get3A_1 = vector.load %arg1[%get3A, %get3A_0] : memref<1920x1xi32, #tpu.memory_space<vmem>>, vector<1920x1xi32>
    %mul3A = arith.constant 1920 : i32
    %mul3A_2 = arith.muli %arg0, %mul3A : i32
    %iota3A = tpu.iota {dimensions = array<i32: 0>} : vector<1920x1xi32>
    %add3A = vector.broadcast %mul3A_2 : i32 to vector<1920x1xi32>
    %add3A_3 = arith.addi %add3A, %iota3A : vector<1920x1xi32>
    %jit3A = arith.constant 30 : i32
    %div3A = vector.broadcast %jit3A : i32 to vector<1920x1xi32>
    %div3A_4 = arith.divsi %add3A_3, %div3A : vector<1920x1xi32>
    %sign3A = arith.constant 0 : i32
    %sign3A_5 = vector.broadcast %sign3A : i32 to vector<1920x1xi32>
    %sign3A_6 = arith.cmpi sgt, %add3A_3, %sign3A_5 : vector<1920x1xi32>
    %sign3A_7 = arith.extui %sign3A_6 : vector<1920x1xi1> to vector<1920x1xi32>
    %sign3A_8 = arith.constant 0 : i32
    %sign3A_9 = vector.broadcast %sign3A_8 : i32 to vector<1920x1xi32>
    %sign3A_10 = arith.cmpi slt, %add3A_3, %sign3A_9 : vector<1920x1xi32>
    %sign3A_11 = arith.extui %sign3A_10 : vector<1920x1xi1> to vector<1920x1xi32>
    %sign3A_12 = arith.subi %sign3A_7, %sign3A_11 : vector<1920x1xi32>
    %sign3A_13 = arith.constant 0 : i32
    %sign3A_14 = arith.cmpi sgt, %jit3A, %sign3A_13 : i32
    %sign3A_15 = arith.extui %sign3A_14 : i1 to i32
    %sign3A_16 = arith.constant 0 : i32
    %sign3A_17 = arith.cmpi slt, %jit3A, %sign3A_16 : i32
    %sign3A_18 = arith.extui %sign3A_17 : i1 to i32
    %sign3A_19 = arith.subi %sign3A_15, %sign3A_18 : i32
    %ne3A = vector.broadcast %sign3A_19 : i32 to vector<1920x1xi32>
    %ne3A_20 = arith.cmpi ne, %sign3A_12, %ne3A : vector<1920x1xi32>
    %rem3A = vector.broadcast %jit3A : i32 to vector<1920x1xi32>
    %rem3A_21 = arith.remsi %add3A_3, %rem3A : vector<1920x1xi32>
    %ne3A_22 = arith.constant 0 : i32
    %ne3A_23 = vector.broadcast %ne3A_22 : i32 to vector<1920x1xi32>
    %ne3A_24 = arith.cmpi ne, %rem3A_21, %ne3A_23 : vector<1920x1xi32>
    %and3A = arith.andi %ne3A_20, %ne3A_24 : vector<1920x1xi1>
    %sub3A = arith.constant 1 : i32
    %sub3A_25 = vector.broadcast %sub3A : i32 to vector<1920x1xi32>
    %sub3A_26 = arith.subi %div3A_4, %sub3A_25 : vector<1920x1xi32>
    %select_n3A = arith.select %and3A, %sub3A_26, %div3A_4 : vector<1920x1xi1>, vector<1920x1xi32>
    %sub3A_27 = arith.subi %get3A_1, %select_n3A : vector<1920x1xi32>
    %convert_element_type3A = arith.sitofp %sub3A_27 : vector<1920x1xi32> to vector<1920x1xf32>
    %iota3A_28 = tpu.iota {dimensions = array<i32: 1>} : vector<1x8xi32>
    %convert_element_type3A_29 = arith.sitofp %iota3A_28 : vector<1x8xi32> to vector<1x8xf32>
    %mul3A_30 = arith.constant 2.000000e+00 : f32
    %mul3A_31 = vector.broadcast %mul3A_30 : f32 to vector<1x8xf32>
    %mul3A_32 = arith.mulf %convert_element_type3A_29, %mul3A_31 : vector<1x8xf32>
    %mul3A_33 = arith.constant -0.575646281 : f32
    %mul3A_34 = vector.broadcast %mul3A_33 : f32 to vector<1x8xf32>
    %mul3A_35 = arith.mulf %mul3A_32, %mul3A_34 : vector<1x8xf32>
    %exp3A = math.exp %mul3A_35 : vector<1x8xf32>
    %mul3A_36 = vector.broadcast %convert_element_type3A : vector<1920x1xf32> to vector<1920x8xf32>
    %mul3A_37 = vector.broadcast %exp3A : vector<1x8xf32> to vector<1920x8xf32>
    %mul3A_38 = arith.mulf %mul3A_36, %mul3A_37 : vector<1920x8xf32>
    %get3A_39 = arith.constant 0 : index
    %get3A_40 = arith.constant 0 : index
    %get3A_41 = vector.load %arg2[%get3A_39, %get3A_40] : memref<1920x1xf32, #tpu.memory_space<vmem>>, vector<1920x1xf32>
    %iota3A_42 = tpu.iota {dimensions = array<i32: 1>} : vector<1x16xi32>
    %convert_element_type3A_43 = arith.sitofp %iota3A_42 : vector<1x16xi32> to vector<1x16xf32>
    %mul3A_44 = arith.constant 1.33333337 : f32
    %mul3A_45 = vector.broadcast %mul3A_44 : f32 to vector<1x16xf32>
    %mul3A_46 = arith.mulf %convert_element_type3A_43, %mul3A_45 : vector<1x16xf32>
    %add3A_47 = arith.constant 2.000000e+00 : f32
    %add3A_48 = vector.broadcast %add3A_47 : f32 to vector<1x16xf32>
    %add3A_49 = arith.addf %add3A_48, %mul3A_46 : vector<1x16xf32>
    %sub3A_50 = vector.broadcast %get3A_41 : vector<1920x1xf32> to vector<1920x16xf32>
    %sub3A_51 = vector.broadcast %add3A_49 : vector<1x16xf32> to vector<1920x16xf32>
    %sub3A_52 = arith.subf %sub3A_50, %sub3A_51 : vector<1920x16xf32>
    %div3A_53 = arith.constant 1.250000e+00 : f32
    %div3A_54 = vector.broadcast %div3A_53 : f32 to vector<1920x16xf32>
    %div3A_55 = arith.divf %sub3A_52, %div3A_54 : vector<1920x16xf32>
    %integer_pow3A = arith.mulf %div3A_55, %div3A_55 : vector<1920x16xf32>
    %neg3A = arith.constant 0.000000e+00 : f32
    %neg3A_56 = vector.broadcast %neg3A : f32 to vector<1920x16xf32>
    %neg3A_57 = arith.subf %neg3A_56, %integer_pow3A : vector<1920x16xf32>
    %exp3A_58 = math.exp %neg3A_57 : vector<1920x16xf32>
    %cos3A = math.cos %mul3A_38 : vector<1920x8xf32>
    %sin3A = math.sin %mul3A_38 : vector<1920x8xf32>
    %concatenate3A = tpu.concatenate %cos3A, %sin3A, %exp3A_58 in 1 : vector<1920x8xf32>, vector<1920x8xf32>, vector<1920x16xf32> -> vector<1920x32xf32>
    %get3A_59 = arith.constant 0 : index
    %get3A_60 = arith.constant 0 : index
    %get3A_61 = vector.load %arg3[%get3A_59, %get3A_60] : memref<32x128xf32, #tpu.memory_space<vmem>>, vector<32x128xf32>
    %dot_general3A = arith.constant dense<0.000000e+00> : vector<1920x128xf32>
    %dot_general3A_62 = tpu.matmul %concatenate3A, %get3A_61, %dot_general3A {dimension_numbers = #tpu.dot_dimension_numbers<[1], [0], [0], [1], [0, 0, 1, 1], [], []>, transpose_lhs_hint = false} : vector<1920x32xf32>, vector<32x128xf32>, vector<1920x128xf32> -> vector<1920x128xf32>
    %get3A_63 = arith.constant 0 : index
    %get3A_64 = arith.constant 0 : index
    %get3A_65 = vector.load %arg4[%get3A_63, %get3A_64] : memref<1x128xf32, #tpu.memory_space<vmem>>, vector<1x128xf32>
    %add3A_66 = vector.broadcast %get3A_65 : vector<1x128xf32> to vector<1920x128xf32>
    %add3A_67 = arith.addf %dot_general3A_62, %add3A_66 : vector<1920x128xf32>
    %reduce_sum3A = arith.constant dense<0.000000e+00> : vector<1920xf32>
    %reduce_sum3A_68 = vector.multi_reduction <add>, %add3A_67, %reduce_sum3A [1] : vector<1920x128xf32> to vector<1920xf32>
    %broadcast_in_dim3A = vector.shape_cast %reduce_sum3A_68 : vector<1920xf32> to vector<1920x1xf32>
    %div3A_69 = arith.constant 1.280000e+02 : f32
    %div3A_70 = vector.broadcast %div3A_69 : f32 to vector<1920x1xf32>
    %div3A_71 = arith.divf %broadcast_in_dim3A, %div3A_70 : vector<1920x1xf32>
    %sub3A_72 = vector.broadcast %div3A_71 : vector<1920x1xf32> to vector<1920x128xf32>
    %sub3A_73 = arith.subf %add3A_67, %sub3A_72 : vector<1920x128xf32>
    %mul3A_74 = arith.mulf %sub3A_73, %sub3A_73 : vector<1920x128xf32>
    %reduce_sum3A_75 = arith.constant dense<0.000000e+00> : vector<1920xf32>
    %reduce_sum3A_76 = vector.multi_reduction <add>, %mul3A_74, %reduce_sum3A_75 [1] : vector<1920x128xf32> to vector<1920xf32>
    %broadcast_in_dim3A_77 = vector.shape_cast %reduce_sum3A_76 : vector<1920xf32> to vector<1920x1xf32>
    %div3A_78 = arith.constant 1.280000e+02 : f32
    %div3A_79 = vector.broadcast %div3A_78 : f32 to vector<1920x1xf32>
    %div3A_80 = arith.divf %broadcast_in_dim3A_77, %div3A_79 : vector<1920x1xf32>
    %add3A_81 = arith.constant 9.99999974E-6 : f32
    %add3A_82 = vector.broadcast %add3A_81 : f32 to vector<1920x1xf32>
    %add3A_83 = arith.addf %div3A_80, %add3A_82 : vector<1920x1xf32>
    %sqrt3A = math.sqrt %add3A_83 : vector<1920x1xf32>
    %div3A_84 = vector.broadcast %sqrt3A : vector<1920x1xf32> to vector<1920x128xf32>
    %div3A_85 = arith.divf %sub3A_73, %div3A_84 : vector<1920x128xf32>
    %get3A_86 = arith.constant 0 : index
    %get3A_87 = arith.constant 0 : index
    %get3A_88 = vector.load %arg5[%get3A_86, %get3A_87] : memref<128x128xf32, #tpu.memory_space<vmem>>, vector<128x128xf32>
    %dot_general3A_89 = arith.constant dense<0.000000e+00> : vector<1920x128xf32>
    %dot_general3A_90 = tpu.matmul %div3A_85, %get3A_88, %dot_general3A_89 {dimension_numbers = #tpu.dot_dimension_numbers<[1], [0], [0], [1], [0, 0, 1, 1], [], []>, transpose_lhs_hint = false} : vector<1920x128xf32>, vector<128x128xf32>, vector<1920x128xf32> -> vector<1920x128xf32>
    %get3A_91 = arith.constant 0 : index
    %get3A_92 = arith.constant 0 : index
    %get3A_93 = vector.load %arg6[%get3A_91, %get3A_92] : memref<1x128xf32, #tpu.memory_space<vmem>>, vector<1x128xf32>
    %add3A_94 = vector.broadcast %get3A_93 : vector<1x128xf32> to vector<1920x128xf32>
    %add3A_95 = arith.addf %dot_general3A_90, %add3A_94 : vector<1920x128xf32>
    %swap3A = arith.constant 0 : index
    %swap3A_96 = arith.constant 0 : index
    %swap3A_97 = vector.load %arg7[%swap3A, %swap3A_96] : memref<1920x128xf32, #tpu.memory_space<vmem>>, vector<1920x128xf32>
    tpu.vector_store %arg7[%swap3A, %swap3A_96], %add3A_95 {strides = array<i32>} : memref<1920x128xf32, #tpu.memory_space<vmem>>, vector<1920x128xf32>,
    return
  }
  func.func @transform_0(%arg0: i32) -> (i32, i32) {
    %c0_i32 = arith.constant 0 : i32
    %c0_i32_0 = arith.constant 0 : i32
    return %arg0, %c0_i32 : i32, i32
  }
  func.func @transform_1(%arg0: i32) -> (i32, i32) {
    %c0_i32 = arith.constant 0 : i32
    %c0_i32_0 = arith.constant 0 : i32
    return %arg0, %c0_i32 : i32, i32
  }
  func.func @transform_2(%arg0: i32) -> (i32, i32) {
    %c0_i32 = arith.constant 0 : i32
    %c0_i32_0 = arith.constant 0 : i32
    %c0_i32_1 = arith.constant 0 : i32
    return %c0_i32, %c0_i32_0 : i32, i32
  }
  func.func @transform_3(%arg0: i32) -> (i32, i32) {
    %c0_i32 = arith.constant 0 : i32
    %c0_i32_0 = arith.constant 0 : i32
    %c0_i32_1 = arith.constant 0 : i32
    return %c0_i32, %c0_i32_0 : i32, i32
  }
  func.func @transform_4(%arg0: i32) -> (i32, i32) {
    %c0_i32 = arith.constant 0 : i32
    %c0_i32_0 = arith.constant 0 : i32
    %c0_i32_1 = arith.constant 0 : i32
    return %c0_i32, %c0_i32_0 : i32, i32
  }
  func.func @transform_5(%arg0: i32) -> (i32, i32) {
    %c0_i32 = arith.constant 0 : i32
    %c0_i32_0 = arith.constant 0 : i32
    %c0_i32_1 = arith.constant 0 : i32
    return %c0_i32, %c0_i32_0 : i32, i32
  }
  func.func @transform_6(%arg0: i32) -> (i32, i32) {
    %c0_i32 = arith.constant 0 : i32
    %c0_i32_0 = arith.constant 0 : i32
    return %arg0, %c0_i32 : i32, i32
  }
}

module attributes {stable_mosaic.version = 14 : i64} {
  func.func @_mpnn_enc_body(%arg0: i32, %arg1: memref<128x128xf32, #tpu.memory_space<vmem>>, %arg2: memref<3840x128xf32, #tpu.memory_space<vmem>>, %arg3: memref<3840x128xf32, #tpu.memory_space<vmem>>, %arg4: memref<128x128xf32, #tpu.memory_space<vmem>>, %arg5: memref<128x128xf32, #tpu.memory_space<vmem>>, %arg6: memref<1x128xf32, #tpu.memory_space<vmem>>, %arg7: memref<128x128xf32, #tpu.memory_space<vmem>>, %arg8: memref<1x128xf32, #tpu.memory_space<vmem>>, %arg9: memref<128x128xf32, #tpu.memory_space<vmem>>, %arg10: memref<1x128xf32, #tpu.memory_space<vmem>>, %arg11: memref<128x512xf32, #tpu.memory_space<vmem>>, %arg12: memref<1x512xf32, #tpu.memory_space<vmem>>, %arg13: memref<512x128xf32, #tpu.memory_space<vmem>>, %arg14: memref<1x128xf32, #tpu.memory_space<vmem>>, %arg15: memref<128x128xf32, #tpu.memory_space<vmem>>) attributes {dimension_semantics = [#tpu.dimension_semantics<arbitrary>], iteration_bounds = array<i64: 16>, scalar_prefetch = 0 : i64, scratch_operands = 0 : i64, tpu.core_type = #tpu.core_type<tc>, window_params = [{transform_indices = @transform_0, window_bounds = array<i64: 128, 128>}, {transform_indices = @transform_1, window_bounds = array<i64: 3840, 128>}, {transform_indices = @transform_2, window_bounds = array<i64: 3840, 128>}, {pipeline_mode = #tpu.pipeline_mode<synchronous>, transform_indices = @transform_3, window_bounds = array<i64: 128, 128>}, {pipeline_mode = #tpu.pipeline_mode<synchronous>, transform_indices = @transform_4, window_bounds = array<i64: 128, 128>}, {pipeline_mode = #tpu.pipeline_mode<synchronous>, transform_indices = @transform_5, window_bounds = array<i64: 1, 128>}, {pipeline_mode = #tpu.pipeline_mode<synchronous>, transform_indices = @transform_6, window_bounds = array<i64: 128, 128>}, {pipeline_mode = #tpu.pipeline_mode<synchronous>, transform_indices = @transform_7, window_bounds = array<i64: 1, 128>}, {pipeline_mode = #tpu.pipeline_mode<synchronous>, transform_indices = @transform_8, window_bounds = array<i64: 128, 128>}, {pipeline_mode = #tpu.pipeline_mode<synchronous>, transform_indices = @transform_9, window_bounds = array<i64: 1, 128>}, {pipeline_mode = #tpu.pipeline_mode<synchronous>, transform_indices = @transform_10, window_bounds = array<i64: 128, 512>}, {pipeline_mode = #tpu.pipeline_mode<synchronous>, transform_indices = @transform_11, window_bounds = array<i64: 1, 512>}, {pipeline_mode = #tpu.pipeline_mode<synchronous>, transform_indices = @transform_12, window_bounds = array<i64: 512, 128>}, {pipeline_mode = #tpu.pipeline_mode<synchronous>, transform_indices = @transform_13, window_bounds = array<i64: 1, 128>}, {transform_indices = @transform_14, window_bounds = array<i64: 128, 128>}]} {
    %get3A = arith.constant 0 : index
    %get3A_0 = arith.constant 0 : index
    %get3A_1 = vector.load %arg1[%get3A, %get3A_0] : memref<128x128xf32, #tpu.memory_space<vmem>>, vector<128x128xf32>
    %get3A_2 = arith.constant 0 : index
    %get3A_3 = arith.constant 0 : index
    %get3A_4 = vector.load %arg4[%get3A_2, %get3A_3] : memref<128x128xf32, #tpu.memory_space<vmem>>, vector<128x128xf32>
    %dot_general3A = arith.constant dense<0.000000e+00> : vector<128x128xf32>
    %dot_general3A_5 = tpu.matmul %get3A_1, %get3A_4, %dot_general3A {dimension_numbers = #tpu.dot_dimension_numbers<[1], [0], [0], [1], [0, 0, 1, 1], [], []>, transpose_lhs_hint = false} : vector<128x128xf32>, vector<128x128xf32>, vector<128x128xf32> -> vector<128x128xf32>
    %get3A_6 = arith.constant 0 : index
    %get3A_7 = arith.constant 0 : index
    %get3A_8 = vector.load %arg2[%get3A_6, %get3A_7] : memref<3840x128xf32, #tpu.memory_space<vmem>>, vector<3840x128xf32>
    %get3A_9 = arith.constant 0 : index
    %get3A_10 = arith.constant 0 : index
    %get3A_11 = vector.load %arg5[%get3A_9, %get3A_10] : memref<128x128xf32, #tpu.memory_space<vmem>>, vector<128x128xf32>
    %dot_general3A_12 = arith.constant dense<0.000000e+00> : vector<3840x128xf32>
    %dot_general3A_13 = tpu.matmul %get3A_8, %get3A_11, %dot_general3A_12 {dimension_numbers = #tpu.dot_dimension_numbers<[1], [0], [0], [1], [0, 0, 1, 1], [], []>, transpose_lhs_hint = false} : vector<3840x128xf32>, vector<128x128xf32>, vector<3840x128xf32> -> vector<3840x128xf32>
    %get3A_14 = arith.constant 0 : index
    %get3A_15 = arith.constant 0 : index
    %get3A_16 = vector.load %arg3[%get3A_14, %get3A_15] : memref<3840x128xf32, #tpu.memory_space<vmem>>, vector<3840x128xf32>
    %add3A = arith.addf %dot_general3A_13, %get3A_16 : vector<3840x128xf32>
    %get3A_17 = arith.constant 0 : index
    %get3A_18 = arith.constant 0 : index
    %get3A_19 = vector.load %arg6[%get3A_17, %get3A_18] : memref<1x128xf32, #tpu.memory_space<vmem>>, vector<1x128xf32>
    %add3A_20 = vector.broadcast %get3A_19 : vector<1x128xf32> to vector<3840x128xf32>
    %add3A_21 = arith.addf %add3A, %add3A_20 : vector<3840x128xf32>
    %reshape3A = vector.shape_cast %add3A_21 : vector<3840x128xf32> to vector<128x30x128xf32>
    %broadcast_in_dim3A = vector.shape_cast %dot_general3A_5 : vector<128x128xf32> to vector<128x1x128xf32>
    %add3A_22 = vector.broadcast %broadcast_in_dim3A : vector<128x1x128xf32> to vector<128x30x128xf32>
    %add3A_23 = arith.addf %reshape3A, %add3A_22 : vector<128x30x128xf32>
    %mul3A = arith.constant 5.000000e-01 : f32
    %mul3A_24 = vector.broadcast %mul3A : f32 to vector<128x30x128xf32>
    %mul3A_25 = arith.mulf %mul3A_24, %add3A_23 : vector<128x30x128xf32>
    %mul3A_26 = arith.constant 4.471500e-02 : f32
    %mul3A_27 = vector.broadcast %mul3A_26 : f32 to vector<128x30x128xf32>
    %mul3A_28 = arith.mulf %mul3A_27, %add3A_23 : vector<128x30x128xf32>
    %mul3A_29 = arith.mulf %mul3A_28, %add3A_23 : vector<128x30x128xf32>
    %mul3A_30 = arith.mulf %mul3A_29, %add3A_23 : vector<128x30x128xf32>
    %add3A_31 = arith.addf %add3A_23, %mul3A_30 : vector<128x30x128xf32>
    %mul3A_32 = arith.constant 0.797884583 : f32
    %mul3A_33 = vector.broadcast %mul3A_32 : f32 to vector<128x30x128xf32>
    %mul3A_34 = arith.mulf %mul3A_33, %add3A_31 : vector<128x30x128xf32>
    %tanh3A = math.tanh %mul3A_34 : vector<128x30x128xf32>
    %add3A_35 = arith.constant 1.000000e+00 : f32
    %add3A_36 = vector.broadcast %add3A_35 : f32 to vector<128x30x128xf32>
    %add3A_37 = arith.addf %add3A_36, %tanh3A : vector<128x30x128xf32>
    %mul3A_38 = arith.mulf %mul3A_25, %add3A_37 : vector<128x30x128xf32>
    %reshape3A_39 = vector.shape_cast %mul3A_38 : vector<128x30x128xf32> to vector<3840x128xf32>
    %get3A_40 = arith.constant 0 : index
    %get3A_41 = arith.constant 0 : index
    %get3A_42 = vector.load %arg7[%get3A_40, %get3A_41] : memref<128x128xf32, #tpu.memory_space<vmem>>, vector<128x128xf32>
    %dot_general3A_43 = arith.constant dense<0.000000e+00> : vector<3840x128xf32>
    %dot_general3A_44 = tpu.matmul %reshape3A_39, %get3A_42, %dot_general3A_43 {dimension_numbers = #tpu.dot_dimension_numbers<[1], [0], [0], [1], [0, 0, 1, 1], [], []>, transpose_lhs_hint = false} : vector<3840x128xf32>, vector<128x128xf32>, vector<3840x128xf32> -> vector<3840x128xf32>
    %get3A_45 = arith.constant 0 : index
    %get3A_46 = arith.constant 0 : index
    %get3A_47 = vector.load %arg8[%get3A_45, %get3A_46] : memref<1x128xf32, #tpu.memory_space<vmem>>, vector<1x128xf32>
    %add3A_48 = vector.broadcast %get3A_47 : vector<1x128xf32> to vector<3840x128xf32>
    %add3A_49 = arith.addf %dot_general3A_44, %add3A_48 : vector<3840x128xf32>
    %mul3A_50 = arith.constant 5.000000e-01 : f32
    %mul3A_51 = vector.broadcast %mul3A_50 : f32 to vector<3840x128xf32>
    %mul3A_52 = arith.mulf %mul3A_51, %add3A_49 : vector<3840x128xf32>
    %mul3A_53 = arith.constant 4.471500e-02 : f32
    %mul3A_54 = vector.broadcast %mul3A_53 : f32 to vector<3840x128xf32>
    %mul3A_55 = arith.mulf %mul3A_54, %add3A_49 : vector<3840x128xf32>
    %mul3A_56 = arith.mulf %mul3A_55, %add3A_49 : vector<3840x128xf32>
    %mul3A_57 = arith.mulf %mul3A_56, %add3A_49 : vector<3840x128xf32>
    %add3A_58 = arith.addf %add3A_49, %mul3A_57 : vector<3840x128xf32>
    %mul3A_59 = arith.constant 0.797884583 : f32
    %mul3A_60 = vector.broadcast %mul3A_59 : f32 to vector<3840x128xf32>
    %mul3A_61 = arith.mulf %mul3A_60, %add3A_58 : vector<3840x128xf32>
    %tanh3A_62 = math.tanh %mul3A_61 : vector<3840x128xf32>
    %add3A_63 = arith.constant 1.000000e+00 : f32
    %add3A_64 = vector.broadcast %add3A_63 : f32 to vector<3840x128xf32>
    %add3A_65 = arith.addf %add3A_64, %tanh3A_62 : vector<3840x128xf32>
    %mul3A_66 = arith.mulf %mul3A_52, %add3A_65 : vector<3840x128xf32>
    %get3A_67 = arith.constant 0 : index
    %get3A_68 = arith.constant 0 : index
    %get3A_69 = vector.load %arg9[%get3A_67, %get3A_68] : memref<128x128xf32, #tpu.memory_space<vmem>>, vector<128x128xf32>
    %dot_general3A_70 = arith.constant dense<0.000000e+00> : vector<3840x128xf32>
    %dot_general3A_71 = tpu.matmul %mul3A_66, %get3A_69, %dot_general3A_70 {dimension_numbers = #tpu.dot_dimension_numbers<[1], [0], [0], [1], [0, 0, 1, 1], [], []>, transpose_lhs_hint = false} : vector<3840x128xf32>, vector<128x128xf32>, vector<3840x128xf32> -> vector<3840x128xf32>
    %get3A_72 = arith.constant 0 : index
    %get3A_73 = arith.constant 0 : index
    %get3A_74 = vector.load %arg10[%get3A_72, %get3A_73] : memref<1x128xf32, #tpu.memory_space<vmem>>, vector<1x128xf32>
    %add3A_75 = vector.broadcast %get3A_74 : vector<1x128xf32> to vector<3840x128xf32>
    %add3A_76 = arith.addf %dot_general3A_71, %add3A_75 : vector<3840x128xf32>
    %reshape3A_77 = vector.shape_cast %add3A_76 : vector<3840x128xf32> to vector<128x30x128xf32>
    %reduce_sum3A = arith.constant dense<0.000000e+00> : vector<128x128xf32>
    %reduce_sum3A_78 = vector.multi_reduction <add>, %reshape3A_77, %reduce_sum3A [1] : vector<128x30x128xf32> to vector<128x128xf32>
    %div3A = arith.constant 3.000000e+01 : f32
    %div3A_79 = vector.broadcast %div3A : f32 to vector<128x128xf32>
    %div3A_80 = arith.divf %reduce_sum3A_78, %div3A_79 : vector<128x128xf32>
    %get3A_81 = arith.constant 0 : index
    %get3A_82 = arith.constant 0 : index
    %get3A_83 = vector.load %arg11[%get3A_81, %get3A_82] : memref<128x512xf32, #tpu.memory_space<vmem>>, vector<128x512xf32>
    %get3A_84 = arith.constant 0 : index
    %get3A_85 = arith.constant 0 : index
    %get3A_86 = vector.load %arg12[%get3A_84, %get3A_85] : memref<1x512xf32, #tpu.memory_space<vmem>>, vector<1x512xf32>
    %get3A_87 = arith.constant 0 : index
    %get3A_88 = arith.constant 0 : index
    %get3A_89 = vector.load %arg13[%get3A_87, %get3A_88] : memref<512x128xf32, #tpu.memory_space<vmem>>, vector<512x128xf32>
    %get3A_90 = arith.constant 0 : index
    %get3A_91 = arith.constant 0 : index
    %get3A_92 = vector.load %arg14[%get3A_90, %get3A_91] : memref<1x128xf32, #tpu.memory_space<vmem>>, vector<1x128xf32>
    %add3A_93 = arith.addf %get3A_1, %div3A_80 : vector<128x128xf32>
    %reduce_sum3A_94 = arith.constant dense<0.000000e+00> : vector<128xf32>
    %reduce_sum3A_95 = vector.multi_reduction <add>, %add3A_93, %reduce_sum3A_94 [1] : vector<128x128xf32> to vector<128xf32>
    %broadcast_in_dim3A_96 = vector.shape_cast %reduce_sum3A_95 : vector<128xf32> to vector<128x1xf32>
    %div3A_97 = arith.constant 1.280000e+02 : f32
    %div3A_98 = vector.broadcast %div3A_97 : f32 to vector<128x1xf32>
    %div3A_99 = arith.divf %broadcast_in_dim3A_96, %div3A_98 : vector<128x1xf32>
    %sub3A = vector.broadcast %div3A_99 : vector<128x1xf32> to vector<128x128xf32>
    %sub3A_100 = arith.subf %add3A_93, %sub3A : vector<128x128xf32>
    %mul3A_101 = arith.mulf %sub3A_100, %sub3A_100 : vector<128x128xf32>
    %reduce_sum3A_102 = arith.constant dense<0.000000e+00> : vector<128xf32>
    %reduce_sum3A_103 = vector.multi_reduction <add>, %mul3A_101, %reduce_sum3A_102 [1] : vector<128x128xf32> to vector<128xf32>
    %broadcast_in_dim3A_104 = vector.shape_cast %reduce_sum3A_103 : vector<128xf32> to vector<128x1xf32>
    %div3A_105 = arith.constant 1.280000e+02 : f32
    %div3A_106 = vector.broadcast %div3A_105 : f32 to vector<128x1xf32>
    %div3A_107 = arith.divf %broadcast_in_dim3A_104, %div3A_106 : vector<128x1xf32>
    %add3A_108 = arith.constant 9.99999974E-6 : f32
    %add3A_109 = vector.broadcast %add3A_108 : f32 to vector<128x1xf32>
    %add3A_110 = arith.addf %div3A_107, %add3A_109 : vector<128x1xf32>
    %sqrt3A = math.sqrt %add3A_110 : vector<128x1xf32>
    %div3A_111 = vector.broadcast %sqrt3A : vector<128x1xf32> to vector<128x128xf32>
    %div3A_112 = arith.divf %sub3A_100, %div3A_111 : vector<128x128xf32>
    %dot_general3A_113 = arith.constant dense<0.000000e+00> : vector<128x512xf32>
    %dot_general3A_114 = tpu.matmul %div3A_112, %get3A_83, %dot_general3A_113 {dimension_numbers = #tpu.dot_dimension_numbers<[1], [0], [0], [1], [0, 0, 1, 1], [], []>, transpose_lhs_hint = false} : vector<128x128xf32>, vector<128x512xf32>, vector<128x512xf32> -> vector<128x512xf32>
    %add3A_115 = vector.broadcast %get3A_86 : vector<1x512xf32> to vector<128x512xf32>
    %add3A_116 = arith.addf %dot_general3A_114, %add3A_115 : vector<128x512xf32>
    %mul3A_117 = arith.constant 5.000000e-01 : f32
    %mul3A_118 = vector.broadcast %mul3A_117 : f32 to vector<128x512xf32>
    %mul3A_119 = arith.mulf %mul3A_118, %add3A_116 : vector<128x512xf32>
    %mul3A_120 = arith.constant 4.471500e-02 : f32
    %mul3A_121 = vector.broadcast %mul3A_120 : f32 to vector<128x512xf32>
    %mul3A_122 = arith.mulf %mul3A_121, %add3A_116 : vector<128x512xf32>
    %mul3A_123 = arith.mulf %mul3A_122, %add3A_116 : vector<128x512xf32>
    %mul3A_124 = arith.mulf %mul3A_123, %add3A_116 : vector<128x512xf32>
    %add3A_125 = arith.addf %add3A_116, %mul3A_124 : vector<128x512xf32>
    %mul3A_126 = arith.constant 0.797884583 : f32
    %mul3A_127 = vector.broadcast %mul3A_126 : f32 to vector<128x512xf32>
    %mul3A_128 = arith.mulf %mul3A_127, %add3A_125 : vector<128x512xf32>
    %tanh3A_129 = math.tanh %mul3A_128 : vector<128x512xf32>
    %add3A_130 = arith.constant 1.000000e+00 : f32
    %add3A_131 = vector.broadcast %add3A_130 : f32 to vector<128x512xf32>
    %add3A_132 = arith.addf %add3A_131, %tanh3A_129 : vector<128x512xf32>
    %mul3A_133 = arith.mulf %mul3A_119, %add3A_132 : vector<128x512xf32>
    %dot_general3A_134 = arith.constant dense<0.000000e+00> : vector<128x128xf32>
    %dot_general3A_135 = tpu.matmul %mul3A_133, %get3A_89, %dot_general3A_134 {dimension_numbers = #tpu.dot_dimension_numbers<[1], [0], [0], [1], [0, 0, 1, 1], [], []>, transpose_lhs_hint = false} : vector<128x512xf32>, vector<512x128xf32>, vector<128x128xf32> -> vector<128x128xf32>
    %add3A_136 = vector.broadcast %get3A_92 : vector<1x128xf32> to vector<128x128xf32>
    %add3A_137 = arith.addf %dot_general3A_135, %add3A_136 : vector<128x128xf32>
    %add3A_138 = arith.addf %div3A_112, %add3A_137 : vector<128x128xf32>
    %reduce_sum3A_139 = arith.constant dense<0.000000e+00> : vector<128xf32>
    %reduce_sum3A_140 = vector.multi_reduction <add>, %add3A_138, %reduce_sum3A_139 [1] : vector<128x128xf32> to vector<128xf32>
    %broadcast_in_dim3A_141 = vector.shape_cast %reduce_sum3A_140 : vector<128xf32> to vector<128x1xf32>
    %div3A_142 = arith.constant 1.280000e+02 : f32
    %div3A_143 = vector.broadcast %div3A_142 : f32 to vector<128x1xf32>
    %div3A_144 = arith.divf %broadcast_in_dim3A_141, %div3A_143 : vector<128x1xf32>
    %sub3A_145 = vector.broadcast %div3A_144 : vector<128x1xf32> to vector<128x128xf32>
    %sub3A_146 = arith.subf %add3A_138, %sub3A_145 : vector<128x128xf32>
    %mul3A_147 = arith.mulf %sub3A_146, %sub3A_146 : vector<128x128xf32>
    %reduce_sum3A_148 = arith.constant dense<0.000000e+00> : vector<128xf32>
    %reduce_sum3A_149 = vector.multi_reduction <add>, %mul3A_147, %reduce_sum3A_148 [1] : vector<128x128xf32> to vector<128xf32>
    %broadcast_in_dim3A_150 = vector.shape_cast %reduce_sum3A_149 : vector<128xf32> to vector<128x1xf32>
    %div3A_151 = arith.constant 1.280000e+02 : f32
    %div3A_152 = vector.broadcast %div3A_151 : f32 to vector<128x1xf32>
    %div3A_153 = arith.divf %broadcast_in_dim3A_150, %div3A_152 : vector<128x1xf32>
    %add3A_154 = arith.constant 9.99999974E-6 : f32
    %add3A_155 = vector.broadcast %add3A_154 : f32 to vector<128x1xf32>
    %add3A_156 = arith.addf %div3A_153, %add3A_155 : vector<128x1xf32>
    %sqrt3A_157 = math.sqrt %add3A_156 : vector<128x1xf32>
    %div3A_158 = vector.broadcast %sqrt3A_157 : vector<128x1xf32> to vector<128x128xf32>
    %div3A_159 = arith.divf %sub3A_146, %div3A_158 : vector<128x128xf32>
    %swap3A = arith.constant 0 : index
    %swap3A_160 = arith.constant 0 : index
    %swap3A_161 = vector.load %arg15[%swap3A, %swap3A_160] : memref<128x128xf32, #tpu.memory_space<vmem>>, vector<128x128xf32>
    tpu.vector_store %arg15[%swap3A, %swap3A_160], %div3A_159 {strides = array<i32>} : memref<128x128xf32, #tpu.memory_space<vmem>>, vector<128x128xf32>,
    return
  }
  func.func @transform_0(%arg0: i32) -> (i32, i32) {
    %c0_i32 = arith.constant 0 : i32
    %c0_i32_0 = arith.constant 0 : i32
    return %arg0, %c0_i32 : i32, i32
  }
  func.func @transform_1(%arg0: i32) -> (i32, i32) {
    %c0_i32 = arith.constant 0 : i32
    %c0_i32_0 = arith.constant 0 : i32
    return %arg0, %c0_i32 : i32, i32
  }
  func.func @transform_2(%arg0: i32) -> (i32, i32) {
    %c0_i32 = arith.constant 0 : i32
    %c0_i32_0 = arith.constant 0 : i32
    return %arg0, %c0_i32 : i32, i32
  }
  func.func @transform_3(%arg0: i32) -> (i32, i32) {
    %c0_i32 = arith.constant 0 : i32
    %c0_i32_0 = arith.constant 0 : i32
    %c0_i32_1 = arith.constant 0 : i32
    return %c0_i32, %c0_i32_0 : i32, i32
  }
  func.func @transform_4(%arg0: i32) -> (i32, i32) {
    %c0_i32 = arith.constant 0 : i32
    %c0_i32_0 = arith.constant 0 : i32
    %c0_i32_1 = arith.constant 0 : i32
    return %c0_i32, %c0_i32_0 : i32, i32
  }
  func.func @transform_5(%arg0: i32) -> (i32, i32) {
    %c0_i32 = arith.constant 0 : i32
    %c0_i32_0 = arith.constant 0 : i32
    %c0_i32_1 = arith.constant 0 : i32
    return %c0_i32, %c0_i32_0 : i32, i32
  }
  func.func @transform_6(%arg0: i32) -> (i32, i32) {
    %c0_i32 = arith.constant 0 : i32
    %c0_i32_0 = arith.constant 0 : i32
    %c0_i32_1 = arith.constant 0 : i32
    return %c0_i32, %c0_i32_0 : i32, i32
  }
  func.func @transform_7(%arg0: i32) -> (i32, i32) {
    %c0_i32 = arith.constant 0 : i32
    %c0_i32_0 = arith.constant 0 : i32
    %c0_i32_1 = arith.constant 0 : i32
    return %c0_i32, %c0_i32_0 : i32, i32
  }
  func.func @transform_8(%arg0: i32) -> (i32, i32) {
    %c0_i32 = arith.constant 0 : i32
    %c0_i32_0 = arith.constant 0 : i32
    %c0_i32_1 = arith.constant 0 : i32
    return %c0_i32, %c0_i32_0 : i32, i32
  }
  func.func @transform_9(%arg0: i32) -> (i32, i32) {
    %c0_i32 = arith.constant 0 : i32
    %c0_i32_0 = arith.constant 0 : i32
    %c0_i32_1 = arith.constant 0 : i32
    return %c0_i32, %c0_i32_0 : i32, i32
  }
  func.func @transform_10(%arg0: i32) -> (i32, i32) {
    %c0_i32 = arith.constant 0 : i32
    %c0_i32_0 = arith.constant 0 : i32
    %c0_i32_1 = arith.constant 0 : i32
    return %c0_i32, %c0_i32_0 : i32, i32
  }
  func.func @transform_11(%arg0: i32) -> (i32, i32) {
    %c0_i32 = arith.constant 0 : i32
    %c0_i32_0 = arith.constant 0 : i32
    %c0_i32_1 = arith.constant 0 : i32
    return %c0_i32, %c0_i32_0 : i32, i32
  }
  func.func @transform_12(%arg0: i32) -> (i32, i32) {
    %c0_i32 = arith.constant 0 : i32
    %c0_i32_0 = arith.constant 0 : i32
    %c0_i32_1 = arith.constant 0 : i32
    return %c0_i32, %c0_i32_0 : i32, i32
  }
  func.func @transform_13(%arg0: i32) -> (i32, i32) {
    %c0_i32 = arith.constant 0 : i32
    %c0_i32_0 = arith.constant 0 : i32
    %c0_i32_1 = arith.constant 0 : i32
    return %c0_i32, %c0_i32_0 : i32, i32
  }
  func.func @transform_14(%arg0: i32) -> (i32, i32) {
    %c0_i32 = arith.constant 0 : i32
    %c0_i32_0 = arith.constant 0 : i32
    return %arg0, %c0_i32 : i32, i32
  }
}

module attributes {stable_mosaic.version = 14 : i64} {
  func.func @_hs_body(%arg0: i32, %arg1: memref<256x1xi32, #tpu.memory_space<vmem>>, %arg2: memref<128x128xf32, #tpu.memory_space<vmem>>, %arg3: memref<256x128xf32, #tpu.memory_space<vmem>>) attributes {dimension_semantics = [#tpu.dimension_semantics<arbitrary>], iteration_bounds = array<i64: 8>, scalar_prefetch = 0 : i64, scratch_operands = 0 : i64, tpu.core_type = #tpu.core_type<tc>, window_params = [{transform_indices = @transform_0, window_bounds = array<i64: 256, 1>}, {pipeline_mode = #tpu.pipeline_mode<synchronous>, transform_indices = @transform_1, window_bounds = array<i64: 128, 128>}, {transform_indices = @transform_2, window_bounds = array<i64: 256, 128>}]} {
    %iota3A = tpu.iota {dimensions = array<i32: 1>} : vector<256x128xi32>
    %get3A = arith.constant 0 : index
    %get3A_0 = arith.constant 0 : index
    %get3A_1 = vector.load %arg1[%get3A, %get3A_0] : memref<256x1xi32, #tpu.memory_space<vmem>>, vector<256x1xi32>
    %eq3A = vector.broadcast %get3A_1 : vector<256x1xi32> to vector<256x128xi32>
    %eq3A_2 = arith.cmpi eq, %iota3A, %eq3A : vector<256x128xi32>
    %convert_element_type3A = arith.extui %eq3A_2 : vector<256x128xi1> to vector<256x128xi32>
    %convert_element_type3A_3 = arith.sitofp %convert_element_type3A : vector<256x128xi32> to vector<256x128xf32>
    %get3A_4 = arith.constant 0 : index
    %get3A_5 = arith.constant 0 : index
    %get3A_6 = vector.load %arg2[%get3A_4, %get3A_5] : memref<128x128xf32, #tpu.memory_space<vmem>>, vector<128x128xf32>
    %dot_general3A = arith.constant dense<0.000000e+00> : vector<256x128xf32>
    %dot_general3A_7 = tpu.matmul %convert_element_type3A_3, %get3A_6, %dot_general3A {dimension_numbers = #tpu.dot_dimension_numbers<[1], [0], [0], [1], [0, 0, 1, 1], [], []>, transpose_lhs_hint = false} : vector<256x128xf32>, vector<128x128xf32>, vector<256x128xf32> -> vector<256x128xf32>
    %swap3A = arith.constant 0 : index
    %swap3A_8 = arith.constant 0 : index
    %swap3A_9 = vector.load %arg3[%swap3A, %swap3A_8] : memref<256x128xf32, #tpu.memory_space<vmem>>, vector<256x128xf32>
    tpu.vector_store %arg3[%swap3A, %swap3A_8], %dot_general3A_7 {strides = array<i32>} : memref<256x128xf32, #tpu.memory_space<vmem>>, vector<256x128xf32>,
    return
  }
  func.func @transform_0(%arg0: i32) -> (i32, i32) {
    %c0_i32 = arith.constant 0 : i32
    %c0_i32_0 = arith.constant 0 : i32
    return %arg0, %c0_i32 : i32, i32
  }
  func.func @transform_1(%arg0: i32) -> (i32, i32) {
    %c0_i32 = arith.constant 0 : i32
    %c0_i32_0 = arith.constant 0 : i32
    %c0_i32_1 = arith.constant 0 : i32
    return %c0_i32, %c0_i32_0 : i32, i32
  }
  func.func @transform_2(%arg0: i32) -> (i32, i32) {
    %c0_i32 = arith.constant 0 : i32
    %c0_i32_0 = arith.constant 0 : i32
    return %arg0, %c0_i32 : i32, i32
  }
}

module attributes {stable_mosaic.version = 14 : i64} {
  func.func @_proj2_body(%arg0: i32, %arg1: memref<256x128xf32, #tpu.memory_space<vmem>>, %arg2: memref<256x128xf32, #tpu.memory_space<vmem>>, %arg3: memref<128x128xf32, #tpu.memory_space<vmem>>, %arg4: memref<128x128xf32, #tpu.memory_space<vmem>>, %arg5: memref<256x128xf32, #tpu.memory_space<vmem>>) attributes {dimension_semantics = [#tpu.dimension_semantics<arbitrary>], iteration_bounds = array<i64: 8>, scalar_prefetch = 0 : i64, scratch_operands = 0 : i64, tpu.core_type = #tpu.core_type<tc>, window_params = [{transform_indices = @transform_0, window_bounds = array<i64: 256, 128>}, {transform_indices = @transform_1, window_bounds = array<i64: 256, 128>}, {pipeline_mode = #tpu.pipeline_mode<synchronous>, transform_indices = @transform_2, window_bounds = array<i64: 128, 128>}, {pipeline_mode = #tpu.pipeline_mode<synchronous>, transform_indices = @transform_3, window_bounds = array<i64: 128, 128>}, {transform_indices = @transform_4, window_bounds = array<i64: 256, 128>}]} {
    %get3A = arith.constant 0 : index
    %get3A_0 = arith.constant 0 : index
    %get3A_1 = vector.load %arg1[%get3A, %get3A_0] : memref<256x128xf32, #tpu.memory_space<vmem>>, vector<256x128xf32>
    %get3A_2 = arith.constant 0 : index
    %get3A_3 = arith.constant 0 : index
    %get3A_4 = vector.load %arg3[%get3A_2, %get3A_3] : memref<128x128xf32, #tpu.memory_space<vmem>>, vector<128x128xf32>
    %dot_general3A = arith.constant dense<0.000000e+00> : vector<256x128xf32>
    %dot_general3A_5 = tpu.matmul %get3A_1, %get3A_4, %dot_general3A {dimension_numbers = #tpu.dot_dimension_numbers<[1], [0], [0], [1], [0, 0, 1, 1], [], []>, transpose_lhs_hint = false} : vector<256x128xf32>, vector<128x128xf32>, vector<256x128xf32> -> vector<256x128xf32>
    %get3A_6 = arith.constant 0 : index
    %get3A_7 = arith.constant 0 : index
    %get3A_8 = vector.load %arg2[%get3A_6, %get3A_7] : memref<256x128xf32, #tpu.memory_space<vmem>>, vector<256x128xf32>
    %get3A_9 = arith.constant 0 : index
    %get3A_10 = arith.constant 0 : index
    %get3A_11 = vector.load %arg4[%get3A_9, %get3A_10] : memref<128x128xf32, #tpu.memory_space<vmem>>, vector<128x128xf32>
    %dot_general3A_12 = arith.constant dense<0.000000e+00> : vector<256x128xf32>
    %dot_general3A_13 = tpu.matmul %get3A_8, %get3A_11, %dot_general3A_12 {dimension_numbers = #tpu.dot_dimension_numbers<[1], [0], [0], [1], [0, 0, 1, 1], [], []>, transpose_lhs_hint = false} : vector<256x128xf32>, vector<128x128xf32>, vector<256x128xf32> -> vector<256x128xf32>
    %add3A = arith.addf %dot_general3A_5, %dot_general3A_13 : vector<256x128xf32>
    %swap3A = arith.constant 0 : index
    %swap3A_14 = arith.constant 0 : index
    %swap3A_15 = vector.load %arg5[%swap3A, %swap3A_14] : memref<256x128xf32, #tpu.memory_space<vmem>>, vector<256x128xf32>
    tpu.vector_store %arg5[%swap3A, %swap3A_14], %add3A {strides = array<i32>} : memref<256x128xf32, #tpu.memory_space<vmem>>, vector<256x128xf32>,
    return
  }
  func.func @transform_0(%arg0: i32) -> (i32, i32) {
    %c0_i32 = arith.constant 0 : i32
    %c0_i32_0 = arith.constant 0 : i32
    return %arg0, %c0_i32 : i32, i32
  }
  func.func @transform_1(%arg0: i32) -> (i32, i32) {
    %c0_i32 = arith.constant 0 : i32
    %c0_i32_0 = arith.constant 0 : i32
    return %arg0, %c0_i32 : i32, i32
  }
  func.func @transform_2(%arg0: i32) -> (i32, i32) {
    %c0_i32 = arith.constant 0 : i32
    %c0_i32_0 = arith.constant 0 : i32
    %c0_i32_1 = arith.constant 0 : i32
    return %c0_i32, %c0_i32_0 : i32, i32
  }
  func.func @transform_3(%arg0: i32) -> (i32, i32) {
    %c0_i32 = arith.constant 0 : i32
    %c0_i32_0 = arith.constant 0 : i32
    %c0_i32_1 = arith.constant 0 : i32
    return %c0_i32, %c0_i32_0 : i32, i32
  }
  func.func @transform_4(%arg0: i32) -> (i32, i32) {
    %c0_i32 = arith.constant 0 : i32
    %c0_i32_0 = arith.constant 0 : i32
    return %arg0, %c0_i32 : i32, i32
  }
}

module attributes {stable_mosaic.version = 14 : i64} {
  func.func @_mpnn_dec_body(%arg0: i32, %arg1: memref<128x128xf32, #tpu.memory_space<vmem>>, %arg2: memref<3840x128xf32, #tpu.memory_space<vmem>>, %arg3: memref<3840x128xf32, #tpu.memory_space<vmem>>, %arg4: memref<3840x128xf32, #tpu.memory_space<vmem>>, %arg5: memref<128x30xi32, #tpu.memory_space<vmem>>, %arg6: memref<128x128xf32, #tpu.memory_space<vmem>>, %arg7: memref<128x128xf32, #tpu.memory_space<vmem>>, %arg8: memref<1x128xf32, #tpu.memory_space<vmem>>, %arg9: memref<128x128xf32, #tpu.memory_space<vmem>>, %arg10: memref<1x128xf32, #tpu.memory_space<vmem>>, %arg11: memref<128x128xf32, #tpu.memory_space<vmem>>, %arg12: memref<1x128xf32, #tpu.memory_space<vmem>>, %arg13: memref<128x512xf32, #tpu.memory_space<vmem>>, %arg14: memref<1x512xf32, #tpu.memory_space<vmem>>, %arg15: memref<512x128xf32, #tpu.memory_space<vmem>>, %arg16: memref<1x128xf32, #tpu.memory_space<vmem>>, %arg17: memref<128x128xf32, #tpu.memory_space<vmem>>) attributes {dimension_semantics = [#tpu.dimension_semantics<arbitrary>], iteration_bounds = array<i64: 16>, scalar_prefetch = 0 : i64, scratch_operands = 0 : i64, tpu.core_type = #tpu.core_type<tc>, window_params = [{transform_indices = @transform_0, window_bounds = array<i64: 128, 128>}, {transform_indices = @transform_1, window_bounds = array<i64: 3840, 128>}, {transform_indices = @transform_2, window_bounds = array<i64: 3840, 128>}, {transform_indices = @transform_3, window_bounds = array<i64: 3840, 128>}, {transform_indices = @transform_4, window_bounds = array<i64: 128, 30>}, {pipeline_mode = #tpu.pipeline_mode<synchronous>, transform_indices = @transform_5, window_bounds = array<i64: 128, 128>}, {pipeline_mode = #tpu.pipeline_mode<synchronous>, transform_indices = @transform_6, window_bounds = array<i64: 128, 128>}, {pipeline_mode = #tpu.pipeline_mode<synchronous>, transform_indices = @transform_7, window_bounds = array<i64: 1, 128>}, {pipeline_mode = #tpu.pipeline_mode<synchronous>, transform_indices = @transform_8, window_bounds = array<i64: 128, 128>}, {pipeline_mode = #tpu.pipeline_mode<synchronous>, transform_indices = @transform_9, window_bounds = array<i64: 1, 128>}, {pipeline_mode = #tpu.pipeline_mode<synchronous>, transform_indices = @transform_10, window_bounds = array<i64: 128, 128>}, {pipeline_mode = #tpu.pipeline_mode<synchronous>, transform_indices = @transform_11, window_bounds = array<i64: 1, 128>}, {pipeline_mode = #tpu.pipeline_mode<synchronous>, transform_indices = @transform_12, window_bounds = array<i64: 128, 512>}, {pipeline_mode = #tpu.pipeline_mode<synchronous>, transform_indices = @transform_13, window_bounds = array<i64: 1, 512>}, {pipeline_mode = #tpu.pipeline_mode<synchronous>, transform_indices = @transform_14, window_bounds = array<i64: 512, 128>}, {pipeline_mode = #tpu.pipeline_mode<synchronous>, transform_indices = @transform_15, window_bounds = array<i64: 1, 128>}, {transform_indices = @transform_16, window_bounds = array<i64: 128, 128>}]} {
    %get3A = arith.constant 0 : index
    %get3A_0 = arith.constant 0 : index
    %get3A_1 = vector.load %arg1[%get3A, %get3A_0] : memref<128x128xf32, #tpu.memory_space<vmem>>, vector<128x128xf32>
    %get3A_2 = arith.constant 0 : index
    %get3A_3 = arith.constant 0 : index
    %get3A_4 = vector.load %arg6[%get3A_2, %get3A_3] : memref<128x128xf32, #tpu.memory_space<vmem>>, vector<128x128xf32>
    %dot_general3A = arith.constant dense<0.000000e+00> : vector<128x128xf32>
    %dot_general3A_5 = tpu.matmul %get3A_1, %get3A_4, %dot_general3A {dimension_numbers = #tpu.dot_dimension_numbers<[1], [0], [0], [1], [0, 0, 1, 1], [], []>, transpose_lhs_hint = false} : vector<128x128xf32>, vector<128x128xf32>, vector<128x128xf32> -> vector<128x128xf32>
    %mul3A = arith.constant 128 : i32
    %mul3A_6 = arith.muli %arg0, %mul3A : i32
    %iota3A = tpu.iota {dimensions = array<i32: 0>} : vector<128x1xi32>
    %add3A = vector.broadcast %mul3A_6 : i32 to vector<128x1xi32>
    %add3A_7 = arith.addi %add3A, %iota3A : vector<128x1xi32>
    %get3A_8 = arith.constant 0 : index
    %get3A_9 = arith.constant 0 : index
    %get3A_10 = vector.load %arg5[%get3A_8, %get3A_9] : memref<128x30xi32, #tpu.memory_space<vmem>>, vector<128x30xi32>
    %lt3A = vector.broadcast %add3A_7 : vector<128x1xi32> to vector<128x30xi32>
    %lt3A_11 = arith.cmpi slt, %get3A_10, %lt3A : vector<128x30xi32>
    %convert_element_type3A = arith.extui %lt3A_11 : vector<128x30xi1> to vector<128x30xi32>
    %convert_element_type3A_12 = arith.sitofp %convert_element_type3A : vector<128x30xi32> to vector<128x30xf32>
    %get3A_13 = arith.constant 0 : index
    %get3A_14 = arith.constant 0 : index
    %get3A_15 = vector.load %arg4[%get3A_13, %get3A_14] : memref<3840x128xf32, #tpu.memory_space<vmem>>, vector<3840x128xf32>
    %reshape3A = vector.shape_cast %get3A_15 : vector<3840x128xf32> to vector<128x30x128xf32>
    %get3A_16 = arith.constant 0 : index
    %get3A_17 = arith.constant 0 : index
    %get3A_18 = vector.load %arg3[%get3A_16, %get3A_17] : memref<3840x128xf32, #tpu.memory_space<vmem>>, vector<3840x128xf32>
    %reshape3A_19 = vector.shape_cast %get3A_18 : vector<3840x128xf32> to vector<128x30x128xf32>
    %get3A_20 = arith.constant 0 : index
    %get3A_21 = arith.constant 0 : index
    %get3A_22 = vector.load %arg2[%get3A_20, %get3A_21] : memref<3840x128xf32, #tpu.memory_space<vmem>>, vector<3840x128xf32>
    %get3A_23 = arith.constant 0 : index
    %get3A_24 = arith.constant 0 : index
    %get3A_25 = vector.load %arg7[%get3A_23, %get3A_24] : memref<128x128xf32, #tpu.memory_space<vmem>>, vector<128x128xf32>
    %dot_general3A_26 = arith.constant dense<0.000000e+00> : vector<3840x128xf32>
    %dot_general3A_27 = tpu.matmul %get3A_22, %get3A_25, %dot_general3A_26 {dimension_numbers = #tpu.dot_dimension_numbers<[1], [0], [0], [1], [0, 0, 1, 1], [], []>, transpose_lhs_hint = false} : vector<3840x128xf32>, vector<128x128xf32>, vector<3840x128xf32> -> vector<3840x128xf32>
    %get3A_28 = arith.constant 0 : index
    %get3A_29 = arith.constant 0 : index
    %get3A_30 = vector.load %arg8[%get3A_28, %get3A_29] : memref<1x128xf32, #tpu.memory_space<vmem>>, vector<1x128xf32>
    %add3A_31 = vector.broadcast %get3A_30 : vector<1x128xf32> to vector<3840x128xf32>
    %add3A_32 = arith.addf %dot_general3A_27, %add3A_31 : vector<3840x128xf32>
    %reshape3A_33 = vector.shape_cast %add3A_32 : vector<3840x128xf32> to vector<128x30x128xf32>
    %broadcast_in_dim3A = vector.shape_cast %dot_general3A_5 : vector<128x128xf32> to vector<128x1x128xf32>
    %add3A_34 = vector.broadcast %broadcast_in_dim3A : vector<128x1x128xf32> to vector<128x30x128xf32>
    %add3A_35 = arith.addf %reshape3A_33, %add3A_34 : vector<128x30x128xf32>
    %add3A_36 = arith.addf %add3A_35, %reshape3A : vector<128x30x128xf32>
    %broadcast_in_dim3A_37 = vector.shape_cast %convert_element_type3A_12 : vector<128x30xf32> to vector<128x30x1xf32>
    %sub3A = arith.subf %reshape3A_19, %reshape3A : vector<128x30x128xf32>
    %mul3A_38 = vector.broadcast %broadcast_in_dim3A_37 : vector<128x30x1xf32> to vector<128x30x128xf32>
    %mul3A_39 = arith.mulf %mul3A_38, %sub3A : vector<128x30x128xf32>
    %add3A_40 = arith.addf %add3A_36, %mul3A_39 : vector<128x30x128xf32>
    %mul3A_41 = arith.constant 5.000000e-01 : f32
    %mul3A_42 = vector.broadcast %mul3A_41 : f32 to vector<128x30x128xf32>
    %mul3A_43 = arith.mulf %mul3A_42, %add3A_40 : vector<128x30x128xf32>
    %mul3A_44 = arith.constant 4.471500e-02 : f32
    %mul3A_45 = vector.broadcast %mul3A_44 : f32 to vector<128x30x128xf32>
    %mul3A_46 = arith.mulf %mul3A_45, %add3A_40 : vector<128x30x128xf32>
    %mul3A_47 = arith.mulf %mul3A_46, %add3A_40 : vector<128x30x128xf32>
    %mul3A_48 = arith.mulf %mul3A_47, %add3A_40 : vector<128x30x128xf32>
    %add3A_49 = arith.addf %add3A_40, %mul3A_48 : vector<128x30x128xf32>
    %mul3A_50 = arith.constant 0.797884583 : f32
    %mul3A_51 = vector.broadcast %mul3A_50 : f32 to vector<128x30x128xf32>
    %mul3A_52 = arith.mulf %mul3A_51, %add3A_49 : vector<128x30x128xf32>
    %tanh3A = math.tanh %mul3A_52 : vector<128x30x128xf32>
    %add3A_53 = arith.constant 1.000000e+00 : f32
    %add3A_54 = vector.broadcast %add3A_53 : f32 to vector<128x30x128xf32>
    %add3A_55 = arith.addf %add3A_54, %tanh3A : vector<128x30x128xf32>
    %mul3A_56 = arith.mulf %mul3A_43, %add3A_55 : vector<128x30x128xf32>
    %reshape3A_57 = vector.shape_cast %mul3A_56 : vector<128x30x128xf32> to vector<3840x128xf32>
    %get3A_58 = arith.constant 0 : index
    %get3A_59 = arith.constant 0 : index
    %get3A_60 = vector.load %arg9[%get3A_58, %get3A_59] : memref<128x128xf32, #tpu.memory_space<vmem>>, vector<128x128xf32>
    %dot_general3A_61 = arith.constant dense<0.000000e+00> : vector<3840x128xf32>
    %dot_general3A_62 = tpu.matmul %reshape3A_57, %get3A_60, %dot_general3A_61 {dimension_numbers = #tpu.dot_dimension_numbers<[1], [0], [0], [1], [0, 0, 1, 1], [], []>, transpose_lhs_hint = false} : vector<3840x128xf32>, vector<128x128xf32>, vector<3840x128xf32> -> vector<3840x128xf32>
    %get3A_63 = arith.constant 0 : index
    %get3A_64 = arith.constant 0 : index
    %get3A_65 = vector.load %arg10[%get3A_63, %get3A_64] : memref<1x128xf32, #tpu.memory_space<vmem>>, vector<1x128xf32>
    %add3A_66 = vector.broadcast %get3A_65 : vector<1x128xf32> to vector<3840x128xf32>
    %add3A_67 = arith.addf %dot_general3A_62, %add3A_66 : vector<3840x128xf32>
    %mul3A_68 = arith.constant 5.000000e-01 : f32
    %mul3A_69 = vector.broadcast %mul3A_68 : f32 to vector<3840x128xf32>
    %mul3A_70 = arith.mulf %mul3A_69, %add3A_67 : vector<3840x128xf32>
    %mul3A_71 = arith.constant 4.471500e-02 : f32
    %mul3A_72 = vector.broadcast %mul3A_71 : f32 to vector<3840x128xf32>
    %mul3A_73 = arith.mulf %mul3A_72, %add3A_67 : vector<3840x128xf32>
    %mul3A_74 = arith.mulf %mul3A_73, %add3A_67 : vector<3840x128xf32>
    %mul3A_75 = arith.mulf %mul3A_74, %add3A_67 : vector<3840x128xf32>
    %add3A_76 = arith.addf %add3A_67, %mul3A_75 : vector<3840x128xf32>
    %mul3A_77 = arith.constant 0.797884583 : f32
    %mul3A_78 = vector.broadcast %mul3A_77 : f32 to vector<3840x128xf32>
    %mul3A_79 = arith.mulf %mul3A_78, %add3A_76 : vector<3840x128xf32>
    %tanh3A_80 = math.tanh %mul3A_79 : vector<3840x128xf32>
    %add3A_81 = arith.constant 1.000000e+00 : f32
    %add3A_82 = vector.broadcast %add3A_81 : f32 to vector<3840x128xf32>
    %add3A_83 = arith.addf %add3A_82, %tanh3A_80 : vector<3840x128xf32>
    %mul3A_84 = arith.mulf %mul3A_70, %add3A_83 : vector<3840x128xf32>
    %get3A_85 = arith.constant 0 : index
    %get3A_86 = arith.constant 0 : index
    %get3A_87 = vector.load %arg11[%get3A_85, %get3A_86] : memref<128x128xf32, #tpu.memory_space<vmem>>, vector<128x128xf32>
    %dot_general3A_88 = arith.constant dense<0.000000e+00> : vector<3840x128xf32>
    %dot_general3A_89 = tpu.matmul %mul3A_84, %get3A_87, %dot_general3A_88 {dimension_numbers = #tpu.dot_dimension_numbers<[1], [0], [0], [1], [0, 0, 1, 1], [], []>, transpose_lhs_hint = false} : vector<3840x128xf32>, vector<128x128xf32>, vector<3840x128xf32> -> vector<3840x128xf32>
    %get3A_90 = arith.constant 0 : index
    %get3A_91 = arith.constant 0 : index
    %get3A_92 = vector.load %arg12[%get3A_90, %get3A_91] : memref<1x128xf32, #tpu.memory_space<vmem>>, vector<1x128xf32>
    %add3A_93 = vector.broadcast %get3A_92 : vector<1x128xf32> to vector<3840x128xf32>
    %add3A_94 = arith.addf %dot_general3A_89, %add3A_93 : vector<3840x128xf32>
    %reshape3A_95 = vector.shape_cast %add3A_94 : vector<3840x128xf32> to vector<128x30x128xf32>
    %reduce_sum3A = arith.constant dense<0.000000e+00> : vector<128x128xf32>
    %reduce_sum3A_96 = vector.multi_reduction <add>, %reshape3A_95, %reduce_sum3A [1] : vector<128x30x128xf32> to vector<128x128xf32>
    %div3A = arith.constant 3.000000e+01 : f32
    %div3A_97 = vector.broadcast %div3A : f32 to vector<128x128xf32>
    %div3A_98 = arith.divf %reduce_sum3A_96, %div3A_97 : vector<128x128xf32>
    %get3A_99 = arith.constant 0 : index
    %get3A_100 = arith.constant 0 : index
    %get3A_101 = vector.load %arg13[%get3A_99, %get3A_100] : memref<128x512xf32, #tpu.memory_space<vmem>>, vector<128x512xf32>
    %get3A_102 = arith.constant 0 : index
    %get3A_103 = arith.constant 0 : index
    %get3A_104 = vector.load %arg14[%get3A_102, %get3A_103] : memref<1x512xf32, #tpu.memory_space<vmem>>, vector<1x512xf32>
    %get3A_105 = arith.constant 0 : index
    %get3A_106 = arith.constant 0 : index
    %get3A_107 = vector.load %arg15[%get3A_105, %get3A_106] : memref<512x128xf32, #tpu.memory_space<vmem>>, vector<512x128xf32>
    %get3A_108 = arith.constant 0 : index
    %get3A_109 = arith.constant 0 : index
    %get3A_110 = vector.load %arg16[%get3A_108, %get3A_109] : memref<1x128xf32, #tpu.memory_space<vmem>>, vector<1x128xf32>
    %add3A_111 = arith.addf %get3A_1, %div3A_98 : vector<128x128xf32>
    %reduce_sum3A_112 = arith.constant dense<0.000000e+00> : vector<128xf32>
    %reduce_sum3A_113 = vector.multi_reduction <add>, %add3A_111, %reduce_sum3A_112 [1] : vector<128x128xf32> to vector<128xf32>
    %broadcast_in_dim3A_114 = vector.shape_cast %reduce_sum3A_113 : vector<128xf32> to vector<128x1xf32>
    %div3A_115 = arith.constant 1.280000e+02 : f32
    %div3A_116 = vector.broadcast %div3A_115 : f32 to vector<128x1xf32>
    %div3A_117 = arith.divf %broadcast_in_dim3A_114, %div3A_116 : vector<128x1xf32>
    %sub3A_118 = vector.broadcast %div3A_117 : vector<128x1xf32> to vector<128x128xf32>
    %sub3A_119 = arith.subf %add3A_111, %sub3A_118 : vector<128x128xf32>
    %mul3A_120 = arith.mulf %sub3A_119, %sub3A_119 : vector<128x128xf32>
    %reduce_sum3A_121 = arith.constant dense<0.000000e+00> : vector<128xf32>
    %reduce_sum3A_122 = vector.multi_reduction <add>, %mul3A_120, %reduce_sum3A_121 [1] : vector<128x128xf32> to vector<128xf32>
    %broadcast_in_dim3A_123 = vector.shape_cast %reduce_sum3A_122 : vector<128xf32> to vector<128x1xf32>
    %div3A_124 = arith.constant 1.280000e+02 : f32
    %div3A_125 = vector.broadcast %div3A_124 : f32 to vector<128x1xf32>
    %div3A_126 = arith.divf %broadcast_in_dim3A_123, %div3A_125 : vector<128x1xf32>
    %add3A_127 = arith.constant 9.99999974E-6 : f32
    %add3A_128 = vector.broadcast %add3A_127 : f32 to vector<128x1xf32>
    %add3A_129 = arith.addf %div3A_126, %add3A_128 : vector<128x1xf32>
    %sqrt3A = math.sqrt %add3A_129 : vector<128x1xf32>
    %div3A_130 = vector.broadcast %sqrt3A : vector<128x1xf32> to vector<128x128xf32>
    %div3A_131 = arith.divf %sub3A_119, %div3A_130 : vector<128x128xf32>
    %dot_general3A_132 = arith.constant dense<0.000000e+00> : vector<128x512xf32>
    %dot_general3A_133 = tpu.matmul %div3A_131, %get3A_101, %dot_general3A_132 {dimension_numbers = #tpu.dot_dimension_numbers<[1], [0], [0], [1], [0, 0, 1, 1], [], []>, transpose_lhs_hint = false} : vector<128x128xf32>, vector<128x512xf32>, vector<128x512xf32> -> vector<128x512xf32>
    %add3A_134 = vector.broadcast %get3A_104 : vector<1x512xf32> to vector<128x512xf32>
    %add3A_135 = arith.addf %dot_general3A_133, %add3A_134 : vector<128x512xf32>
    %mul3A_136 = arith.constant 5.000000e-01 : f32
    %mul3A_137 = vector.broadcast %mul3A_136 : f32 to vector<128x512xf32>
    %mul3A_138 = arith.mulf %mul3A_137, %add3A_135 : vector<128x512xf32>
    %mul3A_139 = arith.constant 4.471500e-02 : f32
    %mul3A_140 = vector.broadcast %mul3A_139 : f32 to vector<128x512xf32>
    %mul3A_141 = arith.mulf %mul3A_140, %add3A_135 : vector<128x512xf32>
    %mul3A_142 = arith.mulf %mul3A_141, %add3A_135 : vector<128x512xf32>
    %mul3A_143 = arith.mulf %mul3A_142, %add3A_135 : vector<128x512xf32>
    %add3A_144 = arith.addf %add3A_135, %mul3A_143 : vector<128x512xf32>
    %mul3A_145 = arith.constant 0.797884583 : f32
    %mul3A_146 = vector.broadcast %mul3A_145 : f32 to vector<128x512xf32>
    %mul3A_147 = arith.mulf %mul3A_146, %add3A_144 : vector<128x512xf32>
    %tanh3A_148 = math.tanh %mul3A_147 : vector<128x512xf32>
    %add3A_149 = arith.constant 1.000000e+00 : f32
    %add3A_150 = vector.broadcast %add3A_149 : f32 to vector<128x512xf32>
    %add3A_151 = arith.addf %add3A_150, %tanh3A_148 : vector<128x512xf32>
    %mul3A_152 = arith.mulf %mul3A_138, %add3A_151 : vector<128x512xf32>
    %dot_general3A_153 = arith.constant dense<0.000000e+00> : vector<128x128xf32>
    %dot_general3A_154 = tpu.matmul %mul3A_152, %get3A_107, %dot_general3A_153 {dimension_numbers = #tpu.dot_dimension_numbers<[1], [0], [0], [1], [0, 0, 1, 1], [], []>, transpose_lhs_hint = false} : vector<128x512xf32>, vector<512x128xf32>, vector<128x128xf32> -> vector<128x128xf32>
    %add3A_155 = vector.broadcast %get3A_110 : vector<1x128xf32> to vector<128x128xf32>
    %add3A_156 = arith.addf %dot_general3A_154, %add3A_155 : vector<128x128xf32>
    %add3A_157 = arith.addf %div3A_131, %add3A_156 : vector<128x128xf32>
    %reduce_sum3A_158 = arith.constant dense<0.000000e+00> : vector<128xf32>
    %reduce_sum3A_159 = vector.multi_reduction <add>, %add3A_157, %reduce_sum3A_158 [1] : vector<128x128xf32> to vector<128xf32>
    %broadcast_in_dim3A_160 = vector.shape_cast %reduce_sum3A_159 : vector<128xf32> to vector<128x1xf32>
    %div3A_161 = arith.constant 1.280000e+02 : f32
    %div3A_162 = vector.broadcast %div3A_161 : f32 to vector<128x1xf32>
    %div3A_163 = arith.divf %broadcast_in_dim3A_160, %div3A_162 : vector<128x1xf32>
    %sub3A_164 = vector.broadcast %div3A_163 : vector<128x1xf32> to vector<128x128xf32>
    %sub3A_165 = arith.subf %add3A_157, %sub3A_164 : vector<128x128xf32>
    %mul3A_166 = arith.mulf %sub3A_165, %sub3A_165 : vector<128x128xf32>
    %reduce_sum3A_167 = arith.constant dense<0.000000e+00> : vector<128xf32>
    %reduce_sum3A_168 = vector.multi_reduction <add>, %mul3A_166, %reduce_sum3A_167 [1] : vector<128x128xf32> to vector<128xf32>
    %broadcast_in_dim3A_169 = vector.shape_cast %reduce_sum3A_168 : vector<128xf32> to vector<128x1xf32>
    %div3A_170 = arith.constant 1.280000e+02 : f32
    %div3A_171 = vector.broadcast %div3A_170 : f32 to vector<128x1xf32>
    %div3A_172 = arith.divf %broadcast_in_dim3A_169, %div3A_171 : vector<128x1xf32>
    %add3A_173 = arith.constant 9.99999974E-6 : f32
    %add3A_174 = vector.broadcast %add3A_173 : f32 to vector<128x1xf32>
    %add3A_175 = arith.addf %div3A_172, %add3A_174 : vector<128x1xf32>
    %sqrt3A_176 = math.sqrt %add3A_175 : vector<128x1xf32>
    %div3A_177 = vector.broadcast %sqrt3A_176 : vector<128x1xf32> to vector<128x128xf32>
    %div3A_178 = arith.divf %sub3A_165, %div3A_177 : vector<128x128xf32>
    %swap3A = arith.constant 0 : index
    %swap3A_179 = arith.constant 0 : index
    %swap3A_180 = vector.load %arg17[%swap3A, %swap3A_179] : memref<128x128xf32, #tpu.memory_space<vmem>>, vector<128x128xf32>
    tpu.vector_store %arg17[%swap3A, %swap3A_179], %div3A_178 {strides = array<i32>} : memref<128x128xf32, #tpu.memory_space<vmem>>, vector<128x128xf32>,
    return
  }
  func.func @transform_0(%arg0: i32) -> (i32, i32) {
    %c0_i32 = arith.constant 0 : i32
    %c0_i32_0 = arith.constant 0 : i32
    return %arg0, %c0_i32 : i32, i32
  }
  func.func @transform_1(%arg0: i32) -> (i32, i32) {
    %c0_i32 = arith.constant 0 : i32
    %c0_i32_0 = arith.constant 0 : i32
    return %arg0, %c0_i32 : i32, i32
  }
  func.func @transform_2(%arg0: i32) -> (i32, i32) {
    %c0_i32 = arith.constant 0 : i32
    %c0_i32_0 = arith.constant 0 : i32
    return %arg0, %c0_i32 : i32, i32
  }
  func.func @transform_3(%arg0: i32) -> (i32, i32) {
    %c0_i32 = arith.constant 0 : i32
    %c0_i32_0 = arith.constant 0 : i32
    return %arg0, %c0_i32 : i32, i32
  }
  func.func @transform_4(%arg0: i32) -> (i32, i32) {
    %c0_i32 = arith.constant 0 : i32
    %c0_i32_0 = arith.constant 0 : i32
    return %arg0, %c0_i32 : i32, i32
  }
  func.func @transform_5(%arg0: i32) -> (i32, i32) {
    %c0_i32 = arith.constant 0 : i32
    %c0_i32_0 = arith.constant 0 : i32
    %c0_i32_1 = arith.constant 0 : i32
    return %c0_i32, %c0_i32_0 : i32, i32
  }
  func.func @transform_6(%arg0: i32) -> (i32, i32) {
    %c0_i32 = arith.constant 0 : i32
    %c0_i32_0 = arith.constant 0 : i32
    %c0_i32_1 = arith.constant 0 : i32
    return %c0_i32, %c0_i32_0 : i32, i32
  }
  func.func @transform_7(%arg0: i32) -> (i32, i32) {
    %c0_i32 = arith.constant 0 : i32
    %c0_i32_0 = arith.constant 0 : i32
    %c0_i32_1 = arith.constant 0 : i32
    return %c0_i32, %c0_i32_0 : i32, i32
  }
  func.func @transform_8(%arg0: i32) -> (i32, i32) {
    %c0_i32 = arith.constant 0 : i32
    %c0_i32_0 = arith.constant 0 : i32
    %c0_i32_1 = arith.constant 0 : i32
    return %c0_i32, %c0_i32_0 : i32, i32
  }
  func.func @transform_9(%arg0: i32) -> (i32, i32) {
    %c0_i32 = arith.constant 0 : i32
    %c0_i32_0 = arith.constant 0 : i32
    %c0_i32_1 = arith.constant 0 : i32
    return %c0_i32, %c0_i32_0 : i32, i32
  }
  func.func @transform_10(%arg0: i32) -> (i32, i32) {
    %c0_i32 = arith.constant 0 : i32
    %c0_i32_0 = arith.constant 0 : i32
    %c0_i32_1 = arith.constant 0 : i32
    return %c0_i32, %c0_i32_0 : i32, i32
  }
  func.func @transform_11(%arg0: i32) -> (i32, i32) {
    %c0_i32 = arith.constant 0 : i32
    %c0_i32_0 = arith.constant 0 : i32
    %c0_i32_1 = arith.constant 0 : i32
    return %c0_i32, %c0_i32_0 : i32, i32
  }
  func.func @transform_12(%arg0: i32) -> (i32, i32) {
    %c0_i32 = arith.constant 0 : i32
    %c0_i32_0 = arith.constant 0 : i32
    %c0_i32_1 = arith.constant 0 : i32
    return %c0_i32, %c0_i32_0 : i32, i32
  }
  func.func @transform_13(%arg0: i32) -> (i32, i32) {
    %c0_i32 = arith.constant 0 : i32
    %c0_i32_0 = arith.constant 0 : i32
    %c0_i32_1 = arith.constant 0 : i32
    return %c0_i32, %c0_i32_0 : i32, i32
  }
  func.func @transform_14(%arg0: i32) -> (i32, i32) {
    %c0_i32 = arith.constant 0 : i32
    %c0_i32_0 = arith.constant 0 : i32
    %c0_i32_1 = arith.constant 0 : i32
    return %c0_i32, %c0_i32_0 : i32, i32
  }
  func.func @transform_15(%arg0: i32) -> (i32, i32) {
    %c0_i32 = arith.constant 0 : i32
    %c0_i32_0 = arith.constant 0 : i32
    %c0_i32_1 = arith.constant 0 : i32
    return %c0_i32, %c0_i32_0 : i32, i32
  }
  func.func @transform_16(%arg0: i32) -> (i32, i32) {
    %c0_i32 = arith.constant 0 : i32
    %c0_i32_0 = arith.constant 0 : i32
    return %arg0, %c0_i32 : i32, i32
  }
}

module attributes {stable_mosaic.version = 14 : i64} {
  func.func @_out_body(%arg0: i32, %arg1: memref<256x128xf32, #tpu.memory_space<vmem>>, %arg2: memref<128x128xf32, #tpu.memory_space<vmem>>, %arg3: memref<1x128xf32, #tpu.memory_space<vmem>>, %arg4: memref<256x21xf32, #tpu.memory_space<vmem>>) attributes {dimension_semantics = [#tpu.dimension_semantics<arbitrary>], iteration_bounds = array<i64: 8>, scalar_prefetch = 0 : i64, scratch_operands = 0 : i64, tpu.core_type = #tpu.core_type<tc>, window_params = [{transform_indices = @transform_0, window_bounds = array<i64: 256, 128>}, {pipeline_mode = #tpu.pipeline_mode<synchronous>, transform_indices = @transform_1, window_bounds = array<i64: 128, 128>}, {pipeline_mode = #tpu.pipeline_mode<synchronous>, transform_indices = @transform_2, window_bounds = array<i64: 1, 128>}, {transform_indices = @transform_3, window_bounds = array<i64: 256, 21>}]} {
    %get3A = arith.constant 0 : index
    %get3A_0 = arith.constant 0 : index
    %get3A_1 = vector.load %arg1[%get3A, %get3A_0] : memref<256x128xf32, #tpu.memory_space<vmem>>, vector<256x128xf32>
    %get3A_2 = arith.constant 0 : index
    %get3A_3 = arith.constant 0 : index
    %get3A_4 = vector.load %arg2[%get3A_2, %get3A_3] : memref<128x128xf32, #tpu.memory_space<vmem>>, vector<128x128xf32>
    %dot_general3A = arith.constant dense<0.000000e+00> : vector<256x128xf32>
    %dot_general3A_5 = tpu.matmul %get3A_1, %get3A_4, %dot_general3A {dimension_numbers = #tpu.dot_dimension_numbers<[1], [0], [0], [1], [0, 0, 1, 1], [], []>, transpose_lhs_hint = false} : vector<256x128xf32>, vector<128x128xf32>, vector<256x128xf32> -> vector<256x128xf32>
    %get3A_6 = arith.constant 0 : index
    %get3A_7 = arith.constant 0 : index
    %get3A_8 = vector.load %arg3[%get3A_6, %get3A_7] : memref<1x128xf32, #tpu.memory_space<vmem>>, vector<1x128xf32>
    %add3A = vector.broadcast %get3A_8 : vector<1x128xf32> to vector<256x128xf32>
    %add3A_9 = arith.addf %dot_general3A_5, %add3A : vector<256x128xf32>
    %iota3A = tpu.iota {dimensions = array<i32: 1>} : vector<256x128xi32>
    %lt3A = arith.constant 21 : i32
    %lt3A_10 = vector.broadcast %lt3A : i32 to vector<256x128xi32>
    %lt3A_11 = arith.cmpi slt, %iota3A, %lt3A_10 : vector<256x128xi32>
    %jit3A = arith.constant -1.000000e+30 : f32
    %broadcast_in_dim3A = vector.broadcast %jit3A : f32 to vector<256x128xf32>
    %select_n3A = arith.select %lt3A_11, %add3A_9, %broadcast_in_dim3A : vector<256x128xi1>, vector<256x128xf32>
    %reduce_max3A = arith.constant dense<0xFF800000> : vector<256xf32>
    %reduce_max3A_12 = vector.multi_reduction <maximumf>, %select_n3A, %reduce_max3A [1] : vector<256x128xf32> to vector<256xf32>
    %broadcast_in_dim3A_13 = vector.shape_cast %reduce_max3A_12 : vector<256xf32> to vector<256x1xf32>
    %sub3A = vector.broadcast %broadcast_in_dim3A_13 : vector<256x1xf32> to vector<256x128xf32>
    %sub3A_14 = arith.subf %select_n3A, %sub3A : vector<256x128xf32>
    %exp3A = math.exp %sub3A_14 : vector<256x128xf32>
    %jit3A_15 = arith.constant 0.000000e+00 : f32
    %broadcast_in_dim3A_16 = vector.broadcast %jit3A_15 : f32 to vector<256x128xf32>
    %select_n3A_17 = arith.select %lt3A_11, %exp3A, %broadcast_in_dim3A_16 : vector<256x128xi1>, vector<256x128xf32>
    %reduce_sum3A = arith.constant dense<0.000000e+00> : vector<256xf32>
    %reduce_sum3A_18 = vector.multi_reduction <add>, %select_n3A_17, %reduce_sum3A [1] : vector<256x128xf32> to vector<256xf32>
    %broadcast_in_dim3A_19 = vector.shape_cast %reduce_sum3A_18 : vector<256xf32> to vector<256x1xf32>
    %log3A = math.log %broadcast_in_dim3A_19 : vector<256x1xf32>
    %add3A_20 = arith.addf %log3A, %broadcast_in_dim3A_13 : vector<256x1xf32>
    %sub3A_21 = vector.broadcast %add3A_20 : vector<256x1xf32> to vector<256x128xf32>
    %sub3A_22 = arith.subf %add3A_9, %sub3A_21 : vector<256x128xf32>
    %slice3A = vector.extract_strided_slice %sub3A_22 {offsets = [0, 0], sizes = [256, 21], strides = [1, 1]} : vector<256x128xf32> to vector<256x21xf32>
    %swap3A = arith.constant 0 : index
    %swap3A_23 = arith.constant 0 : index
    %swap3A_24 = vector.load %arg4[%swap3A, %swap3A_23] : memref<256x21xf32, #tpu.memory_space<vmem>>, vector<256x21xf32>
    tpu.vector_store %arg4[%swap3A, %swap3A_23], %slice3A {strides = array<i32>} : memref<256x21xf32, #tpu.memory_space<vmem>>, vector<256x21xf32>,
    return
  }
  func.func @transform_0(%arg0: i32) -> (i32, i32) {
    %c0_i32 = arith.constant 0 : i32
    %c0_i32_0 = arith.constant 0 : i32
    return %arg0, %c0_i32 : i32, i32
  }
  func.func @transform_1(%arg0: i32) -> (i32, i32) {
    %c0_i32 = arith.constant 0 : i32
    %c0_i32_0 = arith.constant 0 : i32
    %c0_i32_1 = arith.constant 0 : i32
    return %c0_i32, %c0_i32_0 : i32, i32
  }
  func.func @transform_2(%arg0: i32) -> (i32, i32) {
    %c0_i32 = arith.constant 0 : i32
    %c0_i32_0 = arith.constant 0 : i32
    %c0_i32_1 = arith.constant 0 : i32
    return %c0_i32, %c0_i32_0 : i32, i32
  }
  func.func @transform_3(%arg0: i32) -> (i32, i32) {
    %c0_i32 = arith.constant 0 : i32
    %c0_i32_0 = arith.constant 0 : i32
    return %arg0, %c0_i32 : i32, i32
  }
}

</mosaic_0001>

<sc_bundles>
// kernel: kernel.31.cloned.1.call-start
scs
__scs_entry_jumppad:
0x0: {  	(pc) =	sbr.rel $0x88, $3  }
0x1: {  	(tag) =	ssettag $0x0;
	lr =	simm.s32 $0x1  }
0x2: {  	[smem:$0x3F58] =	sst lr;
	_ =	strace $0xD0000000  }
0x3: {  	_ = 	snop  }
0x4: {  	_ = 	snop  }
0x5: {  	_ = 	snop  }
0x6: {  	_ = 	snop  }
0x7: {  	_ = 	snop  }
__scs_overlays_trampoline_lowered:
0x8: {  	[smem:$0x3F67] =	sst s0  }
0x9: {  	[smem:$0x3F68] =	sst s1  }
0xa: {  	[smem:$0x3F69] =	sst s2  }
0xb: {  	[smem:$0x3F6A] =	sst s3  }
0xc: {  	[smem:$0x3F6B] =	sst s4  }
0xd: {  	[smem:$0x3F6C] =	sst s5  }
0xe: {  	[smem:$0x3F6D] =	sst s6  }
0xf: {  	[smem:$0x3F6E] =	sst s7  }
0x10: {  	[smem:$0x3F6F] =	sst s8  }
0x11: {  	[smem:$0x3F70] =	sst s9;
	s0 =	simm.s32 @!p0 $0x0  }
0x12: {  	s1 =	sld [smem:$0x3F56];
	s0 =	simm.s32 @p0 $0x1  }
0x13: {  	[smem:$0x3F71] =	sst s0;
	s0 =	simm.s32 @!p1 $0x0  }
0x14: {  	s2 =	sld [smem:$0x3F55];
	s0 =	simm.s32 @p1 $0x1  }
0x15: {  	[smem:$0x3F72] =	sst s0;
	s0 =	simm.s32 @!p2 $0x0  }
0x16: {  	s3 =	sld [smem:$0x3FDB];
	s0 =	simm.s32 @p2 $0x1  }
0x17: {  	s4 =	simm.s32 $0x1BF5;
	[smem:$0x3F74] =	sst s0  }
0x18: {  	s0 =	sld [smem:$0x3F57];
	_ =	swait.ge [sflag:s4], $0x0  }
0x19: {  	s7 =	sld [smem:$0x3F58]  }
0x1a: {  	s8 =	sadd.s32 $0xFFFFE003, lr  }
0x1b: {  	s9 =	sadd.s32 $0xFFFFFEF7, lr;
	s5 =	simm.s32 $0xFFFFFFFF;
	p2 =	slt.u32 s8, $0xFFFFF086  }
0x1c: {  	p1 =	slt.u32 s9, $0xF7A;
	s5 =	simm.s32 @!p2 $0x0  }
0x1d: {  	s5 =	simm.s32 @p1 $0x1;
	p0 =	seq.s32 s7, s2  }
0x1e: {  	s7 =	smul.u32 @!p0 $0xF7A, s2;
	p2 =	seq.s32 @!p0 s5, $0x0  }
0x1f: {  	s9 =	smul.u32 $0xF7A, s1;
	s8 =	simm.s32 @!p0 $0x1BF5;
	p2 =	por !p2, p0  }
0x20: {  	[sflag:s8] =	ssyncset.s32 @!p0 $0xFFFFF086;
	s6 =	sadd.s32 @!p0 s3, s7;
	s7 =	simm.s32 @!p0 $0x108  }
0x21: {  	s3 =	sadd.s32 s3, s9;
	s6 =	sadd.s32 @!p0 $0x88, s6;
	s7 =	simm.s32 @p2 $0x1082  }
0x22: {  	[simem:s7], [sflag:s8] =	dma.local @!p0 [hbm:s6], $0xF7A  }
0x23: {  	s9 =	sor.u32 $0xD0000000, s2;
	s6 =	simm.s32 $0x108;
	_ =	swait.ge @!p0 [sflag:s8], $0x0  }
0x24: {  	s3 =	sadd.s32 $0x88, s3;
	s6 =	simm.s32 @!p1 $0x1082;
	[sflag:s4] =	ssyncset.s32 $0xFFFFF086  }
0x25: {  	[simem:s6], [sflag:s4] =	dma.local [hbm:s3], $0xF7A  }
0x26: {  	[smem:$0x3F58] =	sst s1;
	(tag) =	ssettag s2;
	_ =	strace s9  }
0x27: {  	s1 =	sld [smem:$0x3F68]  }
0x28: {  	s2 =	sld [smem:$0x3F69]  }
0x29: {  	s4 =	sld [smem:$0x3F6B]  }
0x2a: {  	p0 =	seq.s32 s5, $0x0;
	s5 =	sld [smem:$0x3F6C]  }
0x2b: {  	s6 =	sld [smem:$0x3F6D]  }
0x2c: {  	s7 =	sld [smem:$0x3F6E]  }
0x2d: {  	s3 =	simm.s32 $0x108;
	s8 =	sld [smem:$0x3F6F]  }
0x2e: {  	s3 =	simm.s32 @!p0 $0x1082;
	s9 =	sld [smem:$0x3F70]  }
0x2f: {  	lr =	sadd.s32 s0, s3;
	s0 =	sld [smem:$0x3F67]  }
0x30: {  	s3 =	sld [smem:$0x3F6A]  }
0x31: {  	[smem:$0x3F73] =	sst s10  }
0x32: {  	s10 =	sld [smem:$0x3F71];
	_ =	sdelay $0x3  }
0x33: {  	p0 =	seq.s32 s10, $0x1;
	s10 =	sld [smem:$0x3F73];
	_ =	sdelay $0x3  }
0x34: {  	[smem:$0x3F73] =	sst s10  }
0x35: {  	s10 =	sld [smem:$0x3F72];
	_ =	sdelay $0x3  }
0x36: {  	p1 =	seq.s32 s10, $0x1;
	s10 =	sld [smem:$0x3F73];
	_ =	sdelay $0x3  }
0x37: {  	[smem:$0x3F73] =	sst s10  }
0x38: {  	s10 =	sld [smem:$0x3F74]  }
0x39: {  	_ = 	snop;
	(pc) =	sbr.ind lr, $3  }
0x3a: {  	_ = 	snop  }
0x3b: {  	_ = 	snop  }
0x3c: {  	p2 =	seq.s32 s10, $0x1;
	s10 =	sld [smem:$0x3F73]  }
0x3d: {  	_ =	shalt  }
0x3e: {  	_ =	shalt  }
0x3f: {  	_ =	shalt  }
0x40: {  	_ =	shalt  }
0x41: {  	_ =	shalt  }
0x42: {  	_ =	shalt  }
0x43: {  	_ =	shalt  }
0x44: {  	_ =	shalt  }
0x45: {  	_ =	shalt  }
0x46: {  	_ =	shalt  }
0x47: {  	_ =	shalt  }
0x48: {  	_ =	shalt  }
0x49: {  	_ =	shalt  }
0x4a: {  	_ =	shalt  }
0x4b: {  	_ =	shalt  }
0x4c: {  	_ =	shalt  }
0x4d: {  	_ =	shalt  }
0x4e: {  	_ =	shalt  }
0x4f: {  	_ =	shalt  }
0x50: {  	_ =	shalt  }
0x51: {  	_ =	shalt  }
0x52: {  	_ =	shalt  }
0x53: {  	_ =	shalt  }
0x54: {  	_ =	shalt  }
0x55: {  	_ =	shalt  }
0x56: {  	_ =	shalt  }
0x57: {  	_ =	shalt  }
0x58: {  	_ =	shalt  }
0x59: {  	_ =	shalt  }
0x5a: {  	_ =	shalt  }
0x5b: {  	_ =	shalt  }
0x5c: {  	_ =	shalt  }
0x5d: {  	_ =	shalt  }
0x5e: {  	_ =	shalt  }
0x5f: {  	_ =	shalt  }
0x60: {  	_ =	shalt  }
0x61: {  	_ =	shalt  }
0x62: {  	_ =	shalt  }
0x63: {  	_ =	shalt  }
0x64: {  	_ =	shalt  }
0x65: {  	_ =	shalt  }
0x66: {  	_ =	shalt  }
0x67: {  	_ =	shalt  }
0x68: {  	_ =	shalt  }
0x69: {  	_ =	shalt  }
0x6a: {  	_ =	shalt  }
0x6b: {  	_ =	shalt  }
0x6c: {  	_ =	shalt  }
0x6d: {  	_ =	shalt  }
0x6e: {  	_ =	shalt  }
0x6f: {  	_ =	shalt  }
0x70: {  	_ =	shalt  }
0x71: {  	_ =	shalt  }
0x72: {  	_ =	shalt  }
0x73: {  	_ =	shalt  }
0x74: {  	_ =	shalt  }
0x75: {  	_ =	shalt  }
0x76: {  	_ =	shalt  }
0x77: {  	_ =	shalt  }
0x78: {  	_ =	shalt  }
0x79: {  	_ =	shalt  }
0x7a: {  	_ =	shalt  }
0x7b: {  	_ =	shalt  }
0x7c: {  	_ =	shalt  }
0x7d: {  	_ =	shalt  }
0x7e: {  	_ =	shalt  }
0x7f: {  	_ =	shalt  }
0x80: {  	_ =	shalt  }
0x81: {  	_ =	shalt  }
0x82: {  	_ =	shalt  }
0x83: {  	_ =	shalt  }
0x84: {  	_ =	shalt  }
0x85: {  	_ =	shalt  }
0x86: {  	_ =	shalt  }
0x87: {  	_ =	shalt  }
.Lfunc_end0:
.L_simem_size_0:
called_computation_lowered:
.L_overlay_start_0:
0x88: {  	s2 =	sld [smem:$0x3FD9]  }
0x89: {  	s3 =	sld [smem:$0x3FFE];
	_ =	sdelay $0x1  }
0x8a: {  	s1 =	srdreg.scid  }
0x8b: {  	s0 =	sand.u32 $0x1, s1  }
0x8c: {  	s16 =	sshll.u32 s0, $0xA;
	s2 =	sadd.s32 s3, s2  }
0x8d: {  	s2 =	sadd.s32 s2, s16  }
0x8e: {  	[smem:$0x3F7F] =	sst s2  }
0x8f: {  	_ = 	snop  }
0x90: {  	(tm) =	ssettm $0x1  }
0x91: {  	s17 =	sld [smem:$0x3FFB];
	_ =	sdelay $0x3  }
0x92: {  	_ =	strace s17  }
0x93: {  	s2 =	sld [smem:$0x3FFC];
	_ =	sdelay $0x3  }
0x94: {  	_ =	strace s2  }
0x95: {  	s2 =	sld [smem:$0x3FFD];
	_ =	sdelay $0x3  }
0x96: {  	_ =	strace s2  }
0x97: {  	_ =	strace $0x8FFFFFFF  }
0x98: {  	s18 =	sld [smem:$0x3FDB];
	_ =	sdelay $0x1  }
0x99: {  	s19 =	simm.s32 $_scs_section_size  }
0x9a: {  	s4 =	simm.s32 $_size__tile_overlayer_lowered;
	s5 =	simm.s32 $_tile_overlayer_lowered  }
0x9b: {  	s22 =	simm.s32 $0x1BFF;
	s21 =	sshll.u32 s5, $0x1;
	s2 =	sadd.s32 s19, s18  }
0x9c: {  	s6 =	simm.s32 $0x0;
	s20 =	sshll.u32 s4, $0x1;
	s4 =	sadd.s32 s21, s2  }
0x9d: {  	[timem:s6], [sflag:s22] =	dma.local [hbm:s4], s20  }
0x9e: {  	_ =	swait.ge [sflag:s22], s20  }
0x9f: {  	s3 =	ssub.s32 $0x0, s20;
	[sflag:s22] =	ssyncset.done $0x0  }
0xa0: {  	[sflag:s22] =	ssyncadd.s32 s3;
	_ =	sdelay $0x1  }
0xa1: {  	s23 =	simm.s32 $0x1B8B  }
0xa2: {  	_ =	swait.ge [sflag:s23], $0x1  }
0xa3: {  	[sflag:s23] =	ssyncset.done $0x0  }
0xa4: {  	s25 =	simm.s32 $0x1B8E;
	s24 =	sld [smem:$0x3FFE];
	[sflag:s23] =	ssyncadd.s32 $0xFFFFFFFF  }
0xa5: {  	s26 =	simm.s32 $execute0_lowered;
	[smem:$0x3FD2] =	sst s25  }
0xa6: {  	s4 =	sshll.u32 s26, $0x1;
	_ =	strace $0x80000046;
	[dreg:$0x1] =	wrdreg $0xFFFFFFFF  }
0xa7: {  	s28 =	simm.s32 $_size_execute0_lowered;
	s2 =	sadd.s32 s2, s4;
	[dreg:$0x0] =	wrdreg $0x0  }
0xa8: {  	s4 =	sshll.u32 s28, $0x1;
	[dreg:$0x2] =	wrdreg s2  }
0xa9: {  	[dreg:$0x3] =	wrdreg s4  }
0xaa: {  	[dreg:$0x4] =	wrdreg $0xC0  }
0xab: {  	_ =	task [dreg:s6], $0x5FFFF  }
0xac: {  	[dreg:$0x1] =	wrdreg $0xFFFFFFFF  }
0xad: {  	[dreg:$0x0] =	wrdreg $0x60  }
0xae: {  	[dreg:$0x2] =	wrdreg s24  }
0xaf: {  	[dreg:$0x3] =	wrdreg $0x9  }
0xb0: {  	_ =	task.clear_ibuf [dreg:s6], $0x4FFFF;
	_ =	strace $0x90000046  }
0xb1: {  	s29 =	simm.s32 $0x9;
	_ =	strace $0x80000048  }
0xb2: {  	_ =	swait.ge [sflag:s29], $0x1  }
0xb3: {  	[sflag:s29] =	ssyncadd.s32 $0xFFFFFFFF  }
0xb4: {  	_ =	strace $0x90000048  }
0xb5: {  	_ =	sfence  }
0xb6: {  	s30 =	sld [smem:$0x0];
	_ =	sdelay $0x2  }
0xb7: {  	s31 =	sshll.u32 s1, $0xD;
	s1 =	sshrl.u32 s1, $0x2  }
0xb8: {  	s3 =	sand.u32 $0x4000, s31;
	s1 =	sadd.s32 s1, s30  }
0xb9: {  	s0 =	sor.u32 s3, s0;
	s1 =	sshll.u32 s1, $0x11  }
0xba: {  	s0 =	sor.u32 s1, s0  }
0xbb: {  	s0 =	sadd.s32 $0x8F2B, s0  }
0xbc: {  	[sflag:s0] =	ssyncadd.remote.s32 $0x1  }
0xbd: {  	_ =	sfence.sel $0xFFFF  }
0xbe: {  	[dreg:$0x0] =	wrdreg $0xFFFFFFFF;
	(pc) =	sbr.abs _section_cstart, $3  }
0xbf: {  	[dreg:$0x1] =	wrdreg $0xFFFFFFFF  }
0xc0: {  	_ =	task.clear_ibuf [dreg:s6], $0x2FFFF;
	_ =	strace $0x9FFFFFFF  }
0xc1: {  	(tm) =	ssettm $0x7FFFFFFF  }
tec
execute0_lowered:
.L_overlay_start_1:
0x0: {  	(tag) =	ssettag $0x1  }
0x1: {  	s1 =	srdreg.scid;
	s0 =	stileid.u32  }
0x2: {  	s20 =	sand.u32 $0x1, s1;
	s25 =	sshll.u32 s0, $0x1  }
0x3: {  	s11 =	sor.u32 s20, s25  }
0x4: {  	s18 =	smul.u32 $0x780, s11  }
0x5: {  	s12 =	rddreg [dreg:$0x0];
	s2 =	simm.s32 $0x0;
	s4 =	simm.s32 $0x5  }
0x6: {  	[smem:$0x7FF] =	sst s2;
	s19 =	sadd.s32 $0x13E00, s12;
	s3 =	sshrl.u32 s18, $0x3  }
0x7: {  	s1 =	rddreg [dreg:$0x1];
	_ =	strace $0x80000047;
	s3 =	sadd.s32 s19, s3  }
0x8: {  	[tilespmem:s2], [sflag:$0x5] =	stream.linear.gather [hbm4b:s3+s2], $0x1E0, $0x38;
	[tilespmem:$0x1E400] =	vst v63  }
0x9: {  	_ =	swait.ge [sflag:s4], $0x1E0  }
0xa: {  	s6 =	simm.s32 $0x1E0;
	s7 =	simm.s32 $0x400;
	[sflag:s4] =	ssyncset.done $0x0  }
0xb: {  	s8 =	simm.s32 $0x1;
	s5 =	sadd.s32 $0x15C00, s12;
	[sflag:s4] =	ssyncadd.s32 $0xFFFFFE20  }
0xc: {  	[tilespmem:s7], [sflag:$0x1] =	stream.indirect.gather [hbm4b:s5+s6], $0x80, s2, s6, $0xb8;
	[tilespmem:$0x1E400] =	vst v63  }
0xd: {  	s16 =	sadd.s32 $0x1E0, s18;
	_ =	swait.ge [sflag:s8], $0xF000  }
0xe: {  	s9 =	sshrl.u32 s16, $0x3;
	[sflag:s8] =	ssyncset.done $0x0  }
0xf: {  	s10 =	simm.s32 $0x200;
	s9 =	sadd.s32 s19, s9;
	[sflag:s8] =	ssyncadd.s32 $0xFFFF1000  }
0x10: {  	[tilespmem:s10], [sflag:$0x5] =	stream.linear.gather [hbm4b:s9+s2], $0x1E0, $0x38;
	[tilespmem:$0x1E400] =	vst v63  }
0x11: {  	_ =	swait.ge [sflag:s4], $0x1E0  }
0x12: {  	s21 =	sadd.s32 $0x1DC00, s12;
	[sflag:s4] =	ssyncset.done $0x0  }
0x13: {  	s26 =	smul.u32 $0x7800, s11;
	s11 =	simm.s32 $0xF400;
	[sflag:s4] =	ssyncadd.s32 $0xFFFFFE20  }
0x14: {  	[tilespmem:s11], [sflag:$0x2] =	stream.indirect.gather [hbm4b:s5+s6], $0x80, s10, s6, $0xb8;
	[tilespmem:$0x1E400] =	vst v63  }
0x15: {  	s13 =	simm.s32 $0x2;
	s12 =	sadd.s32 s21, s26  }
0x16: {  	[hbm4b:s12+s2] =	stream.linear.scatter [tilespmem:s7], [sflag:$0x3], $0xF000, $0x38;
	[tilespmem:$0x1E400] =	vst v63  }
0x17: {  	_ =	swait.ge [sflag:s13], $0xF000  }
0x18: {  	[sflag:s13] =	ssyncset.done $0x0  }
0x19: {  	s14 =	simm.s32 $0x3;
	[sflag:s13] =	ssyncadd.s32 $0xFFFF1000  }
0x1a: {  	s22 =	sadd.s32 $0x3C0, s18;
	_ =	swait.ge [sflag:s14], $0xF000  }
0x1b: {  	s15 =	sshrl.u32 s22, $0x3;
	[sflag:s14] =	ssyncset.done $0x0  }
0x1c: {  	s15 =	sadd.s32 s19, s15;
	[sflag:s14] =	ssyncadd.s32 $0xFFFF1000  }
0x1d: {  	[tilespmem:s2], [sflag:$0x5] =	stream.linear.gather [hbm4b:s15+s2], $0x1E0, $0x38;
	[tilespmem:$0x1E400] =	vst v63  }
0x1e: {  	_ =	swait.ge [sflag:s4], $0x1E0  }
0x1f: {  	[sflag:s4] =	ssyncset.done $0x0  }
0x20: {  	s16 =	sshll.u32 s16, $0x4;
	[sflag:s4] =	ssyncadd.s32 $0xFFFFFE20  }
0x21: {  	[tilespmem:s7], [sflag:$0x1] =	stream.indirect.gather [hbm4b:s5+s6], $0x80, s2, s6, $0xb8;
	[tilespmem:$0x1E400] =	vst v63  }
0x22: {  	s16 =	sadd.s32 s21, s16  }
0x23: {  	[hbm4b:s16+s2] =	stream.linear.scatter [tilespmem:s11], [sflag:$0x4], $0xF000, $0x38;
	[tilespmem:$0x1E400] =	vst v63  }
0x24: {  	_ =	swait.ge [sflag:s8], $0xF000  }
0x25: {  	[sflag:s8] =	ssyncset.done $0x0  }
0x26: {  	s17 =	simm.s32 $0x4;
	[sflag:s8] =	ssyncadd.s32 $0xFFFF1000  }
0x27: {  	s23 =	sadd.s32 $0x5A0, s18;
	_ =	swait.ge [sflag:s17], $0xF000  }
0x28: {  	s18 =	sshrl.u32 s23, $0x3;
	[sflag:s17] =	ssyncset.done $0x0  }
0x29: {  	s18 =	sadd.s32 s19, s18;
	[sflag:s17] =	ssyncadd.s32 $0xFFFF1000  }
0x2a: {  	[tilespmem:s10], [sflag:$0x5] =	stream.linear.gather [hbm4b:s18+s2], $0x1E0, $0x38;
	[tilespmem:$0x1E400] =	vst v63  }
0x2b: {  	_ =	swait.ge [sflag:s4], $0x1E0  }
0x2c: {  	[sflag:s4] =	ssyncset.done $0x0  }
0x2d: {  	s30 =	ssub.s32 $0x2, s20;
	s28 =	sshll.u32 s22, $0x4;
	[sflag:s4] =	ssyncadd.s32 $0xFFFFFE20  }
0x2e: {  	[tilespmem:s11], [sflag:$0x2] =	stream.indirect.gather [hbm4b:s5+s6], $0x80, s10, s6, $0xb8;
	[tilespmem:$0x1E400] =	vst v63  }
0x2f: {  	s31 =	sshrl.u32 s30, $0x1;
	s29 =	sshll.u32 s23, $0x4;
	s19 =	sadd.s32 s21, s28  }
0x30: {  	[hbm4b:s19+s2] =	stream.linear.scatter [tilespmem:s7], [sflag:$0x3], $0xF000, $0x38;
	[tilespmem:$0x1E400] =	vst v63  }
0x31: {  	s20 =	sadd.s32 s21, s29;
	s21 =	ssub.s32 s30, s31;
	_ =	swait.ge [sflag:s13], $0xF000  }
0x32: {  	s21 =	smax.u32 s21, $0x1;
	[sflag:s13] =	ssyncset.done $0x0  }
0x33: {  	p0 =	sne.s32 s21, $0x1;
	[sflag:s13] =	ssyncadd.s32 $0xFFFF1000  }
0x34: {  	[hbm4b:s20+s2] =	stream.linear.scatter [tilespmem:s11], [sflag:$0x4], $0xF000, $0x38;
	[tilespmem:$0x1E400] =	vst v63  }
.Ltmp0:
0x35: {  	_ =	swait.ge [sflag:s14], $0xF000;
	(pc) =	sbr.rel @!p0 .LBB2_2-.Ltmp0, $4  }
0x36: {  	[sflag:s14] =	ssyncset.done $0x0  }
0x37: {  	[sflag:s14] =	ssyncadd.s32 $0xFFFF1000  }
0x38: {  	_ =	swait.ge [sflag:s17], $0xF000  }
0x39: {  	s21 =	sadd.s32 $0xFFFFFFFF, s21;
	[sflag:s17] =	ssyncset.done $0x0  }
.LBB2_1:
0x3a: {  	p0 =	sne.s32 s21, $0x1;
	s21 =	sadd.s32 $0xFFFFFFFF, s21;
	[sflag:s17] =	ssyncadd.s32 $0xFFFF1000  }
0x3b: {  	[tilespmem:s2], [sflag:$0x5] =	stream.linear.gather [hbm4b:s3+s2], $0x1E0, $0x38;
	[tilespmem:$0x1E400] =	vst v63  }
0x3c: {  	_ =	swait.ge [sflag:s4], $0x1E0  }
0x3d: {  	[sflag:s4] =	ssyncset.done $0x0  }
0x3e: {  	[sflag:s4] =	ssyncadd.s32 $0xFFFFFE20  }
0x3f: {  	[tilespmem:s7], [sflag:$0x1] =	stream.indirect.gather [hbm4b:s5+s6], $0x80, s2, s6, $0xb8;
	[tilespmem:$0x1E400] =	vst v63  }
0x40: {  	_ =	swait.ge [sflag:s8], $0xF000  }
0x41: {  	[sflag:s8] =	ssyncset.done $0x0  }
0x42: {  	[sflag:s8] =	ssyncadd.s32 $0xFFFF1000  }
0x43: {  	[tilespmem:s10], [sflag:$0x5] =	stream.linear.gather [hbm4b:s9+s2], $0x1E0, $0x38;
	[tilespmem:$0x1E400] =	vst v63  }
0x44: {  	_ =	swait.ge [sflag:s4], $0x1E0  }
0x45: {  	[sflag:s4] =	ssyncset.done $0x0  }
0x46: {  	[sflag:s4] =	ssyncadd.s32 $0xFFFFFE20  }
0x47: {  	[tilespmem:s11], [sflag:$0x2] =	stream.indirect.gather [hbm4b:s5+s6], $0x80, s10, s6, $0xb8;
	[tilespmem:$0x1E400] =	vst v63  }
0x48: {  	_ = 	snop  }
0x49: {  	[hbm4b:s12+s2] =	stream.linear.scatter [tilespmem:s7], [sflag:$0x3], $0xF000, $0x38;
	[tilespmem:$0x1E400] =	vst v63  }
0x4a: {  	_ =	swait.ge [sflag:s13], $0xF000  }
0x4b: {  	[sflag:s13] =	ssyncset.done $0x0  }
0x4c: {  	[sflag:s13] =	ssyncadd.s32 $0xFFFF1000  }
0x4d: {  	_ =	swait.ge [sflag:s14], $0xF000  }
0x4e: {  	[sflag:s14] =	ssyncset.done $0x0  }
0x4f: {  	[sflag:s14] =	ssyncadd.s32 $0xFFFF1000  }
0x50: {  	[tilespmem:s2], [sflag:$0x5] =	stream.linear.gather [hbm4b:s15+s2], $0x1E0, $0x38;
	[tilespmem:$0x1E400] =	vst v63  }
0x51: {  	_ =	swait.ge [sflag:s4], $0x1E0  }
0x52: {  	[sflag:s4] =	ssyncset.done $0x0  }
0x53: {  	[sflag:s4] =	ssyncadd.s32 $0xFFFFFE20  }
0x54: {  	[tilespmem:s7], [sflag:$0x1] =	stream.indirect.gather [hbm4b:s5+s6], $0x80, s2, s6, $0xb8;
	[tilespmem:$0x1E400] =	vst v63  }
0x55: {  	_ = 	snop  }
0x56: {  	[hbm4b:s16+s2] =	stream.linear.scatter [tilespmem:s11], [sflag:$0x4], $0xF000, $0x38;
	[tilespmem:$0x1E400] =	vst v63  }
0x57: {  	_ =	swait.ge [sflag:s8], $0xF000  }
0x58: {  	[sflag:s8] =	ssyncset.done $0x0  }
0x59: {  	[sflag:s8] =	ssyncadd.s32 $0xFFFF1000  }
0x5a: {  	_ =	swait.ge [sflag:s17], $0xF000  }
0x5b: {  	[sflag:s17] =	ssyncset.done $0x0  }
0x5c: {  	[sflag:s17] =	ssyncadd.s32 $0xFFFF1000  }
0x5d: {  	[tilespmem:s10], [sflag:$0x5] =	stream.linear.gather [hbm4b:s18+s2], $0x1E0, $0x38;
	[tilespmem:$0x1E400] =	vst v63  }
0x5e: {  	_ =	swait.ge [sflag:s4], $0x1E0  }
0x5f: {  	[sflag:s4] =	ssyncset.done $0x0  }
0x60: {  	[sflag:s4] =	ssyncadd.s32 $0xFFFFFE20  }
0x61: {  	[tilespmem:s11], [sflag:$0x2] =	stream.indirect.gather [hbm4b:s5+s6], $0x80, s10, s6, $0xb8;
	[tilespmem:$0x1E400] =	vst v63  }
0x62: {  	_ = 	snop  }
0x63: {  	[hbm4b:s19+s2] =	stream.linear.scatter [tilespmem:s7], [sflag:$0x3], $0xF000, $0x38;
	[tilespmem:$0x1E400] =	vst v63  }
0x64: {  	_ =	swait.ge [sflag:s13], $0xF000  }
0x65: {  	[sflag:s13] =	ssyncset.done $0x0  }
0x66: {  	[sflag:s13] =	ssyncadd.s32 $0xFFFF1000  }
0x67: {  	[hbm4b:s20+s2] =	stream.linear.scatter [tilespmem:s11], [sflag:$0x4], $0xF000, $0x38;
	[tilespmem:$0x1E400] =	vst v63  }
.Ltmp1:
0x68: {  	_ =	swait.ge [sflag:s14], $0xF000;
	(pc) =	sbr.rel @p0 .LBB2_1-.Ltmp1, $4  }
0x69: {  	[sflag:s14] =	ssyncset.done $0x0  }
0x6a: {  	[sflag:s14] =	ssyncadd.s32 $0xFFFF1000  }
0x6b: {  	_ =	swait.ge [sflag:s17], $0xF000  }
0x6c: {  	[sflag:s17] =	ssyncset.done $0x0  }
.LBB2_2:
0x6d: {  	[sflag:s17] =	ssyncadd.s32 $0xFFFF1000  }
0x6e: {  	_ =	sfence.sel $0x180000  }
0x6f: {  	[bflag:$0x0] =	sbarrier.arrive $0xFFFF  }
0x70: {  	p0 =	sne.s32 s0, $0x0;
	_ =	strace $0x90000047  }
0x71: {  	s0 =	sadd.s32 @!p0 $0x100000, s1;
	[bflag:$0x2] =	sbarrier.arrive $0xFFFF  }
0x72: {  	[sflag:s0] =	ssyncadd.tile.s32 @!p0 $0x1;
	_ =	shalt  }
.Lfunc_end2:
_tile_overlayer_lowered:
.L_overlay_start_2:
0x73: {  	(tag) =	ssettag $0x2  }
0x74: {  	s0 =	rddreg [dreg:$0x0];
	s2 =	stileid.u32  }
0x75: {  	s1 =	rddreg [dreg:$0x1];
	p0 =	sne.s32 s2, $0x0  }
0x76: {  	s3 =	rddreg [dreg:$0x2];
	[bflag:$0x3] =	sbarrier.arrive $0xFFFF;
	s2 =	simm.s32 @!p0 $0x1C05  }
0x77: {  	[timem:s3], [sflag:s2] =	dma.local @!p0 [hbm:s0], s1  }
0x78: {  	s0 =	simm.s32 @!p0 $0x5  }
0x79: {  	_ =	swait.ge @!p0 [sflag:s0], s1  }
0x7a: {  	s1 =	ssub.s32 @!p0 $0x0, s1;
	[sflag:s0] =	ssyncset.done @!p0 $0x0  }
0x7b: {  	[sflag:s0] =	ssyncadd.s32 @!p0 s1  }
0x7c: {  	[bflag:$0x3] =	sbarrier.arrive $0xFFFF  }
0x7d: {  	_ =	shalt  }

// kernel: kernel.34.cloned.1.call-start
scs
__scs_entry_jumppad:
0x0: {  	(pc) =	sbr.rel $0x88, $3  }
0x1: {  	(tag) =	ssettag $0x0;
	lr =	simm.s32 $0x1  }
0x2: {  	[smem:$0x3F58] =	sst lr;
	_ =	strace $0xD0000000  }
0x3: {  	_ = 	snop  }
0x4: {  	_ = 	snop  }
0x5: {  	_ = 	snop  }
0x6: {  	_ = 	snop  }
0x7: {  	_ = 	snop  }
__scs_overlays_trampoline_lowered:
0x8: {  	[smem:$0x3F67] =	sst s0  }
0x9: {  	[smem:$0x3F68] =	sst s1  }
0xa: {  	[smem:$0x3F69] =	sst s2  }
0xb: {  	[smem:$0x3F6A] =	sst s3  }
0xc: {  	[smem:$0x3F6B] =	sst s4  }
0xd: {  	[smem:$0x3F6C] =	sst s5  }
0xe: {  	[smem:$0x3F6D] =	sst s6  }
0xf: {  	[smem:$0x3F6E] =	sst s7  }
0x10: {  	[smem:$0x3F6F] =	sst s8  }
0x11: {  	[smem:$0x3F70] =	sst s9;
	s0 =	simm.s32 @!p0 $0x0  }
0x12: {  	s1 =	sld [smem:$0x3F56];
	s0 =	simm.s32 @p0 $0x1  }
0x13: {  	[smem:$0x3F71] =	sst s0;
	s0 =	simm.s32 @!p1 $0x0  }
0x14: {  	s2 =	sld [smem:$0x3F55];
	s0 =	simm.s32 @p1 $0x1  }
0x15: {  	[smem:$0x3F72] =	sst s0;
	s0 =	simm.s32 @!p2 $0x0  }
0x16: {  	s3 =	sld [smem:$0x3FDB];
	s0 =	simm.s32 @p2 $0x1  }
0x17: {  	s4 =	simm.s32 $0x1BF5;
	[smem:$0x3F74] =	sst s0  }
0x18: {  	s0 =	sld [smem:$0x3F57];
	_ =	swait.ge [sflag:s4], $0x0  }
0x19: {  	s7 =	sld [smem:$0x3F58]  }
0x1a: {  	s8 =	sadd.s32 $0xFFFFE003, lr  }
0x1b: {  	s9 =	sadd.s32 $0xFFFFFEF7, lr;
	s5 =	simm.s32 $0xFFFFFFFF;
	p2 =	slt.u32 s8, $0xFFFFF086  }
0x1c: {  	p1 =	slt.u32 s9, $0xF7A;
	s5 =	simm.s32 @!p2 $0x0  }
0x1d: {  	s5 =	simm.s32 @p1 $0x1;
	p0 =	seq.s32 s7, s2  }
0x1e: {  	s7 =	smul.u32 @!p0 $0xF7A, s2;
	p2 =	seq.s32 @!p0 s5, $0x0  }
0x1f: {  	s9 =	smul.u32 $0xF7A, s1;
	s8 =	simm.s32 @!p0 $0x1BF5;
	p2 =	por !p2, p0  }
0x20: {  	[sflag:s8] =	ssyncset.s32 @!p0 $0xFFFFF086;
	s6 =	sadd.s32 @!p0 s3, s7;
	s7 =	simm.s32 @!p0 $0x108  }
0x21: {  	s3 =	sadd.s32 s3, s9;
	s6 =	sadd.s32 @!p0 $0x88, s6;
	s7 =	simm.s32 @p2 $0x1082  }
0x22: {  	[simem:s7], [sflag:s8] =	dma.local @!p0 [hbm:s6], $0xF7A  }
0x23: {  	s9 =	sor.u32 $0xD0000000, s2;
	s6 =	simm.s32 $0x108;
	_ =	swait.ge @!p0 [sflag:s8], $0x0  }
0x24: {  	s3 =	sadd.s32 $0x88, s3;
	s6 =	simm.s32 @!p1 $0x1082;
	[sflag:s4] =	ssyncset.s32 $0xFFFFF086  }
0x25: {  	[simem:s6], [sflag:s4] =	dma.local [hbm:s3], $0xF7A  }
0x26: {  	[smem:$0x3F58] =	sst s1;
	(tag) =	ssettag s2;
	_ =	strace s9  }
0x27: {  	s1 =	sld [smem:$0x3F68]  }
0x28: {  	s2 =	sld [smem:$0x3F69]  }
0x29: {  	s4 =	sld [smem:$0x3F6B]  }
0x2a: {  	p0 =	seq.s32 s5, $0x0;
	s5 =	sld [smem:$0x3F6C]  }
0x2b: {  	s6 =	sld [smem:$0x3F6D]  }
0x2c: {  	s7 =	sld [smem:$0x3F6E]  }
0x2d: {  	s3 =	simm.s32 $0x108;
	s8 =	sld [smem:$0x3F6F]  }
0x2e: {  	s3 =	simm.s32 @!p0 $0x1082;
	s9 =	sld [smem:$0x3F70]  }
0x2f: {  	lr =	sadd.s32 s0, s3;
	s0 =	sld [smem:$0x3F67]  }
0x30: {  	s3 =	sld [smem:$0x3F6A]  }
0x31: {  	[smem:$0x3F73] =	sst s10  }
0x32: {  	s10 =	sld [smem:$0x3F71];
	_ =	sdelay $0x3  }
0x33: {  	p0 =	seq.s32 s10, $0x1;
	s10 =	sld [smem:$0x3F73];
	_ =	sdelay $0x3  }
0x34: {  	[smem:$0x3F73] =	sst s10  }
0x35: {  	s10 =	sld [smem:$0x3F72];
	_ =	sdelay $0x3  }
0x36: {  	p1 =	seq.s32 s10, $0x1;
	s10 =	sld [smem:$0x3F73];
	_ =	sdelay $0x3  }
0x37: {  	[smem:$0x3F73] =	sst s10  }
0x38: {  	s10 =	sld [smem:$0x3F74]  }
0x39: {  	_ = 	snop;
	(pc) =	sbr.ind lr, $3  }
0x3a: {  	_ = 	snop  }
0x3b: {  	_ = 	snop  }
0x3c: {  	p2 =	seq.s32 s10, $0x1;
	s10 =	sld [smem:$0x3F73]  }
0x3d: {  	_ =	shalt  }
0x3e: {  	_ =	shalt  }
0x3f: {  	_ =	shalt  }
0x40: {  	_ =	shalt  }
0x41: {  	_ =	shalt  }
0x42: {  	_ =	shalt  }
0x43: {  	_ =	shalt  }
0x44: {  	_ =	shalt  }
0x45: {  	_ =	shalt  }
0x46: {  	_ =	shalt  }
0x47: {  	_ =	shalt  }
0x48: {  	_ =	shalt  }
0x49: {  	_ =	shalt  }
0x4a: {  	_ =	shalt  }
0x4b: {  	_ =	shalt  }
0x4c: {  	_ =	shalt  }
0x4d: {  	_ =	shalt  }
0x4e: {  	_ =	shalt  }
0x4f: {  	_ =	shalt  }
0x50: {  	_ =	shalt  }
0x51: {  	_ =	shalt  }
0x52: {  	_ =	shalt  }
0x53: {  	_ =	shalt  }
0x54: {  	_ =	shalt  }
0x55: {  	_ =	shalt  }
0x56: {  	_ =	shalt  }
0x57: {  	_ =	shalt  }
0x58: {  	_ =	shalt  }
0x59: {  	_ =	shalt  }
0x5a: {  	_ =	shalt  }
0x5b: {  	_ =	shalt  }
0x5c: {  	_ =	shalt  }
0x5d: {  	_ =	shalt  }
0x5e: {  	_ =	shalt  }
0x5f: {  	_ =	shalt  }
0x60: {  	_ =	shalt  }
0x61: {  	_ =	shalt  }
0x62: {  	_ =	shalt  }
0x63: {  	_ =	shalt  }
0x64: {  	_ =	shalt  }
0x65: {  	_ =	shalt  }
0x66: {  	_ =	shalt  }
0x67: {  	_ =	shalt  }
0x68: {  	_ =	shalt  }
0x69: {  	_ =	shalt  }
0x6a: {  	_ =	shalt  }
0x6b: {  	_ =	shalt  }
0x6c: {  	_ =	shalt  }
0x6d: {  	_ =	shalt  }
0x6e: {  	_ =	shalt  }
0x6f: {  	_ =	shalt  }
0x70: {  	_ =	shalt  }
0x71: {  	_ =	shalt  }
0x72: {  	_ =	shalt  }
0x73: {  	_ =	shalt  }
0x74: {  	_ =	shalt  }
0x75: {  	_ =	shalt  }
0x76: {  	_ =	shalt  }
0x77: {  	_ =	shalt  }
0x78: {  	_ =	shalt  }
0x79: {  	_ =	shalt  }
0x7a: {  	_ =	shalt  }
0x7b: {  	_ =	shalt  }
0x7c: {  	_ =	shalt  }
0x7d: {  	_ =	shalt  }
0x7e: {  	_ =	shalt  }
0x7f: {  	_ =	shalt  }
0x80: {  	_ =	shalt  }
0x81: {  	_ =	shalt  }
0x82: {  	_ =	shalt  }
0x83: {  	_ =	shalt  }
0x84: {  	_ =	shalt  }
0x85: {  	_ =	shalt  }
0x86: {  	_ =	shalt  }
0x87: {  	_ =	shalt  }
.Lfunc_end0:
.L_simem_size_0:
called_computation.1_lowered:
.L_overlay_start_0:
0x88: {  	s2 =	sld [smem:$0x3FD9]  }
0x89: {  	s3 =	sld [smem:$0x3FFE];
	_ =	sdelay $0x1  }
0x8a: {  	s1 =	srdreg.scid  }
0x8b: {  	s0 =	sand.u32 $0x1, s1  }
0x8c: {  	s16 =	sshll.u32 s0, $0xA;
	s2 =	sadd.s32 s3, s2  }
0x8d: {  	s2 =	sadd.s32 s2, s16  }
0x8e: {  	[smem:$0x3F7F] =	sst s2  }
0x8f: {  	_ = 	snop  }
0x90: {  	(tm) =	ssettm $0x1  }
0x91: {  	s17 =	sld [smem:$0x3FFB];
	_ =	sdelay $0x3  }
0x92: {  	_ =	strace s17  }
0x93: {  	s2 =	sld [smem:$0x3FFC];
	_ =	sdelay $0x3  }
0x94: {  	_ =	strace s2  }
0x95: {  	s2 =	sld [smem:$0x3FFD];
	_ =	sdelay $0x3  }
0x96: {  	_ =	strace s2  }
0x97: {  	_ =	strace $0x8FFFFFFF  }
0x98: {  	s18 =	sld [smem:$0x3FDB];
	_ =	sdelay $0x1  }
0x99: {  	s19 =	simm.s32 $_scs_section_size  }
0x9a: {  	s4 =	simm.s32 $_size__tile_overlayer_lowered;
	s5 =	simm.s32 $_tile_overlayer_lowered  }
0x9b: {  	s22 =	simm.s32 $0x1BFF;
	s21 =	sshll.u32 s5, $0x1;
	s2 =	sadd.s32 s19, s18  }
0x9c: {  	s6 =	simm.s32 $0x0;
	s20 =	sshll.u32 s4, $0x1;
	s4 =	sadd.s32 s21, s2  }
0x9d: {  	[timem:s6], [sflag:s22] =	dma.local [hbm:s4], s20  }
0x9e: {  	_ =	swait.ge [sflag:s22], s20  }
0x9f: {  	s3 =	ssub.s32 $0x0, s20;
	[sflag:s22] =	ssyncset.done $0x0  }
0xa0: {  	[sflag:s22] =	ssyncadd.s32 s3;
	_ =	sdelay $0x1  }
0xa1: {  	s23 =	simm.s32 $0x1B8B  }
0xa2: {  	_ =	swait.ge [sflag:s23], $0x1  }
0xa3: {  	[sflag:s23] =	ssyncset.done $0x0  }
0xa4: {  	s25 =	simm.s32 $0x1B8E;
	s24 =	sld [smem:$0x3FFE];
	[sflag:s23] =	ssyncadd.s32 $0xFFFFFFFF  }
0xa5: {  	s26 =	simm.s32 $execute0_lowered;
	[smem:$0x3FD2] =	sst s25  }
0xa6: {  	s4 =	sshll.u32 s26, $0x1;
	_ =	strace $0x80000049;
	[dreg:$0x1] =	wrdreg $0xFFFFFFFF  }
0xa7: {  	s28 =	simm.s32 $_size_execute0_lowered;
	s2 =	sadd.s32 s2, s4;
	[dreg:$0x0] =	wrdreg $0x0  }
0xa8: {  	s4 =	sshll.u32 s28, $0x1;
	[dreg:$0x2] =	wrdreg s2  }
0xa9: {  	[dreg:$0x3] =	wrdreg s4  }
0xaa: {  	[dreg:$0x4] =	wrdreg $0xC0  }
0xab: {  	_ =	task [dreg:s6], $0x5FFFF  }
0xac: {  	[dreg:$0x1] =	wrdreg $0xFFFFFFFF  }
0xad: {  	[dreg:$0x0] =	wrdreg $0x60  }
0xae: {  	[dreg:$0x2] =	wrdreg s24  }
0xaf: {  	[dreg:$0x3] =	wrdreg $0x9  }
0xb0: {  	_ =	task.clear_ibuf [dreg:s6], $0x4FFFF;
	_ =	strace $0x90000049  }
0xb1: {  	s29 =	simm.s32 $0x9;
	_ =	strace $0x8000004B  }
0xb2: {  	_ =	swait.ge [sflag:s29], $0x1  }
0xb3: {  	[sflag:s29] =	ssyncadd.s32 $0xFFFFFFFF  }
0xb4: {  	_ =	strace $0x9000004B  }
0xb5: {  	_ =	sfence  }
0xb6: {  	s30 =	sld [smem:$0x0];
	_ =	sdelay $0x2  }
0xb7: {  	s31 =	sshll.u32 s1, $0xD;
	s1 =	sshrl.u32 s1, $0x2  }
0xb8: {  	s3 =	sand.u32 $0x4000, s31;
	s1 =	sadd.s32 s1, s30  }
0xb9: {  	s0 =	sor.u32 s3, s0;
	s1 =	sshll.u32 s1, $0x11  }
0xba: {  	s0 =	sor.u32 s1, s0  }
0xbb: {  	s0 =	sadd.s32 $0x8F2B, s0  }
0xbc: {  	[sflag:s0] =	ssyncadd.remote.s32 $0x1  }
0xbd: {  	_ =	sfence.sel $0xFFFF  }
0xbe: {  	[dreg:$0x0] =	wrdreg $0xFFFFFFFF;
	(pc) =	sbr.abs _section_cstart, $3  }
0xbf: {  	[dreg:$0x1] =	wrdreg $0xFFFFFFFF  }
0xc0: {  	_ =	task.clear_ibuf [dreg:s6], $0x2FFFF;
	_ =	strace $0x9FFFFFFF  }
0xc1: {  	(tm) =	ssettm $0x7FFFFFFF  }
tec
execute0_lowered:
.L_overlay_start_1:
0x0: {  	(tag) =	ssettag $0x1  }
0x1: {  	s1 =	srdreg.scid;
	s0 =	stileid.u32  }
0x2: {  	s20 =	sand.u32 $0x1, s1;
	s25 =	sshll.u32 s0, $0x1  }
0x3: {  	s11 =	sor.u32 s20, s25  }
0x4: {  	s18 =	smul.u32 $0x780, s11  }
0x5: {  	s12 =	rddreg [dreg:$0x0];
	s2 =	simm.s32 $0x0;
	s4 =	simm.s32 $0x5  }
0x6: {  	[smem:$0x7FF] =	sst s2;
	s19 =	sadd.s32 $0x13E00, s12;
	s3 =	sshrl.u32 s18, $0x3  }
0x7: {  	s1 =	rddreg [dreg:$0x1];
	_ =	strace $0x8000004A;
	s3 =	sadd.s32 s19, s3  }
0x8: {  	[tilespmem:s2], [sflag:$0x5] =	stream.linear.gather [hbm4b:s3+s2], $0x1E0, $0x38;
	[tilespmem:$0x1E400] =	vst v63  }
0x9: {  	_ =	swait.ge [sflag:s4], $0x1E0  }
0xa: {  	s6 =	simm.s32 $0x1E0;
	s7 =	simm.s32 $0x400;
	[sflag:s4] =	ssyncset.done $0x0  }
0xb: {  	s8 =	simm.s32 $0x1;
	s5 =	sadd.s32 $0x15C00, s12;
	[sflag:s4] =	ssyncadd.s32 $0xFFFFFE20  }
0xc: {  	[tilespmem:s7], [sflag:$0x1] =	stream.indirect.gather [hbm4b:s5+s6], $0x80, s2, s6, $0xb8;
	[tilespmem:$0x1E400] =	vst v63  }
0xd: {  	s16 =	sadd.s32 $0x1E0, s18;
	_ =	swait.ge [sflag:s8], $0xF000  }
0xe: {  	s9 =	sshrl.u32 s16, $0x3;
	[sflag:s8] =	ssyncset.done $0x0  }
0xf: {  	s10 =	simm.s32 $0x200;
	s9 =	sadd.s32 s19, s9;
	[sflag:s8] =	ssyncadd.s32 $0xFFFF1000  }
0x10: {  	[tilespmem:s10], [sflag:$0x5] =	stream.linear.gather [hbm4b:s9+s2], $0x1E0, $0x38;
	[tilespmem:$0x1E400] =	vst v63  }
0x11: {  	_ =	swait.ge [sflag:s4], $0x1E0  }
0x12: {  	s21 =	sadd.s32 $0x1DC00, s12;
	[sflag:s4] =	ssyncset.done $0x0  }
0x13: {  	s26 =	smul.u32 $0x7800, s11;
	s11 =	simm.s32 $0xF400;
	[sflag:s4] =	ssyncadd.s32 $0xFFFFFE20  }
0x14: {  	[tilespmem:s11], [sflag:$0x2] =	stream.indirect.gather [hbm4b:s5+s6], $0x80, s10, s6, $0xb8;
	[tilespmem:$0x1E400] =	vst v63  }
0x15: {  	s13 =	simm.s32 $0x2;
	s12 =	sadd.s32 s21, s26  }
0x16: {  	[hbm4b:s12+s2] =	stream.linear.scatter [tilespmem:s7], [sflag:$0x3], $0xF000, $0x38;
	[tilespmem:$0x1E400] =	vst v63  }
0x17: {  	_ =	swait.ge [sflag:s13], $0xF000  }
0x18: {  	[sflag:s13] =	ssyncset.done $0x0  }
0x19: {  	s14 =	simm.s32 $0x3;
	[sflag:s13] =	ssyncadd.s32 $0xFFFF1000  }
0x1a: {  	s22 =	sadd.s32 $0x3C0, s18;
	_ =	swait.ge [sflag:s14], $0xF000  }
0x1b: {  	s15 =	sshrl.u32 s22, $0x3;
	[sflag:s14] =	ssyncset.done $0x0  }
0x1c: {  	s15 =	sadd.s32 s19, s15;
	[sflag:s14] =	ssyncadd.s32 $0xFFFF1000  }
0x1d: {  	[tilespmem:s2], [sflag:$0x5] =	stream.linear.gather [hbm4b:s15+s2], $0x1E0, $0x38;
	[tilespmem:$0x1E400] =	vst v63  }
0x1e: {  	_ =	swait.ge [sflag:s4], $0x1E0  }
0x1f: {  	[sflag:s4] =	ssyncset.done $0x0  }
0x20: {  	s16 =	sshll.u32 s16, $0x4;
	[sflag:s4] =	ssyncadd.s32 $0xFFFFFE20  }
0x21: {  	[tilespmem:s7], [sflag:$0x1] =	stream.indirect.gather [hbm4b:s5+s6], $0x80, s2, s6, $0xb8;
	[tilespmem:$0x1E400] =	vst v63  }
0x22: {  	s16 =	sadd.s32 s21, s16  }
0x23: {  	[hbm4b:s16+s2] =	stream.linear.scatter [tilespmem:s11], [sflag:$0x4], $0xF000, $0x38;
	[tilespmem:$0x1E400] =	vst v63  }
0x24: {  	_ =	swait.ge [sflag:s8], $0xF000  }
0x25: {  	[sflag:s8] =	ssyncset.done $0x0  }
0x26: {  	s17 =	simm.s32 $0x4;
	[sflag:s8] =	ssyncadd.s32 $0xFFFF1000  }
0x27: {  	s23 =	sadd.s32 $0x5A0, s18;
	_ =	swait.ge [sflag:s17], $0xF000  }
0x28: {  	s18 =	sshrl.u32 s23, $0x3;
	[sflag:s17] =	ssyncset.done $0x0  }
0x29: {  	s18 =	sadd.s32 s19, s18;
	[sflag:s17] =	ssyncadd.s32 $0xFFFF1000  }
0x2a: {  	[tilespmem:s10], [sflag:$0x5] =	stream.linear.gather [hbm4b:s18+s2], $0x1E0, $0x38;
	[tilespmem:$0x1E400] =	vst v63  }
0x2b: {  	_ =	swait.ge [sflag:s4], $0x1E0  }
0x2c: {  	[sflag:s4] =	ssyncset.done $0x0  }
0x2d: {  	s30 =	ssub.s32 $0x2, s20;
	s28 =	sshll.u32 s22, $0x4;
	[sflag:s4] =	ssyncadd.s32 $0xFFFFFE20  }
0x2e: {  	[tilespmem:s11], [sflag:$0x2] =	stream.indirect.gather [hbm4b:s5+s6], $0x80, s10, s6, $0xb8;
	[tilespmem:$0x1E400] =	vst v63  }
0x2f: {  	s31 =	sshrl.u32 s30, $0x1;
	s29 =	sshll.u32 s23, $0x4;
	s19 =	sadd.s32 s21, s28  }
0x30: {  	[hbm4b:s19+s2] =	stream.linear.scatter [tilespmem:s7], [sflag:$0x3], $0xF000, $0x38;
	[tilespmem:$0x1E400] =	vst v63  }
0x31: {  	s20 =	sadd.s32 s21, s29;
	s21 =	ssub.s32 s30, s31;
	_ =	swait.ge [sflag:s13], $0xF000  }
0x32: {  	s21 =	smax.u32 s21, $0x1;
	[sflag:s13] =	ssyncset.done $0x0  }
0x33: {  	p0 =	sne.s32 s21, $0x1;
	[sflag:s13] =	ssyncadd.s32 $0xFFFF1000  }
0x34: {  	[hbm4b:s20+s2] =	stream.linear.scatter [tilespmem:s11], [sflag:$0x4], $0xF000, $0x38;
	[tilespmem:$0x1E400] =	vst v63  }
.Ltmp0:
0x35: {  	_ =	swait.ge [sflag:s14], $0xF000;
	(pc) =	sbr.rel @!p0 .LBB2_2-.Ltmp0, $4  }
0x36: {  	[sflag:s14] =	ssyncset.done $0x0  }
0x37: {  	[sflag:s14] =	ssyncadd.s32 $0xFFFF1000  }
0x38: {  	_ =	swait.ge [sflag:s17], $0xF000  }
0x39: {  	s21 =	sadd.s32 $0xFFFFFFFF, s21;
	[sflag:s17] =	ssyncset.done $0x0  }
.LBB2_1:
0x3a: {  	p0 =	sne.s32 s21, $0x1;
	s21 =	sadd.s32 $0xFFFFFFFF, s21;
	[sflag:s17] =	ssyncadd.s32 $0xFFFF1000  }
0x3b: {  	[tilespmem:s2], [sflag:$0x5] =	stream.linear.gather [hbm4b:s3+s2], $0x1E0, $0x38;
	[tilespmem:$0x1E400] =	vst v63  }
0x3c: {  	_ =	swait.ge [sflag:s4], $0x1E0  }
0x3d: {  	[sflag:s4] =	ssyncset.done $0x0  }
0x3e: {  	[sflag:s4] =	ssyncadd.s32 $0xFFFFFE20  }
0x3f: {  	[tilespmem:s7], [sflag:$0x1] =	stream.indirect.gather [hbm4b:s5+s6], $0x80, s2, s6, $0xb8;
	[tilespmem:$0x1E400] =	vst v63  }
0x40: {  	_ =	swait.ge [sflag:s8], $0xF000  }
0x41: {  	[sflag:s8] =	ssyncset.done $0x0  }
0x42: {  	[sflag:s8] =	ssyncadd.s32 $0xFFFF1000  }
0x43: {  	[tilespmem:s10], [sflag:$0x5] =	stream.linear.gather [hbm4b:s9+s2], $0x1E0, $0x38;
	[tilespmem:$0x1E400] =	vst v63  }
0x44: {  	_ =	swait.ge [sflag:s4], $0x1E0  }
0x45: {  	[sflag:s4] =	ssyncset.done $0x0  }
0x46: {  	[sflag:s4] =	ssyncadd.s32 $0xFFFFFE20  }
0x47: {  	[tilespmem:s11], [sflag:$0x2] =	stream.indirect.gather [hbm4b:s5+s6], $0x80, s10, s6, $0xb8;
	[tilespmem:$0x1E400] =	vst v63  }
0x48: {  	_ = 	snop  }
0x49: {  	[hbm4b:s12+s2] =	stream.linear.scatter [tilespmem:s7], [sflag:$0x3], $0xF000, $0x38;
	[tilespmem:$0x1E400] =	vst v63  }
0x4a: {  	_ =	swait.ge [sflag:s13], $0xF000  }
0x4b: {  	[sflag:s13] =	ssyncset.done $0x0  }
0x4c: {  	[sflag:s13] =	ssyncadd.s32 $0xFFFF1000  }
0x4d: {  	_ =	swait.ge [sflag:s14], $0xF000  }
0x4e: {  	[sflag:s14] =	ssyncset.done $0x0  }
0x4f: {  	[sflag:s14] =	ssyncadd.s32 $0xFFFF1000  }
0x50: {  	[tilespmem:s2], [sflag:$0x5] =	stream.linear.gather [hbm4b:s15+s2], $0x1E0, $0x38;
	[tilespmem:$0x1E400] =	vst v63  }
0x51: {  	_ =	swait.ge [sflag:s4], $0x1E0  }
0x52: {  	[sflag:s4] =	ssyncset.done $0x0  }
0x53: {  	[sflag:s4] =	ssyncadd.s32 $0xFFFFFE20  }
0x54: {  	[tilespmem:s7], [sflag:$0x1] =	stream.indirect.gather [hbm4b:s5+s6], $0x80, s2, s6, $0xb8;
	[tilespmem:$0x1E400] =	vst v63  }
0x55: {  	_ = 	snop  }
0x56: {  	[hbm4b:s16+s2] =	stream.linear.scatter [tilespmem:s11], [sflag:$0x4], $0xF000, $0x38;
	[tilespmem:$0x1E400] =	vst v63  }
0x57: {  	_ =	swait.ge [sflag:s8], $0xF000  }
0x58: {  	[sflag:s8] =	ssyncset.done $0x0  }
0x59: {  	[sflag:s8] =	ssyncadd.s32 $0xFFFF1000  }
0x5a: {  	_ =	swait.ge [sflag:s17], $0xF000  }
0x5b: {  	[sflag:s17] =	ssyncset.done $0x0  }
0x5c: {  	[sflag:s17] =	ssyncadd.s32 $0xFFFF1000  }
0x5d: {  	[tilespmem:s10], [sflag:$0x5] =	stream.linear.gather [hbm4b:s18+s2], $0x1E0, $0x38;
	[tilespmem:$0x1E400] =	vst v63  }
0x5e: {  	_ =	swait.ge [sflag:s4], $0x1E0  }
0x5f: {  	[sflag:s4] =	ssyncset.done $0x0  }
0x60: {  	[sflag:s4] =	ssyncadd.s32 $0xFFFFFE20  }
0x61: {  	[tilespmem:s11], [sflag:$0x2] =	stream.indirect.gather [hbm4b:s5+s6], $0x80, s10, s6, $0xb8;
	[tilespmem:$0x1E400] =	vst v63  }
0x62: {  	_ = 	snop  }
0x63: {  	[hbm4b:s19+s2] =	stream.linear.scatter [tilespmem:s7], [sflag:$0x3], $0xF000, $0x38;
	[tilespmem:$0x1E400] =	vst v63  }
0x64: {  	_ =	swait.ge [sflag:s13], $0xF000  }
0x65: {  	[sflag:s13] =	ssyncset.done $0x0  }
0x66: {  	[sflag:s13] =	ssyncadd.s32 $0xFFFF1000  }
0x67: {  	[hbm4b:s20+s2] =	stream.linear.scatter [tilespmem:s11], [sflag:$0x4], $0xF000, $0x38;
	[tilespmem:$0x1E400] =	vst v63  }
.Ltmp1:
0x68: {  	_ =	swait.ge [sflag:s14], $0xF000;
	(pc) =	sbr.rel @p0 .LBB2_1-.Ltmp1, $4  }
0x69: {  	[sflag:s14] =	ssyncset.done $0x0  }
0x6a: {  	[sflag:s14] =	ssyncadd.s32 $0xFFFF1000  }
0x6b: {  	_ =	swait.ge [sflag:s17], $0xF000  }
0x6c: {  	[sflag:s17] =	ssyncset.done $0x0  }
.LBB2_2:
0x6d: {  	[sflag:s17] =	ssyncadd.s32 $0xFFFF1000  }
0x6e: {  	_ =	sfence.sel $0x180000  }
0x6f: {  	[bflag:$0x0] =	sbarrier.arrive $0xFFFF  }
0x70: {  	p0 =	sne.s32 s0, $0x0;
	_ =	strace $0x9000004A  }
0x71: {  	s0 =	sadd.s32 @!p0 $0x100000, s1;
	[bflag:$0x2] =	sbarrier.arrive $0xFFFF  }
0x72: {  	[sflag:s0] =	ssyncadd.tile.s32 @!p0 $0x1;
	_ =	shalt  }
.Lfunc_end2:
_tile_overlayer_lowered:
.L_overlay_start_2:
0x73: {  	(tag) =	ssettag $0x2  }
0x74: {  	s0 =	rddreg [dreg:$0x0];
	s2 =	stileid.u32  }
0x75: {  	s1 =	rddreg [dreg:$0x1];
	p0 =	sne.s32 s2, $0x0  }
0x76: {  	s3 =	rddreg [dreg:$0x2];
	[bflag:$0x3] =	sbarrier.arrive $0xFFFF;
	s2 =	simm.s32 @!p0 $0x1C05  }
0x77: {  	[timem:s3], [sflag:s2] =	dma.local @!p0 [hbm:s0], s1  }
0x78: {  	s0 =	simm.s32 @!p0 $0x5  }
0x79: {  	_ =	swait.ge @!p0 [sflag:s0], s1  }
0x7a: {  	s1 =	ssub.s32 @!p0 $0x0, s1;
	[sflag:s0] =	ssyncset.done @!p0 $0x0  }
0x7b: {  	[sflag:s0] =	ssyncadd.s32 @!p0 s1  }
0x7c: {  	[bflag:$0x3] =	sbarrier.arrive $0xFFFF  }
0x7d: {  	_ =	shalt  }

// kernel: kernel.37.cloned.1.call-start
scs
__scs_entry_jumppad:
0x0: {  	(pc) =	sbr.rel $0x88, $3  }
0x1: {  	(tag) =	ssettag $0x0;
	lr =	simm.s32 $0x1  }
0x2: {  	[smem:$0x3F58] =	sst lr;
	_ =	strace $0xD0000000  }
0x3: {  	_ = 	snop  }
0x4: {  	_ = 	snop  }
0x5: {  	_ = 	snop  }
0x6: {  	_ = 	snop  }
0x7: {  	_ = 	snop  }
__scs_overlays_trampoline_lowered:
0x8: {  	[smem:$0x3F67] =	sst s0  }
0x9: {  	[smem:$0x3F68] =	sst s1  }
0xa: {  	[smem:$0x3F69] =	sst s2  }
0xb: {  	[smem:$0x3F6A] =	sst s3  }
0xc: {  	[smem:$0x3F6B] =	sst s4  }
0xd: {  	[smem:$0x3F6C] =	sst s5  }
0xe: {  	[smem:$0x3F6D] =	sst s6  }
0xf: {  	[smem:$0x3F6E] =	sst s7  }
0x10: {  	[smem:$0x3F6F] =	sst s8  }
0x11: {  	[smem:$0x3F70] =	sst s9;
	s0 =	simm.s32 @!p0 $0x0  }
0x12: {  	s1 =	sld [smem:$0x3F56];
	s0 =	simm.s32 @p0 $0x1  }
0x13: {  	[smem:$0x3F71] =	sst s0;
	s0 =	simm.s32 @!p1 $0x0  }
0x14: {  	s2 =	sld [smem:$0x3F55];
	s0 =	simm.s32 @p1 $0x1  }
0x15: {  	[smem:$0x3F72] =	sst s0;
	s0 =	simm.s32 @!p2 $0x0  }
0x16: {  	s3 =	sld [smem:$0x3FDB];
	s0 =	simm.s32 @p2 $0x1  }
0x17: {  	s4 =	simm.s32 $0x1BF5;
	[smem:$0x3F74] =	sst s0  }
0x18: {  	s0 =	sld [smem:$0x3F57];
	_ =	swait.ge [sflag:s4], $0x0  }
0x19: {  	s7 =	sld [smem:$0x3F58]  }
0x1a: {  	s8 =	sadd.s32 $0xFFFFE003, lr  }
0x1b: {  	s9 =	sadd.s32 $0xFFFFFEF7, lr;
	s5 =	simm.s32 $0xFFFFFFFF;
	p2 =	slt.u32 s8, $0xFFFFF086  }
0x1c: {  	p1 =	slt.u32 s9, $0xF7A;
	s5 =	simm.s32 @!p2 $0x0  }
0x1d: {  	s5 =	simm.s32 @p1 $0x1;
	p0 =	seq.s32 s7, s2  }
0x1e: {  	s7 =	smul.u32 @!p0 $0xF7A, s2;
	p2 =	seq.s32 @!p0 s5, $0x0  }
0x1f: {  	s9 =	smul.u32 $0xF7A, s1;
	s8 =	simm.s32 @!p0 $0x1BF5;
	p2 =	por !p2, p0  }
0x20: {  	[sflag:s8] =	ssyncset.s32 @!p0 $0xFFFFF086;
	s6 =	sadd.s32 @!p0 s3, s7;
	s7 =	simm.s32 @!p0 $0x108  }
0x21: {  	s3 =	sadd.s32 s3, s9;
	s6 =	sadd.s32 @!p0 $0x88, s6;
	s7 =	simm.s32 @p2 $0x1082  }
0x22: {  	[simem:s7], [sflag:s8] =	dma.local @!p0 [hbm:s6], $0xF7A  }
0x23: {  	s9 =	sor.u32 $0xD0000000, s2;
	s6 =	simm.s32 $0x108;
	_ =	swait.ge @!p0 [sflag:s8], $0x0  }
0x24: {  	s3 =	sadd.s32 $0x88, s3;
	s6 =	simm.s32 @!p1 $0x1082;
	[sflag:s4] =	ssyncset.s32 $0xFFFFF086  }
0x25: {  	[simem:s6], [sflag:s4] =	dma.local [hbm:s3], $0xF7A  }
0x26: {  	[smem:$0x3F58] =	sst s1;
	(tag) =	ssettag s2;
	_ =	strace s9  }
0x27: {  	s1 =	sld [smem:$0x3F68]  }
0x28: {  	s2 =	sld [smem:$0x3F69]  }
0x29: {  	s4 =	sld [smem:$0x3F6B]  }
0x2a: {  	p0 =	seq.s32 s5, $0x0;
	s5 =	sld [smem:$0x3F6C]  }
0x2b: {  	s6 =	sld [smem:$0x3F6D]  }
0x2c: {  	s7 =	sld [smem:$0x3F6E]  }
0x2d: {  	s3 =	simm.s32 $0x108;
	s8 =	sld [smem:$0x3F6F]  }
0x2e: {  	s3 =	simm.s32 @!p0 $0x1082;
	s9 =	sld [smem:$0x3F70]  }
0x2f: {  	lr =	sadd.s32 s0, s3;
	s0 =	sld [smem:$0x3F67]  }
0x30: {  	s3 =	sld [smem:$0x3F6A]  }
0x31: {  	[smem:$0x3F73] =	sst s10  }
0x32: {  	s10 =	sld [smem:$0x3F71];
	_ =	sdelay $0x3  }
0x33: {  	p0 =	seq.s32 s10, $0x1;
	s10 =	sld [smem:$0x3F73];
	_ =	sdelay $0x3  }
0x34: {  	[smem:$0x3F73] =	sst s10  }
0x35: {  	s10 =	sld [smem:$0x3F72];
	_ =	sdelay $0x3  }
0x36: {  	p1 =	seq.s32 s10, $0x1;
	s10 =	sld [smem:$0x3F73];
	_ =	sdelay $0x3  }
0x37: {  	[smem:$0x3F73] =	sst s10  }
0x38: {  	s10 =	sld [smem:$0x3F74]  }
0x39: {  	_ = 	snop;
	(pc) =	sbr.ind lr, $3  }
0x3a: {  	_ = 	snop  }
0x3b: {  	_ = 	snop  }
0x3c: {  	p2 =	seq.s32 s10, $0x1;
	s10 =	sld [smem:$0x3F73]  }
0x3d: {  	_ =	shalt  }
0x3e: {  	_ =	shalt  }
0x3f: {  	_ =	shalt  }
0x40: {  	_ =	shalt  }
0x41: {  	_ =	shalt  }
0x42: {  	_ =	shalt  }
0x43: {  	_ =	shalt  }
0x44: {  	_ =	shalt  }
0x45: {  	_ =	shalt  }
0x46: {  	_ =	shalt  }
0x47: {  	_ =	shalt  }
0x48: {  	_ =	shalt  }
0x49: {  	_ =	shalt  }
0x4a: {  	_ =	shalt  }
0x4b: {  	_ =	shalt  }
0x4c: {  	_ =	shalt  }
0x4d: {  	_ =	shalt  }
0x4e: {  	_ =	shalt  }
0x4f: {  	_ =	shalt  }
0x50: {  	_ =	shalt  }
0x51: {  	_ =	shalt  }
0x52: {  	_ =	shalt  }
0x53: {  	_ =	shalt  }
0x54: {  	_ =	shalt  }
0x55: {  	_ =	shalt  }
0x56: {  	_ =	shalt  }
0x57: {  	_ =	shalt  }
0x58: {  	_ =	shalt  }
0x59: {  	_ =	shalt  }
0x5a: {  	_ =	shalt  }
0x5b: {  	_ =	shalt  }
0x5c: {  	_ =	shalt  }
0x5d: {  	_ =	shalt  }
0x5e: {  	_ =	shalt  }
0x5f: {  	_ =	shalt  }
0x60: {  	_ =	shalt  }
0x61: {  	_ =	shalt  }
0x62: {  	_ =	shalt  }
0x63: {  	_ =	shalt  }
0x64: {  	_ =	shalt  }
0x65: {  	_ =	shalt  }
0x66: {  	_ =	shalt  }
0x67: {  	_ =	shalt  }
0x68: {  	_ =	shalt  }
0x69: {  	_ =	shalt  }
0x6a: {  	_ =	shalt  }
0x6b: {  	_ =	shalt  }
0x6c: {  	_ =	shalt  }
0x6d: {  	_ =	shalt  }
0x6e: {  	_ =	shalt  }
0x6f: {  	_ =	shalt  }
0x70: {  	_ =	shalt  }
0x71: {  	_ =	shalt  }
0x72: {  	_ =	shalt  }
0x73: {  	_ =	shalt  }
0x74: {  	_ =	shalt  }
0x75: {  	_ =	shalt  }
0x76: {  	_ =	shalt  }
0x77: {  	_ =	shalt  }
0x78: {  	_ =	shalt  }
0x79: {  	_ =	shalt  }
0x7a: {  	_ =	shalt  }
0x7b: {  	_ =	shalt  }
0x7c: {  	_ =	shalt  }
0x7d: {  	_ =	shalt  }
0x7e: {  	_ =	shalt  }
0x7f: {  	_ =	shalt  }
0x80: {  	_ =	shalt  }
0x81: {  	_ =	shalt  }
0x82: {  	_ =	shalt  }
0x83: {  	_ =	shalt  }
0x84: {  	_ =	shalt  }
0x85: {  	_ =	shalt  }
0x86: {  	_ =	shalt  }
0x87: {  	_ =	shalt  }
.Lfunc_end0:
.L_simem_size_0:
called_computation.2_lowered:
.L_overlay_start_0:
0x88: {  	s2 =	sld [smem:$0x3FD9]  }
0x89: {  	s3 =	sld [smem:$0x3FFE];
	_ =	sdelay $0x1  }
0x8a: {  	s1 =	srdreg.scid  }
0x8b: {  	s0 =	sand.u32 $0x1, s1  }
0x8c: {  	s16 =	sshll.u32 s0, $0xA;
	s2 =	sadd.s32 s3, s2  }
0x8d: {  	s2 =	sadd.s32 s2, s16  }
0x8e: {  	[smem:$0x3F7F] =	sst s2  }
0x8f: {  	_ = 	snop  }
0x90: {  	(tm) =	ssettm $0x1  }
0x91: {  	s17 =	sld [smem:$0x3FFB];
	_ =	sdelay $0x3  }
0x92: {  	_ =	strace s17  }
0x93: {  	s2 =	sld [smem:$0x3FFC];
	_ =	sdelay $0x3  }
0x94: {  	_ =	strace s2  }
0x95: {  	s2 =	sld [smem:$0x3FFD];
	_ =	sdelay $0x3  }
0x96: {  	_ =	strace s2  }
0x97: {  	_ =	strace $0x8FFFFFFF  }
0x98: {  	s18 =	sld [smem:$0x3FDB];
	_ =	sdelay $0x1  }
0x99: {  	s19 =	simm.s32 $_scs_section_size  }
0x9a: {  	s4 =	simm.s32 $_size__tile_overlayer_lowered;
	s5 =	simm.s32 $_tile_overlayer_lowered  }
0x9b: {  	s22 =	simm.s32 $0x1BFF;
	s21 =	sshll.u32 s5, $0x1;
	s2 =	sadd.s32 s19, s18  }
0x9c: {  	s6 =	simm.s32 $0x0;
	s20 =	sshll.u32 s4, $0x1;
	s4 =	sadd.s32 s21, s2  }
0x9d: {  	[timem:s6], [sflag:s22] =	dma.local [hbm:s4], s20  }
0x9e: {  	_ =	swait.ge [sflag:s22], s20  }
0x9f: {  	s3 =	ssub.s32 $0x0, s20;
	[sflag:s22] =	ssyncset.done $0x0  }
0xa0: {  	[sflag:s22] =	ssyncadd.s32 s3;
	_ =	sdelay $0x1  }
0xa1: {  	s23 =	simm.s32 $0x1B8B  }
0xa2: {  	_ =	swait.ge [sflag:s23], $0x1  }
0xa3: {  	[sflag:s23] =	ssyncset.done $0x0  }
0xa4: {  	s25 =	simm.s32 $0x1B8E;
	s24 =	sld [smem:$0x3FFE];
	[sflag:s23] =	ssyncadd.s32 $0xFFFFFFFF  }
0xa5: {  	s26 =	simm.s32 $execute0_lowered;
	[smem:$0x3FD2] =	sst s25  }
0xa6: {  	s4 =	sshll.u32 s26, $0x1;
	_ =	strace $0x8000004C;
	[dreg:$0x1] =	wrdreg $0xFFFFFFFF  }
0xa7: {  	s28 =	simm.s32 $_size_execute0_lowered;
	s2 =	sadd.s32 s2, s4;
	[dreg:$0x0] =	wrdreg $0x0  }
0xa8: {  	s4 =	sshll.u32 s28, $0x1;
	[dreg:$0x2] =	wrdreg s2  }
0xa9: {  	[dreg:$0x3] =	wrdreg s4  }
0xaa: {  	[dreg:$0x4] =	wrdreg $0xC0  }
0xab: {  	_ =	task [dreg:s6], $0x5FFFF  }
0xac: {  	[dreg:$0x1] =	wrdreg $0xFFFFFFFF  }
0xad: {  	[dreg:$0x0] =	wrdreg $0x60  }
0xae: {  	[dreg:$0x2] =	wrdreg s24  }
0xaf: {  	[dreg:$0x3] =	wrdreg $0x9  }
0xb0: {  	_ =	task.clear_ibuf [dreg:s6], $0x4FFFF;
	_ =	strace $0x9000004C  }
0xb1: {  	s29 =	simm.s32 $0x9;
	_ =	strace $0x8000004E  }
0xb2: {  	_ =	swait.ge [sflag:s29], $0x1  }
0xb3: {  	[sflag:s29] =	ssyncadd.s32 $0xFFFFFFFF  }
0xb4: {  	_ =	strace $0x9000004E  }
0xb5: {  	_ =	sfence  }
0xb6: {  	s30 =	sld [smem:$0x0];
	_ =	sdelay $0x2  }
0xb7: {  	s31 =	sshll.u32 s1, $0xD;
	s1 =	sshrl.u32 s1, $0x2  }
0xb8: {  	s3 =	sand.u32 $0x4000, s31;
	s1 =	sadd.s32 s1, s30  }
0xb9: {  	s0 =	sor.u32 s3, s0;
	s1 =	sshll.u32 s1, $0x11  }
0xba: {  	s0 =	sor.u32 s1, s0  }
0xbb: {  	s0 =	sadd.s32 $0x8F2B, s0  }
0xbc: {  	[sflag:s0] =	ssyncadd.remote.s32 $0x1  }
0xbd: {  	_ =	sfence.sel $0xFFFF  }
0xbe: {  	[dreg:$0x0] =	wrdreg $0xFFFFFFFF;
	(pc) =	sbr.abs _section_cstart, $3  }
0xbf: {  	[dreg:$0x1] =	wrdreg $0xFFFFFFFF  }
0xc0: {  	_ =	task.clear_ibuf [dreg:s6], $0x2FFFF;
	_ =	strace $0x9FFFFFFF  }
0xc1: {  	(tm) =	ssettm $0x7FFFFFFF  }
tec
execute0_lowered:
.L_overlay_start_1:
0x0: {  	(tag) =	ssettag $0x1  }
0x1: {  	s1 =	srdreg.scid;
	s0 =	stileid.u32  }
0x2: {  	s20 =	sand.u32 $0x1, s1;
	s25 =	sshll.u32 s0, $0x1  }
0x3: {  	s11 =	sor.u32 s20, s25  }
0x4: {  	s18 =	smul.u32 $0x780, s11  }
0x5: {  	s12 =	rddreg [dreg:$0x0];
	s2 =	simm.s32 $0x0;
	s4 =	simm.s32 $0x5  }
0x6: {  	[smem:$0x7FF] =	sst s2;
	s19 =	sadd.s32 $0x13E00, s12;
	s3 =	sshrl.u32 s18, $0x3  }
0x7: {  	s1 =	rddreg [dreg:$0x1];
	_ =	strace $0x8000004D;
	s3 =	sadd.s32 s19, s3  }
0x8: {  	[tilespmem:s2], [sflag:$0x5] =	stream.linear.gather [hbm4b:s3+s2], $0x1E0, $0x38;
	[tilespmem:$0x1E400] =	vst v63  }
0x9: {  	_ =	swait.ge [sflag:s4], $0x1E0  }
0xa: {  	s6 =	simm.s32 $0x1E0;
	s7 =	simm.s32 $0x400;
	[sflag:s4] =	ssyncset.done $0x0  }
0xb: {  	s8 =	simm.s32 $0x1;
	s5 =	sadd.s32 $0x15C00, s12;
	[sflag:s4] =	ssyncadd.s32 $0xFFFFFE20  }
0xc: {  	[tilespmem:s7], [sflag:$0x1] =	stream.indirect.gather [hbm4b:s5+s6], $0x80, s2, s6, $0xb8;
	[tilespmem:$0x1E400] =	vst v63  }
0xd: {  	s16 =	sadd.s32 $0x1E0, s18;
	_ =	swait.ge [sflag:s8], $0xF000  }
0xe: {  	s9 =	sshrl.u32 s16, $0x3;
	[sflag:s8] =	ssyncset.done $0x0  }
0xf: {  	s10 =	simm.s32 $0x200;
	s9 =	sadd.s32 s19, s9;
	[sflag:s8] =	ssyncadd.s32 $0xFFFF1000  }
0x10: {  	[tilespmem:s10], [sflag:$0x5] =	stream.linear.gather [hbm4b:s9+s2], $0x1E0, $0x38;
	[tilespmem:$0x1E400] =	vst v63  }
0x11: {  	_ =	swait.ge [sflag:s4], $0x1E0  }
0x12: {  	s21 =	sadd.s32 $0x1DC00, s12;
	[sflag:s4] =	ssyncset.done $0x0  }
0x13: {  	s26 =	smul.u32 $0x7800, s11;
	s11 =	simm.s32 $0xF400;
	[sflag:s4] =	ssyncadd.s32 $0xFFFFFE20  }
0x14: {  	[tilespmem:s11], [sflag:$0x2] =	stream.indirect.gather [hbm4b:s5+s6], $0x80, s10, s6, $0xb8;
	[tilespmem:$0x1E400] =	vst v63  }
0x15: {  	s13 =	simm.s32 $0x2;
	s12 =	sadd.s32 s21, s26  }
0x16: {  	[hbm4b:s12+s2] =	stream.linear.scatter [tilespmem:s7], [sflag:$0x3], $0xF000, $0x38;
	[tilespmem:$0x1E400] =	vst v63  }
0x17: {  	_ =	swait.ge [sflag:s13], $0xF000  }
0x18: {  	[sflag:s13] =	ssyncset.done $0x0  }
0x19: {  	s14 =	simm.s32 $0x3;
	[sflag:s13] =	ssyncadd.s32 $0xFFFF1000  }
0x1a: {  	s22 =	sadd.s32 $0x3C0, s18;
	_ =	swait.ge [sflag:s14], $0xF000  }
0x1b: {  	s15 =	sshrl.u32 s22, $0x3;
	[sflag:s14] =	ssyncset.done $0x0  }
0x1c: {  	s15 =	sadd.s32 s19, s15;
	[sflag:s14] =	ssyncadd.s32 $0xFFFF1000  }
0x1d: {  	[tilespmem:s2], [sflag:$0x5] =	stream.linear.gather [hbm4b:s15+s2], $0x1E0, $0x38;
	[tilespmem:$0x1E400] =	vst v63  }
0x1e: {  	_ =	swait.ge [sflag:s4], $0x1E0  }
0x1f: {  	[sflag:s4] =	ssyncset.done $0x0  }
0x20: {  	s16 =	sshll.u32 s16, $0x4;
	[sflag:s4] =	ssyncadd.s32 $0xFFFFFE20  }
0x21: {  	[tilespmem:s7], [sflag:$0x1] =	stream.indirect.gather [hbm4b:s5+s6], $0x80, s2, s6, $0xb8;
	[tilespmem:$0x1E400] =	vst v63  }
0x22: {  	s16 =	sadd.s32 s21, s16  }
0x23: {  	[hbm4b:s16+s2] =	stream.linear.scatter [tilespmem:s11], [sflag:$0x4], $0xF000, $0x38;
	[tilespmem:$0x1E400] =	vst v63  }
0x24: {  	_ =	swait.ge [sflag:s8], $0xF000  }
0x25: {  	[sflag:s8] =	ssyncset.done $0x0  }
0x26: {  	s17 =	simm.s32 $0x4;
	[sflag:s8] =	ssyncadd.s32 $0xFFFF1000  }
0x27: {  	s23 =	sadd.s32 $0x5A0, s18;
	_ =	swait.ge [sflag:s17], $0xF000  }
0x28: {  	s18 =	sshrl.u32 s23, $0x3;
	[sflag:s17] =	ssyncset.done $0x0  }
0x29: {  	s18 =	sadd.s32 s19, s18;
	[sflag:s17] =	ssyncadd.s32 $0xFFFF1000  }
0x2a: {  	[tilespmem:s10], [sflag:$0x5] =	stream.linear.gather [hbm4b:s18+s2], $0x1E0, $0x38;
	[tilespmem:$0x1E400] =	vst v63  }
0x2b: {  	_ =	swait.ge [sflag:s4], $0x1E0  }
0x2c: {  	[sflag:s4] =	ssyncset.done $0x0  }
0x2d: {  	s30 =	ssub.s32 $0x2, s20;
	s28 =	sshll.u32 s22, $0x4;
	[sflag:s4] =	ssyncadd.s32 $0xFFFFFE20  }
0x2e: {  	[tilespmem:s11], [sflag:$0x2] =	stream.indirect.gather [hbm4b:s5+s6], $0x80, s10, s6, $0xb8;
	[tilespmem:$0x1E400] =	vst v63  }
0x2f: {  	s31 =	sshrl.u32 s30, $0x1;
	s29 =	sshll.u32 s23, $0x4;
	s19 =	sadd.s32 s21, s28  }
0x30: {  	[hbm4b:s19+s2] =	stream.linear.scatter [tilespmem:s7], [sflag:$0x3], $0xF000, $0x38;
	[tilespmem:$0x1E400] =	vst v63  }
0x31: {  	s20 =	sadd.s32 s21, s29;
	s21 =	ssub.s32 s30, s31;
	_ =	swait.ge [sflag:s13], $0xF000  }
0x32: {  	s21 =	smax.u32 s21, $0x1;
	[sflag:s13] =	ssyncset.done $0x0  }
0x33: {  	p0 =	sne.s32 s21, $0x1;
	[sflag:s13] =	ssyncadd.s32 $0xFFFF1000  }
0x34: {  	[hbm4b:s20+s2] =	stream.linear.scatter [tilespmem:s11], [sflag:$0x4], $0xF000, $0x38;
	[tilespmem:$0x1E400] =	vst v63  }
.Ltmp0:
0x35: {  	_ =	swait.ge [sflag:s14], $0xF000;
	(pc) =	sbr.rel @!p0 .LBB2_2-.Ltmp0, $4  }
0x36: {  	[sflag:s14] =	ssyncset.done $0x0  }
0x37: {  	[sflag:s14] =	ssyncadd.s32 $0xFFFF1000  }
0x38: {  	_ =	swait.ge [sflag:s17], $0xF000  }
0x39: {  	s21 =	sadd.s32 $0xFFFFFFFF, s21;
	[sflag:s17] =	ssyncset.done $0x0  }
.LBB2_1:
0x3a: {  	p0 =	sne.s32 s21, $0x1;
	s21 =	sadd.s32 $0xFFFFFFFF, s21;
	[sflag:s17] =	ssyncadd.s32 $0xFFFF1000  }
0x3b: {  	[tilespmem:s2], [sflag:$0x5] =	stream.linear.gather [hbm4b:s3+s2], $0x1E0, $0x38;
	[tilespmem:$0x1E400] =	vst v63  }
0x3c: {  	_ =	swait.ge [sflag:s4], $0x1E0  }
0x3d: {  	[sflag:s4] =	ssyncset.done $0x0  }
0x3e: {  	[sflag:s4] =	ssyncadd.s32 $0xFFFFFE20  }
0x3f: {  	[tilespmem:s7], [sflag:$0x1] =	stream.indirect.gather [hbm4b:s5+s6], $0x80, s2, s6, $0xb8;
	[tilespmem:$0x1E400] =	vst v63  }
0x40: {  	_ =	swait.ge [sflag:s8], $0xF000  }
0x41: {  	[sflag:s8] =	ssyncset.done $0x0  }
0x42: {  	[sflag:s8] =	ssyncadd.s32 $0xFFFF1000  }
0x43: {  	[tilespmem:s10], [sflag:$0x5] =	stream.linear.gather [hbm4b:s9+s2], $0x1E0, $0x38;
	[tilespmem:$0x1E400] =	vst v63  }
0x44: {  	_ =	swait.ge [sflag:s4], $0x1E0  }
0x45: {  	[sflag:s4] =	ssyncset.done $0x0  }
0x46: {  	[sflag:s4] =	ssyncadd.s32 $0xFFFFFE20  }
0x47: {  	[tilespmem:s11], [sflag:$0x2] =	stream.indirect.gather [hbm4b:s5+s6], $0x80, s10, s6, $0xb8;
	[tilespmem:$0x1E400] =	vst v63  }
0x48: {  	_ = 	snop  }
0x49: {  	[hbm4b:s12+s2] =	stream.linear.scatter [tilespmem:s7], [sflag:$0x3], $0xF000, $0x38;
	[tilespmem:$0x1E400] =	vst v63  }
0x4a: {  	_ =	swait.ge [sflag:s13], $0xF000  }
0x4b: {  	[sflag:s13] =	ssyncset.done $0x0  }
0x4c: {  	[sflag:s13] =	ssyncadd.s32 $0xFFFF1000  }
0x4d: {  	_ =	swait.ge [sflag:s14], $0xF000  }
0x4e: {  	[sflag:s14] =	ssyncset.done $0x0  }
0x4f: {  	[sflag:s14] =	ssyncadd.s32 $0xFFFF1000  }
0x50: {  	[tilespmem:s2], [sflag:$0x5] =	stream.linear.gather [hbm4b:s15+s2], $0x1E0, $0x38;
	[tilespmem:$0x1E400] =	vst v63  }
0x51: {  	_ =	swait.ge [sflag:s4], $0x1E0  }
0x52: {  	[sflag:s4] =	ssyncset.done $0x0  }
0x53: {  	[sflag:s4] =	ssyncadd.s32 $0xFFFFFE20  }
0x54: {  	[tilespmem:s7], [sflag:$0x1] =	stream.indirect.gather [hbm4b:s5+s6], $0x80, s2, s6, $0xb8;
	[tilespmem:$0x1E400] =	vst v63  }
0x55: {  	_ = 	snop  }
0x56: {  	[hbm4b:s16+s2] =	stream.linear.scatter [tilespmem:s11], [sflag:$0x4], $0xF000, $0x38;
	[tilespmem:$0x1E400] =	vst v63  }
0x57: {  	_ =	swait.ge [sflag:s8], $0xF000  }
0x58: {  	[sflag:s8] =	ssyncset.done $0x0  }
0x59: {  	[sflag:s8] =	ssyncadd.s32 $0xFFFF1000  }
0x5a: {  	_ =	swait.ge [sflag:s17], $0xF000  }
0x5b: {  	[sflag:s17] =	ssyncset.done $0x0  }
0x5c: {  	[sflag:s17] =	ssyncadd.s32 $0xFFFF1000  }
0x5d: {  	[tilespmem:s10], [sflag:$0x5] =	stream.linear.gather [hbm4b:s18+s2], $0x1E0, $0x38;
	[tilespmem:$0x1E400] =	vst v63  }
0x5e: {  	_ =	swait.ge [sflag:s4], $0x1E0  }
0x5f: {  	[sflag:s4] =	ssyncset.done $0x0  }
0x60: {  	[sflag:s4] =	ssyncadd.s32 $0xFFFFFE20  }
0x61: {  	[tilespmem:s11], [sflag:$0x2] =	stream.indirect.gather [hbm4b:s5+s6], $0x80, s10, s6, $0xb8;
	[tilespmem:$0x1E400] =	vst v63  }
0x62: {  	_ = 	snop  }
0x63: {  	[hbm4b:s19+s2] =	stream.linear.scatter [tilespmem:s7], [sflag:$0x3], $0xF000, $0x38;
	[tilespmem:$0x1E400] =	vst v63  }
0x64: {  	_ =	swait.ge [sflag:s13], $0xF000  }
0x65: {  	[sflag:s13] =	ssyncset.done $0x0  }
0x66: {  	[sflag:s13] =	ssyncadd.s32 $0xFFFF1000  }
0x67: {  	[hbm4b:s20+s2] =	stream.linear.scatter [tilespmem:s11], [sflag:$0x4], $0xF000, $0x38;
	[tilespmem:$0x1E400] =	vst v63  }
.Ltmp1:
0x68: {  	_ =	swait.ge [sflag:s14], $0xF000;
	(pc) =	sbr.rel @p0 .LBB2_1-.Ltmp1, $4  }
0x69: {  	[sflag:s14] =	ssyncset.done $0x0  }
0x6a: {  	[sflag:s14] =	ssyncadd.s32 $0xFFFF1000  }
0x6b: {  	_ =	swait.ge [sflag:s17], $0xF000  }
0x6c: {  	[sflag:s17] =	ssyncset.done $0x0  }
.LBB2_2:
0x6d: {  	[sflag:s17] =	ssyncadd.s32 $0xFFFF1000  }
0x6e: {  	_ =	sfence.sel $0x180000  }
0x6f: {  	[bflag:$0x0] =	sbarrier.arrive $0xFFFF  }
0x70: {  	p0 =	sne.s32 s0, $0x0;
	_ =	strace $0x9000004D  }
0x71: {  	s0 =	sadd.s32 @!p0 $0x100000, s1;
	[bflag:$0x2] =	sbarrier.arrive $0xFFFF  }
0x72: {  	[sflag:s0] =	ssyncadd.tile.s32 @!p0 $0x1;
	_ =	shalt  }
.Lfunc_end2:
_tile_overlayer_lowered:
.L_overlay_start_2:
0x73: {  	(tag) =	ssettag $0x2  }
0x74: {  	s0 =	rddreg [dreg:$0x0];
	s2 =	stileid.u32  }
0x75: {  	s1 =	rddreg [dreg:$0x1];
	p0 =	sne.s32 s2, $0x0  }
0x76: {  	s3 =	rddreg [dreg:$0x2];
	[bflag:$0x3] =	sbarrier.arrive $0xFFFF;
	s2 =	simm.s32 @!p0 $0x1C05  }
0x77: {  	[timem:s3], [sflag:s2] =	dma.local @!p0 [hbm:s0], s1  }
0x78: {  	s0 =	simm.s32 @!p0 $0x5  }
0x79: {  	_ =	swait.ge @!p0 [sflag:s0], s1  }
0x7a: {  	s1 =	ssub.s32 @!p0 $0x0, s1;
	[sflag:s0] =	ssyncset.done @!p0 $0x0  }
0x7b: {  	[sflag:s0] =	ssyncadd.s32 @!p0 s1  }
0x7c: {  	[bflag:$0x3] =	sbarrier.arrive $0xFFFF  }
0x7d: {  	_ =	shalt  }

// kernel: kernel.40.cloned.1.call-start
scs
__scs_entry_jumppad:
0x0: {  	(pc) =	sbr.rel $0x88, $3  }
0x1: {  	(tag) =	ssettag $0x0;
	lr =	simm.s32 $0x1  }
0x2: {  	[smem:$0x3F58] =	sst lr;
	_ =	strace $0xD0000000  }
0x3: {  	_ = 	snop  }
0x4: {  	_ = 	snop  }
0x5: {  	_ = 	snop  }
0x6: {  	_ = 	snop  }
0x7: {  	_ = 	snop  }
__scs_overlays_trampoline_lowered:
0x8: {  	[smem:$0x3F67] =	sst s0  }
0x9: {  	[smem:$0x3F68] =	sst s1  }
0xa: {  	[smem:$0x3F69] =	sst s2  }
0xb: {  	[smem:$0x3F6A] =	sst s3  }
0xc: {  	[smem:$0x3F6B] =	sst s4  }
0xd: {  	[smem:$0x3F6C] =	sst s5  }
0xe: {  	[smem:$0x3F6D] =	sst s6  }
0xf: {  	[smem:$0x3F6E] =	sst s7  }
0x10: {  	[smem:$0x3F6F] =	sst s8  }
0x11: {  	[smem:$0x3F70] =	sst s9;
	s0 =	simm.s32 @!p0 $0x0  }
0x12: {  	s1 =	sld [smem:$0x3F56];
	s0 =	simm.s32 @p0 $0x1  }
0x13: {  	[smem:$0x3F71] =	sst s0;
	s0 =	simm.s32 @!p1 $0x0  }
0x14: {  	s2 =	sld [smem:$0x3F55];
	s0 =	simm.s32 @p1 $0x1  }
0x15: {  	[smem:$0x3F72] =	sst s0;
	s0 =	simm.s32 @!p2 $0x0  }
0x16: {  	s3 =	sld [smem:$0x3FDB];
	s0 =	simm.s32 @p2 $0x1  }
0x17: {  	s4 =	simm.s32 $0x1BF5;
	[smem:$0x3F74] =	sst s0  }
0x18: {  	s0 =	sld [smem:$0x3F57];
	_ =	swait.ge [sflag:s4], $0x0  }
0x19: {  	s7 =	sld [smem:$0x3F58]  }
0x1a: {  	s8 =	sadd.s32 $0xFFFFE003, lr  }
0x1b: {  	s9 =	sadd.s32 $0xFFFFFEF7, lr;
	s5 =	simm.s32 $0xFFFFFFFF;
	p2 =	slt.u32 s8, $0xFFFFF086  }
0x1c: {  	p1 =	slt.u32 s9, $0xF7A;
	s5 =	simm.s32 @!p2 $0x0  }
0x1d: {  	s5 =	simm.s32 @p1 $0x1;
	p0 =	seq.s32 s7, s2  }
0x1e: {  	s7 =	smul.u32 @!p0 $0xF7A, s2;
	p2 =	seq.s32 @!p0 s5, $0x0  }
0x1f: {  	s9 =	smul.u32 $0xF7A, s1;
	s8 =	simm.s32 @!p0 $0x1BF5;
	p2 =	por !p2, p0  }
0x20: {  	[sflag:s8] =	ssyncset.s32 @!p0 $0xFFFFF086;
	s6 =	sadd.s32 @!p0 s3, s7;
	s7 =	simm.s32 @!p0 $0x108  }
0x21: {  	s3 =	sadd.s32 s3, s9;
	s6 =	sadd.s32 @!p0 $0x88, s6;
	s7 =	simm.s32 @p2 $0x1082  }
0x22: {  	[simem:s7], [sflag:s8] =	dma.local @!p0 [hbm:s6], $0xF7A  }
0x23: {  	s9 =	sor.u32 $0xD0000000, s2;
	s6 =	simm.s32 $0x108;
	_ =	swait.ge @!p0 [sflag:s8], $0x0  }
0x24: {  	s3 =	sadd.s32 $0x88, s3;
	s6 =	simm.s32 @!p1 $0x1082;
	[sflag:s4] =	ssyncset.s32 $0xFFFFF086  }
0x25: {  	[simem:s6], [sflag:s4] =	dma.local [hbm:s3], $0xF7A  }
0x26: {  	[smem:$0x3F58] =	sst s1;
	(tag) =	ssettag s2;
	_ =	strace s9  }
0x27: {  	s1 =	sld [smem:$0x3F68]  }
0x28: {  	s2 =	sld [smem:$0x3F69]  }
0x29: {  	s4 =	sld [smem:$0x3F6B]  }
0x2a: {  	p0 =	seq.s32 s5, $0x0;
	s5 =	sld [smem:$0x3F6C]  }
0x2b: {  	s6 =	sld [smem:$0x3F6D]  }
0x2c: {  	s7 =	sld [smem:$0x3F6E]  }
0x2d: {  	s3 =	simm.s32 $0x108;
	s8 =	sld [smem:$0x3F6F]  }
0x2e: {  	s3 =	simm.s32 @!p0 $0x1082;
	s9 =	sld [smem:$0x3F70]  }
0x2f: {  	lr =	sadd.s32 s0, s3;
	s0 =	sld [smem:$0x3F67]  }
0x30: {  	s3 =	sld [smem:$0x3F6A]  }
0x31: {  	[smem:$0x3F73] =	sst s10  }
0x32: {  	s10 =	sld [smem:$0x3F71];
	_ =	sdelay $0x3  }
0x33: {  	p0 =	seq.s32 s10, $0x1;
	s10 =	sld [smem:$0x3F73];
	_ =	sdelay $0x3  }
0x34: {  	[smem:$0x3F73] =	sst s10  }
0x35: {  	s10 =	sld [smem:$0x3F72];
	_ =	sdelay $0x3  }
0x36: {  	p1 =	seq.s32 s10, $0x1;
	s10 =	sld [smem:$0x3F73];
	_ =	sdelay $0x3  }
0x37: {  	[smem:$0x3F73] =	sst s10  }
0x38: {  	s10 =	sld [smem:$0x3F74]  }
0x39: {  	_ = 	snop;
	(pc) =	sbr.ind lr, $3  }
0x3a: {  	_ = 	snop  }
0x3b: {  	_ = 	snop  }
0x3c: {  	p2 =	seq.s32 s10, $0x1;
	s10 =	sld [smem:$0x3F73]  }
0x3d: {  	_ =	shalt  }
0x3e: {  	_ =	shalt  }
0x3f: {  	_ =	shalt  }
0x40: {  	_ =	shalt  }
0x41: {  	_ =	shalt  }
0x42: {  	_ =	shalt  }
0x43: {  	_ =	shalt  }
0x44: {  	_ =	shalt  }
0x45: {  	_ =	shalt  }
0x46: {  	_ =	shalt  }
0x47: {  	_ =	shalt  }
0x48: {  	_ =	shalt  }
0x49: {  	_ =	shalt  }
0x4a: {  	_ =	shalt  }
0x4b: {  	_ =	shalt  }
0x4c: {  	_ =	shalt  }
0x4d: {  	_ =	shalt  }
0x4e: {  	_ =	shalt  }
0x4f: {  	_ =	shalt  }
0x50: {  	_ =	shalt  }
0x51: {  	_ =	shalt  }
0x52: {  	_ =	shalt  }
0x53: {  	_ =	shalt  }
0x54: {  	_ =	shalt  }
0x55: {  	_ =	shalt  }
0x56: {  	_ =	shalt  }
0x57: {  	_ =	shalt  }
0x58: {  	_ =	shalt  }
0x59: {  	_ =	shalt  }
0x5a: {  	_ =	shalt  }
0x5b: {  	_ =	shalt  }
0x5c: {  	_ =	shalt  }
0x5d: {  	_ =	shalt  }
0x5e: {  	_ =	shalt  }
0x5f: {  	_ =	shalt  }
0x60: {  	_ =	shalt  }
0x61: {  	_ =	shalt  }
0x62: {  	_ =	shalt  }
0x63: {  	_ =	shalt  }
0x64: {  	_ =	shalt  }
0x65: {  	_ =	shalt  }
0x66: {  	_ =	shalt  }
0x67: {  	_ =	shalt  }
0x68: {  	_ =	shalt  }
0x69: {  	_ =	shalt  }
0x6a: {  	_ =	shalt  }
0x6b: {  	_ =	shalt  }
0x6c: {  	_ =	shalt  }
0x6d: {  	_ =	shalt  }
0x6e: {  	_ =	shalt  }
0x6f: {  	_ =	shalt  }
0x70: {  	_ =	shalt  }
0x71: {  	_ =	shalt  }
0x72: {  	_ =	shalt  }
0x73: {  	_ =	shalt  }
0x74: {  	_ =	shalt  }
0x75: {  	_ =	shalt  }
0x76: {  	_ =	shalt  }
0x77: {  	_ =	shalt  }
0x78: {  	_ =	shalt  }
0x79: {  	_ =	shalt  }
0x7a: {  	_ =	shalt  }
0x7b: {  	_ =	shalt  }
0x7c: {  	_ =	shalt  }
0x7d: {  	_ =	shalt  }
0x7e: {  	_ =	shalt  }
0x7f: {  	_ =	shalt  }
0x80: {  	_ =	shalt  }
0x81: {  	_ =	shalt  }
0x82: {  	_ =	shalt  }
0x83: {  	_ =	shalt  }
0x84: {  	_ =	shalt  }
0x85: {  	_ =	shalt  }
0x86: {  	_ =	shalt  }
0x87: {  	_ =	shalt  }
.Lfunc_end0:
.L_simem_size_0:
called_computation.3_lowered:
.L_overlay_start_0:
0x88: {  	s2 =	sld [smem:$0x3FD9]  }
0x89: {  	s3 =	sld [smem:$0x3FFE];
	_ =	sdelay $0x1  }
0x8a: {  	s1 =	srdreg.scid  }
0x8b: {  	s0 =	sand.u32 $0x1, s1  }
0x8c: {  	s17 =	sshll.u32 s0, $0xA;
	s2 =	sadd.s32 s3, s2  }
0x8d: {  	s2 =	sadd.s32 s2, s17  }
0x8e: {  	[smem:$0x3F7F] =	sst s2  }
0x8f: {  	_ = 	snop  }
0x90: {  	(tm) =	ssettm $0x1  }
0x91: {  	s18 =	sld [smem:$0x3FFB];
	_ =	sdelay $0x3  }
0x92: {  	_ =	strace s18  }
0x93: {  	s2 =	sld [smem:$0x3FFC];
	_ =	sdelay $0x3  }
0x94: {  	_ =	strace s2  }
0x95: {  	s2 =	sld [smem:$0x3FFD];
	_ =	sdelay $0x3  }
0x96: {  	_ =	strace s2  }
0x97: {  	_ =	strace $0x8FFFFFFF  }
0x98: {  	s19 =	sld [smem:$0x3FDB];
	_ =	sdelay $0x1  }
0x99: {  	s20 =	simm.s32 $_scs_section_size  }
0x9a: {  	s4 =	simm.s32 $_size__tile_overlayer_lowered;
	s5 =	simm.s32 $_tile_overlayer_lowered  }
0x9b: {  	s6 =	simm.s32 $0x1BFF;
	s21 =	sshll.u32 s5, $0x1;
	s3 =	sadd.s32 s20, s19  }
0x9c: {  	s22 =	simm.s32 $0x0;
	s4 =	sshll.u32 s4, $0x1;
	s5 =	sadd.s32 s21, s3  }
0x9d: {  	[timem:s22], [sflag:s6] =	dma.local [hbm:s5], s4  }
0x9e: {  	_ =	swait.ge [sflag:s6], s4  }
0x9f: {  	s4 =	ssub.s32 $0x0, s4;
	[sflag:s6] =	ssyncset.done $0x0  }
0xa0: {  	[sflag:s6] =	ssyncadd.s32 s4;
	_ =	sdelay $0x1  }
0xa1: {  	s23 =	simm.s32 $0x1B8B  }
0xa2: {  	_ =	swait.ge [sflag:s23], $0x1  }
0xa3: {  	[sflag:s23] =	ssyncset.done $0x0  }
0xa4: {  	[sflag:s23] =	ssyncadd.s32 $0xFFFFFFFF  }
0xa5: {  	s4 =	sld [smem:$0x0]  }
0xa6: {  	s5 =	sand.u32 $0xFFFFFFFE, s1  }
0xa7: {  	p0 =	sne.s32 s1, s5  }
0xa8: {  	s5 =	sshll.u32 @p0 s5, $0xE  }
0xa9: {  	s5 =	sadd.s32 @p0 $0x11B8D, s5;
	s6 =	sshll.u32 @p0 s4, $0x11  }
0xaa: {  	s5 =	sor.u32 @p0 s6, s5  }
0xab: {  	[sflag:s5] =	ssyncadd.remote.s32 @p0 $0x1;
	_ =	sdelay $0x1  }
0xac: {  	s5 =	simm.s32 @p0 $0x1B8D  }
0xad: {  	_ =	swait.eq @p0 [sflag:s5], $0x1  }
0xae: {  	[sflag:s5] =	ssyncadd.s32 @p0 $0xFFFFFFFF  }
0xaf: {  	s6 =	sshll.u32 @!p0 s1, $0xE  }
0xb0: {  	s6 =	sor.u32 @!p0 $0x4000, s6;
	s5 =	simm.s32 @!p0 $0x1B8D  }
0xb1: {  	s4 =	sshll.u32 @!p0 s4, $0x11;
	s6 =	sadd.s32 @!p0 $0x11B8D, s6;
	_ =	swait.eq @!p0 [sflag:s5], $0x1  }
0xb2: {  	s4 =	sor.u32 @!p0 s4, s6;
	[sflag:s5] =	ssyncadd.s32 @!p0 $0xFFFFFFFF  }
0xb3: {  	s25 =	simm.s32 $0x1B8E;
	s24 =	sld [smem:$0x3FFE];
	[sflag:s4] =	ssyncadd.remote.s32 @!p0 $0x1  }
0xb4: {  	s26 =	simm.s32 $execute0_lowered;
	[smem:$0x3FD2] =	sst s25  }
0xb5: {  	s5 =	sshll.u32 s26, $0x1;
	_ =	strace $0x80000052;
	[dreg:$0x1] =	wrdreg $0xFFFFFFFF  }
0xb6: {  	s28 =	simm.s32 $_size_execute0_lowered;
	s3 =	sadd.s32 s3, s5;
	[dreg:$0x0] =	wrdreg $0x0  }
0xb7: {  	s5 =	sshll.u32 s28, $0x1;
	[dreg:$0x2] =	wrdreg s3  }
0xb8: {  	[dreg:$0x3] =	wrdreg s5  }
0xb9: {  	[dreg:$0x4] =	wrdreg $0xC0  }
0xba: {  	_ =	task [dreg:s22], $0x5FFFF  }
0xbb: {  	[dreg:$0x1] =	wrdreg $0xFFFFFFFF  }
0xbc: {  	[dreg:$0x0] =	wrdreg $0x60  }
0xbd: {  	[dreg:$0x2] =	wrdreg s24  }
0xbe: {  	[dreg:$0x3] =	wrdreg $0xA  }
0xbf: {  	_ =	task.clear_ibuf [dreg:s22], $0x4FFFF;
	_ =	strace $0x90000052  }
0xc0: {  	s29 =	simm.s32 $0xA;
	_ =	strace $0x80000054  }
0xc1: {  	_ =	swait.ge [sflag:s29], $0x1  }
0xc2: {  	[sflag:s29] =	ssyncadd.s32 $0xFFFFFFFF  }
0xc3: {  	_ =	strace $0x90000054  }
0xc4: {  	_ =	sfence  }
0xc5: {  	s30 =	sld [smem:$0x0];
	_ =	sdelay $0x2  }
0xc6: {  	s31 =	sshll.u32 s1, $0xD;
	s1 =	sshrl.u32 s1, $0x2  }
0xc7: {  	s4 =	sand.u32 $0x4000, s31;
	s1 =	sadd.s32 s1, s30  }
0xc8: {  	s0 =	sor.u32 s4, s0;
	s1 =	sshll.u32 s1, $0x11  }
0xc9: {  	s0 =	sor.u32 s1, s0  }
0xca: {  	s0 =	sadd.s32 $0x8F2B, s0  }
0xcb: {  	[sflag:s0] =	ssyncadd.remote.s32 $0x1  }
0xcc: {  	_ =	sfence.sel $0xFFFF  }
0xcd: {  	[dreg:$0x0] =	wrdreg $0xFFFFFFFF;
	(pc) =	sbr.abs _section_cstart, $3  }
0xce: {  	[dreg:$0x1] =	wrdreg $0xFFFFFFFF  }
0xcf: {  	_ =	task.clear_ibuf [dreg:s22], $0x2FFFF;
	_ =	strace $0x9FFFFFFF  }
0xd0: {  	(tm) =	ssettm $0x7FFFFFFF  }
0xd1: {  	_ =	shalt  }
tec
execute0_lowered:
.L_overlay_start_1:
0x0: {  	(tag) =	ssettag $0x1  }
0x1: {  	s1 =	srdreg.scid;
	s0 =	stileid.u32  }
0x2: {  	s20 =	sand.u32 $0x1, s1;
	s25 =	sshll.u32 s0, $0x1  }
0x3: {  	s11 =	sor.u32 s20, s25  }
0x4: {  	s18 =	smul.u32 $0x780, s11  }
0x5: {  	s12 =	rddreg [dreg:$0x0];
	s2 =	simm.s32 $0x0;
	s4 =	simm.s32 $0x5  }
0x6: {  	[smem:$0x7FF] =	sst s2;
	s19 =	sadd.s32 $0x13E00, s12;
	s3 =	sshrl.u32 s18, $0x3  }
0x7: {  	s1 =	rddreg [dreg:$0x1];
	_ =	strace $0x80000053;
	s3 =	sadd.s32 s19, s3  }
0x8: {  	[tilespmem:s2], [sflag:$0x5] =	stream.linear.gather [hbm4b:s3+s2], $0x1E0, $0x38;
	[tilespmem:$0x1E400] =	vst v63  }
0x9: {  	_ =	swait.ge [sflag:s4], $0x1E0  }
0xa: {  	s6 =	simm.s32 $0x1E0;
	s7 =	simm.s32 $0x400;
	[sflag:s4] =	ssyncset.done $0x0  }
0xb: {  	s8 =	simm.s32 $0x1;
	s5 =	sadd.s32 $0x10DC00, s12;
	[sflag:s4] =	ssyncadd.s32 $0xFFFFFE20  }
0xc: {  	[tilespmem:s7], [sflag:$0x1] =	stream.indirect.gather [hbm4b:s5+s6], $0x80, s2, s6, $0xb8;
	[tilespmem:$0x1E400] =	vst v63  }
0xd: {  	s16 =	sadd.s32 $0x1E0, s18;
	_ =	swait.ge [sflag:s8], $0xF000  }
0xe: {  	s9 =	sshrl.u32 s16, $0x3;
	[sflag:s8] =	ssyncset.done $0x0  }
0xf: {  	s10 =	simm.s32 $0x200;
	s9 =	sadd.s32 s19, s9;
	[sflag:s8] =	ssyncadd.s32 $0xFFFF1000  }
0x10: {  	[tilespmem:s10], [sflag:$0x5] =	stream.linear.gather [hbm4b:s9+s2], $0x1E0, $0x38;
	[tilespmem:$0x1E400] =	vst v63  }
0x11: {  	_ =	swait.ge [sflag:s4], $0x1E0  }
0x12: {  	s21 =	sadd.s32 $0x115C00, s12;
	[sflag:s4] =	ssyncset.done $0x0  }
0x13: {  	s26 =	smul.u32 $0x7800, s11;
	s11 =	simm.s32 $0xF400;
	[sflag:s4] =	ssyncadd.s32 $0xFFFFFE20  }
0x14: {  	[tilespmem:s11], [sflag:$0x2] =	stream.indirect.gather [hbm4b:s5+s6], $0x80, s10, s6, $0xb8;
	[tilespmem:$0x1E400] =	vst v63  }
0x15: {  	s13 =	simm.s32 $0x2;
	s12 =	sadd.s32 s21, s26  }
0x16: {  	[hbm4b:s12+s2] =	stream.linear.scatter [tilespmem:s7], [sflag:$0x3], $0xF000, $0x38;
	[tilespmem:$0x1E400] =	vst v63  }
0x17: {  	_ =	swait.ge [sflag:s13], $0xF000  }
0x18: {  	[sflag:s13] =	ssyncset.done $0x0  }
0x19: {  	s14 =	simm.s32 $0x3;
	[sflag:s13] =	ssyncadd.s32 $0xFFFF1000  }
0x1a: {  	s22 =	sadd.s32 $0x3C0, s18;
	_ =	swait.ge [sflag:s14], $0xF000  }
0x1b: {  	s15 =	sshrl.u32 s22, $0x3;
	[sflag:s14] =	ssyncset.done $0x0  }
0x1c: {  	s15 =	sadd.s32 s19, s15;
	[sflag:s14] =	ssyncadd.s32 $0xFFFF1000  }
0x1d: {  	[tilespmem:s2], [sflag:$0x5] =	stream.linear.gather [hbm4b:s15+s2], $0x1E0, $0x38;
	[tilespmem:$0x1E400] =	vst v63  }
0x1e: {  	_ =	swait.ge [sflag:s4], $0x1E0  }
0x1f: {  	[sflag:s4] =	ssyncset.done $0x0  }
0x20: {  	s16 =	sshll.u32 s16, $0x4;
	[sflag:s4] =	ssyncadd.s32 $0xFFFFFE20  }
0x21: {  	[tilespmem:s7], [sflag:$0x1] =	stream.indirect.gather [hbm4b:s5+s6], $0x80, s2, s6, $0xb8;
	[tilespmem:$0x1E400] =	vst v63  }
0x22: {  	s16 =	sadd.s32 s21, s16  }
0x23: {  	[hbm4b:s16+s2] =	stream.linear.scatter [tilespmem:s11], [sflag:$0x4], $0xF000, $0x38;
	[tilespmem:$0x1E400] =	vst v63  }
0x24: {  	_ =	swait.ge [sflag:s8], $0xF000  }
0x25: {  	[sflag:s8] =	ssyncset.done $0x0  }
0x26: {  	s17 =	simm.s32 $0x4;
	[sflag:s8] =	ssyncadd.s32 $0xFFFF1000  }
0x27: {  	s23 =	sadd.s32 $0x5A0, s18;
	_ =	swait.ge [sflag:s17], $0xF000  }
0x28: {  	s18 =	sshrl.u32 s23, $0x3;
	[sflag:s17] =	ssyncset.done $0x0  }
0x29: {  	s18 =	sadd.s32 s19, s18;
	[sflag:s17] =	ssyncadd.s32 $0xFFFF1000  }
0x2a: {  	[tilespmem:s10], [sflag:$0x5] =	stream.linear.gather [hbm4b:s18+s2], $0x1E0, $0x38;
	[tilespmem:$0x1E400] =	vst v63  }
0x2b: {  	_ =	swait.ge [sflag:s4], $0x1E0  }
0x2c: {  	[sflag:s4] =	ssyncset.done $0x0  }
0x2d: {  	s30 =	ssub.s32 $0x2, s20;
	s28 =	sshll.u32 s22, $0x4;
	[sflag:s4] =	ssyncadd.s32 $0xFFFFFE20  }
0x2e: {  	[tilespmem:s11], [sflag:$0x2] =	stream.indirect.gather [hbm4b:s5+s6], $0x80, s10, s6, $0xb8;
	[tilespmem:$0x1E400] =	vst v63  }
0x2f: {  	s31 =	sshrl.u32 s30, $0x1;
	s29 =	sshll.u32 s23, $0x4;
	s19 =	sadd.s32 s21, s28  }
0x30: {  	[hbm4b:s19+s2] =	stream.linear.scatter [tilespmem:s7], [sflag:$0x3], $0xF000, $0x38;
	[tilespmem:$0x1E400] =	vst v63  }
0x31: {  	s20 =	sadd.s32 s21, s29;
	s21 =	ssub.s32 s30, s31;
	_ =	swait.ge [sflag:s13], $0xF000  }
0x32: {  	s21 =	smax.u32 s21, $0x1;
	[sflag:s13] =	ssyncset.done $0x0  }
0x33: {  	p0 =	sne.s32 s21, $0x1;
	[sflag:s13] =	ssyncadd.s32 $0xFFFF1000  }
0x34: {  	[hbm4b:s20+s2] =	stream.linear.scatter [tilespmem:s11], [sflag:$0x4], $0xF000, $0x38;
	[tilespmem:$0x1E400] =	vst v63  }
.Ltmp0:
0x35: {  	_ =	swait.ge [sflag:s14], $0xF000;
	(pc) =	sbr.rel @!p0 .LBB2_2-.Ltmp0, $4  }
0x36: {  	[sflag:s14] =	ssyncset.done $0x0  }
0x37: {  	[sflag:s14] =	ssyncadd.s32 $0xFFFF1000  }
0x38: {  	_ =	swait.ge [sflag:s17], $0xF000  }
0x39: {  	s21 =	sadd.s32 $0xFFFFFFFF, s21;
	[sflag:s17] =	ssyncset.done $0x0  }
.LBB2_1:
0x3a: {  	p0 =	sne.s32 s21, $0x1;
	s21 =	sadd.s32 $0xFFFFFFFF, s21;
	[sflag:s17] =	ssyncadd.s32 $0xFFFF1000  }
0x3b: {  	[tilespmem:s2], [sflag:$0x5] =	stream.linear.gather [hbm4b:s3+s2], $0x1E0, $0x38;
	[tilespmem:$0x1E400] =	vst v63  }
0x3c: {  	_ =	swait.ge [sflag:s4], $0x1E0  }
0x3d: {  	[sflag:s4] =	ssyncset.done $0x0  }
0x3e: {  	[sflag:s4] =	ssyncadd.s32 $0xFFFFFE20  }
0x3f: {  	[tilespmem:s7], [sflag:$0x1] =	stream.indirect.gather [hbm4b:s5+s6], $0x80, s2, s6, $0xb8;
	[tilespmem:$0x1E400] =	vst v63  }
0x40: {  	_ =	swait.ge [sflag:s8], $0xF000  }
0x41: {  	[sflag:s8] =	ssyncset.done $0x0  }
0x42: {  	[sflag:s8] =	ssyncadd.s32 $0xFFFF1000  }
0x43: {  	[tilespmem:s10], [sflag:$0x5] =	stream.linear.gather [hbm4b:s9+s2], $0x1E0, $0x38;
	[tilespmem:$0x1E400] =	vst v63  }
0x44: {  	_ =	swait.ge [sflag:s4], $0x1E0  }
0x45: {  	[sflag:s4] =	ssyncset.done $0x0  }
0x46: {  	[sflag:s4] =	ssyncadd.s32 $0xFFFFFE20  }
0x47: {  	[tilespmem:s11], [sflag:$0x2] =	stream.indirect.gather [hbm4b:s5+s6], $0x80, s10, s6, $0xb8;
	[tilespmem:$0x1E400] =	vst v63  }
0x48: {  	_ = 	snop  }
0x49: {  	[hbm4b:s12+s2] =	stream.linear.scatter [tilespmem:s7], [sflag:$0x3], $0xF000, $0x38;
	[tilespmem:$0x1E400] =	vst v63  }
0x4a: {  	_ =	swait.ge [sflag:s13], $0xF000  }
0x4b: {  	[sflag:s13] =	ssyncset.done $0x0  }
0x4c: {  	[sflag:s13] =	ssyncadd.s32 $0xFFFF1000  }
0x4d: {  	_ =	swait.ge [sflag:s14], $0xF000  }
0x4e: {  	[sflag:s14] =	ssyncset.done $0x0  }
0x4f: {  	[sflag:s14] =	ssyncadd.s32 $0xFFFF1000  }
0x50: {  	[tilespmem:s2], [sflag:$0x5] =	stream.linear.gather [hbm4b:s15+s2], $0x1E0, $0x38;
	[tilespmem:$0x1E400] =	vst v63  }
0x51: {  	_ =	swait.ge [sflag:s4], $0x1E0  }
0x52: {  	[sflag:s4] =	ssyncset.done $0x0  }
0x53: {  	[sflag:s4] =	ssyncadd.s32 $0xFFFFFE20  }
0x54: {  	[tilespmem:s7], [sflag:$0x1] =	stream.indirect.gather [hbm4b:s5+s6], $0x80, s2, s6, $0xb8;
	[tilespmem:$0x1E400] =	vst v63  }
0x55: {  	_ = 	snop  }
0x56: {  	[hbm4b:s16+s2] =	stream.linear.scatter [tilespmem:s11], [sflag:$0x4], $0xF000, $0x38;
	[tilespmem:$0x1E400] =	vst v63  }
0x57: {  	_ =	swait.ge [sflag:s8], $0xF000  }
0x58: {  	[sflag:s8] =	ssyncset.done $0x0  }
0x59: {  	[sflag:s8] =	ssyncadd.s32 $0xFFFF1000  }
0x5a: {  	_ =	swait.ge [sflag:s17], $0xF000  }
0x5b: {  	[sflag:s17] =	ssyncset.done $0x0  }
0x5c: {  	[sflag:s17] =	ssyncadd.s32 $0xFFFF1000  }
0x5d: {  	[tilespmem:s10], [sflag:$0x5] =	stream.linear.gather [hbm4b:s18+s2], $0x1E0, $0x38;
	[tilespmem:$0x1E400] =	vst v63  }
0x5e: {  	_ =	swait.ge [sflag:s4], $0x1E0  }
0x5f: {  	[sflag:s4] =	ssyncset.done $0x0  }
0x60: {  	[sflag:s4] =	ssyncadd.s32 $0xFFFFFE20  }
0x61: {  	[tilespmem:s11], [sflag:$0x2] =	stream.indirect.gather [hbm4b:s5+s6], $0x80, s10, s6, $0xb8;
	[tilespmem:$0x1E400] =	vst v63  }
0x62: {  	_ = 	snop  }
0x63: {  	[hbm4b:s19+s2] =	stream.linear.scatter [tilespmem:s7], [sflag:$0x3], $0xF000, $0x38;
	[tilespmem:$0x1E400] =	vst v63  }
0x64: {  	_ =	swait.ge [sflag:s13], $0xF000  }
0x65: {  	[sflag:s13] =	ssyncset.done $0x0  }
0x66: {  	[sflag:s13] =	ssyncadd.s32 $0xFFFF1000  }
0x67: {  	[hbm4b:s20+s2] =	stream.linear.scatter [tilespmem:s11], [sflag:$0x4], $0xF000, $0x38;
	[tilespmem:$0x1E400] =	vst v63  }
.Ltmp1:
0x68: {  	_ =	swait.ge [sflag:s14], $0xF000;
	(pc) =	sbr.rel @p0 .LBB2_1-.Ltmp1, $4  }
0x69: {  	[sflag:s14] =	ssyncset.done $0x0  }
0x6a: {  	[sflag:s14] =	ssyncadd.s32 $0xFFFF1000  }
0x6b: {  	_ =	swait.ge [sflag:s17], $0xF000  }
0x6c: {  	[sflag:s17] =	ssyncset.done $0x0  }
.LBB2_2:
0x6d: {  	[sflag:s17] =	ssyncadd.s32 $0xFFFF1000  }
0x6e: {  	_ =	sfence.sel $0x180000  }
0x6f: {  	[bflag:$0x0] =	sbarrier.arrive $0xFFFF  }
0x70: {  	p0 =	sne.s32 s0, $0x0;
	_ =	strace $0x90000053  }
0x71: {  	s0 =	sadd.s32 @!p0 $0x100000, s1;
	[bflag:$0x2] =	sbarrier.arrive $0xFFFF  }
0x72: {  	[sflag:s0] =	ssyncadd.tile.s32 @!p0 $0x1;
	_ =	shalt  }
.Lfunc_end2:
_tile_overlayer_lowered:
.L_overlay_start_2:
0x73: {  	(tag) =	ssettag $0x2  }
0x74: {  	s0 =	rddreg [dreg:$0x0];
	s2 =	stileid.u32  }
0x75: {  	s1 =	rddreg [dreg:$0x1];
	p0 =	sne.s32 s2, $0x0  }
0x76: {  	s3 =	rddreg [dreg:$0x2];
	[bflag:$0x3] =	sbarrier.arrive $0xFFFF;
	s2 =	simm.s32 @!p0 $0x1C05  }
0x77: {  	[timem:s3], [sflag:s2] =	dma.local @!p0 [hbm:s0], s1  }
0x78: {  	s0 =	simm.s32 @!p0 $0x5  }
0x79: {  	_ =	swait.ge @!p0 [sflag:s0], s1  }
0x7a: {  	s1 =	ssub.s32 @!p0 $0x0, s1;
	[sflag:s0] =	ssyncset.done @!p0 $0x0  }
0x7b: {  	[sflag:s0] =	ssyncadd.s32 @!p0 s1  }
0x7c: {  	[bflag:$0x3] =	sbarrier.arrive $0xFFFF  }
0x7d: {  	_ =	shalt  }

// kernel: kernel.43.cloned.1.call-start
scs
__scs_entry_jumppad:
0x0: {  	(pc) =	sbr.rel $0x88, $3  }
0x1: {  	(tag) =	ssettag $0x0;
	lr =	simm.s32 $0x1  }
0x2: {  	[smem:$0x3F58] =	sst lr;
	_ =	strace $0xD0000000  }
0x3: {  	_ = 	snop  }
0x4: {  	_ = 	snop  }
0x5: {  	_ = 	snop  }
0x6: {  	_ = 	snop  }
0x7: {  	_ = 	snop  }
__scs_overlays_trampoline_lowered:
0x8: {  	[smem:$0x3F67] =	sst s0  }
0x9: {  	[smem:$0x3F68] =	sst s1  }
0xa: {  	[smem:$0x3F69] =	sst s2  }
0xb: {  	[smem:$0x3F6A] =	sst s3  }
0xc: {  	[smem:$0x3F6B] =	sst s4  }
0xd: {  	[smem:$0x3F6C] =	sst s5  }
0xe: {  	[smem:$0x3F6D] =	sst s6  }
0xf: {  	[smem:$0x3F6E] =	sst s7  }
0x10: {  	[smem:$0x3F6F] =	sst s8  }
0x11: {  	[smem:$0x3F70] =	sst s9;
	s0 =	simm.s32 @!p0 $0x0  }
0x12: {  	s1 =	sld [smem:$0x3F56];
	s0 =	simm.s32 @p0 $0x1  }
0x13: {  	[smem:$0x3F71] =	sst s0;
	s0 =	simm.s32 @!p1 $0x0  }
0x14: {  	s2 =	sld [smem:$0x3F55];
	s0 =	simm.s32 @p1 $0x1  }
0x15: {  	[smem:$0x3F72] =	sst s0;
	s0 =	simm.s32 @!p2 $0x0  }
0x16: {  	s3 =	sld [smem:$0x3FDB];
	s0 =	simm.s32 @p2 $0x1  }
0x17: {  	s4 =	simm.s32 $0x1BF5;
	[smem:$0x3F74] =	sst s0  }
0x18: {  	s0 =	sld [smem:$0x3F57];
	_ =	swait.ge [sflag:s4], $0x0  }
0x19: {  	s7 =	sld [smem:$0x3F58]  }
0x1a: {  	s8 =	sadd.s32 $0xFFFFE003, lr  }
0x1b: {  	s9 =	sadd.s32 $0xFFFFFEF7, lr;
	s5 =	simm.s32 $0xFFFFFFFF;
	p2 =	slt.u32 s8, $0xFFFFF086  }
0x1c: {  	p1 =	slt.u32 s9, $0xF7A;
	s5 =	simm.s32 @!p2 $0x0  }
0x1d: {  	s5 =	simm.s32 @p1 $0x1;
	p0 =	seq.s32 s7, s2  }
0x1e: {  	s7 =	smul.u32 @!p0 $0xF7A, s2;
	p2 =	seq.s32 @!p0 s5, $0x0  }
0x1f: {  	s9 =	smul.u32 $0xF7A, s1;
	s8 =	simm.s32 @!p0 $0x1BF5;
	p2 =	por !p2, p0  }
0x20: {  	[sflag:s8] =	ssyncset.s32 @!p0 $0xFFFFF086;
	s6 =	sadd.s32 @!p0 s3, s7;
	s7 =	simm.s32 @!p0 $0x108  }
0x21: {  	s3 =	sadd.s32 s3, s9;
	s6 =	sadd.s32 @!p0 $0x88, s6;
	s7 =	simm.s32 @p2 $0x1082  }
0x22: {  	[simem:s7], [sflag:s8] =	dma.local @!p0 [hbm:s6], $0xF7A  }
0x23: {  	s9 =	sor.u32 $0xD0000000, s2;
	s6 =	simm.s32 $0x108;
	_ =	swait.ge @!p0 [sflag:s8], $0x0  }
0x24: {  	s3 =	sadd.s32 $0x88, s3;
	s6 =	simm.s32 @!p1 $0x1082;
	[sflag:s4] =	ssyncset.s32 $0xFFFFF086  }
0x25: {  	[simem:s6], [sflag:s4] =	dma.local [hbm:s3], $0xF7A  }
0x26: {  	[smem:$0x3F58] =	sst s1;
	(tag) =	ssettag s2;
	_ =	strace s9  }
0x27: {  	s1 =	sld [smem:$0x3F68]  }
0x28: {  	s2 =	sld [smem:$0x3F69]  }
0x29: {  	s4 =	sld [smem:$0x3F6B]  }
0x2a: {  	p0 =	seq.s32 s5, $0x0;
	s5 =	sld [smem:$0x3F6C]  }
0x2b: {  	s6 =	sld [smem:$0x3F6D]  }
0x2c: {  	s7 =	sld [smem:$0x3F6E]  }
0x2d: {  	s3 =	simm.s32 $0x108;
	s8 =	sld [smem:$0x3F6F]  }
0x2e: {  	s3 =	simm.s32 @!p0 $0x1082;
	s9 =	sld [smem:$0x3F70]  }
0x2f: {  	lr =	sadd.s32 s0, s3;
	s0 =	sld [smem:$0x3F67]  }
0x30: {  	s3 =	sld [smem:$0x3F6A]  }
0x31: {  	[smem:$0x3F73] =	sst s10  }
0x32: {  	s10 =	sld [smem:$0x3F71];
	_ =	sdelay $0x3  }
0x33: {  	p0 =	seq.s32 s10, $0x1;
	s10 =	sld [smem:$0x3F73];
	_ =	sdelay $0x3  }
0x34: {  	[smem:$0x3F73] =	sst s10  }
0x35: {  	s10 =	sld [smem:$0x3F72];
	_ =	sdelay $0x3  }
0x36: {  	p1 =	seq.s32 s10, $0x1;
	s10 =	sld [smem:$0x3F73];
	_ =	sdelay $0x3  }
0x37: {  	[smem:$0x3F73] =	sst s10  }
0x38: {  	s10 =	sld [smem:$0x3F74]  }
0x39: {  	_ = 	snop;
	(pc) =	sbr.ind lr, $3  }
0x3a: {  	_ = 	snop  }
0x3b: {  	_ = 	snop  }
0x3c: {  	p2 =	seq.s32 s10, $0x1;
	s10 =	sld [smem:$0x3F73]  }
0x3d: {  	_ =	shalt  }
0x3e: {  	_ =	shalt  }
0x3f: {  	_ =	shalt  }
0x40: {  	_ =	shalt  }
0x41: {  	_ =	shalt  }
0x42: {  	_ =	shalt  }
0x43: {  	_ =	shalt  }
0x44: {  	_ =	shalt  }
0x45: {  	_ =	shalt  }
0x46: {  	_ =	shalt  }
0x47: {  	_ =	shalt  }
0x48: {  	_ =	shalt  }
0x49: {  	_ =	shalt  }
0x4a: {  	_ =	shalt  }
0x4b: {  	_ =	shalt  }
0x4c: {  	_ =	shalt  }
0x4d: {  	_ =	shalt  }
0x4e: {  	_ =	shalt  }
0x4f: {  	_ =	shalt  }
0x50: {  	_ =	shalt  }
0x51: {  	_ =	shalt  }
0x52: {  	_ =	shalt  }
0x53: {  	_ =	shalt  }
0x54: {  	_ =	shalt  }
0x55: {  	_ =	shalt  }
0x56: {  	_ =	shalt  }
0x57: {  	_ =	shalt  }
0x58: {  	_ =	shalt  }
0x59: {  	_ =	shalt  }
0x5a: {  	_ =	shalt  }
0x5b: {  	_ =	shalt  }
0x5c: {  	_ =	shalt  }
0x5d: {  	_ =	shalt  }
0x5e: {  	_ =	shalt  }
0x5f: {  	_ =	shalt  }
0x60: {  	_ =	shalt  }
0x61: {  	_ =	shalt  }
0x62: {  	_ =	shalt  }
0x63: {  	_ =	shalt  }
0x64: {  	_ =	shalt  }
0x65: {  	_ =	shalt  }
0x66: {  	_ =	shalt  }
0x67: {  	_ =	shalt  }
0x68: {  	_ =	shalt  }
0x69: {  	_ =	shalt  }
0x6a: {  	_ =	shalt  }
0x6b: {  	_ =	shalt  }
0x6c: {  	_ =	shalt  }
0x6d: {  	_ =	shalt  }
0x6e: {  	_ =	shalt  }
0x6f: {  	_ =	shalt  }
0x70: {  	_ =	shalt  }
0x71: {  	_ =	shalt  }
0x72: {  	_ =	shalt  }
0x73: {  	_ =	shalt  }
0x74: {  	_ =	shalt  }
0x75: {  	_ =	shalt  }
0x76: {  	_ =	shalt  }
0x77: {  	_ =	shalt  }
0x78: {  	_ =	shalt  }
0x79: {  	_ =	shalt  }
0x7a: {  	_ =	shalt  }
0x7b: {  	_ =	shalt  }
0x7c: {  	_ =	shalt  }
0x7d: {  	_ =	shalt  }
0x7e: {  	_ =	shalt  }
0x7f: {  	_ =	shalt  }
0x80: {  	_ =	shalt  }
0x81: {  	_ =	shalt  }
0x82: {  	_ =	shalt  }
0x83: {  	_ =	shalt  }
0x84: {  	_ =	shalt  }
0x85: {  	_ =	shalt  }
0x86: {  	_ =	shalt  }
0x87: {  	_ =	shalt  }
.Lfunc_end0:
.L_simem_size_0:
called_computation.4_lowered:
.L_overlay_start_0:
0x88: {  	s2 =	sld [smem:$0x3FD9]  }
0x89: {  	s3 =	sld [smem:$0x3FFE];
	_ =	sdelay $0x1  }
0x8a: {  	s1 =	srdreg.scid  }
0x8b: {  	s0 =	sand.u32 $0x1, s1  }
0x8c: {  	s17 =	sshll.u32 s0, $0xA;
	s2 =	sadd.s32 s3, s2  }
0x8d: {  	s2 =	sadd.s32 s2, s17  }
0x8e: {  	[smem:$0x3F7F] =	sst s2  }
0x8f: {  	_ = 	snop  }
0x90: {  	(tm) =	ssettm $0x1  }
0x91: {  	s18 =	sld [smem:$0x3FFB];
	_ =	sdelay $0x3  }
0x92: {  	_ =	strace s18  }
0x93: {  	s2 =	sld [smem:$0x3FFC];
	_ =	sdelay $0x3  }
0x94: {  	_ =	strace s2  }
0x95: {  	s2 =	sld [smem:$0x3FFD];
	_ =	sdelay $0x3  }
0x96: {  	_ =	strace s2  }
0x97: {  	_ =	strace $0x8FFFFFFF  }
0x98: {  	s19 =	sld [smem:$0x3FDB];
	_ =	sdelay $0x1  }
0x99: {  	s20 =	simm.s32 $_scs_section_size  }
0x9a: {  	s4 =	simm.s32 $_size__tile_overlayer_lowered;
	s5 =	simm.s32 $_tile_overlayer_lowered  }
0x9b: {  	s6 =	simm.s32 $0x1BFF;
	s21 =	sshll.u32 s5, $0x1;
	s3 =	sadd.s32 s20, s19  }
0x9c: {  	s22 =	simm.s32 $0x0;
	s4 =	sshll.u32 s4, $0x1;
	s5 =	sadd.s32 s21, s3  }
0x9d: {  	[timem:s22], [sflag:s6] =	dma.local [hbm:s5], s4  }
0x9e: {  	_ =	swait.ge [sflag:s6], s4  }
0x9f: {  	s4 =	ssub.s32 $0x0, s4;
	[sflag:s6] =	ssyncset.done $0x0  }
0xa0: {  	[sflag:s6] =	ssyncadd.s32 s4;
	_ =	sdelay $0x1  }
0xa1: {  	s23 =	simm.s32 $0x1B8B  }
0xa2: {  	_ =	swait.ge [sflag:s23], $0x1  }
0xa3: {  	[sflag:s23] =	ssyncset.done $0x0  }
0xa4: {  	[sflag:s23] =	ssyncadd.s32 $0xFFFFFFFF  }
0xa5: {  	s4 =	sld [smem:$0x0]  }
0xa6: {  	s5 =	sand.u32 $0xFFFFFFFE, s1  }
0xa7: {  	p0 =	sne.s32 s1, s5  }
0xa8: {  	s5 =	sshll.u32 @p0 s5, $0xE  }
0xa9: {  	s5 =	sadd.s32 @p0 $0x11B8D, s5;
	s6 =	sshll.u32 @p0 s4, $0x11  }
0xaa: {  	s5 =	sor.u32 @p0 s6, s5  }
0xab: {  	[sflag:s5] =	ssyncadd.remote.s32 @p0 $0x1;
	_ =	sdelay $0x1  }
0xac: {  	s5 =	simm.s32 @p0 $0x1B8D  }
0xad: {  	_ =	swait.eq @p0 [sflag:s5], $0x1  }
0xae: {  	[sflag:s5] =	ssyncadd.s32 @p0 $0xFFFFFFFF  }
0xaf: {  	s6 =	sshll.u32 @!p0 s1, $0xE  }
0xb0: {  	s6 =	sor.u32 @!p0 $0x4000, s6;
	s5 =	simm.s32 @!p0 $0x1B8D  }
0xb1: {  	s4 =	sshll.u32 @!p0 s4, $0x11;
	s6 =	sadd.s32 @!p0 $0x11B8D, s6;
	_ =	swait.eq @!p0 [sflag:s5], $0x1  }
0xb2: {  	s4 =	sor.u32 @!p0 s4, s6;
	[sflag:s5] =	ssyncadd.s32 @!p0 $0xFFFFFFFF  }
0xb3: {  	s25 =	simm.s32 $0x1B8E;
	s24 =	sld [smem:$0x3FFE];
	[sflag:s4] =	ssyncadd.remote.s32 @!p0 $0x1  }
0xb4: {  	s26 =	simm.s32 $execute0_lowered;
	[smem:$0x3FD2] =	sst s25  }
0xb5: {  	s5 =	sshll.u32 s26, $0x1;
	_ =	strace $0x80000055;
	[dreg:$0x1] =	wrdreg $0xFFFFFFFF  }
0xb6: {  	s28 =	simm.s32 $_size_execute0_lowered;
	s3 =	sadd.s32 s3, s5;
	[dreg:$0x0] =	wrdreg $0x0  }
0xb7: {  	s5 =	sshll.u32 s28, $0x1;
	[dreg:$0x2] =	wrdreg s3  }
0xb8: {  	[dreg:$0x3] =	wrdreg s5  }
0xb9: {  	[dreg:$0x4] =	wrdreg $0xC0  }
0xba: {  	_ =	task [dreg:s22], $0x5FFFF  }
0xbb: {  	[dreg:$0x1] =	wrdreg $0xFFFFFFFF  }
0xbc: {  	[dreg:$0x0] =	wrdreg $0x60  }
0xbd: {  	[dreg:$0x2] =	wrdreg s24  }
0xbe: {  	[dreg:$0x3] =	wrdreg $0x9  }
0xbf: {  	_ =	task.clear_ibuf [dreg:s22], $0x4FFFF;
	_ =	strace $0x90000055  }
0xc0: {  	s29 =	simm.s32 $0x9;
	_ =	strace $0x80000057  }
0xc1: {  	_ =	swait.ge [sflag:s29], $0x1  }
0xc2: {  	[sflag:s29] =	ssyncadd.s32 $0xFFFFFFFF  }
0xc3: {  	_ =	strace $0x90000057  }
0xc4: {  	_ =	sfence  }
0xc5: {  	s30 =	sld [smem:$0x0];
	_ =	sdelay $0x2  }
0xc6: {  	s31 =	sshll.u32 s1, $0xD;
	s1 =	sshrl.u32 s1, $0x2  }
0xc7: {  	s4 =	sand.u32 $0x4000, s31;
	s1 =	sadd.s32 s1, s30  }
0xc8: {  	s0 =	sor.u32 s4, s0;
	s1 =	sshll.u32 s1, $0x11  }
0xc9: {  	s0 =	sor.u32 s1, s0  }
0xca: {  	s0 =	sadd.s32 $0x8F2B, s0  }
0xcb: {  	[sflag:s0] =	ssyncadd.remote.s32 $0x1  }
0xcc: {  	_ =	sfence.sel $0xFFFF  }
0xcd: {  	[dreg:$0x0] =	wrdreg $0xFFFFFFFF;
	(pc) =	sbr.abs _section_cstart, $3  }
0xce: {  	[dreg:$0x1] =	wrdreg $0xFFFFFFFF  }
0xcf: {  	_ =	task.clear_ibuf [dreg:s22], $0x2FFFF;
	_ =	strace $0x9FFFFFFF  }
0xd0: {  	(tm) =	ssettm $0x7FFFFFFF  }
0xd1: {  	_ =	shalt  }
tec
execute0_lowered:
.L_overlay_start_1:
0x0: {  	(tag) =	ssettag $0x1  }
0x1: {  	s1 =	srdreg.scid;
	s0 =	stileid.u32  }
0x2: {  	s20 =	sand.u32 $0x1, s1;
	s25 =	sshll.u32 s0, $0x1  }
0x3: {  	s11 =	sor.u32 s20, s25  }
0x4: {  	s18 =	smul.u32 $0x780, s11  }
0x5: {  	s12 =	rddreg [dreg:$0x0];
	s2 =	simm.s32 $0x0;
	s4 =	simm.s32 $0x5  }
0x6: {  	[smem:$0x7FF] =	sst s2;
	s19 =	sadd.s32 $0x13E00, s12;
	s3 =	sshrl.u32 s18, $0x3  }
0x7: {  	s1 =	rddreg [dreg:$0x1];
	_ =	strace $0x80000056;
	s3 =	sadd.s32 s19, s3  }
0x8: {  	[tilespmem:s2], [sflag:$0x5] =	stream.linear.gather [hbm4b:s3+s2], $0x1E0, $0x38;
	[tilespmem:$0x1E400] =	vst v63  }
0x9: {  	_ =	swait.ge [sflag:s4], $0x1E0  }
0xa: {  	s6 =	simm.s32 $0x1E0;
	s7 =	simm.s32 $0x400;
	[sflag:s4] =	ssyncset.done $0x0  }
0xb: {  	s8 =	simm.s32 $0x1;
	s5 =	sadd.s32 $0x205C00, s12;
	[sflag:s4] =	ssyncadd.s32 $0xFFFFFE20  }
0xc: {  	[tilespmem:s7], [sflag:$0x1] =	stream.indirect.gather [hbm4b:s5+s6], $0x80, s2, s6, $0xb8;
	[tilespmem:$0x1E400] =	vst v63  }
0xd: {  	s16 =	sadd.s32 $0x1E0, s18;
	_ =	swait.ge [sflag:s8], $0xF000  }
0xe: {  	s9 =	sshrl.u32 s16, $0x3;
	[sflag:s8] =	ssyncset.done $0x0  }
0xf: {  	s10 =	simm.s32 $0x200;
	s9 =	sadd.s32 s19, s9;
	[sflag:s8] =	ssyncadd.s32 $0xFFFF1000  }
0x10: {  	[tilespmem:s10], [sflag:$0x5] =	stream.linear.gather [hbm4b:s9+s2], $0x1E0, $0x38;
	[tilespmem:$0x1E400] =	vst v63  }
0x11: {  	_ =	swait.ge [sflag:s4], $0x1E0  }
0x12: {  	s21 =	sadd.s32 $0x3DDC00, s12;
	[sflag:s4] =	ssyncset.done $0x0  }
0x13: {  	s26 =	smul.u32 $0x7800, s11;
	s11 =	simm.s32 $0xF400;
	[sflag:s4] =	ssyncadd.s32 $0xFFFFFE20  }
0x14: {  	[tilespmem:s11], [sflag:$0x2] =	stream.indirect.gather [hbm4b:s5+s6], $0x80, s10, s6, $0xb8;
	[tilespmem:$0x1E400] =	vst v63  }
0x15: {  	s13 =	simm.s32 $0x2;
	s12 =	sadd.s32 s21, s26  }
0x16: {  	[hbm4b:s12+s2] =	stream.linear.scatter [tilespmem:s7], [sflag:$0x3], $0xF000, $0x38;
	[tilespmem:$0x1E400] =	vst v63  }
0x17: {  	_ =	swait.ge [sflag:s13], $0xF000  }
0x18: {  	[sflag:s13] =	ssyncset.done $0x0  }
0x19: {  	s14 =	simm.s32 $0x3;
	[sflag:s13] =	ssyncadd.s32 $0xFFFF1000  }
0x1a: {  	s22 =	sadd.s32 $0x3C0, s18;
	_ =	swait.ge [sflag:s14], $0xF000  }
0x1b: {  	s15 =	sshrl.u32 s22, $0x3;
	[sflag:s14] =	ssyncset.done $0x0  }
0x1c: {  	s15 =	sadd.s32 s19, s15;
	[sflag:s14] =	ssyncadd.s32 $0xFFFF1000  }
0x1d: {  	[tilespmem:s2], [sflag:$0x5] =	stream.linear.gather [hbm4b:s15+s2], $0x1E0, $0x38;
	[tilespmem:$0x1E400] =	vst v63  }
0x1e: {  	_ =	swait.ge [sflag:s4], $0x1E0  }
0x1f: {  	[sflag:s4] =	ssyncset.done $0x0  }
0x20: {  	s16 =	sshll.u32 s16, $0x4;
	[sflag:s4] =	ssyncadd.s32 $0xFFFFFE20  }
0x21: {  	[tilespmem:s7], [sflag:$0x1] =	stream.indirect.gather [hbm4b:s5+s6], $0x80, s2, s6, $0xb8;
	[tilespmem:$0x1E400] =	vst v63  }
0x22: {  	s16 =	sadd.s32 s21, s16  }
0x23: {  	[hbm4b:s16+s2] =	stream.linear.scatter [tilespmem:s11], [sflag:$0x4], $0xF000, $0x38;
	[tilespmem:$0x1E400] =	vst v63  }
0x24: {  	_ =	swait.ge [sflag:s8], $0xF000  }
0x25: {  	[sflag:s8] =	ssyncset.done $0x0  }
0x26: {  	s17 =	simm.s32 $0x4;
	[sflag:s8] =	ssyncadd.s32 $0xFFFF1000  }
0x27: {  	s23 =	sadd.s32 $0x5A0, s18;
	_ =	swait.ge [sflag:s17], $0xF000  }
0x28: {  	s18 =	sshrl.u32 s23, $0x3;
	[sflag:s17] =	ssyncset.done $0x0  }
0x29: {  	s18 =	sadd.s32 s19, s18;
	[sflag:s17] =	ssyncadd.s32 $0xFFFF1000  }
0x2a: {  	[tilespmem:s10], [sflag:$0x5] =	stream.linear.gather [hbm4b:s18+s2], $0x1E0, $0x38;
	[tilespmem:$0x1E400] =	vst v63  }
0x2b: {  	_ =	swait.ge [sflag:s4], $0x1E0  }
0x2c: {  	[sflag:s4] =	ssyncset.done $0x0  }
0x2d: {  	s30 =	ssub.s32 $0x2, s20;
	s28 =	sshll.u32 s22, $0x4;
	[sflag:s4] =	ssyncadd.s32 $0xFFFFFE20  }
0x2e: {  	[tilespmem:s11], [sflag:$0x2] =	stream.indirect.gather [hbm4b:s5+s6], $0x80, s10, s6, $0xb8;
	[tilespmem:$0x1E400] =	vst v63  }
0x2f: {  	s31 =	sshrl.u32 s30, $0x1;
	s29 =	sshll.u32 s23, $0x4;
	s19 =	sadd.s32 s21, s28  }
0x30: {  	[hbm4b:s19+s2] =	stream.linear.scatter [tilespmem:s7], [sflag:$0x3], $0xF000, $0x38;
	[tilespmem:$0x1E400] =	vst v63  }
0x31: {  	s20 =	sadd.s32 s21, s29;
	s21 =	ssub.s32 s30, s31;
	_ =	swait.ge [sflag:s13], $0xF000  }
0x32: {  	s21 =	smax.u32 s21, $0x1;
	[sflag:s13] =	ssyncset.done $0x0  }
0x33: {  	p0 =	sne.s32 s21, $0x1;
	[sflag:s13] =	ssyncadd.s32 $0xFFFF1000  }
0x34: {  	[hbm4b:s20+s2] =	stream.linear.scatter [tilespmem:s11], [sflag:$0x4], $0xF000, $0x38;
	[tilespmem:$0x1E400] =	vst v63  }
.Ltmp0:
0x35: {  	_ =	swait.ge [sflag:s14], $0xF000;
	(pc) =	sbr.rel @!p0 .LBB2_2-.Ltmp0, $4  }
0x36: {  	[sflag:s14] =	ssyncset.done $0x0  }
0x37: {  	[sflag:s14] =	ssyncadd.s32 $0xFFFF1000  }
0x38: {  	_ =	swait.ge [sflag:s17], $0xF000  }
0x39: {  	s21 =	sadd.s32 $0xFFFFFFFF, s21;
	[sflag:s17] =	ssyncset.done $0x0  }
.LBB2_1:
0x3a: {  	p0 =	sne.s32 s21, $0x1;
	s21 =	sadd.s32 $0xFFFFFFFF, s21;
	[sflag:s17] =	ssyncadd.s32 $0xFFFF1000  }
0x3b: {  	[tilespmem:s2], [sflag:$0x5] =	stream.linear.gather [hbm4b:s3+s2], $0x1E0, $0x38;
	[tilespmem:$0x1E400] =	vst v63  }
0x3c: {  	_ =	swait.ge [sflag:s4], $0x1E0  }
0x3d: {  	[sflag:s4] =	ssyncset.done $0x0  }
0x3e: {  	[sflag:s4] =	ssyncadd.s32 $0xFFFFFE20  }
0x3f: {  	[tilespmem:s7], [sflag:$0x1] =	stream.indirect.gather [hbm4b:s5+s6], $0x80, s2, s6, $0xb8;
	[tilespmem:$0x1E400] =	vst v63  }
0x40: {  	_ =	swait.ge [sflag:s8], $0xF000  }
0x41: {  	[sflag:s8] =	ssyncset.done $0x0  }
0x42: {  	[sflag:s8] =	ssyncadd.s32 $0xFFFF1000  }
0x43: {  	[tilespmem:s10], [sflag:$0x5] =	stream.linear.gather [hbm4b:s9+s2], $0x1E0, $0x38;
	[tilespmem:$0x1E400] =	vst v63  }
0x44: {  	_ =	swait.ge [sflag:s4], $0x1E0  }
0x45: {  	[sflag:s4] =	ssyncset.done $0x0  }
0x46: {  	[sflag:s4] =	ssyncadd.s32 $0xFFFFFE20  }
0x47: {  	[tilespmem:s11], [sflag:$0x2] =	stream.indirect.gather [hbm4b:s5+s6], $0x80, s10, s6, $0xb8;
	[tilespmem:$0x1E400] =	vst v63  }
0x48: {  	_ = 	snop  }
0x49: {  	[hbm4b:s12+s2] =	stream.linear.scatter [tilespmem:s7], [sflag:$0x3], $0xF000, $0x38;
	[tilespmem:$0x1E400] =	vst v63  }
0x4a: {  	_ =	swait.ge [sflag:s13], $0xF000  }
0x4b: {  	[sflag:s13] =	ssyncset.done $0x0  }
0x4c: {  	[sflag:s13] =	ssyncadd.s32 $0xFFFF1000  }
0x4d: {  	_ =	swait.ge [sflag:s14], $0xF000  }
0x4e: {  	[sflag:s14] =	ssyncset.done $0x0  }
0x4f: {  	[sflag:s14] =	ssyncadd.s32 $0xFFFF1000  }
0x50: {  	[tilespmem:s2], [sflag:$0x5] =	stream.linear.gather [hbm4b:s15+s2], $0x1E0, $0x38;
	[tilespmem:$0x1E400] =	vst v63  }
0x51: {  	_ =	swait.ge [sflag:s4], $0x1E0  }
0x52: {  	[sflag:s4] =	ssyncset.done $0x0  }
0x53: {  	[sflag:s4] =	ssyncadd.s32 $0xFFFFFE20  }
0x54: {  	[tilespmem:s7], [sflag:$0x1] =	stream.indirect.gather [hbm4b:s5+s6], $0x80, s2, s6, $0xb8;
	[tilespmem:$0x1E400] =	vst v63  }
0x55: {  	_ = 	snop  }
0x56: {  	[hbm4b:s16+s2] =	stream.linear.scatter [tilespmem:s11], [sflag:$0x4], $0xF000, $0x38;
	[tilespmem:$0x1E400] =	vst v63  }
0x57: {  	_ =	swait.ge [sflag:s8], $0xF000  }
0x58: {  	[sflag:s8] =	ssyncset.done $0x0  }
0x59: {  	[sflag:s8] =	ssyncadd.s32 $0xFFFF1000  }
0x5a: {  	_ =	swait.ge [sflag:s17], $0xF000  }
0x5b: {  	[sflag:s17] =	ssyncset.done $0x0  }
0x5c: {  	[sflag:s17] =	ssyncadd.s32 $0xFFFF1000  }
0x5d: {  	[tilespmem:s10], [sflag:$0x5] =	stream.linear.gather [hbm4b:s18+s2], $0x1E0, $0x38;
	[tilespmem:$0x1E400] =	vst v63  }
0x5e: {  	_ =	swait.ge [sflag:s4], $0x1E0  }
0x5f: {  	[sflag:s4] =	ssyncset.done $0x0  }
0x60: {  	[sflag:s4] =	ssyncadd.s32 $0xFFFFFE20  }
0x61: {  	[tilespmem:s11], [sflag:$0x2] =	stream.indirect.gather [hbm4b:s5+s6], $0x80, s10, s6, $0xb8;
	[tilespmem:$0x1E400] =	vst v63  }
0x62: {  	_ = 	snop  }
0x63: {  	[hbm4b:s19+s2] =	stream.linear.scatter [tilespmem:s7], [sflag:$0x3], $0xF000, $0x38;
	[tilespmem:$0x1E400] =	vst v63  }
0x64: {  	_ =	swait.ge [sflag:s13], $0xF000  }
0x65: {  	[sflag:s13] =	ssyncset.done $0x0  }
0x66: {  	[sflag:s13] =	ssyncadd.s32 $0xFFFF1000  }
0x67: {  	[hbm4b:s20+s2] =	stream.linear.scatter [tilespmem:s11], [sflag:$0x4], $0xF000, $0x38;
	[tilespmem:$0x1E400] =	vst v63  }
.Ltmp1:
0x68: {  	_ =	swait.ge [sflag:s14], $0xF000;
	(pc) =	sbr.rel @p0 .LBB2_1-.Ltmp1, $4  }
0x69: {  	[sflag:s14] =	ssyncset.done $0x0  }
0x6a: {  	[sflag:s14] =	ssyncadd.s32 $0xFFFF1000  }
0x6b: {  	_ =	swait.ge [sflag:s17], $0xF000  }
0x6c: {  	[sflag:s17] =	ssyncset.done $0x0  }
.LBB2_2:
0x6d: {  	[sflag:s17] =	ssyncadd.s32 $0xFFFF1000  }
0x6e: {  	_ =	sfence.sel $0x180000  }
0x6f: {  	[bflag:$0x0] =	sbarrier.arrive $0xFFFF  }
0x70: {  	p0 =	sne.s32 s0, $0x0;
	_ =	strace $0x90000056  }
0x71: {  	s0 =	sadd.s32 @!p0 $0x100000, s1;
	[bflag:$0x2] =	sbarrier.arrive $0xFFFF  }
0x72: {  	[sflag:s0] =	ssyncadd.tile.s32 @!p0 $0x1;
	_ =	shalt  }
.Lfunc_end2:
_tile_overlayer_lowered:
.L_overlay_start_2:
0x73: {  	(tag) =	ssettag $0x2  }
0x74: {  	s0 =	rddreg [dreg:$0x0];
	s2 =	stileid.u32  }
0x75: {  	s1 =	rddreg [dreg:$0x1];
	p0 =	sne.s32 s2, $0x0  }
0x76: {  	s3 =	rddreg [dreg:$0x2];
	[bflag:$0x3] =	sbarrier.arrive $0xFFFF;
	s2 =	simm.s32 @!p0 $0x1C05  }
0x77: {  	[timem:s3], [sflag:s2] =	dma.local @!p0 [hbm:s0], s1  }
0x78: {  	s0 =	simm.s32 @!p0 $0x5  }
0x79: {  	_ =	swait.ge @!p0 [sflag:s0], s1  }
0x7a: {  	s1 =	ssub.s32 @!p0 $0x0, s1;
	[sflag:s0] =	ssyncset.done @!p0 $0x0  }
0x7b: {  	[sflag:s0] =	ssyncadd.s32 @!p0 s1  }
0x7c: {  	[bflag:$0x3] =	sbarrier.arrive $0xFFFF  }
0x7d: {  	_ =	shalt  }

// kernel: kernel.46.cloned.1.call-start
scs
__scs_entry_jumppad:
0x0: {  	(pc) =	sbr.rel $0x88, $3  }
0x1: {  	(tag) =	ssettag $0x0;
	lr =	simm.s32 $0x1  }
0x2: {  	[smem:$0x3F58] =	sst lr;
	_ =	strace $0xD0000000  }
0x3: {  	_ = 	snop  }
0x4: {  	_ = 	snop  }
0x5: {  	_ = 	snop  }
0x6: {  	_ = 	snop  }
0x7: {  	_ = 	snop  }
__scs_overlays_trampoline_lowered:
0x8: {  	[smem:$0x3F67] =	sst s0  }
0x9: {  	[smem:$0x3F68] =	sst s1  }
0xa: {  	[smem:$0x3F69] =	sst s2  }
0xb: {  	[smem:$0x3F6A] =	sst s3  }
0xc: {  	[smem:$0x3F6B] =	sst s4  }
0xd: {  	[smem:$0x3F6C] =	sst s5  }
0xe: {  	[smem:$0x3F6D] =	sst s6  }
0xf: {  	[smem:$0x3F6E] =	sst s7  }
0x10: {  	[smem:$0x3F6F] =	sst s8  }
0x11: {  	[smem:$0x3F70] =	sst s9;
	s0 =	simm.s32 @!p0 $0x0  }
0x12: {  	s1 =	sld [smem:$0x3F56];
	s0 =	simm.s32 @p0 $0x1  }
0x13: {  	[smem:$0x3F71] =	sst s0;
	s0 =	simm.s32 @!p1 $0x0  }
0x14: {  	s2 =	sld [smem:$0x3F55];
	s0 =	simm.s32 @p1 $0x1  }
0x15: {  	[smem:$0x3F72] =	sst s0;
	s0 =	simm.s32 @!p2 $0x0  }
0x16: {  	s3 =	sld [smem:$0x3FDB];
	s0 =	simm.s32 @p2 $0x1  }
0x17: {  	s4 =	simm.s32 $0x1BF5;
	[smem:$0x3F74] =	sst s0  }
0x18: {  	s0 =	sld [smem:$0x3F57];
	_ =	swait.ge [sflag:s4], $0x0  }
0x19: {  	s7 =	sld [smem:$0x3F58]  }
0x1a: {  	s8 =	sadd.s32 $0xFFFFE003, lr  }
0x1b: {  	s9 =	sadd.s32 $0xFFFFFEF7, lr;
	s5 =	simm.s32 $0xFFFFFFFF;
	p2 =	slt.u32 s8, $0xFFFFF086  }
0x1c: {  	p1 =	slt.u32 s9, $0xF7A;
	s5 =	simm.s32 @!p2 $0x0  }
0x1d: {  	s5 =	simm.s32 @p1 $0x1;
	p0 =	seq.s32 s7, s2  }
0x1e: {  	s7 =	smul.u32 @!p0 $0xF7A, s2;
	p2 =	seq.s32 @!p0 s5, $0x0  }
0x1f: {  	s9 =	smul.u32 $0xF7A, s1;
	s8 =	simm.s32 @!p0 $0x1BF5;
	p2 =	por !p2, p0  }
0x20: {  	[sflag:s8] =	ssyncset.s32 @!p0 $0xFFFFF086;
	s6 =	sadd.s32 @!p0 s3, s7;
	s7 =	simm.s32 @!p0 $0x108  }
0x21: {  	s3 =	sadd.s32 s3, s9;
	s6 =	sadd.s32 @!p0 $0x88, s6;
	s7 =	simm.s32 @p2 $0x1082  }
0x22: {  	[simem:s7], [sflag:s8] =	dma.local @!p0 [hbm:s6], $0xF7A  }
0x23: {  	s9 =	sor.u32 $0xD0000000, s2;
	s6 =	simm.s32 $0x108;
	_ =	swait.ge @!p0 [sflag:s8], $0x0  }
0x24: {  	s3 =	sadd.s32 $0x88, s3;
	s6 =	simm.s32 @!p1 $0x1082;
	[sflag:s4] =	ssyncset.s32 $0xFFFFF086  }
0x25: {  	[simem:s6], [sflag:s4] =	dma.local [hbm:s3], $0xF7A  }
0x26: {  	[smem:$0x3F58] =	sst s1;
	(tag) =	ssettag s2;
	_ =	strace s9  }
0x27: {  	s1 =	sld [smem:$0x3F68]  }
0x28: {  	s2 =	sld [smem:$0x3F69]  }
0x29: {  	s4 =	sld [smem:$0x3F6B]  }
0x2a: {  	p0 =	seq.s32 s5, $0x0;
	s5 =	sld [smem:$0x3F6C]  }
0x2b: {  	s6 =	sld [smem:$0x3F6D]  }
0x2c: {  	s7 =	sld [smem:$0x3F6E]  }
0x2d: {  	s3 =	simm.s32 $0x108;
	s8 =	sld [smem:$0x3F6F]  }
0x2e: {  	s3 =	simm.s32 @!p0 $0x1082;
	s9 =	sld [smem:$0x3F70]  }
0x2f: {  	lr =	sadd.s32 s0, s3;
	s0 =	sld [smem:$0x3F67]  }
0x30: {  	s3 =	sld [smem:$0x3F6A]  }
0x31: {  	[smem:$0x3F73] =	sst s10  }
0x32: {  	s10 =	sld [smem:$0x3F71];
	_ =	sdelay $0x3  }
0x33: {  	p0 =	seq.s32 s10, $0x1;
	s10 =	sld [smem:$0x3F73];
	_ =	sdelay $0x3  }
0x34: {  	[smem:$0x3F73] =	sst s10  }
0x35: {  	s10 =	sld [smem:$0x3F72];
	_ =	sdelay $0x3  }
0x36: {  	p1 =	seq.s32 s10, $0x1;
	s10 =	sld [smem:$0x3F73];
	_ =	sdelay $0x3  }
0x37: {  	[smem:$0x3F73] =	sst s10  }
0x38: {  	s10 =	sld [smem:$0x3F74]  }
0x39: {  	_ = 	snop;
	(pc) =	sbr.ind lr, $3  }
0x3a: {  	_ = 	snop  }
0x3b: {  	_ = 	snop  }
0x3c: {  	p2 =	seq.s32 s10, $0x1;
	s10 =	sld [smem:$0x3F73]  }
0x3d: {  	_ =	shalt  }
0x3e: {  	_ =	shalt  }
0x3f: {  	_ =	shalt  }
0x40: {  	_ =	shalt  }
0x41: {  	_ =	shalt  }
0x42: {  	_ =	shalt  }
0x43: {  	_ =	shalt  }
0x44: {  	_ =	shalt  }
0x45: {  	_ =	shalt  }
0x46: {  	_ =	shalt  }
0x47: {  	_ =	shalt  }
0x48: {  	_ =	shalt  }
0x49: {  	_ =	shalt  }
0x4a: {  	_ =	shalt  }
0x4b: {  	_ =	shalt  }
0x4c: {  	_ =	shalt  }
0x4d: {  	_ =	shalt  }
0x4e: {  	_ =	shalt  }
0x4f: {  	_ =	shalt  }
0x50: {  	_ =	shalt  }
0x51: {  	_ =	shalt  }
0x52: {  	_ =	shalt  }
0x53: {  	_ =	shalt  }
0x54: {  	_ =	shalt  }
0x55: {  	_ =	shalt  }
0x56: {  	_ =	shalt  }
0x57: {  	_ =	shalt  }
0x58: {  	_ =	shalt  }
0x59: {  	_ =	shalt  }
0x5a: {  	_ =	shalt  }
0x5b: {  	_ =	shalt  }
0x5c: {  	_ =	shalt  }
0x5d: {  	_ =	shalt  }
0x5e: {  	_ =	shalt  }
0x5f: {  	_ =	shalt  }
0x60: {  	_ =	shalt  }
0x61: {  	_ =	shalt  }
0x62: {  	_ =	shalt  }
0x63: {  	_ =	shalt  }
0x64: {  	_ =	shalt  }
0x65: {  	_ =	shalt  }
0x66: {  	_ =	shalt  }
0x67: {  	_ =	shalt  }
0x68: {  	_ =	shalt  }
0x69: {  	_ =	shalt  }
0x6a: {  	_ =	shalt  }
0x6b: {  	_ =	shalt  }
0x6c: {  	_ =	shalt  }
0x6d: {  	_ =	shalt  }
0x6e: {  	_ =	shalt  }
0x6f: {  	_ =	shalt  }
0x70: {  	_ =	shalt  }
0x71: {  	_ =	shalt  }
0x72: {  	_ =	shalt  }
0x73: {  	_ =	shalt  }
0x74: {  	_ =	shalt  }
0x75: {  	_ =	shalt  }
0x76: {  	_ =	shalt  }
0x77: {  	_ =	shalt  }
0x78: {  	_ =	shalt  }
0x79: {  	_ =	shalt  }
0x7a: {  	_ =	shalt  }
0x7b: {  	_ =	shalt  }
0x7c: {  	_ =	shalt  }
0x7d: {  	_ =	shalt  }
0x7e: {  	_ =	shalt  }
0x7f: {  	_ =	shalt  }
0x80: {  	_ =	shalt  }
0x81: {  	_ =	shalt  }
0x82: {  	_ =	shalt  }
0x83: {  	_ =	shalt  }
0x84: {  	_ =	shalt  }
0x85: {  	_ =	shalt  }
0x86: {  	_ =	shalt  }
0x87: {  	_ =	shalt  }
.Lfunc_end0:
.L_simem_size_0:
called_computation.5_lowered:
.L_overlay_start_0:
0x88: {  	s2 =	sld [smem:$0x3FD9]  }
0x89: {  	s3 =	sld [smem:$0x3FFE];
	_ =	sdelay $0x1  }
0x8a: {  	s1 =	srdreg.scid  }
0x8b: {  	s0 =	sand.u32 $0x1, s1  }
0x8c: {  	s17 =	sshll.u32 s0, $0xA;
	s2 =	sadd.s32 s3, s2  }
0x8d: {  	s2 =	sadd.s32 s2, s17  }
0x8e: {  	[smem:$0x3F7F] =	sst s2  }
0x8f: {  	_ = 	snop  }
0x90: {  	(tm) =	ssettm $0x1  }
0x91: {  	s18 =	sld [smem:$0x3FFB];
	_ =	sdelay $0x3  }
0x92: {  	_ =	strace s18  }
0x93: {  	s2 =	sld [smem:$0x3FFC];
	_ =	sdelay $0x3  }
0x94: {  	_ =	strace s2  }
0x95: {  	s2 =	sld [smem:$0x3FFD];
	_ =	sdelay $0x3  }
0x96: {  	_ =	strace s2  }
0x97: {  	_ =	strace $0x8FFFFFFF  }
0x98: {  	s19 =	sld [smem:$0x3FDB];
	_ =	sdelay $0x1  }
0x99: {  	s20 =	simm.s32 $_scs_section_size  }
0x9a: {  	s4 =	simm.s32 $_size__tile_overlayer_lowered;
	s5 =	simm.s32 $_tile_overlayer_lowered  }
0x9b: {  	s6 =	simm.s32 $0x1BFF;
	s21 =	sshll.u32 s5, $0x1;
	s3 =	sadd.s32 s20, s19  }
0x9c: {  	s22 =	simm.s32 $0x0;
	s4 =	sshll.u32 s4, $0x1;
	s5 =	sadd.s32 s21, s3  }
0x9d: {  	[timem:s22], [sflag:s6] =	dma.local [hbm:s5], s4  }
0x9e: {  	_ =	swait.ge [sflag:s6], s4  }
0x9f: {  	s4 =	ssub.s32 $0x0, s4;
	[sflag:s6] =	ssyncset.done $0x0  }
0xa0: {  	[sflag:s6] =	ssyncadd.s32 s4;
	_ =	sdelay $0x1  }
0xa1: {  	s23 =	simm.s32 $0x1B8B  }
0xa2: {  	_ =	swait.ge [sflag:s23], $0x1  }
0xa3: {  	[sflag:s23] =	ssyncset.done $0x0  }
0xa4: {  	[sflag:s23] =	ssyncadd.s32 $0xFFFFFFFF  }
0xa5: {  	s4 =	sld [smem:$0x0]  }
0xa6: {  	s5 =	sand.u32 $0xFFFFFFFE, s1  }
0xa7: {  	p0 =	sne.s32 s1, s5  }
0xa8: {  	s5 =	sshll.u32 @p0 s5, $0xE  }
0xa9: {  	s5 =	sadd.s32 @p0 $0x11B8D, s5;
	s6 =	sshll.u32 @p0 s4, $0x11  }
0xaa: {  	s5 =	sor.u32 @p0 s6, s5  }
0xab: {  	[sflag:s5] =	ssyncadd.remote.s32 @p0 $0x1;
	_ =	sdelay $0x1  }
0xac: {  	s5 =	simm.s32 @p0 $0x1B8D  }
0xad: {  	_ =	swait.eq @p0 [sflag:s5], $0x1  }
0xae: {  	[sflag:s5] =	ssyncadd.s32 @p0 $0xFFFFFFFF  }
0xaf: {  	s6 =	sshll.u32 @!p0 s1, $0xE  }
0xb0: {  	s6 =	sor.u32 @!p0 $0x4000, s6;
	s5 =	simm.s32 @!p0 $0x1B8D  }
0xb1: {  	s4 =	sshll.u32 @!p0 s4, $0x11;
	s6 =	sadd.s32 @!p0 $0x11B8D, s6;
	_ =	swait.eq @!p0 [sflag:s5], $0x1  }
0xb2: {  	s4 =	sor.u32 @!p0 s4, s6;
	[sflag:s5] =	ssyncadd.s32 @!p0 $0xFFFFFFFF  }
0xb3: {  	s25 =	simm.s32 $0x1B8E;
	s24 =	sld [smem:$0x3FFE];
	[sflag:s4] =	ssyncadd.remote.s32 @!p0 $0x1  }
0xb4: {  	s26 =	simm.s32 $execute0_lowered;
	[smem:$0x3FD2] =	sst s25  }
0xb5: {  	s5 =	sshll.u32 s26, $0x1;
	_ =	strace $0x8000005B;
	[dreg:$0x1] =	wrdreg $0xFFFFFFFF  }
0xb6: {  	s28 =	simm.s32 $_size_execute0_lowered;
	s3 =	sadd.s32 s3, s5;
	[dreg:$0x0] =	wrdreg $0x0  }
0xb7: {  	s5 =	sshll.u32 s28, $0x1;
	[dreg:$0x2] =	wrdreg s3  }
0xb8: {  	[dreg:$0x3] =	wrdreg s5  }
0xb9: {  	[dreg:$0x4] =	wrdreg $0xC0  }
0xba: {  	_ =	task [dreg:s22], $0x5FFFF  }
0xbb: {  	[dreg:$0x1] =	wrdreg $0xFFFFFFFF  }
0xbc: {  	[dreg:$0x0] =	wrdreg $0x60  }
0xbd: {  	[dreg:$0x2] =	wrdreg s24  }
0xbe: {  	[dreg:$0x3] =	wrdreg $0xA  }
0xbf: {  	_ =	task.clear_ibuf [dreg:s22], $0x4FFFF;
	_ =	strace $0x9000005B  }
0xc0: {  	s29 =	simm.s32 $0xA;
	_ =	strace $0x8000005D  }
0xc1: {  	_ =	swait.ge [sflag:s29], $0x1  }
0xc2: {  	[sflag:s29] =	ssyncadd.s32 $0xFFFFFFFF  }
0xc3: {  	_ =	strace $0x9000005D  }
0xc4: {  	_ =	sfence  }
0xc5: {  	s30 =	sld [smem:$0x0];
	_ =	sdelay $0x2  }
0xc6: {  	s31 =	sshll.u32 s1, $0xD;
	s1 =	sshrl.u32 s1, $0x2  }
0xc7: {  	s4 =	sand.u32 $0x4000, s31;
	s1 =	sadd.s32 s1, s30  }
0xc8: {  	s0 =	sor.u32 s4, s0;
	s1 =	sshll.u32 s1, $0x11  }
0xc9: {  	s0 =	sor.u32 s1, s0  }
0xca: {  	s0 =	sadd.s32 $0x8F2B, s0  }
0xcb: {  	[sflag:s0] =	ssyncadd.remote.s32 $0x1  }
0xcc: {  	_ =	sfence.sel $0xFFFF  }
0xcd: {  	[dreg:$0x0] =	wrdreg $0xFFFFFFFF;
	(pc) =	sbr.abs _section_cstart, $3  }
0xce: {  	[dreg:$0x1] =	wrdreg $0xFFFFFFFF  }
0xcf: {  	_ =	task.clear_ibuf [dreg:s22], $0x2FFFF;
	_ =	strace $0x9FFFFFFF  }
0xd0: {  	(tm) =	ssettm $0x7FFFFFFF  }
0xd1: {  	_ =	shalt  }
tec
execute0_lowered:
.L_overlay_start_1:
0x0: {  	(tag) =	ssettag $0x1  }
0x1: {  	s1 =	srdreg.scid;
	s0 =	stileid.u32  }
0x2: {  	s20 =	sand.u32 $0x1, s1;
	s25 =	sshll.u32 s0, $0x1  }
0x3: {  	s11 =	sor.u32 s20, s25  }
0x4: {  	s18 =	smul.u32 $0x780, s11  }
0x5: {  	s12 =	rddreg [dreg:$0x0];
	s2 =	simm.s32 $0x0;
	s4 =	simm.s32 $0x5  }
0x6: {  	[smem:$0x7FF] =	sst s2;
	s19 =	sadd.s32 $0x13E00, s12;
	s3 =	sshrl.u32 s18, $0x3  }
0x7: {  	s1 =	rddreg [dreg:$0x1];
	_ =	strace $0x8000005C;
	s3 =	sadd.s32 s19, s3  }
0x8: {  	[tilespmem:s2], [sflag:$0x5] =	stream.linear.gather [hbm4b:s3+s2], $0x1E0, $0x38;
	[tilespmem:$0x1E400] =	vst v63  }
0x9: {  	_ =	swait.ge [sflag:s4], $0x1E0  }
0xa: {  	s6 =	simm.s32 $0x1E0;
	s7 =	simm.s32 $0x400;
	[sflag:s4] =	ssyncset.done $0x0  }
0xb: {  	s8 =	simm.s32 $0x1;
	s5 =	sadd.s32 $0x20DC00, s12;
	[sflag:s4] =	ssyncadd.s32 $0xFFFFFE20  }
0xc: {  	[tilespmem:s7], [sflag:$0x1] =	stream.indirect.gather [hbm4b:s5+s6], $0x80, s2, s6, $0xb8;
	[tilespmem:$0x1E400] =	vst v63  }
0xd: {  	s16 =	sadd.s32 $0x1E0, s18;
	_ =	swait.ge [sflag:s8], $0xF000  }
0xe: {  	s9 =	sshrl.u32 s16, $0x3;
	[sflag:s8] =	ssyncset.done $0x0  }
0xf: {  	s10 =	simm.s32 $0x200;
	s9 =	sadd.s32 s19, s9;
	[sflag:s8] =	ssyncadd.s32 $0xFFFF1000  }
0x10: {  	[tilespmem:s10], [sflag:$0x5] =	stream.linear.gather [hbm4b:s9+s2], $0x1E0, $0x38;
	[tilespmem:$0x1E400] =	vst v63  }
0x11: {  	_ =	swait.ge [sflag:s4], $0x1E0  }
0x12: {  	s21 =	sadd.s32 $0x105C00, s12;
	[sflag:s4] =	ssyncset.done $0x0  }
0x13: {  	s26 =	smul.u32 $0x7800, s11;
	s11 =	simm.s32 $0xF400;
	[sflag:s4] =	ssyncadd.s32 $0xFFFFFE20  }
0x14: {  	[tilespmem:s11], [sflag:$0x2] =	stream.indirect.gather [hbm4b:s5+s6], $0x80, s10, s6, $0xb8;
	[tilespmem:$0x1E400] =	vst v63  }
0x15: {  	s13 =	simm.s32 $0x2;
	s12 =	sadd.s32 s21, s26  }
0x16: {  	[hbm4b:s12+s2] =	stream.linear.scatter [tilespmem:s7], [sflag:$0x3], $0xF000, $0x38;
	[tilespmem:$0x1E400] =	vst v63  }
0x17: {  	_ =	swait.ge [sflag:s13], $0xF000  }
0x18: {  	[sflag:s13] =	ssyncset.done $0x0  }
0x19: {  	s14 =	simm.s32 $0x3;
	[sflag:s13] =	ssyncadd.s32 $0xFFFF1000  }
0x1a: {  	s22 =	sadd.s32 $0x3C0, s18;
	_ =	swait.ge [sflag:s14], $0xF000  }
0x1b: {  	s15 =	sshrl.u32 s22, $0x3;
	[sflag:s14] =	ssyncset.done $0x0  }
0x1c: {  	s15 =	sadd.s32 s19, s15;
	[sflag:s14] =	ssyncadd.s32 $0xFFFF1000  }
0x1d: {  	[tilespmem:s2], [sflag:$0x5] =	stream.linear.gather [hbm4b:s15+s2], $0x1E0, $0x38;
	[tilespmem:$0x1E400] =	vst v63  }
0x1e: {  	_ =	swait.ge [sflag:s4], $0x1E0  }
0x1f: {  	[sflag:s4] =	ssyncset.done $0x0  }
0x20: {  	s16 =	sshll.u32 s16, $0x4;
	[sflag:s4] =	ssyncadd.s32 $0xFFFFFE20  }
0x21: {  	[tilespmem:s7], [sflag:$0x1] =	stream.indirect.gather [hbm4b:s5+s6], $0x80, s2, s6, $0xb8;
	[tilespmem:$0x1E400] =	vst v63  }
0x22: {  	s16 =	sadd.s32 s21, s16  }
0x23: {  	[hbm4b:s16+s2] =	stream.linear.scatter [tilespmem:s11], [sflag:$0x4], $0xF000, $0x38;
	[tilespmem:$0x1E400] =	vst v63  }
0x24: {  	_ =	swait.ge [sflag:s8], $0xF000  }
0x25: {  	[sflag:s8] =	ssyncset.done $0x0  }
0x26: {  	s17 =	simm.s32 $0x4;
	[sflag:s8] =	ssyncadd.s32 $0xFFFF1000  }
0x27: {  	s23 =	sadd.s32 $0x5A0, s18;
	_ =	swait.ge [sflag:s17], $0xF000  }
0x28: {  	s18 =	sshrl.u32 s23, $0x3;
	[sflag:s17] =	ssyncset.done $0x0  }
0x29: {  	s18 =	sadd.s32 s19, s18;
	[sflag:s17] =	ssyncadd.s32 $0xFFFF1000  }
0x2a: {  	[tilespmem:s10], [sflag:$0x5] =	stream.linear.gather [hbm4b:s18+s2], $0x1E0, $0x38;
	[tilespmem:$0x1E400] =	vst v63  }
0x2b: {  	_ =	swait.ge [sflag:s4], $0x1E0  }
0x2c: {  	[sflag:s4] =	ssyncset.done $0x0  }
0x2d: {  	s30 =	ssub.s32 $0x2, s20;
	s28 =	sshll.u32 s22, $0x4;
	[sflag:s4] =	ssyncadd.s32 $0xFFFFFE20  }
0x2e: {  	[tilespmem:s11], [sflag:$0x2] =	stream.indirect.gather [hbm4b:s5+s6], $0x80, s10, s6, $0xb8;
	[tilespmem:$0x1E400] =	vst v63  }
0x2f: {  	s31 =	sshrl.u32 s30, $0x1;
	s29 =	sshll.u32 s23, $0x4;
	s19 =	sadd.s32 s21, s28  }
0x30: {  	[hbm4b:s19+s2] =	stream.linear.scatter [tilespmem:s7], [sflag:$0x3], $0xF000, $0x38;
	[tilespmem:$0x1E400] =	vst v63  }
0x31: {  	s20 =	sadd.s32 s21, s29;
	s21 =	ssub.s32 s30, s31;
	_ =	swait.ge [sflag:s13], $0xF000  }
0x32: {  	s21 =	smax.u32 s21, $0x1;
	[sflag:s13] =	ssyncset.done $0x0  }
0x33: {  	p0 =	sne.s32 s21, $0x1;
	[sflag:s13] =	ssyncadd.s32 $0xFFFF1000  }
0x34: {  	[hbm4b:s20+s2] =	stream.linear.scatter [tilespmem:s11], [sflag:$0x4], $0xF000, $0x38;
	[tilespmem:$0x1E400] =	vst v63  }
.Ltmp0:
0x35: {  	_ =	swait.ge [sflag:s14], $0xF000;
	(pc) =	sbr.rel @!p0 .LBB2_2-.Ltmp0, $4  }
0x36: {  	[sflag:s14] =	ssyncset.done $0x0  }
0x37: {  	[sflag:s14] =	ssyncadd.s32 $0xFFFF1000  }
0x38: {  	_ =	swait.ge [sflag:s17], $0xF000  }
0x39: {  	s21 =	sadd.s32 $0xFFFFFFFF, s21;
	[sflag:s17] =	ssyncset.done $0x0  }
.LBB2_1:
0x3a: {  	p0 =	sne.s32 s21, $0x1;
	s21 =	sadd.s32 $0xFFFFFFFF, s21;
	[sflag:s17] =	ssyncadd.s32 $0xFFFF1000  }
0x3b: {  	[tilespmem:s2], [sflag:$0x5] =	stream.linear.gather [hbm4b:s3+s2], $0x1E0, $0x38;
	[tilespmem:$0x1E400] =	vst v63  }
0x3c: {  	_ =	swait.ge [sflag:s4], $0x1E0  }
0x3d: {  	[sflag:s4] =	ssyncset.done $0x0  }
0x3e: {  	[sflag:s4] =	ssyncadd.s32 $0xFFFFFE20  }
0x3f: {  	[tilespmem:s7], [sflag:$0x1] =	stream.indirect.gather [hbm4b:s5+s6], $0x80, s2, s6, $0xb8;
	[tilespmem:$0x1E400] =	vst v63  }
0x40: {  	_ =	swait.ge [sflag:s8], $0xF000  }
0x41: {  	[sflag:s8] =	ssyncset.done $0x0  }
0x42: {  	[sflag:s8] =	ssyncadd.s32 $0xFFFF1000  }
0x43: {  	[tilespmem:s10], [sflag:$0x5] =	stream.linear.gather [hbm4b:s9+s2], $0x1E0, $0x38;
	[tilespmem:$0x1E400] =	vst v63  }
0x44: {  	_ =	swait.ge [sflag:s4], $0x1E0  }
0x45: {  	[sflag:s4] =	ssyncset.done $0x0  }
0x46: {  	[sflag:s4] =	ssyncadd.s32 $0xFFFFFE20  }
0x47: {  	[tilespmem:s11], [sflag:$0x2] =	stream.indirect.gather [hbm4b:s5+s6], $0x80, s10, s6, $0xb8;
	[tilespmem:$0x1E400] =	vst v63  }
0x48: {  	_ = 	snop  }
0x49: {  	[hbm4b:s12+s2] =	stream.linear.scatter [tilespmem:s7], [sflag:$0x3], $0xF000, $0x38;
	[tilespmem:$0x1E400] =	vst v63  }
0x4a: {  	_ =	swait.ge [sflag:s13], $0xF000  }
0x4b: {  	[sflag:s13] =	ssyncset.done $0x0  }
0x4c: {  	[sflag:s13] =	ssyncadd.s32 $0xFFFF1000  }
0x4d: {  	_ =	swait.ge [sflag:s14], $0xF000  }
0x4e: {  	[sflag:s14] =	ssyncset.done $0x0  }
0x4f: {  	[sflag:s14] =	ssyncadd.s32 $0xFFFF1000  }
0x50: {  	[tilespmem:s2], [sflag:$0x5] =	stream.linear.gather [hbm4b:s15+s2], $0x1E0, $0x38;
	[tilespmem:$0x1E400] =	vst v63  }
0x51: {  	_ =	swait.ge [sflag:s4], $0x1E0  }
0x52: {  	[sflag:s4] =	ssyncset.done $0x0  }
0x53: {  	[sflag:s4] =	ssyncadd.s32 $0xFFFFFE20  }
0x54: {  	[tilespmem:s7], [sflag:$0x1] =	stream.indirect.gather [hbm4b:s5+s6], $0x80, s2, s6, $0xb8;
	[tilespmem:$0x1E400] =	vst v63  }
0x55: {  	_ = 	snop  }
0x56: {  	[hbm4b:s16+s2] =	stream.linear.scatter [tilespmem:s11], [sflag:$0x4], $0xF000, $0x38;
	[tilespmem:$0x1E400] =	vst v63  }
0x57: {  	_ =	swait.ge [sflag:s8], $0xF000  }
0x58: {  	[sflag:s8] =	ssyncset.done $0x0  }
0x59: {  	[sflag:s8] =	ssyncadd.s32 $0xFFFF1000  }
0x5a: {  	_ =	swait.ge [sflag:s17], $0xF000  }
0x5b: {  	[sflag:s17] =	ssyncset.done $0x0  }
0x5c: {  	[sflag:s17] =	ssyncadd.s32 $0xFFFF1000  }
0x5d: {  	[tilespmem:s10], [sflag:$0x5] =	stream.linear.gather [hbm4b:s18+s2], $0x1E0, $0x38;
	[tilespmem:$0x1E400] =	vst v63  }
0x5e: {  	_ =	swait.ge [sflag:s4], $0x1E0  }
0x5f: {  	[sflag:s4] =	ssyncset.done $0x0  }
0x60: {  	[sflag:s4] =	ssyncadd.s32 $0xFFFFFE20  }
0x61: {  	[tilespmem:s11], [sflag:$0x2] =	stream.indirect.gather [hbm4b:s5+s6], $0x80, s10, s6, $0xb8;
	[tilespmem:$0x1E400] =	vst v63  }
0x62: {  	_ = 	snop  }
0x63: {  	[hbm4b:s19+s2] =	stream.linear.scatter [tilespmem:s7], [sflag:$0x3], $0xF000, $0x38;
	[tilespmem:$0x1E400] =	vst v63  }
0x64: {  	_ =	swait.ge [sflag:s13], $0xF000  }
0x65: {  	[sflag:s13] =	ssyncset.done $0x0  }
0x66: {  	[sflag:s13] =	ssyncadd.s32 $0xFFFF1000  }
0x67: {  	[hbm4b:s20+s2] =	stream.linear.scatter [tilespmem:s11], [sflag:$0x4], $0xF000, $0x38;
	[tilespmem:$0x1E400] =	vst v63  }
.Ltmp1:
0x68: {  	_ =	swait.ge [sflag:s14], $0xF000;
	(pc) =	sbr.rel @p0 .LBB2_1-.Ltmp1, $4  }
0x69: {  	[sflag:s14] =	ssyncset.done $0x0  }
0x6a: {  	[sflag:s14] =	ssyncadd.s32 $0xFFFF1000  }
0x6b: {  	_ =	swait.ge [sflag:s17], $0xF000  }
0x6c: {  	[sflag:s17] =	ssyncset.done $0x0  }
.LBB2_2:
0x6d: {  	[sflag:s17] =	ssyncadd.s32 $0xFFFF1000  }
0x6e: {  	_ =	sfence.sel $0x180000  }
0x6f: {  	[bflag:$0x0] =	sbarrier.arrive $0xFFFF  }
0x70: {  	p0 =	sne.s32 s0, $0x0;
	_ =	strace $0x9000005C  }
0x71: {  	s0 =	sadd.s32 @!p0 $0x100000, s1;
	[bflag:$0x2] =	sbarrier.arrive $0xFFFF  }
0x72: {  	[sflag:s0] =	ssyncadd.tile.s32 @!p0 $0x1;
	_ =	shalt  }
.Lfunc_end2:
_tile_overlayer_lowered:
.L_overlay_start_2:
0x73: {  	(tag) =	ssettag $0x2  }
0x74: {  	s0 =	rddreg [dreg:$0x0];
	s2 =	stileid.u32  }
0x75: {  	s1 =	rddreg [dreg:$0x1];
	p0 =	sne.s32 s2, $0x0  }
0x76: {  	s3 =	rddreg [dreg:$0x2];
	[bflag:$0x3] =	sbarrier.arrive $0xFFFF;
	s2 =	simm.s32 @!p0 $0x1C05  }
0x77: {  	[timem:s3], [sflag:s2] =	dma.local @!p0 [hbm:s0], s1  }
0x78: {  	s0 =	simm.s32 @!p0 $0x5  }
0x79: {  	_ =	swait.ge @!p0 [sflag:s0], s1  }
0x7a: {  	s1 =	ssub.s32 @!p0 $0x0, s1;
	[sflag:s0] =	ssyncset.done @!p0 $0x0  }
0x7b: {  	[sflag:s0] =	ssyncadd.s32 @!p0 s1  }
0x7c: {  	[bflag:$0x3] =	sbarrier.arrive $0xFFFF  }
0x7d: {  	_ =	shalt  }

// kernel: kernel.49.cloned.1.call-start
scs
__scs_entry_jumppad:
0x0: {  	(pc) =	sbr.rel $0x88, $3  }
0x1: {  	(tag) =	ssettag $0x0;
	lr =	simm.s32 $0x1  }
0x2: {  	[smem:$0x3F58] =	sst lr;
	_ =	strace $0xD0000000  }
0x3: {  	_ = 	snop  }
0x4: {  	_ = 	snop  }
0x5: {  	_ = 	snop  }
0x6: {  	_ = 	snop  }
0x7: {  	_ = 	snop  }
__scs_overlays_trampoline_lowered:
0x8: {  	[smem:$0x3F67] =	sst s0  }
0x9: {  	[smem:$0x3F68] =	sst s1  }
0xa: {  	[smem:$0x3F69] =	sst s2  }
0xb: {  	[smem:$0x3F6A] =	sst s3  }
0xc: {  	[smem:$0x3F6B] =	sst s4  }
0xd: {  	[smem:$0x3F6C] =	sst s5  }
0xe: {  	[smem:$0x3F6D] =	sst s6  }
0xf: {  	[smem:$0x3F6E] =	sst s7  }
0x10: {  	[smem:$0x3F6F] =	sst s8  }
0x11: {  	[smem:$0x3F70] =	sst s9;
	s0 =	simm.s32 @!p0 $0x0  }
0x12: {  	s1 =	sld [smem:$0x3F56];
	s0 =	simm.s32 @p0 $0x1  }
0x13: {  	[smem:$0x3F71] =	sst s0;
	s0 =	simm.s32 @!p1 $0x0  }
0x14: {  	s2 =	sld [smem:$0x3F55];
	s0 =	simm.s32 @p1 $0x1  }
0x15: {  	[smem:$0x3F72] =	sst s0;
	s0 =	simm.s32 @!p2 $0x0  }
0x16: {  	s3 =	sld [smem:$0x3FDB];
	s0 =	simm.s32 @p2 $0x1  }
0x17: {  	s4 =	simm.s32 $0x1BF5;
	[smem:$0x3F74] =	sst s0  }
0x18: {  	s0 =	sld [smem:$0x3F57];
	_ =	swait.ge [sflag:s4], $0x0  }
0x19: {  	s7 =	sld [smem:$0x3F58]  }
0x1a: {  	s8 =	sadd.s32 $0xFFFFE003, lr  }
0x1b: {  	s9 =	sadd.s32 $0xFFFFFEF7, lr;
	s5 =	simm.s32 $0xFFFFFFFF;
	p2 =	slt.u32 s8, $0xFFFFF086  }
0x1c: {  	p1 =	slt.u32 s9, $0xF7A;
	s5 =	simm.s32 @!p2 $0x0  }
0x1d: {  	s5 =	simm.s32 @p1 $0x1;
	p0 =	seq.s32 s7, s2  }
0x1e: {  	s7 =	smul.u32 @!p0 $0xF7A, s2;
	p2 =	seq.s32 @!p0 s5, $0x0  }
0x1f: {  	s9 =	smul.u32 $0xF7A, s1;
	s8 =	simm.s32 @!p0 $0x1BF5;
	p2 =	por !p2, p0  }
0x20: {  	[sflag:s8] =	ssyncset.s32 @!p0 $0xFFFFF086;
	s6 =	sadd.s32 @!p0 s3, s7;
	s7 =	simm.s32 @!p0 $0x108  }
0x21: {  	s3 =	sadd.s32 s3, s9;
	s6 =	sadd.s32 @!p0 $0x88, s6;
	s7 =	simm.s32 @p2 $0x1082  }
0x22: {  	[simem:s7], [sflag:s8] =	dma.local @!p0 [hbm:s6], $0xF7A  }
0x23: {  	s9 =	sor.u32 $0xD0000000, s2;
	s6 =	simm.s32 $0x108;
	_ =	swait.ge @!p0 [sflag:s8], $0x0  }
0x24: {  	s3 =	sadd.s32 $0x88, s3;
	s6 =	simm.s32 @!p1 $0x1082;
	[sflag:s4] =	ssyncset.s32 $0xFFFFF086  }
0x25: {  	[simem:s6], [sflag:s4] =	dma.local [hbm:s3], $0xF7A  }
0x26: {  	[smem:$0x3F58] =	sst s1;
	(tag) =	ssettag s2;
	_ =	strace s9  }
0x27: {  	s1 =	sld [smem:$0x3F68]  }
0x28: {  	s2 =	sld [smem:$0x3F69]  }
0x29: {  	s4 =	sld [smem:$0x3F6B]  }
0x2a: {  	p0 =	seq.s32 s5, $0x0;
	s5 =	sld [smem:$0x3F6C]  }
0x2b: {  	s6 =	sld [smem:$0x3F6D]  }
0x2c: {  	s7 =	sld [smem:$0x3F6E]  }
0x2d: {  	s3 =	simm.s32 $0x108;
	s8 =	sld [smem:$0x3F6F]  }
0x2e: {  	s3 =	simm.s32 @!p0 $0x1082;
	s9 =	sld [smem:$0x3F70]  }
0x2f: {  	lr =	sadd.s32 s0, s3;
	s0 =	sld [smem:$0x3F67]  }
0x30: {  	s3 =	sld [smem:$0x3F6A]  }
0x31: {  	[smem:$0x3F73] =	sst s10  }
0x32: {  	s10 =	sld [smem:$0x3F71];
	_ =	sdelay $0x3  }
0x33: {  	p0 =	seq.s32 s10, $0x1;
	s10 =	sld [smem:$0x3F73];
	_ =	sdelay $0x3  }
0x34: {  	[smem:$0x3F73] =	sst s10  }
0x35: {  	s10 =	sld [smem:$0x3F72];
	_ =	sdelay $0x3  }
0x36: {  	p1 =	seq.s32 s10, $0x1;
	s10 =	sld [smem:$0x3F73];
	_ =	sdelay $0x3  }
0x37: {  	[smem:$0x3F73] =	sst s10  }
0x38: {  	s10 =	sld [smem:$0x3F74]  }
0x39: {  	_ = 	snop;
	(pc) =	sbr.ind lr, $3  }
0x3a: {  	_ = 	snop  }
0x3b: {  	_ = 	snop  }
0x3c: {  	p2 =	seq.s32 s10, $0x1;
	s10 =	sld [smem:$0x3F73]  }
0x3d: {  	_ =	shalt  }
0x3e: {  	_ =	shalt  }
0x3f: {  	_ =	shalt  }
0x40: {  	_ =	shalt  }
0x41: {  	_ =	shalt  }
0x42: {  	_ =	shalt  }
0x43: {  	_ =	shalt  }
0x44: {  	_ =	shalt  }
0x45: {  	_ =	shalt  }
0x46: {  	_ =	shalt  }
0x47: {  	_ =	shalt  }
0x48: {  	_ =	shalt  }
0x49: {  	_ =	shalt  }
0x4a: {  	_ =	shalt  }
0x4b: {  	_ =	shalt  }
0x4c: {  	_ =	shalt  }
0x4d: {  	_ =	shalt  }
0x4e: {  	_ =	shalt  }
0x4f: {  	_ =	shalt  }
0x50: {  	_ =	shalt  }
0x51: {  	_ =	shalt  }
0x52: {  	_ =	shalt  }
0x53: {  	_ =	shalt  }
0x54: {  	_ =	shalt  }
0x55: {  	_ =	shalt  }
0x56: {  	_ =	shalt  }
0x57: {  	_ =	shalt  }
0x58: {  	_ =	shalt  }
0x59: {  	_ =	shalt  }
0x5a: {  	_ =	shalt  }
0x5b: {  	_ =	shalt  }
0x5c: {  	_ =	shalt  }
0x5d: {  	_ =	shalt  }
0x5e: {  	_ =	shalt  }
0x5f: {  	_ =	shalt  }
0x60: {  	_ =	shalt  }
0x61: {  	_ =	shalt  }
0x62: {  	_ =	shalt  }
0x63: {  	_ =	shalt  }
0x64: {  	_ =	shalt  }
0x65: {  	_ =	shalt  }
0x66: {  	_ =	shalt  }
0x67: {  	_ =	shalt  }
0x68: {  	_ =	shalt  }
0x69: {  	_ =	shalt  }
0x6a: {  	_ =	shalt  }
0x6b: {  	_ =	shalt  }
0x6c: {  	_ =	shalt  }
0x6d: {  	_ =	shalt  }
0x6e: {  	_ =	shalt  }
0x6f: {  	_ =	shalt  }
0x70: {  	_ =	shalt  }
0x71: {  	_ =	shalt  }
0x72: {  	_ =	shalt  }
0x73: {  	_ =	shalt  }
0x74: {  	_ =	shalt  }
0x75: {  	_ =	shalt  }
0x76: {  	_ =	shalt  }
0x77: {  	_ =	shalt  }
0x78: {  	_ =	shalt  }
0x79: {  	_ =	shalt  }
0x7a: {  	_ =	shalt  }
0x7b: {  	_ =	shalt  }
0x7c: {  	_ =	shalt  }
0x7d: {  	_ =	shalt  }
0x7e: {  	_ =	shalt  }
0x7f: {  	_ =	shalt  }
0x80: {  	_ =	shalt  }
0x81: {  	_ =	shalt  }
0x82: {  	_ =	shalt  }
0x83: {  	_ =	shalt  }
0x84: {  	_ =	shalt  }
0x85: {  	_ =	shalt  }
0x86: {  	_ =	shalt  }
0x87: {  	_ =	shalt  }
.Lfunc_end0:
.L_simem_size_0:
called_computation.6_lowered:
.L_overlay_start_0:
0x88: {  	s2 =	sld [smem:$0x3FD9]  }
0x89: {  	s3 =	sld [smem:$0x3FFE];
	_ =	sdelay $0x1  }
0x8a: {  	s1 =	srdreg.scid  }
0x8b: {  	s0 =	sand.u32 $0x1, s1  }
0x8c: {  	s16 =	sshll.u32 s0, $0xA;
	s2 =	sadd.s32 s3, s2  }
0x8d: {  	s2 =	sadd.s32 s2, s16  }
0x8e: {  	[smem:$0x3F7F] =	sst s2  }
0x8f: {  	_ = 	snop  }
0x90: {  	(tm) =	ssettm $0x1  }
0x91: {  	s17 =	sld [smem:$0x3FFB];
	_ =	sdelay $0x3  }
0x92: {  	_ =	strace s17  }
0x93: {  	s2 =	sld [smem:$0x3FFC];
	_ =	sdelay $0x3  }
0x94: {  	_ =	strace s2  }
0x95: {  	s2 =	sld [smem:$0x3FFD];
	_ =	sdelay $0x3  }
0x96: {  	_ =	strace s2  }
0x97: {  	_ =	strace $0x8FFFFFFF  }
0x98: {  	s18 =	sld [smem:$0x3FDB];
	_ =	sdelay $0x1  }
0x99: {  	s19 =	simm.s32 $_scs_section_size  }
0x9a: {  	s4 =	simm.s32 $_size__tile_overlayer_lowered;
	s5 =	simm.s32 $_tile_overlayer_lowered  }
0x9b: {  	s22 =	simm.s32 $0x1BFF;
	s21 =	sshll.u32 s5, $0x1;
	s2 =	sadd.s32 s19, s18  }
0x9c: {  	s6 =	simm.s32 $0x0;
	s20 =	sshll.u32 s4, $0x1;
	s4 =	sadd.s32 s21, s2  }
0x9d: {  	[timem:s6], [sflag:s22] =	dma.local [hbm:s4], s20  }
0x9e: {  	_ =	swait.ge [sflag:s22], s20  }
0x9f: {  	s3 =	ssub.s32 $0x0, s20;
	[sflag:s22] =	ssyncset.done $0x0  }
0xa0: {  	[sflag:s22] =	ssyncadd.s32 s3;
	_ =	sdelay $0x1  }
0xa1: {  	s23 =	simm.s32 $0x1B8B  }
0xa2: {  	_ =	swait.ge [sflag:s23], $0x1  }
0xa3: {  	[sflag:s23] =	ssyncset.done $0x0  }
0xa4: {  	s25 =	simm.s32 $0x1B8E;
	s24 =	sld [smem:$0x3FFE];
	[sflag:s23] =	ssyncadd.s32 $0xFFFFFFFF  }
0xa5: {  	s26 =	simm.s32 $execute0_lowered;
	[smem:$0x3FD2] =	sst s25  }
0xa6: {  	s4 =	sshll.u32 s26, $0x1;
	_ =	strace $0x8000004F;
	[dreg:$0x1] =	wrdreg $0xFFFFFFFF  }
0xa7: {  	s28 =	simm.s32 $_size_execute0_lowered;
	s2 =	sadd.s32 s2, s4;
	[dreg:$0x0] =	wrdreg $0x0  }
0xa8: {  	s4 =	sshll.u32 s28, $0x1;
	[dreg:$0x2] =	wrdreg s2  }
0xa9: {  	[dreg:$0x3] =	wrdreg s4  }
0xaa: {  	[dreg:$0x4] =	wrdreg $0xC0  }
0xab: {  	_ =	task [dreg:s6], $0x5FFFF  }
0xac: {  	[dreg:$0x1] =	wrdreg $0xFFFFFFFF  }
0xad: {  	[dreg:$0x0] =	wrdreg $0x60  }
0xae: {  	[dreg:$0x2] =	wrdreg s24  }
0xaf: {  	[dreg:$0x3] =	wrdreg $0xB  }
0xb0: {  	_ =	task.clear_ibuf [dreg:s6], $0x4FFFF;
	_ =	strace $0x9000004F  }
0xb1: {  	s29 =	simm.s32 $0xB;
	_ =	strace $0x80000051  }
0xb2: {  	_ =	swait.ge [sflag:s29], $0x1  }
0xb3: {  	[sflag:s29] =	ssyncadd.s32 $0xFFFFFFFF  }
0xb4: {  	_ =	strace $0x90000051  }
0xb5: {  	_ =	sfence  }
0xb6: {  	s30 =	sld [smem:$0x0];
	_ =	sdelay $0x2  }
0xb7: {  	s31 =	sshll.u32 s1, $0xD;
	s1 =	sshrl.u32 s1, $0x2  }
0xb8: {  	s3 =	sand.u32 $0x4000, s31;
	s1 =	sadd.s32 s1, s30  }
0xb9: {  	s0 =	sor.u32 s3, s0;
	s1 =	sshll.u32 s1, $0x11  }
0xba: {  	s0 =	sor.u32 s1, s0  }
0xbb: {  	s0 =	sadd.s32 $0x8F2B, s0  }
0xbc: {  	[sflag:s0] =	ssyncadd.remote.s32 $0x1  }
0xbd: {  	_ =	sfence.sel $0xFFFF  }
0xbe: {  	[dreg:$0x0] =	wrdreg $0xFFFFFFFF;
	(pc) =	sbr.abs _section_cstart, $3  }
0xbf: {  	[dreg:$0x1] =	wrdreg $0xFFFFFFFF  }
0xc0: {  	_ =	task.clear_ibuf [dreg:s6], $0x2FFFF;
	_ =	strace $0x9FFFFFFF  }
0xc1: {  	(tm) =	ssettm $0x7FFFFFFF  }
tec
execute0_lowered:
.L_overlay_start_1:
0x0: {  	(tag) =	ssettag $0x1  }
0x1: {  	s1 =	srdreg.scid;
	s0 =	stileid.u32  }
0x2: {  	s20 =	sand.u32 $0x1, s1;
	s25 =	sshll.u32 s0, $0x1  }
0x3: {  	s11 =	sor.u32 s20, s25  }
0x4: {  	s18 =	smul.u32 $0x780, s11  }
0x5: {  	s12 =	rddreg [dreg:$0x0];
	s2 =	simm.s32 $0x0;
	s4 =	simm.s32 $0x5  }
0x6: {  	[smem:$0x7FF] =	sst s2;
	s19 =	sadd.s32 $0x13E00, s12;
	s3 =	sshrl.u32 s18, $0x3  }
0x7: {  	s1 =	rddreg [dreg:$0x1];
	_ =	strace $0x80000050;
	s3 =	sadd.s32 s19, s3  }
0x8: {  	[tilespmem:s2], [sflag:$0x5] =	stream.linear.gather [hbm4b:s3+s2], $0x1E0, $0x38;
	[tilespmem:$0x1E400] =	vst v63  }
0x9: {  	_ =	swait.ge [sflag:s4], $0x1E0  }
0xa: {  	s6 =	simm.s32 $0x1E0;
	s7 =	simm.s32 $0x400;
	[sflag:s4] =	ssyncset.done $0x0  }
0xb: {  	s8 =	simm.s32 $0x1;
	s5 =	sadd.s32 $0x15C00, s12;
	[sflag:s4] =	ssyncadd.s32 $0xFFFFFE20  }
0xc: {  	[tilespmem:s7], [sflag:$0x1] =	stream.indirect.gather [hbm4b:s5+s6], $0x80, s2, s6, $0xb8;
	[tilespmem:$0x1E400] =	vst v63  }
0xd: {  	s16 =	sadd.s32 $0x1E0, s18;
	_ =	swait.ge [sflag:s8], $0xF000  }
0xe: {  	s9 =	sshrl.u32 s16, $0x3;
	[sflag:s8] =	ssyncset.done $0x0  }
0xf: {  	s10 =	simm.s32 $0x200;
	s9 =	sadd.s32 s19, s9;
	[sflag:s8] =	ssyncadd.s32 $0xFFFF1000  }
0x10: {  	[tilespmem:s10], [sflag:$0x5] =	stream.linear.gather [hbm4b:s9+s2], $0x1E0, $0x38;
	[tilespmem:$0x1E400] =	vst v63  }
0x11: {  	_ =	swait.ge [sflag:s4], $0x1E0  }
0x12: {  	s21 =	sadd.s32 $0x1DC00, s12;
	[sflag:s4] =	ssyncset.done $0x0  }
0x13: {  	s26 =	smul.u32 $0x7800, s11;
	s11 =	simm.s32 $0xF400;
	[sflag:s4] =	ssyncadd.s32 $0xFFFFFE20  }
0x14: {  	[tilespmem:s11], [sflag:$0x2] =	stream.indirect.gather [hbm4b:s5+s6], $0x80, s10, s6, $0xb8;
	[tilespmem:$0x1E400] =	vst v63  }
0x15: {  	s13 =	simm.s32 $0x2;
	s12 =	sadd.s32 s21, s26  }
0x16: {  	[hbm4b:s12+s2] =	stream.linear.scatter [tilespmem:s7], [sflag:$0x3], $0xF000, $0x38;
	[tilespmem:$0x1E400] =	vst v63  }
0x17: {  	_ =	swait.ge [sflag:s13], $0xF000  }
0x18: {  	[sflag:s13] =	ssyncset.done $0x0  }
0x19: {  	s14 =	simm.s32 $0x3;
	[sflag:s13] =	ssyncadd.s32 $0xFFFF1000  }
0x1a: {  	s22 =	sadd.s32 $0x3C0, s18;
	_ =	swait.ge [sflag:s14], $0xF000  }
0x1b: {  	s15 =	sshrl.u32 s22, $0x3;
	[sflag:s14] =	ssyncset.done $0x0  }
0x1c: {  	s15 =	sadd.s32 s19, s15;
	[sflag:s14] =	ssyncadd.s32 $0xFFFF1000  }
0x1d: {  	[tilespmem:s2], [sflag:$0x5] =	stream.linear.gather [hbm4b:s15+s2], $0x1E0, $0x38;
	[tilespmem:$0x1E400] =	vst v63  }
0x1e: {  	_ =	swait.ge [sflag:s4], $0x1E0  }
0x1f: {  	[sflag:s4] =	ssyncset.done $0x0  }
0x20: {  	s16 =	sshll.u32 s16, $0x4;
	[sflag:s4] =	ssyncadd.s32 $0xFFFFFE20  }
0x21: {  	[tilespmem:s7], [sflag:$0x1] =	stream.indirect.gather [hbm4b:s5+s6], $0x80, s2, s6, $0xb8;
	[tilespmem:$0x1E400] =	vst v63  }
0x22: {  	s16 =	sadd.s32 s21, s16  }
0x23: {  	[hbm4b:s16+s2] =	stream.linear.scatter [tilespmem:s11], [sflag:$0x4], $0xF000, $0x38;
	[tilespmem:$0x1E400] =	vst v63  }
0x24: {  	_ =	swait.ge [sflag:s8], $0xF000  }
0x25: {  	[sflag:s8] =	ssyncset.done $0x0  }
0x26: {  	s17 =	simm.s32 $0x4;
	[sflag:s8] =	ssyncadd.s32 $0xFFFF1000  }
0x27: {  	s23 =	sadd.s32 $0x5A0, s18;
	_ =	swait.ge [sflag:s17], $0xF000  }
0x28: {  	s18 =	sshrl.u32 s23, $0x3;
	[sflag:s17] =	ssyncset.done $0x0  }
0x29: {  	s18 =	sadd.s32 s19, s18;
	[sflag:s17] =	ssyncadd.s32 $0xFFFF1000  }
0x2a: {  	[tilespmem:s10], [sflag:$0x5] =	stream.linear.gather [hbm4b:s18+s2], $0x1E0, $0x38;
	[tilespmem:$0x1E400] =	vst v63  }
0x2b: {  	_ =	swait.ge [sflag:s4], $0x1E0  }
0x2c: {  	[sflag:s4] =	ssyncset.done $0x0  }
0x2d: {  	s30 =	ssub.s32 $0x2, s20;
	s28 =	sshll.u32 s22, $0x4;
	[sflag:s4] =	ssyncadd.s32 $0xFFFFFE20  }
0x2e: {  	[tilespmem:s11], [sflag:$0x2] =	stream.indirect.gather [hbm4b:s5+s6], $0x80, s10, s6, $0xb8;
	[tilespmem:$0x1E400] =	vst v63  }
0x2f: {  	s31 =	sshrl.u32 s30, $0x1;
	s29 =	sshll.u32 s23, $0x4;
	s19 =	sadd.s32 s21, s28  }
0x30: {  	[hbm4b:s19+s2] =	stream.linear.scatter [tilespmem:s7], [sflag:$0x3], $0xF000, $0x38;
	[tilespmem:$0x1E400] =	vst v63  }
0x31: {  	s20 =	sadd.s32 s21, s29;
	s21 =	ssub.s32 s30, s31;
	_ =	swait.ge [sflag:s13], $0xF000  }
0x32: {  	s21 =	smax.u32 s21, $0x1;
	[sflag:s13] =	ssyncset.done $0x0  }
0x33: {  	p0 =	sne.s32 s21, $0x1;
	[sflag:s13] =	ssyncadd.s32 $0xFFFF1000  }
0x34: {  	[hbm4b:s20+s2] =	stream.linear.scatter [tilespmem:s11], [sflag:$0x4], $0xF000, $0x38;
	[tilespmem:$0x1E400] =	vst v63  }
.Ltmp0:
0x35: {  	_ =	swait.ge [sflag:s14], $0xF000;
	(pc) =	sbr.rel @!p0 .LBB2_2-.Ltmp0, $4  }
0x36: {  	[sflag:s14] =	ssyncset.done $0x0  }
0x37: {  	[sflag:s14] =	ssyncadd.s32 $0xFFFF1000  }
0x38: {  	_ =	swait.ge [sflag:s17], $0xF000  }
0x39: {  	s21 =	sadd.s32 $0xFFFFFFFF, s21;
	[sflag:s17] =	ssyncset.done $0x0  }
.LBB2_1:
0x3a: {  	p0 =	sne.s32 s21, $0x1;
	s21 =	sadd.s32 $0xFFFFFFFF, s21;
	[sflag:s17] =	ssyncadd.s32 $0xFFFF1000  }
0x3b: {  	[tilespmem:s2], [sflag:$0x5] =	stream.linear.gather [hbm4b:s3+s2], $0x1E0, $0x38;
	[tilespmem:$0x1E400] =	vst v63  }
0x3c: {  	_ =	swait.ge [sflag:s4], $0x1E0  }
0x3d: {  	[sflag:s4] =	ssyncset.done $0x0  }
0x3e: {  	[sflag:s4] =	ssyncadd.s32 $0xFFFFFE20  }
0x3f: {  	[tilespmem:s7], [sflag:$0x1] =	stream.indirect.gather [hbm4b:s5+s6], $0x80, s2, s6, $0xb8;
	[tilespmem:$0x1E400] =	vst v63  }
0x40: {  	_ =	swait.ge [sflag:s8], $0xF000  }
0x41: {  	[sflag:s8] =	ssyncset.done $0x0  }
0x42: {  	[sflag:s8] =	ssyncadd.s32 $0xFFFF1000  }
0x43: {  	[tilespmem:s10], [sflag:$0x5] =	stream.linear.gather [hbm4b:s9+s2], $0x1E0, $0x38;
	[tilespmem:$0x1E400] =	vst v63  }
0x44: {  	_ =	swait.ge [sflag:s4], $0x1E0  }
0x45: {  	[sflag:s4] =	ssyncset.done $0x0  }
0x46: {  	[sflag:s4] =	ssyncadd.s32 $0xFFFFFE20  }
0x47: {  	[tilespmem:s11], [sflag:$0x2] =	stream.indirect.gather [hbm4b:s5+s6], $0x80, s10, s6, $0xb8;
	[tilespmem:$0x1E400] =	vst v63  }
0x48: {  	_ = 	snop  }
0x49: {  	[hbm4b:s12+s2] =	stream.linear.scatter [tilespmem:s7], [sflag:$0x3], $0xF000, $0x38;
	[tilespmem:$0x1E400] =	vst v63  }
0x4a: {  	_ =	swait.ge [sflag:s13], $0xF000  }
0x4b: {  	[sflag:s13] =	ssyncset.done $0x0  }
0x4c: {  	[sflag:s13] =	ssyncadd.s32 $0xFFFF1000  }
0x4d: {  	_ =	swait.ge [sflag:s14], $0xF000  }
0x4e: {  	[sflag:s14] =	ssyncset.done $0x0  }
0x4f: {  	[sflag:s14] =	ssyncadd.s32 $0xFFFF1000  }
0x50: {  	[tilespmem:s2], [sflag:$0x5] =	stream.linear.gather [hbm4b:s15+s2], $0x1E0, $0x38;
	[tilespmem:$0x1E400] =	vst v63  }
0x51: {  	_ =	swait.ge [sflag:s4], $0x1E0  }
0x52: {  	[sflag:s4] =	ssyncset.done $0x0  }
0x53: {  	[sflag:s4] =	ssyncadd.s32 $0xFFFFFE20  }
0x54: {  	[tilespmem:s7], [sflag:$0x1] =	stream.indirect.gather [hbm4b:s5+s6], $0x80, s2, s6, $0xb8;
	[tilespmem:$0x1E400] =	vst v63  }
0x55: {  	_ = 	snop  }
0x56: {  	[hbm4b:s16+s2] =	stream.linear.scatter [tilespmem:s11], [sflag:$0x4], $0xF000, $0x38;
	[tilespmem:$0x1E400] =	vst v63  }
0x57: {  	_ =	swait.ge [sflag:s8], $0xF000  }
0x58: {  	[sflag:s8] =	ssyncset.done $0x0  }
0x59: {  	[sflag:s8] =	ssyncadd.s32 $0xFFFF1000  }
0x5a: {  	_ =	swait.ge [sflag:s17], $0xF000  }
0x5b: {  	[sflag:s17] =	ssyncset.done $0x0  }
0x5c: {  	[sflag:s17] =	ssyncadd.s32 $0xFFFF1000  }
0x5d: {  	[tilespmem:s10], [sflag:$0x5] =	stream.linear.gather [hbm4b:s18+s2], $0x1E0, $0x38;
	[tilespmem:$0x1E400] =	vst v63  }
0x5e: {  	_ =	swait.ge [sflag:s4], $0x1E0  }
0x5f: {  	[sflag:s4] =	ssyncset.done $0x0  }
0x60: {  	[sflag:s4] =	ssyncadd.s32 $0xFFFFFE20  }
0x61: {  	[tilespmem:s11], [sflag:$0x2] =	stream.indirect.gather [hbm4b:s5+s6], $0x80, s10, s6, $0xb8;
	[tilespmem:$0x1E400] =	vst v63  }
0x62: {  	_ = 	snop  }
0x63: {  	[hbm4b:s19+s2] =	stream.linear.scatter [tilespmem:s7], [sflag:$0x3], $0xF000, $0x38;
	[tilespmem:$0x1E400] =	vst v63  }
0x64: {  	_ =	swait.ge [sflag:s13], $0xF000  }
0x65: {  	[sflag:s13] =	ssyncset.done $0x0  }
0x66: {  	[sflag:s13] =	ssyncadd.s32 $0xFFFF1000  }
0x67: {  	[hbm4b:s20+s2] =	stream.linear.scatter [tilespmem:s11], [sflag:$0x4], $0xF000, $0x38;
	[tilespmem:$0x1E400] =	vst v63  }
.Ltmp1:
0x68: {  	_ =	swait.ge [sflag:s14], $0xF000;
	(pc) =	sbr.rel @p0 .LBB2_1-.Ltmp1, $4  }
0x69: {  	[sflag:s14] =	ssyncset.done $0x0  }
0x6a: {  	[sflag:s14] =	ssyncadd.s32 $0xFFFF1000  }
0x6b: {  	_ =	swait.ge [sflag:s17], $0xF000  }
0x6c: {  	[sflag:s17] =	ssyncset.done $0x0  }
.LBB2_2:
0x6d: {  	[sflag:s17] =	ssyncadd.s32 $0xFFFF1000  }
0x6e: {  	_ =	sfence.sel $0x180000  }
0x6f: {  	[bflag:$0x0] =	sbarrier.arrive $0xFFFF  }
0x70: {  	p0 =	sne.s32 s0, $0x0;
	_ =	strace $0x90000050  }
0x71: {  	s0 =	sadd.s32 @!p0 $0x100000, s1;
	[bflag:$0x2] =	sbarrier.arrive $0xFFFF  }
0x72: {  	[sflag:s0] =	ssyncadd.tile.s32 @!p0 $0x1;
	_ =	shalt  }
.Lfunc_end2:
_tile_overlayer_lowered:
.L_overlay_start_2:
0x73: {  	(tag) =	ssettag $0x2  }
0x74: {  	s0 =	rddreg [dreg:$0x0];
	s2 =	stileid.u32  }
0x75: {  	s1 =	rddreg [dreg:$0x1];
	p0 =	sne.s32 s2, $0x0  }
0x76: {  	s3 =	rddreg [dreg:$0x2];
	[bflag:$0x3] =	sbarrier.arrive $0xFFFF;
	s2 =	simm.s32 @!p0 $0x1C05  }
0x77: {  	[timem:s3], [sflag:s2] =	dma.local @!p0 [hbm:s0], s1  }
0x78: {  	s0 =	simm.s32 @!p0 $0x5  }
0x79: {  	_ =	swait.ge @!p0 [sflag:s0], s1  }
0x7a: {  	s1 =	ssub.s32 @!p0 $0x0, s1;
	[sflag:s0] =	ssyncset.done @!p0 $0x0  }
0x7b: {  	[sflag:s0] =	ssyncadd.s32 @!p0 s1  }
0x7c: {  	[bflag:$0x3] =	sbarrier.arrive $0xFFFF  }
0x7d: {  	_ =	shalt  }

// kernel: kernel.52.cloned.1.call-start
scs
__scs_entry_jumppad:
0x0: {  	(pc) =	sbr.rel $0x88, $3  }
0x1: {  	(tag) =	ssettag $0x0;
	lr =	simm.s32 $0x1  }
0x2: {  	[smem:$0x3F58] =	sst lr;
	_ =	strace $0xD0000000  }
0x3: {  	_ = 	snop  }
0x4: {  	_ = 	snop  }
0x5: {  	_ = 	snop  }
0x6: {  	_ = 	snop  }
0x7: {  	_ = 	snop  }
__scs_overlays_trampoline_lowered:
0x8: {  	[smem:$0x3F67] =	sst s0  }
0x9: {  	[smem:$0x3F68] =	sst s1  }
0xa: {  	[smem:$0x3F69] =	sst s2  }
0xb: {  	[smem:$0x3F6A] =	sst s3  }
0xc: {  	[smem:$0x3F6B] =	sst s4  }
0xd: {  	[smem:$0x3F6C] =	sst s5  }
0xe: {  	[smem:$0x3F6D] =	sst s6  }
0xf: {  	[smem:$0x3F6E] =	sst s7  }
0x10: {  	[smem:$0x3F6F] =	sst s8  }
0x11: {  	[smem:$0x3F70] =	sst s9;
	s0 =	simm.s32 @!p0 $0x0  }
0x12: {  	s1 =	sld [smem:$0x3F56];
	s0 =	simm.s32 @p0 $0x1  }
0x13: {  	[smem:$0x3F71] =	sst s0;
	s0 =	simm.s32 @!p1 $0x0  }
0x14: {  	s2 =	sld [smem:$0x3F55];
	s0 =	simm.s32 @p1 $0x1  }
0x15: {  	[smem:$0x3F72] =	sst s0;
	s0 =	simm.s32 @!p2 $0x0  }
0x16: {  	s3 =	sld [smem:$0x3FDB];
	s0 =	simm.s32 @p2 $0x1  }
0x17: {  	s4 =	simm.s32 $0x1BF5;
	[smem:$0x3F74] =	sst s0  }
0x18: {  	s0 =	sld [smem:$0x3F57];
	_ =	swait.ge [sflag:s4], $0x0  }
0x19: {  	s7 =	sld [smem:$0x3F58]  }
0x1a: {  	s8 =	sadd.s32 $0xFFFFE003, lr  }
0x1b: {  	s9 =	sadd.s32 $0xFFFFFEF7, lr;
	s5 =	simm.s32 $0xFFFFFFFF;
	p2 =	slt.u32 s8, $0xFFFFF086  }
0x1c: {  	p1 =	slt.u32 s9, $0xF7A;
	s5 =	simm.s32 @!p2 $0x0  }
0x1d: {  	s5 =	simm.s32 @p1 $0x1;
	p0 =	seq.s32 s7, s2  }
0x1e: {  	s7 =	smul.u32 @!p0 $0xF7A, s2;
	p2 =	seq.s32 @!p0 s5, $0x0  }
0x1f: {  	s9 =	smul.u32 $0xF7A, s1;
	s8 =	simm.s32 @!p0 $0x1BF5;
	p2 =	por !p2, p0  }
0x20: {  	[sflag:s8] =	ssyncset.s32 @!p0 $0xFFFFF086;
	s6 =	sadd.s32 @!p0 s3, s7;
	s7 =	simm.s32 @!p0 $0x108  }
0x21: {  	s3 =	sadd.s32 s3, s9;
	s6 =	sadd.s32 @!p0 $0x88, s6;
	s7 =	simm.s32 @p2 $0x1082  }
0x22: {  	[simem:s7], [sflag:s8] =	dma.local @!p0 [hbm:s6], $0xF7A  }
0x23: {  	s9 =	sor.u32 $0xD0000000, s2;
	s6 =	simm.s32 $0x108;
	_ =	swait.ge @!p0 [sflag:s8], $0x0  }
0x24: {  	s3 =	sadd.s32 $0x88, s3;
	s6 =	simm.s32 @!p1 $0x1082;
	[sflag:s4] =	ssyncset.s32 $0xFFFFF086  }
0x25: {  	[simem:s6], [sflag:s4] =	dma.local [hbm:s3], $0xF7A  }
0x26: {  	[smem:$0x3F58] =	sst s1;
	(tag) =	ssettag s2;
	_ =	strace s9  }
0x27: {  	s1 =	sld [smem:$0x3F68]  }
0x28: {  	s2 =	sld [smem:$0x3F69]  }
0x29: {  	s4 =	sld [smem:$0x3F6B]  }
0x2a: {  	p0 =	seq.s32 s5, $0x0;
	s5 =	sld [smem:$0x3F6C]  }
0x2b: {  	s6 =	sld [smem:$0x3F6D]  }
0x2c: {  	s7 =	sld [smem:$0x3F6E]  }
0x2d: {  	s3 =	simm.s32 $0x108;
	s8 =	sld [smem:$0x3F6F]  }
0x2e: {  	s3 =	simm.s32 @!p0 $0x1082;
	s9 =	sld [smem:$0x3F70]  }
0x2f: {  	lr =	sadd.s32 s0, s3;
	s0 =	sld [smem:$0x3F67]  }
0x30: {  	s3 =	sld [smem:$0x3F6A]  }
0x31: {  	[smem:$0x3F73] =	sst s10  }
0x32: {  	s10 =	sld [smem:$0x3F71];
	_ =	sdelay $0x3  }
0x33: {  	p0 =	seq.s32 s10, $0x1;
	s10 =	sld [smem:$0x3F73];
	_ =	sdelay $0x3  }
0x34: {  	[smem:$0x3F73] =	sst s10  }
0x35: {  	s10 =	sld [smem:$0x3F72];
	_ =	sdelay $0x3  }
0x36: {  	p1 =	seq.s32 s10, $0x1;
	s10 =	sld [smem:$0x3F73];
	_ =	sdelay $0x3  }
0x37: {  	[smem:$0x3F73] =	sst s10  }
0x38: {  	s10 =	sld [smem:$0x3F74]  }
0x39: {  	_ = 	snop;
	(pc) =	sbr.ind lr, $3  }
0x3a: {  	_ = 	snop  }
0x3b: {  	_ = 	snop  }
0x3c: {  	p2 =	seq.s32 s10, $0x1;
	s10 =	sld [smem:$0x3F73]  }
0x3d: {  	_ =	shalt  }
0x3e: {  	_ =	shalt  }
0x3f: {  	_ =	shalt  }
0x40: {  	_ =	shalt  }
0x41: {  	_ =	shalt  }
0x42: {  	_ =	shalt  }
0x43: {  	_ =	shalt  }
0x44: {  	_ =	shalt  }
0x45: {  	_ =	shalt  }
0x46: {  	_ =	shalt  }
0x47: {  	_ =	shalt  }
0x48: {  	_ =	shalt  }
0x49: {  	_ =	shalt  }
0x4a: {  	_ =	shalt  }
0x4b: {  	_ =	shalt  }
0x4c: {  	_ =	shalt  }
0x4d: {  	_ =	shalt  }
0x4e: {  	_ =	shalt  }
0x4f: {  	_ =	shalt  }
0x50: {  	_ =	shalt  }
0x51: {  	_ =	shalt  }
0x52: {  	_ =	shalt  }
0x53: {  	_ =	shalt  }
0x54: {  	_ =	shalt  }
0x55: {  	_ =	shalt  }
0x56: {  	_ =	shalt  }
0x57: {  	_ =	shalt  }
0x58: {  	_ =	shalt  }
0x59: {  	_ =	shalt  }
0x5a: {  	_ =	shalt  }
0x5b: {  	_ =	shalt  }
0x5c: {  	_ =	shalt  }
0x5d: {  	_ =	shalt  }
0x5e: {  	_ =	shalt  }
0x5f: {  	_ =	shalt  }
0x60: {  	_ =	shalt  }
0x61: {  	_ =	shalt  }
0x62: {  	_ =	shalt  }
0x63: {  	_ =	shalt  }
0x64: {  	_ =	shalt  }
0x65: {  	_ =	shalt  }
0x66: {  	_ =	shalt  }
0x67: {  	_ =	shalt  }
0x68: {  	_ =	shalt  }
0x69: {  	_ =	shalt  }
0x6a: {  	_ =	shalt  }
0x6b: {  	_ =	shalt  }
0x6c: {  	_ =	shalt  }
0x6d: {  	_ =	shalt  }
0x6e: {  	_ =	shalt  }
0x6f: {  	_ =	shalt  }
0x70: {  	_ =	shalt  }
0x71: {  	_ =	shalt  }
0x72: {  	_ =	shalt  }
0x73: {  	_ =	shalt  }
0x74: {  	_ =	shalt  }
0x75: {  	_ =	shalt  }
0x76: {  	_ =	shalt  }
0x77: {  	_ =	shalt  }
0x78: {  	_ =	shalt  }
0x79: {  	_ =	shalt  }
0x7a: {  	_ =	shalt  }
0x7b: {  	_ =	shalt  }
0x7c: {  	_ =	shalt  }
0x7d: {  	_ =	shalt  }
0x7e: {  	_ =	shalt  }
0x7f: {  	_ =	shalt  }
0x80: {  	_ =	shalt  }
0x81: {  	_ =	shalt  }
0x82: {  	_ =	shalt  }
0x83: {  	_ =	shalt  }
0x84: {  	_ =	shalt  }
0x85: {  	_ =	shalt  }
0x86: {  	_ =	shalt  }
0x87: {  	_ =	shalt  }
.Lfunc_end0:
.L_simem_size_0:
called_computation.7_lowered:
.L_overlay_start_0:
0x88: {  	s2 =	sld [smem:$0x3FD9]  }
0x89: {  	s3 =	sld [smem:$0x3FFE];
	_ =	sdelay $0x1  }
0x8a: {  	s1 =	srdreg.scid  }
0x8b: {  	s0 =	sand.u32 $0x1, s1  }
0x8c: {  	s17 =	sshll.u32 s0, $0xA;
	s2 =	sadd.s32 s3, s2  }
0x8d: {  	s2 =	sadd.s32 s2, s17  }
0x8e: {  	[smem:$0x3F7F] =	sst s2  }
0x8f: {  	_ = 	snop  }
0x90: {  	(tm) =	ssettm $0x1  }
0x91: {  	s18 =	sld [smem:$0x3FFB];
	_ =	sdelay $0x3  }
0x92: {  	_ =	strace s18  }
0x93: {  	s2 =	sld [smem:$0x3FFC];
	_ =	sdelay $0x3  }
0x94: {  	_ =	strace s2  }
0x95: {  	s2 =	sld [smem:$0x3FFD];
	_ =	sdelay $0x3  }
0x96: {  	_ =	strace s2  }
0x97: {  	_ =	strace $0x8FFFFFFF  }
0x98: {  	s19 =	sld [smem:$0x3FDB];
	_ =	sdelay $0x1  }
0x99: {  	s20 =	simm.s32 $_scs_section_size  }
0x9a: {  	s4 =	simm.s32 $_size__tile_overlayer_lowered;
	s5 =	simm.s32 $_tile_overlayer_lowered  }
0x9b: {  	s6 =	simm.s32 $0x1BFF;
	s21 =	sshll.u32 s5, $0x1;
	s3 =	sadd.s32 s20, s19  }
0x9c: {  	s22 =	simm.s32 $0x0;
	s4 =	sshll.u32 s4, $0x1;
	s5 =	sadd.s32 s21, s3  }
0x9d: {  	[timem:s22], [sflag:s6] =	dma.local [hbm:s5], s4  }
0x9e: {  	_ =	swait.ge [sflag:s6], s4  }
0x9f: {  	s4 =	ssub.s32 $0x0, s4;
	[sflag:s6] =	ssyncset.done $0x0  }
0xa0: {  	[sflag:s6] =	ssyncadd.s32 s4;
	_ =	sdelay $0x1  }
0xa1: {  	s23 =	simm.s32 $0x1B8B  }
0xa2: {  	_ =	swait.ge [sflag:s23], $0x1  }
0xa3: {  	[sflag:s23] =	ssyncset.done $0x0  }
0xa4: {  	[sflag:s23] =	ssyncadd.s32 $0xFFFFFFFF  }
0xa5: {  	s4 =	sld [smem:$0x0]  }
0xa6: {  	s5 =	sand.u32 $0xFFFFFFFE, s1  }
0xa7: {  	p0 =	sne.s32 s1, s5  }
0xa8: {  	s5 =	sshll.u32 @p0 s5, $0xE  }
0xa9: {  	s5 =	sadd.s32 @p0 $0x11B8D, s5;
	s6 =	sshll.u32 @p0 s4, $0x11  }
0xaa: {  	s5 =	sor.u32 @p0 s6, s5  }
0xab: {  	[sflag:s5] =	ssyncadd.remote.s32 @p0 $0x1;
	_ =	sdelay $0x1  }
0xac: {  	s5 =	simm.s32 @p0 $0x1B8D  }
0xad: {  	_ =	swait.eq @p0 [sflag:s5], $0x1  }
0xae: {  	[sflag:s5] =	ssyncadd.s32 @p0 $0xFFFFFFFF  }
0xaf: {  	s6 =	sshll.u32 @!p0 s1, $0xE  }
0xb0: {  	s6 =	sor.u32 @!p0 $0x4000, s6;
	s5 =	simm.s32 @!p0 $0x1B8D  }
0xb1: {  	s4 =	sshll.u32 @!p0 s4, $0x11;
	s6 =	sadd.s32 @!p0 $0x11B8D, s6;
	_ =	swait.eq @!p0 [sflag:s5], $0x1  }
0xb2: {  	s4 =	sor.u32 @!p0 s4, s6;
	[sflag:s5] =	ssyncadd.s32 @!p0 $0xFFFFFFFF  }
0xb3: {  	s25 =	simm.s32 $0x1B8E;
	s24 =	sld [smem:$0x3FFE];
	[sflag:s4] =	ssyncadd.remote.s32 @!p0 $0x1  }
0xb4: {  	s26 =	simm.s32 $execute0_lowered;
	[smem:$0x3FD2] =	sst s25  }
0xb5: {  	s5 =	sshll.u32 s26, $0x1;
	_ =	strace $0x80000058;
	[dreg:$0x1] =	wrdreg $0xFFFFFFFF  }
0xb6: {  	s28 =	simm.s32 $_size_execute0_lowered;
	s3 =	sadd.s32 s3, s5;
	[dreg:$0x0] =	wrdreg $0x0  }
0xb7: {  	s5 =	sshll.u32 s28, $0x1;
	[dreg:$0x2] =	wrdreg s3  }
0xb8: {  	[dreg:$0x3] =	wrdreg s5  }
0xb9: {  	[dreg:$0x4] =	wrdreg $0xC0  }
0xba: {  	_ =	task [dreg:s22], $0x5FFFF  }
0xbb: {  	[dreg:$0x1] =	wrdreg $0xFFFFFFFF  }
0xbc: {  	[dreg:$0x0] =	wrdreg $0x60  }
0xbd: {  	[dreg:$0x2] =	wrdreg s24  }
0xbe: {  	[dreg:$0x3] =	wrdreg $0xB  }
0xbf: {  	_ =	task.clear_ibuf [dreg:s22], $0x4FFFF;
	_ =	strace $0x90000058  }
0xc0: {  	s29 =	simm.s32 $0xB;
	_ =	strace $0x8000005A  }
0xc1: {  	_ =	swait.ge [sflag:s29], $0x1  }
0xc2: {  	[sflag:s29] =	ssyncadd.s32 $0xFFFFFFFF  }
0xc3: {  	_ =	strace $0x9000005A  }
0xc4: {  	_ =	sfence  }
0xc5: {  	s30 =	sld [smem:$0x0];
	_ =	sdelay $0x2  }
0xc6: {  	s31 =	sshll.u32 s1, $0xD;
	s1 =	sshrl.u32 s1, $0x2  }
0xc7: {  	s4 =	sand.u32 $0x4000, s31;
	s1 =	sadd.s32 s1, s30  }
0xc8: {  	s0 =	sor.u32 s4, s0;
	s1 =	sshll.u32 s1, $0x11  }
0xc9: {  	s0 =	sor.u32 s1, s0  }
0xca: {  	s0 =	sadd.s32 $0x8F2B, s0  }
0xcb: {  	[sflag:s0] =	ssyncadd.remote.s32 $0x1  }
0xcc: {  	_ =	sfence.sel $0xFFFF  }
0xcd: {  	[dreg:$0x0] =	wrdreg $0xFFFFFFFF;
	(pc) =	sbr.abs _section_cstart, $3  }
0xce: {  	[dreg:$0x1] =	wrdreg $0xFFFFFFFF  }
0xcf: {  	_ =	task.clear_ibuf [dreg:s22], $0x2FFFF;
	_ =	strace $0x9FFFFFFF  }
0xd0: {  	(tm) =	ssettm $0x7FFFFFFF  }
0xd1: {  	_ =	shalt  }
tec
execute0_lowered:
.L_overlay_start_1:
0x0: {  	(tag) =	ssettag $0x1  }
0x1: {  	s1 =	srdreg.scid;
	s0 =	stileid.u32  }
0x2: {  	s20 =	sand.u32 $0x1, s1;
	s25 =	sshll.u32 s0, $0x1  }
0x3: {  	s11 =	sor.u32 s20, s25  }
0x4: {  	s18 =	smul.u32 $0x780, s11  }
0x5: {  	s12 =	rddreg [dreg:$0x0];
	s2 =	simm.s32 $0x0;
	s4 =	simm.s32 $0x5  }
0x6: {  	[smem:$0x7FF] =	sst s2;
	s19 =	sadd.s32 $0x13E00, s12;
	s3 =	sshrl.u32 s18, $0x3  }
0x7: {  	s1 =	rddreg [dreg:$0x1];
	_ =	strace $0x80000059;
	s3 =	sadd.s32 s19, s3  }
0x8: {  	[tilespmem:s2], [sflag:$0x5] =	stream.linear.gather [hbm4b:s3+s2], $0x1E0, $0x38;
	[tilespmem:$0x1E400] =	vst v63  }
0x9: {  	_ =	swait.ge [sflag:s4], $0x1E0  }
0xa: {  	s6 =	simm.s32 $0x1E0;
	s7 =	simm.s32 $0x400;
	[sflag:s4] =	ssyncset.done $0x0  }
0xb: {  	s8 =	simm.s32 $0x1;
	s5 =	sadd.s32 $0xBE00, s12;
	[sflag:s4] =	ssyncadd.s32 $0xFFFFFE20  }
0xc: {  	[tilespmem:s7], [sflag:$0x1] =	stream.indirect.gather [hbm4b:s5+s6], $0x80, s2, s6, $0xb8;
	[tilespmem:$0x1E400] =	vst v63  }
0xd: {  	s16 =	sadd.s32 $0x1E0, s18;
	_ =	swait.ge [sflag:s8], $0xF000  }
0xe: {  	s9 =	sshrl.u32 s16, $0x3;
	[sflag:s8] =	ssyncset.done $0x0  }
0xf: {  	s10 =	simm.s32 $0x200;
	s9 =	sadd.s32 s19, s9;
	[sflag:s8] =	ssyncadd.s32 $0xFFFF1000  }
0x10: {  	[tilespmem:s10], [sflag:$0x5] =	stream.linear.gather [hbm4b:s9+s2], $0x1E0, $0x38;
	[tilespmem:$0x1E400] =	vst v63  }
0x11: {  	_ =	swait.ge [sflag:s4], $0x1E0  }
0x12: {  	s21 =	sadd.s32 $0x15C00, s12;
	[sflag:s4] =	ssyncset.done $0x0  }
0x13: {  	s26 =	smul.u32 $0x7800, s11;
	s11 =	simm.s32 $0xF400;
	[sflag:s4] =	ssyncadd.s32 $0xFFFFFE20  }
0x14: {  	[tilespmem:s11], [sflag:$0x2] =	stream.indirect.gather [hbm4b:s5+s6], $0x80, s10, s6, $0xb8;
	[tilespmem:$0x1E400] =	vst v63  }
0x15: {  	s13 =	simm.s32 $0x2;
	s12 =	sadd.s32 s21, s26  }
0x16: {  	[hbm4b:s12+s2] =	stream.linear.scatter [tilespmem:s7], [sflag:$0x3], $0xF000, $0x38;
	[tilespmem:$0x1E400] =	vst v63  }
0x17: {  	_ =	swait.ge [sflag:s13], $0xF000  }
0x18: {  	[sflag:s13] =	ssyncset.done $0x0  }
0x19: {  	s14 =	simm.s32 $0x3;
	[sflag:s13] =	ssyncadd.s32 $0xFFFF1000  }
0x1a: {  	s22 =	sadd.s32 $0x3C0, s18;
	_ =	swait.ge [sflag:s14], $0xF000  }
0x1b: {  	s15 =	sshrl.u32 s22, $0x3;
	[sflag:s14] =	ssyncset.done $0x0  }
0x1c: {  	s15 =	sadd.s32 s19, s15;
	[sflag:s14] =	ssyncadd.s32 $0xFFFF1000  }
0x1d: {  	[tilespmem:s2], [sflag:$0x5] =	stream.linear.gather [hbm4b:s15+s2], $0x1E0, $0x38;
	[tilespmem:$0x1E400] =	vst v63  }
0x1e: {  	_ =	swait.ge [sflag:s4], $0x1E0  }
0x1f: {  	[sflag:s4] =	ssyncset.done $0x0  }
0x20: {  	s16 =	sshll.u32 s16, $0x4;
	[sflag:s4] =	ssyncadd.s32 $0xFFFFFE20  }
0x21: {  	[tilespmem:s7], [sflag:$0x1] =	stream.indirect.gather [hbm4b:s5+s6], $0x80, s2, s6, $0xb8;
	[tilespmem:$0x1E400] =	vst v63  }
0x22: {  	s16 =	sadd.s32 s21, s16  }
0x23: {  	[hbm4b:s16+s2] =	stream.linear.scatter [tilespmem:s11], [sflag:$0x4], $0xF000, $0x38;
	[tilespmem:$0x1E400] =	vst v63  }
0x24: {  	_ =	swait.ge [sflag:s8], $0xF000  }
0x25: {  	[sflag:s8] =	ssyncset.done $0x0  }
0x26: {  	s17 =	simm.s32 $0x4;
	[sflag:s8] =	ssyncadd.s32 $0xFFFF1000  }
0x27: {  	s23 =	sadd.s32 $0x5A0, s18;
	_ =	swait.ge [sflag:s17], $0xF000  }
0x28: {  	s18 =	sshrl.u32 s23, $0x3;
	[sflag:s17] =	ssyncset.done $0x0  }
0x29: {  	s18 =	sadd.s32 s19, s18;
	[sflag:s17] =	ssyncadd.s32 $0xFFFF1000  }
0x2a: {  	[tilespmem:s10], [sflag:$0x5] =	stream.linear.gather [hbm4b:s18+s2], $0x1E0, $0x38;
	[tilespmem:$0x1E400] =	vst v63  }
0x2b: {  	_ =	swait.ge [sflag:s4], $0x1E0  }
0x2c: {  	[sflag:s4] =	ssyncset.done $0x0  }
0x2d: {  	s30 =	ssub.s32 $0x2, s20;
	s28 =	sshll.u32 s22, $0x4;
	[sflag:s4] =	ssyncadd.s32 $0xFFFFFE20  }
0x2e: {  	[tilespmem:s11], [sflag:$0x2] =	stream.indirect.gather [hbm4b:s5+s6], $0x80, s10, s6, $0xb8;
	[tilespmem:$0x1E400] =	vst v63  }
0x2f: {  	s31 =	sshrl.u32 s30, $0x1;
	s29 =	sshll.u32 s23, $0x4;
	s19 =	sadd.s32 s21, s28  }
0x30: {  	[hbm4b:s19+s2] =	stream.linear.scatter [tilespmem:s7], [sflag:$0x3], $0xF000, $0x38;
	[tilespmem:$0x1E400] =	vst v63  }
0x31: {  	s20 =	sadd.s32 s21, s29;
	s21 =	ssub.s32 s30, s31;
	_ =	swait.ge [sflag:s13], $0xF000  }
0x32: {  	s21 =	smax.u32 s21, $0x1;
	[sflag:s13] =	ssyncset.done $0x0  }
0x33: {  	p0 =	sne.s32 s21, $0x1;
	[sflag:s13] =	ssyncadd.s32 $0xFFFF1000  }
0x34: {  	[hbm4b:s20+s2] =	stream.linear.scatter [tilespmem:s11], [sflag:$0x4], $0xF000, $0x38;
	[tilespmem:$0x1E400] =	vst v63  }
.Ltmp0:
0x35: {  	_ =	swait.ge [sflag:s14], $0xF000;
	(pc) =	sbr.rel @!p0 .LBB2_2-.Ltmp0, $4  }
0x36: {  	[sflag:s14] =	ssyncset.done $0x0  }
0x37: {  	[sflag:s14] =	ssyncadd.s32 $0xFFFF1000  }
0x38: {  	_ =	swait.ge [sflag:s17], $0xF000  }
0x39: {  	s21 =	sadd.s32 $0xFFFFFFFF, s21;
	[sflag:s17] =	ssyncset.done $0x0  }
.LBB2_1:
0x3a: {  	p0 =	sne.s32 s21, $0x1;
	s21 =	sadd.s32 $0xFFFFFFFF, s21;
	[sflag:s17] =	ssyncadd.s32 $0xFFFF1000  }
0x3b: {  	[tilespmem:s2], [sflag:$0x5] =	stream.linear.gather [hbm4b:s3+s2], $0x1E0, $0x38;
	[tilespmem:$0x1E400] =	vst v63  }
0x3c: {  	_ =	swait.ge [sflag:s4], $0x1E0  }
0x3d: {  	[sflag:s4] =	ssyncset.done $0x0  }
0x3e: {  	[sflag:s4] =	ssyncadd.s32 $0xFFFFFE20  }
0x3f: {  	[tilespmem:s7], [sflag:$0x1] =	stream.indirect.gather [hbm4b:s5+s6], $0x80, s2, s6, $0xb8;
	[tilespmem:$0x1E400] =	vst v63  }
0x40: {  	_ =	swait.ge [sflag:s8], $0xF000  }
0x41: {  	[sflag:s8] =	ssyncset.done $0x0  }
0x42: {  	[sflag:s8] =	ssyncadd.s32 $0xFFFF1000  }
0x43: {  	[tilespmem:s10], [sflag:$0x5] =	stream.linear.gather [hbm4b:s9+s2], $0x1E0, $0x38;
	[tilespmem:$0x1E400] =	vst v63  }
0x44: {  	_ =	swait.ge [sflag:s4], $0x1E0  }
0x45: {  	[sflag:s4] =	ssyncset.done $0x0  }
0x46: {  	[sflag:s4] =	ssyncadd.s32 $0xFFFFFE20  }
0x47: {  	[tilespmem:s11], [sflag:$0x2] =	stream.indirect.gather [hbm4b:s5+s6], $0x80, s10, s6, $0xb8;
	[tilespmem:$0x1E400] =	vst v63  }
0x48: {  	_ = 	snop  }
0x49: {  	[hbm4b:s12+s2] =	stream.linear.scatter [tilespmem:s7], [sflag:$0x3], $0xF000, $0x38;
	[tilespmem:$0x1E400] =	vst v63  }
0x4a: {  	_ =	swait.ge [sflag:s13], $0xF000  }
0x4b: {  	[sflag:s13] =	ssyncset.done $0x0  }
0x4c: {  	[sflag:s13] =	ssyncadd.s32 $0xFFFF1000  }
0x4d: {  	_ =	swait.ge [sflag:s14], $0xF000  }
0x4e: {  	[sflag:s14] =	ssyncset.done $0x0  }
0x4f: {  	[sflag:s14] =	ssyncadd.s32 $0xFFFF1000  }
0x50: {  	[tilespmem:s2], [sflag:$0x5] =	stream.linear.gather [hbm4b:s15+s2], $0x1E0, $0x38;
	[tilespmem:$0x1E400] =	vst v63  }
0x51: {  	_ =	swait.ge [sflag:s4], $0x1E0  }
0x52: {  	[sflag:s4] =	ssyncset.done $0x0  }
0x53: {  	[sflag:s4] =	ssyncadd.s32 $0xFFFFFE20  }
0x54: {  	[tilespmem:s7], [sflag:$0x1] =	stream.indirect.gather [hbm4b:s5+s6], $0x80, s2, s6, $0xb8;
	[tilespmem:$0x1E400] =	vst v63  }
0x55: {  	_ = 	snop  }
0x56: {  	[hbm4b:s16+s2] =	stream.linear.scatter [tilespmem:s11], [sflag:$0x4], $0xF000, $0x38;
	[tilespmem:$0x1E400] =	vst v63  }
0x57: {  	_ =	swait.ge [sflag:s8], $0xF000  }
0x58: {  	[sflag:s8] =	ssyncset.done $0x0  }
0x59: {  	[sflag:s8] =	ssyncadd.s32 $0xFFFF1000  }
0x5a: {  	_ =	swait.ge [sflag:s17], $0xF000  }
0x5b: {  	[sflag:s17] =	ssyncset.done $0x0  }
0x5c: {  	[sflag:s17] =	ssyncadd.s32 $0xFFFF1000  }
0x5d: {  	[tilespmem:s10], [sflag:$0x5] =	stream.linear.gather [hbm4b:s18+s2], $0x1E0, $0x38;
	[tilespmem:$0x1E400] =	vst v63  }
0x5e: {  	_ =	swait.ge [sflag:s4], $0x1E0  }
0x5f: {  	[sflag:s4] =	ssyncset.done $0x0  }
0x60: {  	[sflag:s4] =	ssyncadd.s32 $0xFFFFFE20  }
0x61: {  	[tilespmem:s11], [sflag:$0x2] =	stream.indirect.gather [hbm4b:s5+s6], $0x80, s10, s6, $0xb8;
	[tilespmem:$0x1E400] =	vst v63  }
0x62: {  	_ = 	snop  }
0x63: {  	[hbm4b:s19+s2] =	stream.linear.scatter [tilespmem:s7], [sflag:$0x3], $0xF000, $0x38;
	[tilespmem:$0x1E400] =	vst v63  }
0x64: {  	_ =	swait.ge [sflag:s13], $0xF000  }
0x65: {  	[sflag:s13] =	ssyncset.done $0x0  }
0x66: {  	[sflag:s13] =	ssyncadd.s32 $0xFFFF1000  }
0x67: {  	[hbm4b:s20+s2] =	stream.linear.scatter [tilespmem:s11], [sflag:$0x4], $0xF000, $0x38;
	[tilespmem:$0x1E400] =	vst v63  }
.Ltmp1:
0x68: {  	_ =	swait.ge [sflag:s14], $0xF000;
	(pc) =	sbr.rel @p0 .LBB2_1-.Ltmp1, $4  }
0x69: {  	[sflag:s14] =	ssyncset.done $0x0  }
0x6a: {  	[sflag:s14] =	ssyncadd.s32 $0xFFFF1000  }
0x6b: {  	_ =	swait.ge [sflag:s17], $0xF000  }
0x6c: {  	[sflag:s17] =	ssyncset.done $0x0  }
.LBB2_2:
0x6d: {  	[sflag:s17] =	ssyncadd.s32 $0xFFFF1000  }
0x6e: {  	_ =	sfence.sel $0x180000  }
0x6f: {  	[bflag:$0x0] =	sbarrier.arrive $0xFFFF  }
0x70: {  	p0 =	sne.s32 s0, $0x0;
	_ =	strace $0x90000059  }
0x71: {  	s0 =	sadd.s32 @!p0 $0x100000, s1;
	[bflag:$0x2] =	sbarrier.arrive $0xFFFF  }
0x72: {  	[sflag:s0] =	ssyncadd.tile.s32 @!p0 $0x1;
	_ =	shalt  }
.Lfunc_end2:
_tile_overlayer_lowered:
.L_overlay_start_2:
0x73: {  	(tag) =	ssettag $0x2  }
0x74: {  	s0 =	rddreg [dreg:$0x0];
	s2 =	stileid.u32  }
0x75: {  	s1 =	rddreg [dreg:$0x1];
	p0 =	sne.s32 s2, $0x0  }
0x76: {  	s3 =	rddreg [dreg:$0x2];
	[bflag:$0x3] =	sbarrier.arrive $0xFFFF;
	s2 =	simm.s32 @!p0 $0x1C05  }
0x77: {  	[timem:s3], [sflag:s2] =	dma.local @!p0 [hbm:s0], s1  }
0x78: {  	s0 =	simm.s32 @!p0 $0x5  }
0x79: {  	_ =	swait.ge @!p0 [sflag:s0], s1  }
0x7a: {  	s1 =	ssub.s32 @!p0 $0x0, s1;
	[sflag:s0] =	ssyncset.done @!p0 $0x0  }
0x7b: {  	[sflag:s0] =	ssyncadd.s32 @!p0 s1  }
0x7c: {  	[bflag:$0x3] =	sbarrier.arrive $0xFFFF  }
0x7d: {  	_ =	shalt  }

// kernel: kernel.55.cloned.1.call-start
scs
__scs_entry_jumppad:
0x0: {  	(pc) =	sbr.rel $0x88, $3  }
0x1: {  	(tag) =	ssettag $0x0;
	lr =	simm.s32 $0x1  }
0x2: {  	[smem:$0x3F58] =	sst lr;
	_ =	strace $0xD0000000  }
0x3: {  	_ = 	snop  }
0x4: {  	_ = 	snop  }
0x5: {  	_ = 	snop  }
0x6: {  	_ = 	snop  }
0x7: {  	_ = 	snop  }
__scs_overlays_trampoline_lowered:
0x8: {  	[smem:$0x3F67] =	sst s0  }
0x9: {  	[smem:$0x3F68] =	sst s1  }
0xa: {  	[smem:$0x3F69] =	sst s2  }
0xb: {  	[smem:$0x3F6A] =	sst s3  }
0xc: {  	[smem:$0x3F6B] =	sst s4  }
0xd: {  	[smem:$0x3F6C] =	sst s5  }
0xe: {  	[smem:$0x3F6D] =	sst s6  }
0xf: {  	[smem:$0x3F6E] =	sst s7  }
0x10: {  	[smem:$0x3F6F] =	sst s8  }
0x11: {  	[smem:$0x3F70] =	sst s9;
	s0 =	simm.s32 @!p0 $0x0  }
0x12: {  	s1 =	sld [smem:$0x3F56];
	s0 =	simm.s32 @p0 $0x1  }
0x13: {  	[smem:$0x3F71] =	sst s0;
	s0 =	simm.s32 @!p1 $0x0  }
0x14: {  	s2 =	sld [smem:$0x3F55];
	s0 =	simm.s32 @p1 $0x1  }
0x15: {  	[smem:$0x3F72] =	sst s0;
	s0 =	simm.s32 @!p2 $0x0  }
0x16: {  	s3 =	sld [smem:$0x3FDB];
	s0 =	simm.s32 @p2 $0x1  }
0x17: {  	s4 =	simm.s32 $0x1BF5;
	[smem:$0x3F74] =	sst s0  }
0x18: {  	s0 =	sld [smem:$0x3F57];
	_ =	swait.ge [sflag:s4], $0x0  }
0x19: {  	s7 =	sld [smem:$0x3F58]  }
0x1a: {  	s8 =	sadd.s32 $0xFFFFE003, lr  }
0x1b: {  	s9 =	sadd.s32 $0xFFFFFEF7, lr;
	s5 =	simm.s32 $0xFFFFFFFF;
	p2 =	slt.u32 s8, $0xFFFFF086  }
0x1c: {  	p1 =	slt.u32 s9, $0xF7A;
	s5 =	simm.s32 @!p2 $0x0  }
0x1d: {  	s5 =	simm.s32 @p1 $0x1;
	p0 =	seq.s32 s7, s2  }
0x1e: {  	s7 =	smul.u32 @!p0 $0xF7A, s2;
	p2 =	seq.s32 @!p0 s5, $0x0  }
0x1f: {  	s9 =	smul.u32 $0xF7A, s1;
	s8 =	simm.s32 @!p0 $0x1BF5;
	p2 =	por !p2, p0  }
0x20: {  	[sflag:s8] =	ssyncset.s32 @!p0 $0xFFFFF086;
	s6 =	sadd.s32 @!p0 s3, s7;
	s7 =	simm.s32 @!p0 $0x108  }
0x21: {  	s3 =	sadd.s32 s3, s9;
	s6 =	sadd.s32 @!p0 $0x88, s6;
	s7 =	simm.s32 @p2 $0x1082  }
0x22: {  	[simem:s7], [sflag:s8] =	dma.local @!p0 [hbm:s6], $0xF7A  }
0x23: {  	s9 =	sor.u32 $0xD0000000, s2;
	s6 =	simm.s32 $0x108;
	_ =	swait.ge @!p0 [sflag:s8], $0x0  }
0x24: {  	s3 =	sadd.s32 $0x88, s3;
	s6 =	simm.s32 @!p1 $0x1082;
	[sflag:s4] =	ssyncset.s32 $0xFFFFF086  }
0x25: {  	[simem:s6], [sflag:s4] =	dma.local [hbm:s3], $0xF7A  }
0x26: {  	[smem:$0x3F58] =	sst s1;
	(tag) =	ssettag s2;
	_ =	strace s9  }
0x27: {  	s1 =	sld [smem:$0x3F68]  }
0x28: {  	s2 =	sld [smem:$0x3F69]  }
0x29: {  	s4 =	sld [smem:$0x3F6B]  }
0x2a: {  	p0 =	seq.s32 s5, $0x0;
	s5 =	sld [smem:$0x3F6C]  }
0x2b: {  	s6 =	sld [smem:$0x3F6D]  }
0x2c: {  	s7 =	sld [smem:$0x3F6E]  }
0x2d: {  	s3 =	simm.s32 $0x108;
	s8 =	sld [smem:$0x3F6F]  }
0x2e: {  	s3 =	simm.s32 @!p0 $0x1082;
	s9 =	sld [smem:$0x3F70]  }
0x2f: {  	lr =	sadd.s32 s0, s3;
	s0 =	sld [smem:$0x3F67]  }
0x30: {  	s3 =	sld [smem:$0x3F6A]  }
0x31: {  	[smem:$0x3F73] =	sst s10  }
0x32: {  	s10 =	sld [smem:$0x3F71];
	_ =	sdelay $0x3  }
0x33: {  	p0 =	seq.s32 s10, $0x1;
	s10 =	sld [smem:$0x3F73];
	_ =	sdelay $0x3  }
0x34: {  	[smem:$0x3F73] =	sst s10  }
0x35: {  	s10 =	sld [smem:$0x3F72];
	_ =	sdelay $0x3  }
0x36: {  	p1 =	seq.s32 s10, $0x1;
	s10 =	sld [smem:$0x3F73];
	_ =	sdelay $0x3  }
0x37: {  	[smem:$0x3F73] =	sst s10  }
0x38: {  	s10 =	sld [smem:$0x3F74]  }
0x39: {  	_ = 	snop;
	(pc) =	sbr.ind lr, $3  }
0x3a: {  	_ = 	snop  }
0x3b: {  	_ = 	snop  }
0x3c: {  	p2 =	seq.s32 s10, $0x1;
	s10 =	sld [smem:$0x3F73]  }
0x3d: {  	_ =	shalt  }
0x3e: {  	_ =	shalt  }
0x3f: {  	_ =	shalt  }
0x40: {  	_ =	shalt  }
0x41: {  	_ =	shalt  }
0x42: {  	_ =	shalt  }
0x43: {  	_ =	shalt  }
0x44: {  	_ =	shalt  }
0x45: {  	_ =	shalt  }
0x46: {  	_ =	shalt  }
0x47: {  	_ =	shalt  }
0x48: {  	_ =	shalt  }
0x49: {  	_ =	shalt  }
0x4a: {  	_ =	shalt  }
0x4b: {  	_ =	shalt  }
0x4c: {  	_ =	shalt  }
0x4d: {  	_ =	shalt  }
0x4e: {  	_ =	shalt  }
0x4f: {  	_ =	shalt  }
0x50: {  	_ =	shalt  }
0x51: {  	_ =	shalt  }
0x52: {  	_ =	shalt  }
0x53: {  	_ =	shalt  }
0x54: {  	_ =	shalt  }
0x55: {  	_ =	shalt  }
0x56: {  	_ =	shalt  }
0x57: {  	_ =	shalt  }
0x58: {  	_ =	shalt  }
0x59: {  	_ =	shalt  }
0x5a: {  	_ =	shalt  }
0x5b: {  	_ =	shalt  }
0x5c: {  	_ =	shalt  }
0x5d: {  	_ =	shalt  }
0x5e: {  	_ =	shalt  }
0x5f: {  	_ =	shalt  }
0x60: {  	_ =	shalt  }
0x61: {  	_ =	shalt  }
0x62: {  	_ =	shalt  }
0x63: {  	_ =	shalt  }
0x64: {  	_ =	shalt  }
0x65: {  	_ =	shalt  }
0x66: {  	_ =	shalt  }
0x67: {  	_ =	shalt  }
0x68: {  	_ =	shalt  }
0x69: {  	_ =	shalt  }
0x6a: {  	_ =	shalt  }
0x6b: {  	_ =	shalt  }
0x6c: {  	_ =	shalt  }
0x6d: {  	_ =	shalt  }
0x6e: {  	_ =	shalt  }
0x6f: {  	_ =	shalt  }
0x70: {  	_ =	shalt  }
0x71: {  	_ =	shalt  }
0x72: {  	_ =	shalt  }
0x73: {  	_ =	shalt  }
0x74: {  	_ =	shalt  }
0x75: {  	_ =	shalt  }
0x76: {  	_ =	shalt  }
0x77: {  	_ =	shalt  }
0x78: {  	_ =	shalt  }
0x79: {  	_ =	shalt  }
0x7a: {  	_ =	shalt  }
0x7b: {  	_ =	shalt  }
0x7c: {  	_ =	shalt  }
0x7d: {  	_ =	shalt  }
0x7e: {  	_ =	shalt  }
0x7f: {  	_ =	shalt  }
0x80: {  	_ =	shalt  }
0x81: {  	_ =	shalt  }
0x82: {  	_ =	shalt  }
0x83: {  	_ =	shalt  }
0x84: {  	_ =	shalt  }
0x85: {  	_ =	shalt  }
0x86: {  	_ =	shalt  }
0x87: {  	_ =	shalt  }
.Lfunc_end0:
.L_simem_size_0:
called_computation.8_lowered:
.L_overlay_start_0:
0x88: {  	s2 =	sld [smem:$0x3FD9]  }
0x89: {  	s3 =	sld [smem:$0x3FFE];
	_ =	sdelay $0x1  }
0x8a: {  	s1 =	srdreg.scid  }
0x8b: {  	s0 =	sand.u32 $0x1, s1  }
0x8c: {  	s17 =	sshll.u32 s0, $0xA;
	s2 =	sadd.s32 s3, s2  }
0x8d: {  	s2 =	sadd.s32 s2, s17  }
0x8e: {  	[smem:$0x3F7F] =	sst s2  }
0x8f: {  	_ = 	snop  }
0x90: {  	(tm) =	ssettm $0x1  }
0x91: {  	s18 =	sld [smem:$0x3FFB];
	_ =	sdelay $0x3  }
0x92: {  	_ =	strace s18  }
0x93: {  	s2 =	sld [smem:$0x3FFC];
	_ =	sdelay $0x3  }
0x94: {  	_ =	strace s2  }
0x95: {  	s2 =	sld [smem:$0x3FFD];
	_ =	sdelay $0x3  }
0x96: {  	_ =	strace s2  }
0x97: {  	_ =	strace $0x8FFFFFFF  }
0x98: {  	s19 =	sld [smem:$0x3FDB];
	_ =	sdelay $0x1  }
0x99: {  	s20 =	simm.s32 $_scs_section_size  }
0x9a: {  	s4 =	simm.s32 $_size__tile_overlayer_lowered;
	s5 =	simm.s32 $_tile_overlayer_lowered  }
0x9b: {  	s6 =	simm.s32 $0x1BFF;
	s21 =	sshll.u32 s5, $0x1;
	s3 =	sadd.s32 s20, s19  }
0x9c: {  	s22 =	simm.s32 $0x0;
	s4 =	sshll.u32 s4, $0x1;
	s5 =	sadd.s32 s21, s3  }
0x9d: {  	[timem:s22], [sflag:s6] =	dma.local [hbm:s5], s4  }
0x9e: {  	_ =	swait.ge [sflag:s6], s4  }
0x9f: {  	s4 =	ssub.s32 $0x0, s4;
	[sflag:s6] =	ssyncset.done $0x0  }
0xa0: {  	[sflag:s6] =	ssyncadd.s32 s4;
	_ =	sdelay $0x1  }
0xa1: {  	s23 =	simm.s32 $0x1B8B  }
0xa2: {  	_ =	swait.ge [sflag:s23], $0x1  }
0xa3: {  	[sflag:s23] =	ssyncset.done $0x0  }
0xa4: {  	[sflag:s23] =	ssyncadd.s32 $0xFFFFFFFF  }
0xa5: {  	s4 =	sld [smem:$0x0]  }
0xa6: {  	s5 =	sand.u32 $0xFFFFFFFE, s1  }
0xa7: {  	p0 =	sne.s32 s1, s5  }
0xa8: {  	s5 =	sshll.u32 @p0 s5, $0xE  }
0xa9: {  	s5 =	sadd.s32 @p0 $0x11B8D, s5;
	s6 =	sshll.u32 @p0 s4, $0x11  }
0xaa: {  	s5 =	sor.u32 @p0 s6, s5  }
0xab: {  	[sflag:s5] =	ssyncadd.remote.s32 @p0 $0x1;
	_ =	sdelay $0x1  }
0xac: {  	s5 =	simm.s32 @p0 $0x1B8D  }
0xad: {  	_ =	swait.eq @p0 [sflag:s5], $0x1  }
0xae: {  	[sflag:s5] =	ssyncadd.s32 @p0 $0xFFFFFFFF  }
0xaf: {  	s6 =	sshll.u32 @!p0 s1, $0xE  }
0xb0: {  	s6 =	sor.u32 @!p0 $0x4000, s6;
	s5 =	simm.s32 @!p0 $0x1B8D  }
0xb1: {  	s4 =	sshll.u32 @!p0 s4, $0x11;
	s6 =	sadd.s32 @!p0 $0x11B8D, s6;
	_ =	swait.eq @!p0 [sflag:s5], $0x1  }
0xb2: {  	s4 =	sor.u32 @!p0 s4, s6;
	[sflag:s5] =	ssyncadd.s32 @!p0 $0xFFFFFFFF  }
0xb3: {  	s25 =	simm.s32 $0x1B8E;
	s24 =	sld [smem:$0x3FFE];
	[sflag:s4] =	ssyncadd.remote.s32 @!p0 $0x1  }
0xb4: {  	s26 =	simm.s32 $execute0_lowered;
	[smem:$0x3FD2] =	sst s25  }
0xb5: {  	s5 =	sshll.u32 s26, $0x1;
	_ =	strace $0x8000005E;
	[dreg:$0x1] =	wrdreg $0xFFFFFFFF  }
0xb6: {  	s28 =	simm.s32 $_size_execute0_lowered;
	s3 =	sadd.s32 s3, s5;
	[dreg:$0x0] =	wrdreg $0x0  }
0xb7: {  	s5 =	sshll.u32 s28, $0x1;
	[dreg:$0x2] =	wrdreg s3  }
0xb8: {  	[dreg:$0x3] =	wrdreg s5  }
0xb9: {  	[dreg:$0x4] =	wrdreg $0xC0  }
0xba: {  	_ =	task [dreg:s22], $0x5FFFF  }
0xbb: {  	[dreg:$0x1] =	wrdreg $0xFFFFFFFF  }
0xbc: {  	[dreg:$0x0] =	wrdreg $0x60  }
0xbd: {  	[dreg:$0x2] =	wrdreg s24  }
0xbe: {  	[dreg:$0x3] =	wrdreg $0x9  }
0xbf: {  	_ =	task.clear_ibuf [dreg:s22], $0x4FFFF;
	_ =	strace $0x9000005E  }
0xc0: {  	s29 =	simm.s32 $0x9;
	_ =	strace $0x80000060  }
0xc1: {  	_ =	swait.ge [sflag:s29], $0x1  }
0xc2: {  	[sflag:s29] =	ssyncadd.s32 $0xFFFFFFFF  }
0xc3: {  	_ =	strace $0x90000060  }
0xc4: {  	_ =	sfence  }
0xc5: {  	s30 =	sld [smem:$0x0];
	_ =	sdelay $0x2  }
0xc6: {  	s31 =	sshll.u32 s1, $0xD;
	s1 =	sshrl.u32 s1, $0x2  }
0xc7: {  	s4 =	sand.u32 $0x4000, s31;
	s1 =	sadd.s32 s1, s30  }
0xc8: {  	s0 =	sor.u32 s4, s0;
	s1 =	sshll.u32 s1, $0x11  }
0xc9: {  	s0 =	sor.u32 s1, s0  }
0xca: {  	s0 =	sadd.s32 $0x8F2B, s0  }
0xcb: {  	[sflag:s0] =	ssyncadd.remote.s32 $0x1  }
0xcc: {  	_ =	sfence.sel $0xFFFF  }
0xcd: {  	[dreg:$0x0] =	wrdreg $0xFFFFFFFF;
	(pc) =	sbr.abs _section_cstart, $3  }
0xce: {  	[dreg:$0x1] =	wrdreg $0xFFFFFFFF  }
0xcf: {  	_ =	task.clear_ibuf [dreg:s22], $0x2FFFF;
	_ =	strace $0x9FFFFFFF  }
0xd0: {  	(tm) =	ssettm $0x7FFFFFFF  }
0xd1: {  	_ =	shalt  }
tec
execute0_lowered:
.L_overlay_start_1:
0x0: {  	(tag) =	ssettag $0x1  }
0x1: {  	s1 =	srdreg.scid;
	s0 =	stileid.u32  }
0x2: {  	s20 =	sand.u32 $0x1, s1;
	s25 =	sshll.u32 s0, $0x1  }
0x3: {  	s11 =	sor.u32 s20, s25  }
0x4: {  	s18 =	smul.u32 $0x780, s11  }
0x5: {  	s12 =	rddreg [dreg:$0x0];
	s2 =	simm.s32 $0x0;
	s4 =	simm.s32 $0x5  }
0x6: {  	[smem:$0x7FF] =	sst s2;
	s19 =	sadd.s32 $0x13E00, s12;
	s3 =	sshrl.u32 s18, $0x3  }
0x7: {  	s1 =	rddreg [dreg:$0x1];
	_ =	strace $0x8000005F;
	s3 =	sadd.s32 s19, s3  }
0x8: {  	[tilespmem:s2], [sflag:$0x5] =	stream.linear.gather [hbm4b:s3+s2], $0x1E0, $0x38;
	[tilespmem:$0x1E400] =	vst v63  }
0x9: {  	_ =	swait.ge [sflag:s4], $0x1E0  }
0xa: {  	s6 =	simm.s32 $0x1E0;
	s7 =	simm.s32 $0x400;
	[sflag:s4] =	ssyncset.done $0x0  }
0xb: {  	s8 =	simm.s32 $0x1;
	s5 =	sadd.s32 $0xBE00, s12;
	[sflag:s4] =	ssyncadd.s32 $0xFFFFFE20  }
0xc: {  	[tilespmem:s7], [sflag:$0x1] =	stream.indirect.gather [hbm4b:s5+s6], $0x80, s2, s6, $0xb8;
	[tilespmem:$0x1E400] =	vst v63  }
0xd: {  	s16 =	sadd.s32 $0x1E0, s18;
	_ =	swait.ge [sflag:s8], $0xF000  }
0xe: {  	s9 =	sshrl.u32 s16, $0x3;
	[sflag:s8] =	ssyncset.done $0x0  }
0xf: {  	s10 =	simm.s32 $0x200;
	s9 =	sadd.s32 s19, s9;
	[sflag:s8] =	ssyncadd.s32 $0xFFFF1000  }
0x10: {  	[tilespmem:s10], [sflag:$0x5] =	stream.linear.gather [hbm4b:s9+s2], $0x1E0, $0x38;
	[tilespmem:$0x1E400] =	vst v63  }
0x11: {  	_ =	swait.ge [sflag:s4], $0x1E0  }
0x12: {  	s21 =	sadd.s32 $0x15C00, s12;
	[sflag:s4] =	ssyncset.done $0x0  }
0x13: {  	s26 =	smul.u32 $0x7800, s11;
	s11 =	simm.s32 $0xF400;
	[sflag:s4] =	ssyncadd.s32 $0xFFFFFE20  }
0x14: {  	[tilespmem:s11], [sflag:$0x2] =	stream.indirect.gather [hbm4b:s5+s6], $0x80, s10, s6, $0xb8;
	[tilespmem:$0x1E400] =	vst v63  }
0x15: {  	s13 =	simm.s32 $0x2;
	s12 =	sadd.s32 s21, s26  }
0x16: {  	[hbm4b:s12+s2] =	stream.linear.scatter [tilespmem:s7], [sflag:$0x3], $0xF000, $0x38;
	[tilespmem:$0x1E400] =	vst v63  }
0x17: {  	_ =	swait.ge [sflag:s13], $0xF000  }
0x18: {  	[sflag:s13] =	ssyncset.done $0x0  }
0x19: {  	s14 =	simm.s32 $0x3;
	[sflag:s13] =	ssyncadd.s32 $0xFFFF1000  }
0x1a: {  	s22 =	sadd.s32 $0x3C0, s18;
	_ =	swait.ge [sflag:s14], $0xF000  }
0x1b: {  	s15 =	sshrl.u32 s22, $0x3;
	[sflag:s14] =	ssyncset.done $0x0  }
0x1c: {  	s15 =	sadd.s32 s19, s15;
	[sflag:s14] =	ssyncadd.s32 $0xFFFF1000  }
0x1d: {  	[tilespmem:s2], [sflag:$0x5] =	stream.linear.gather [hbm4b:s15+s2], $0x1E0, $0x38;
	[tilespmem:$0x1E400] =	vst v63  }
0x1e: {  	_ =	swait.ge [sflag:s4], $0x1E0  }
0x1f: {  	[sflag:s4] =	ssyncset.done $0x0  }
0x20: {  	s16 =	sshll.u32 s16, $0x4;
	[sflag:s4] =	ssyncadd.s32 $0xFFFFFE20  }
0x21: {  	[tilespmem:s7], [sflag:$0x1] =	stream.indirect.gather [hbm4b:s5+s6], $0x80, s2, s6, $0xb8;
	[tilespmem:$0x1E400] =	vst v63  }
0x22: {  	s16 =	sadd.s32 s21, s16  }
0x23: {  	[hbm4b:s16+s2] =	stream.linear.scatter [tilespmem:s11], [sflag:$0x4], $0xF000, $0x38;
	[tilespmem:$0x1E400] =	vst v63  }
0x24: {  	_ =	swait.ge [sflag:s8], $0xF000  }
0x25: {  	[sflag:s8] =	ssyncset.done $0x0  }
0x26: {  	s17 =	simm.s32 $0x4;
	[sflag:s8] =	ssyncadd.s32 $0xFFFF1000  }
0x27: {  	s23 =	sadd.s32 $0x5A0, s18;
	_ =	swait.ge [sflag:s17], $0xF000  }
0x28: {  	s18 =	sshrl.u32 s23, $0x3;
	[sflag:s17] =	ssyncset.done $0x0  }
0x29: {  	s18 =	sadd.s32 s19, s18;
	[sflag:s17] =	ssyncadd.s32 $0xFFFF1000  }
0x2a: {  	[tilespmem:s10], [sflag:$0x5] =	stream.linear.gather [hbm4b:s18+s2], $0x1E0, $0x38;
	[tilespmem:$0x1E400] =	vst v63  }
0x2b: {  	_ =	swait.ge [sflag:s4], $0x1E0  }
0x2c: {  	[sflag:s4] =	ssyncset.done $0x0  }
0x2d: {  	s30 =	ssub.s32 $0x2, s20;
	s28 =	sshll.u32 s22, $0x4;
	[sflag:s4] =	ssyncadd.s32 $0xFFFFFE20  }
0x2e: {  	[tilespmem:s11], [sflag:$0x2] =	stream.indirect.gather [hbm4b:s5+s6], $0x80, s10, s6, $0xb8;
	[tilespmem:$0x1E400] =	vst v63  }
0x2f: {  	s31 =	sshrl.u32 s30, $0x1;
	s29 =	sshll.u32 s23, $0x4;
	s19 =	sadd.s32 s21, s28  }
0x30: {  	[hbm4b:s19+s2] =	stream.linear.scatter [tilespmem:s7], [sflag:$0x3], $0xF000, $0x38;
	[tilespmem:$0x1E400] =	vst v63  }
0x31: {  	s20 =	sadd.s32 s21, s29;
	s21 =	ssub.s32 s30, s31;
	_ =	swait.ge [sflag:s13], $0xF000  }
0x32: {  	s21 =	smax.u32 s21, $0x1;
	[sflag:s13] =	ssyncset.done $0x0  }
0x33: {  	p0 =	sne.s32 s21, $0x1;
	[sflag:s13] =	ssyncadd.s32 $0xFFFF1000  }
0x34: {  	[hbm4b:s20+s2] =	stream.linear.scatter [tilespmem:s11], [sflag:$0x4], $0xF000, $0x38;
	[tilespmem:$0x1E400] =	vst v63  }
.Ltmp0:
0x35: {  	_ =	swait.ge [sflag:s14], $0xF000;
	(pc) =	sbr.rel @!p0 .LBB2_2-.Ltmp0, $4  }
0x36: {  	[sflag:s14] =	ssyncset.done $0x0  }
0x37: {  	[sflag:s14] =	ssyncadd.s32 $0xFFFF1000  }
0x38: {  	_ =	swait.ge [sflag:s17], $0xF000  }
0x39: {  	s21 =	sadd.s32 $0xFFFFFFFF, s21;
	[sflag:s17] =	ssyncset.done $0x0  }
.LBB2_1:
0x3a: {  	p0 =	sne.s32 s21, $0x1;
	s21 =	sadd.s32 $0xFFFFFFFF, s21;
	[sflag:s17] =	ssyncadd.s32 $0xFFFF1000  }
0x3b: {  	[tilespmem:s2], [sflag:$0x5] =	stream.linear.gather [hbm4b:s3+s2], $0x1E0, $0x38;
	[tilespmem:$0x1E400] =	vst v63  }
0x3c: {  	_ =	swait.ge [sflag:s4], $0x1E0  }
0x3d: {  	[sflag:s4] =	ssyncset.done $0x0  }
0x3e: {  	[sflag:s4] =	ssyncadd.s32 $0xFFFFFE20  }
0x3f: {  	[tilespmem:s7], [sflag:$0x1] =	stream.indirect.gather [hbm4b:s5+s6], $0x80, s2, s6, $0xb8;
	[tilespmem:$0x1E400] =	vst v63  }
0x40: {  	_ =	swait.ge [sflag:s8], $0xF000  }
0x41: {  	[sflag:s8] =	ssyncset.done $0x0  }
0x42: {  	[sflag:s8] =	ssyncadd.s32 $0xFFFF1000  }
0x43: {  	[tilespmem:s10], [sflag:$0x5] =	stream.linear.gather [hbm4b:s9+s2], $0x1E0, $0x38;
	[tilespmem:$0x1E400] =	vst v63  }
0x44: {  	_ =	swait.ge [sflag:s4], $0x1E0  }
0x45: {  	[sflag:s4] =	ssyncset.done $0x0  }
0x46: {  	[sflag:s4] =	ssyncadd.s32 $0xFFFFFE20  }
0x47: {  	[tilespmem:s11], [sflag:$0x2] =	stream.indirect.gather [hbm4b:s5+s6], $0x80, s10, s6, $0xb8;
	[tilespmem:$0x1E400] =	vst v63  }
0x48: {  	_ = 	snop  }
0x49: {  	[hbm4b:s12+s2] =	stream.linear.scatter [tilespmem:s7], [sflag:$0x3], $0xF000, $0x38;
	[tilespmem:$0x1E400] =	vst v63  }
0x4a: {  	_ =	swait.ge [sflag:s13], $0xF000  }
0x4b: {  	[sflag:s13] =	ssyncset.done $0x0  }
0x4c: {  	[sflag:s13] =	ssyncadd.s32 $0xFFFF1000  }
0x4d: {  	_ =	swait.ge [sflag:s14], $0xF000  }
0x4e: {  	[sflag:s14] =	ssyncset.done $0x0  }
0x4f: {  	[sflag:s14] =	ssyncadd.s32 $0xFFFF1000  }
0x50: {  	[tilespmem:s2], [sflag:$0x5] =	stream.linear.gather [hbm4b:s15+s2], $0x1E0, $0x38;
	[tilespmem:$0x1E400] =	vst v63  }
0x51: {  	_ =	swait.ge [sflag:s4], $0x1E0  }
0x52: {  	[sflag:s4] =	ssyncset.done $0x0  }
0x53: {  	[sflag:s4] =	ssyncadd.s32 $0xFFFFFE20  }
0x54: {  	[tilespmem:s7], [sflag:$0x1] =	stream.indirect.gather [hbm4b:s5+s6], $0x80, s2, s6, $0xb8;
	[tilespmem:$0x1E400] =	vst v63  }
0x55: {  	_ = 	snop  }
0x56: {  	[hbm4b:s16+s2] =	stream.linear.scatter [tilespmem:s11], [sflag:$0x4], $0xF000, $0x38;
	[tilespmem:$0x1E400] =	vst v63  }
0x57: {  	_ =	swait.ge [sflag:s8], $0xF000  }
0x58: {  	[sflag:s8] =	ssyncset.done $0x0  }
0x59: {  	[sflag:s8] =	ssyncadd.s32 $0xFFFF1000  }
0x5a: {  	_ =	swait.ge [sflag:s17], $0xF000  }
0x5b: {  	[sflag:s17] =	ssyncset.done $0x0  }
0x5c: {  	[sflag:s17] =	ssyncadd.s32 $0xFFFF1000  }
0x5d: {  	[tilespmem:s10], [sflag:$0x5] =	stream.linear.gather [hbm4b:s18+s2], $0x1E0, $0x38;
	[tilespmem:$0x1E400] =	vst v63  }
0x5e: {  	_ =	swait.ge [sflag:s4], $0x1E0  }
0x5f: {  	[sflag:s4] =	ssyncset.done $0x0  }
0x60: {  	[sflag:s4] =	ssyncadd.s32 $0xFFFFFE20  }
0x61: {  	[tilespmem:s11], [sflag:$0x2] =	stream.indirect.gather [hbm4b:s5+s6], $0x80, s10, s6, $0xb8;
	[tilespmem:$0x1E400] =	vst v63  }
0x62: {  	_ = 	snop  }
0x63: {  	[hbm4b:s19+s2] =	stream.linear.scatter [tilespmem:s7], [sflag:$0x3], $0xF000, $0x38;
	[tilespmem:$0x1E400] =	vst v63  }
0x64: {  	_ =	swait.ge [sflag:s13], $0xF000  }
0x65: {  	[sflag:s13] =	ssyncset.done $0x0  }
0x66: {  	[sflag:s13] =	ssyncadd.s32 $0xFFFF1000  }
0x67: {  	[hbm4b:s20+s2] =	stream.linear.scatter [tilespmem:s11], [sflag:$0x4], $0xF000, $0x38;
	[tilespmem:$0x1E400] =	vst v63  }
.Ltmp1:
0x68: {  	_ =	swait.ge [sflag:s14], $0xF000;
	(pc) =	sbr.rel @p0 .LBB2_1-.Ltmp1, $4  }
0x69: {  	[sflag:s14] =	ssyncset.done $0x0  }
0x6a: {  	[sflag:s14] =	ssyncadd.s32 $0xFFFF1000  }
0x6b: {  	_ =	swait.ge [sflag:s17], $0xF000  }
0x6c: {  	[sflag:s17] =	ssyncset.done $0x0  }
.LBB2_2:
0x6d: {  	[sflag:s17] =	ssyncadd.s32 $0xFFFF1000  }
0x6e: {  	_ =	sfence.sel $0x180000  }
0x6f: {  	[bflag:$0x0] =	sbarrier.arrive $0xFFFF  }
0x70: {  	p0 =	sne.s32 s0, $0x0;
	_ =	strace $0x9000005F  }
0x71: {  	s0 =	sadd.s32 @!p0 $0x100000, s1;
	[bflag:$0x2] =	sbarrier.arrive $0xFFFF  }
0x72: {  	[sflag:s0] =	ssyncadd.tile.s32 @!p0 $0x1;
	_ =	shalt  }
.Lfunc_end2:
_tile_overlayer_lowered:
.L_overlay_start_2:
0x73: {  	(tag) =	ssettag $0x2  }
0x74: {  	s0 =	rddreg [dreg:$0x0];
	s2 =	stileid.u32  }
0x75: {  	s1 =	rddreg [dreg:$0x1];
	p0 =	sne.s32 s2, $0x0  }
0x76: {  	s3 =	rddreg [dreg:$0x2];
	[bflag:$0x3] =	sbarrier.arrive $0xFFFF;
	s2 =	simm.s32 @!p0 $0x1C05  }
0x77: {  	[timem:s3], [sflag:s2] =	dma.local @!p0 [hbm:s0], s1  }
0x78: {  	s0 =	simm.s32 @!p0 $0x5  }
0x79: {  	_ =	swait.ge @!p0 [sflag:s0], s1  }
0x7a: {  	s1 =	ssub.s32 @!p0 $0x0, s1;
	[sflag:s0] =	ssyncset.done @!p0 $0x0  }
0x7b: {  	[sflag:s0] =	ssyncadd.s32 @!p0 s1  }
0x7c: {  	[bflag:$0x3] =	sbarrier.arrive $0xFFFF  }
0x7d: {  	_ =	shalt  }

</sc_bundles>
